<compile_context>
chip_gen: v7x
topology: tpu7x:2x2x1
jax: 0.10.2.dev20260603
libtpu: 0.0.44.dev20260713+nightly
codegen_flags: <defaults>
</compile_context>

<pallas_src>
import functools

import jax
import jax.numpy as jnp
from jax import lax
from jax.experimental import pallas as pl
from jax.experimental.pallas import tpu as pltpu
from jax.experimental.pallas import tpu_sc as plsc

NW = 32
LANE = 128
SUB = 8
B_TILES_PER_W = 4
CHUNK_T = 2
CHUNK_B = CHUNK_T * LANE
PITCH = LANE + 1


@functools.partial(jax.jit, static_argnums=(2, 3, 4))
def _embedding_gather(idx3, table, hist, bsz, d):
    jr_t = d // SUB
    b_tiles = bsz // LANE
    n_chunks = hist * (B_TILES_PER_W // CHUNK_T)
    mesh = plsc.VectorSubcoreMesh(core_axis_name="c", subcore_axis_name="s")

    @functools.partial(
        pl.kernel,
        mesh=mesh,
        out_type=jax.ShapeDtypeStruct((hist, jr_t, b_tiles, SUB, LANE), jnp.float32),
        compiler_params=pltpu.CompilerParams(
            use_tc_tiling_on_sc=False, needs_layout_passes=False
        ),
        scratch_types=[
            pltpu.VMEM((2, CHUNK_T, LANE), jnp.int32),
            pltpu.VMEM((2, CHUNK_T, LANE), jnp.int32),
            pltpu.VMEM((2, CHUNK_B, d), jnp.float32),
            pltpu.VMEM((2, CHUNK_T, d, PITCH), jnp.float32),
            pltpu.SemaphoreType.DMA,
            pltpu.SemaphoreType.DMA,
            pltpu.SemaphoreType.DMA,
        ],
    )
    def body(
        idx_hbm, tab_hbm, out_hbm, idx_v, idx2_v, rows_v, rowsT_v,
        sem_i, sem_g, sem_o,
    ):
        wid = lax.axis_index("s") * 2 + lax.axis_index("c")
        ctile0 = wid * B_TILES_PER_W
        lane_iota = lax.iota(jnp.int32, 16)

        def h_of(t):
            return t // 2

        def cbase_of(t):
            return ctile0 + (t % 2) * CHUNK_T

        def idx_fetch(t, s):
            pltpu.async_copy(
                idx_hbm.at[h_of(t), pl.ds(cbase_of(t), CHUNK_T)], idx_v.at[s], sem_i
            )

        def idx_drain(s):
            pltpu.make_async_copy(
                idx_hbm.at[0, pl.ds(ctile0, CHUNK_T)], idx_v.at[s], sem_i
            ).wait()

        def idx_double(s):
            for cc in range(CHUNK_T):
                for g in range(LANE // 16):
                    idx2_v[s, cc, pl.ds(g * 16, 16)] = (
                        idx_v[s, cc, pl.ds(g * 16, 16)] * 2
                    )

        def gathers_issue(s):
            for cc in range(CHUNK_T):
                pltpu.async_copy(
                    tab_hbm.at[idx2_v.at[s, cc]],
                    rows_v.at[s, pl.ds(cc * LANE, LANE)],
                    sem_g,
                )

        def gathers_drain(s):
            for cc in range(CHUNK_T):
                pltpu.make_async_copy(
                    tab_hbm.at[idx2_v.at[s, cc]],
                    rows_v.at[s, pl.ds(cc * LANE, LANE)],
                    sem_g,
                ).wait()

        def wb_issue(t, s):
            for cp in range(CHUNK_T):
                for jt in range(jr_t):
                    pltpu.async_copy(
                        rowsT_v.at[s, cp, pl.ds(jt * SUB, SUB), pl.ds(0, LANE)],
                        out_hbm.at[h_of(t), jt, cbase_of(t) + cp],
                        sem_o,
                    )

        def wb_drain(t, s):
            for cp in range(CHUNK_T):
                for jt in range(jr_t):
                    pltpu.make_async_copy(
                        rowsT_v.at[s, cp, pl.ds(jt * SUB, SUB), pl.ds(0, LANE)],
                        out_hbm.at[h_of(t), jt, cbase_of(t) + cp],
                        sem_o,
                    ).wait()

        def transpose(s):
            for cp in range(CHUNK_T):
                rT = rowsT_v.at[s, cp]
                jrows = [j0 * 16 + lane_iota for j0 in range(d // 16)]

                @plsc.parallel_loop(0, LANE, 1, unroll=2)
                def brow(b):
                    bvec = jnp.full((16,), b, jnp.int32)
                    for j0 in range(d // 16):
                        v = rows_v[s, cp * LANE + b, pl.ds(j0 * 16, 16)]
                        plsc.store_scatter(rT, [jrows[j0], bvec], v)

        idx_fetch(0, 0)
        idx_fetch(1, 1)
        idx_drain(0)
        idx_double(0)
        gathers_issue(0)

        def step(t, carry):
            s = t % 2
            sn = (t + 1) % 2
            gathers_drain(s)
            @pl.when(t + 2 < n_chunks)
            def _():
                idx_fetch(t + 2, s)

            @pl.when(t + 1 < n_chunks)
            def _():
                idx_drain(sn)
                idx_double(sn)
                gathers_issue(sn)

            @pl.when(t >= 2)
            def _():
                wb_drain(t, s)

            transpose(s)
            wb_issue(t, s)
            return carry

        lax.fori_loop(0, n_chunks, step, 0)
        wb_drain(n_chunks - 2, 0)
        wb_drain(n_chunks - 1, 1)

    return body(idx3, table)


def kernel(x, embed_matrix):
    bsz, hist = x.shape
    v, d = embed_matrix.shape
    idx3 = jnp.transpose(x).reshape(hist, bsz // LANE, LANE).astype(jnp.int32)
    tab2 = jnp.pad(embed_matrix, ((0, 0), (0, d))).reshape(2 * v, d)
    out5 = _embedding_gather(idx3, tab2, hist, bsz, d)
    return out5.transpose(2, 4, 0, 1, 3).reshape(bsz, hist, d)

# --- scband reference (transcript-rebuilt; emitter-appended) ---
"""Pipeline reference for scband-embedding-54614804136677 (READ-ONLY COPY).

The authoritative reference and input builder live on the scoring server;
editing this copy changes nothing except your own understanding.
"""

import jax, jax.numpy as jnp
import numpy as np

VOCAB = 1000000
EMBED_DIM = 64
BATCH = 16384
HIST = 50

def setup_inputs(seed: int = 0) -> dict:
    key = jax.random.key(seed)
    k_idx, k_tab = jax.random.split(key)
    x = jax.random.randint(k_idx, (BATCH, HIST), 0, VOCAB, dtype=jnp.int64 if jax.config.jax_enable_x64 else jnp.int32)
    embed_matrix = jax.random.normal(k_tab, (VOCAB, EMBED_DIM), dtype=jnp.float32) * 0.02
    return {"x": x, "embed_matrix": embed_matrix}

def reference(x, embed_matrix):
    # nn.Embedding lookup: gather rows of the table by index
    out = jnp.take(embed_matrix, x, axis=0)
    return out

if __name__ == "__main__":
    import jax
    _d = setup_inputs()
    print(jax.jit(kernel)(*tuple(_d.values())))

</pallas_src>

<mosaic_0001>
#map = affine_map<(d0, d1) -> (0, 0, 0)>
#map1 = affine_map<(d0, d1) -> (0, 0)>
#map2 = affine_map<(d0, d1) -> (0, 0, 0, 0, 0)>
module attributes {stable_mosaic.version = 14 : i64} {
  func.func @body(%arg0: i32, %arg1: i32, %arg2: memref<50x128x128xi32, #tpu.memory_space<hbm>>, %arg3: memref<2000000x64xf32, #tpu.memory_space<hbm>>, %arg4: memref<50x8x128x8x128xf32, #tpu.memory_space<hbm>>, %arg5: memref<2x2x128xi32, #tpu.memory_space<vmem>>, %arg6: memref<2x2x128xi32, #tpu.memory_space<vmem>>, %arg7: memref<2x256x64xf32, #tpu.memory_space<vmem>>, %arg8: memref<2x2x64x129xf32, #tpu.memory_space<vmem>>, %arg9: memref<!tpu.dma_semaphore, #tpu.memory_space<semaphore_mem>>, %arg10: memref<!tpu.dma_semaphore, #tpu.memory_space<semaphore_mem>>, %arg11: memref<!tpu.dma_semaphore, #tpu.memory_space<semaphore_mem>>) attributes {dimension_semantics = [#tpu.dimension_semantics<core_parallel>, #tpu.dimension_semantics<subcore_parallel>], iteration_bounds = array<i64: 2, 16>, scalar_prefetch = 0 : i64, scratch_operands = 7 : i64, tpu.core_type = #tpu.core_type<sc_vector_subcore>, window_params = [{transform_indices = #map}, {transform_indices = #map1}, {transform_indices = #map2}]} {
    %mul3A = arith.constant 2 : i32
    %mul3A_0 = arith.muli %arg1, %mul3A : i32
    %add3A = arith.addi %mul3A_0, %arg0 : i32
    %mul3A_1 = arith.constant 4 : i32
    %mul3A_2 = arith.muli %add3A, %mul3A_1 : i32
    %iota3A = tpu.iota {dimensions = array<i32: 0>} : vector<16xi32>
    %add3A_3 = arith.constant 0 : i32
    %add3A_4 = arith.addi %mul3A_2, %add3A_3 : i32
    %dma_start3A = arith.constant 0 : i32
    %dma_start3A_5 = arith.constant 0 : i32
    %dma_start3A_6 = arith.constant 0 : i32
    %dma_start3A_7 = arith.constant 0 : i32
    %dma_start3A_8 = tpu.memref_slice %arg5[%dma_start3A_5, %dma_start3A_6, %dma_start3A_7] : memref<2x2x128xi32, #tpu.memory_space<vmem>> -> memref<1x2x128xi32, #tpu.memory_space<vmem>>
    %dma_start3A_9 = tpu.memref_squeeze %dma_start3A_8 : memref<1x2x128xi32, #tpu.memory_space<vmem>> -> memref<2x128xi32, #tpu.memory_space<vmem>>
    %dma_start3A_10 = arith.constant 0 : i32
    %dma_start3A_11 = tpu.memref_slice %arg2[%dma_start3A, %add3A_4, %dma_start3A_10] : memref<50x128x128xi32, #tpu.memory_space<hbm>> -> memref<1x2x128xi32, #tpu.memory_space<hbm>>
    %dma_start3A_12 = tpu.memref_squeeze %dma_start3A_11 : memref<1x2x128xi32, #tpu.memory_space<hbm>> -> memref<2x128xi32, #tpu.memory_space<hbm>>
    %dma_start3A_13 = arith.constant 0 : i32
    %dma_start3A_14 = arith.constant 0 : i32
    %dma_start3A_15 = tpu.memref_slice %arg5[%dma_start3A_5, %dma_start3A_13, %dma_start3A_14] : memref<2x2x128xi32, #tpu.memory_space<vmem>> -> memref<1x2x128xi32, #tpu.memory_space<vmem>>
    %dma_start3A_16 = tpu.memref_squeeze %dma_start3A_15 : memref<1x2x128xi32, #tpu.memory_space<vmem>> -> memref<2x128xi32, #tpu.memory_space<vmem>>
    %dma_start3A_17 = arith.constant 0 : i32
    %dma_start3A_18 = tpu.memref_slice %arg2[%dma_start3A, %add3A_4, %dma_start3A_17] : memref<50x128x128xi32, #tpu.memory_space<hbm>> -> memref<1x2x128xi32, #tpu.memory_space<hbm>>
    %dma_start3A_19 = tpu.memref_squeeze %dma_start3A_18 : memref<1x2x128xi32, #tpu.memory_space<hbm>> -> memref<2x128xi32, #tpu.memory_space<hbm>>
    tpu.enqueue_dma source(%dma_start3A_19 : memref<2x128xi32, #tpu.memory_space<hbm>>) target(%dma_start3A_16 : memref<2x128xi32, #tpu.memory_space<vmem>>) target_semaphore(%arg9 : memref<!tpu.dma_semaphore, #tpu.memory_space<semaphore_mem>>)
    %add3A_20 = arith.constant 2 : i32
    %add3A_21 = arith.addi %mul3A_2, %add3A_20 : i32
    %dma_start3A_22 = arith.constant 0 : i32
    %dma_start3A_23 = arith.constant 1 : i32
    %dma_start3A_24 = arith.constant 0 : i32
    %dma_start3A_25 = arith.constant 0 : i32
    %dma_start3A_26 = tpu.memref_slice %arg5[%dma_start3A_23, %dma_start3A_24, %dma_start3A_25] : memref<2x2x128xi32, #tpu.memory_space<vmem>> -> memref<1x2x128xi32, #tpu.memory_space<vmem>>
    %dma_start3A_27 = tpu.memref_squeeze %dma_start3A_26 : memref<1x2x128xi32, #tpu.memory_space<vmem>> -> memref<2x128xi32, #tpu.memory_space<vmem>>
    %dma_start3A_28 = arith.constant 0 : i32
    %dma_start3A_29 = tpu.memref_slice %arg2[%dma_start3A_22, %add3A_21, %dma_start3A_28] : memref<50x128x128xi32, #tpu.memory_space<hbm>> -> memref<1x2x128xi32, #tpu.memory_space<hbm>>
    %dma_start3A_30 = tpu.memref_squeeze %dma_start3A_29 : memref<1x2x128xi32, #tpu.memory_space<hbm>> -> memref<2x128xi32, #tpu.memory_space<hbm>>
    %dma_start3A_31 = arith.constant 0 : i32
    %dma_start3A_32 = arith.constant 0 : i32
    %dma_start3A_33 = tpu.memref_slice %arg5[%dma_start3A_23, %dma_start3A_31, %dma_start3A_32] : memref<2x2x128xi32, #tpu.memory_space<vmem>> -> memref<1x2x128xi32, #tpu.memory_space<vmem>>
    %dma_start3A_34 = tpu.memref_squeeze %dma_start3A_33 : memref<1x2x128xi32, #tpu.memory_space<vmem>> -> memref<2x128xi32, #tpu.memory_space<vmem>>
    %dma_start3A_35 = arith.constant 0 : i32
    %dma_start3A_36 = tpu.memref_slice %arg2[%dma_start3A_22, %add3A_21, %dma_start3A_35] : memref<50x128x128xi32, #tpu.memory_space<hbm>> -> memref<1x2x128xi32, #tpu.memory_space<hbm>>
    %dma_start3A_37 = tpu.memref_squeeze %dma_start3A_36 : memref<1x2x128xi32, #tpu.memory_space<hbm>> -> memref<2x128xi32, #tpu.memory_space<hbm>>
    tpu.enqueue_dma source(%dma_start3A_37 : memref<2x128xi32, #tpu.memory_space<hbm>>) target(%dma_start3A_34 : memref<2x128xi32, #tpu.memory_space<vmem>>) target_semaphore(%arg9 : memref<!tpu.dma_semaphore, #tpu.memory_space<semaphore_mem>>)
    %dma_wait3A = arith.constant 0 : i32
    %dma_wait3A_38 = arith.constant 0 : i32
    %dma_wait3A_39 = arith.constant 0 : i32
    %dma_wait3A_40 = arith.constant 0 : i32
    %dma_wait3A_41 = tpu.memref_slice %arg5[%dma_wait3A_38, %dma_wait3A_39, %dma_wait3A_40] : memref<2x2x128xi32, #tpu.memory_space<vmem>> -> memref<1x2x128xi32, #tpu.memory_space<vmem>>
    %dma_wait3A_42 = tpu.memref_squeeze %dma_wait3A_41 : memref<1x2x128xi32, #tpu.memory_space<vmem>> -> memref<2x128xi32, #tpu.memory_space<vmem>>
    %dma_wait3A_43 = arith.constant 0 : i32
    %dma_wait3A_44 = tpu.memref_slice %arg2[%dma_wait3A, %mul3A_2, %dma_wait3A_43] : memref<50x128x128xi32, #tpu.memory_space<hbm>> -> memref<1x2x128xi32, #tpu.memory_space<hbm>>
    %dma_wait3A_45 = tpu.memref_squeeze %dma_wait3A_44 : memref<1x2x128xi32, #tpu.memory_space<hbm>> -> memref<2x128xi32, #tpu.memory_space<hbm>>
    %dma_wait3A_46 = arith.constant 0 : i32
    %dma_wait3A_47 = arith.constant 0 : i32
    %dma_wait3A_48 = tpu.memref_slice %arg5[%dma_wait3A_38, %dma_wait3A_46, %dma_wait3A_47] : memref<2x2x128xi32, #tpu.memory_space<vmem>> -> memref<1x2x128xi32, #tpu.memory_space<vmem>>
    %dma_wait3A_49 = tpu.memref_squeeze %dma_wait3A_48 : memref<1x2x128xi32, #tpu.memory_space<vmem>> -> memref<2x128xi32, #tpu.memory_space<vmem>>
    %dma_wait3A_50 = arith.constant 0 : i32
    %dma_wait3A_51 = tpu.memref_slice %arg2[%dma_wait3A, %mul3A_2, %dma_wait3A_50] : memref<50x128x128xi32, #tpu.memory_space<hbm>> -> memref<1x2x128xi32, #tpu.memory_space<hbm>>
    %dma_wait3A_52 = tpu.memref_squeeze %dma_wait3A_51 : memref<1x2x128xi32, #tpu.memory_space<hbm>> -> memref<2x128xi32, #tpu.memory_space<hbm>>
    tpu.wait_dma2 semaphore(%arg9 : memref<!tpu.dma_semaphore, #tpu.memory_space<semaphore_mem>>) src(%dma_wait3A_52 : memref<2x128xi32, #tpu.memory_space<hbm>>) dst(%dma_wait3A_49 : memref<2x128xi32, #tpu.memory_space<vmem>>)
    %get3A = arith.constant 0 : i32
    %get3A_53 = arith.constant 0 : i32
    %get3A_54 = arith.index_cast %get3A : i32 to index
    %get3A_55 = arith.index_cast %get3A_53 : i32 to index
    %get3A_56 = arith.constant 0 : index
    %get3A_57 = tpu.vector_load %arg5[%get3A_54, %get3A_55, %get3A_56] {strides = array<i32>} : memref<2x2x128xi32, #tpu.memory_space<vmem>>, vector<16xi32>,
    %mul3A_58 = arith.constant 2 : i32
    %mul3A_59 = vector.broadcast %mul3A_58 : i32 to vector<16xi32>
    %mul3A_60 = arith.muli %get3A_57, %mul3A_59 : vector<16xi32>
    %swap3A = arith.constant 0 : i32
    %swap3A_61 = arith.constant 0 : i32
    %swap3A_62 = arith.index_cast %swap3A : i32 to index
    %swap3A_63 = arith.index_cast %swap3A_61 : i32 to index
    %swap3A_64 = arith.constant 0 : index
    %swap3A_65 = tpu.vector_load %arg6[%swap3A_62, %swap3A_63, %swap3A_64] {strides = array<i32>} : memref<2x2x128xi32, #tpu.memory_space<vmem>>, vector<16xi32>,
    tpu.vector_store %arg6[%swap3A_62, %swap3A_63, %swap3A_64], %mul3A_60 {strides = array<i32>} : memref<2x2x128xi32, #tpu.memory_space<vmem>>, vector<16xi32>,
    %get3A_66 = arith.constant 0 : i32
    %get3A_67 = arith.constant 0 : i32
    %get3A_68 = arith.index_cast %get3A_66 : i32 to index
    %get3A_69 = arith.index_cast %get3A_67 : i32 to index
    %get3A_70 = arith.constant 16 : index
    %get3A_71 = tpu.vector_load %arg5[%get3A_68, %get3A_69, %get3A_70] {strides = array<i32>} : memref<2x2x128xi32, #tpu.memory_space<vmem>>, vector<16xi32>,
    %mul3A_72 = arith.constant 2 : i32
    %mul3A_73 = vector.broadcast %mul3A_72 : i32 to vector<16xi32>
    %mul3A_74 = arith.muli %get3A_71, %mul3A_73 : vector<16xi32>
    %swap3A_75 = arith.constant 0 : i32
    %swap3A_76 = arith.constant 0 : i32
    %swap3A_77 = arith.index_cast %swap3A_75 : i32 to index
    %swap3A_78 = arith.index_cast %swap3A_76 : i32 to index
    %swap3A_79 = arith.constant 16 : index
    %swap3A_80 = tpu.vector_load %arg6[%swap3A_77, %swap3A_78, %swap3A_79] {strides = array<i32>} : memref<2x2x128xi32, #tpu.memory_space<vmem>>, vector<16xi32>,
    tpu.vector_store %arg6[%swap3A_77, %swap3A_78, %swap3A_79], %mul3A_74 {strides = array<i32>} : memref<2x2x128xi32, #tpu.memory_space<vmem>>, vector<16xi32>,
    %get3A_81 = arith.constant 0 : i32
    %get3A_82 = arith.constant 0 : i32
    %get3A_83 = arith.index_cast %get3A_81 : i32 to index
    %get3A_84 = arith.index_cast %get3A_82 : i32 to index
    %get3A_85 = arith.constant 32 : index
    %get3A_86 = tpu.vector_load %arg5[%get3A_83, %get3A_84, %get3A_85] {strides = array<i32>} : memref<2x2x128xi32, #tpu.memory_space<vmem>>, vector<16xi32>,
    %mul3A_87 = arith.constant 2 : i32
    %mul3A_88 = vector.broadcast %mul3A_87 : i32 to vector<16xi32>
    %mul3A_89 = arith.muli %get3A_86, %mul3A_88 : vector<16xi32>
    %swap3A_90 = arith.constant 0 : i32
    %swap3A_91 = arith.constant 0 : i32
    %swap3A_92 = arith.index_cast %swap3A_90 : i32 to index
    %swap3A_93 = arith.index_cast %swap3A_91 : i32 to index
    %swap3A_94 = arith.constant 32 : index
    %swap3A_95 = tpu.vector_load %arg6[%swap3A_92, %swap3A_93, %swap3A_94] {strides = array<i32>} : memref<2x2x128xi32, #tpu.memory_space<vmem>>, vector<16xi32>,
    tpu.vector_store %arg6[%swap3A_92, %swap3A_93, %swap3A_94], %mul3A_89 {strides = array<i32>} : memref<2x2x128xi32, #tpu.memory_space<vmem>>, vector<16xi32>,
    %get3A_96 = arith.constant 0 : i32
    %get3A_97 = arith.constant 0 : i32
    %get3A_98 = arith.index_cast %get3A_96 : i32 to index
    %get3A_99 = arith.index_cast %get3A_97 : i32 to index
    %get3A_100 = arith.constant 48 : index
    %get3A_101 = tpu.vector_load %arg5[%get3A_98, %get3A_99, %get3A_100] {strides = array<i32>} : memref<2x2x128xi32, #tpu.memory_space<vmem>>, vector<16xi32>,
    %mul3A_102 = arith.constant 2 : i32
    %mul3A_103 = vector.broadcast %mul3A_102 : i32 to vector<16xi32>
    %mul3A_104 = arith.muli %get3A_101, %mul3A_103 : vector<16xi32>
    %swap3A_105 = arith.constant 0 : i32
    %swap3A_106 = arith.constant 0 : i32
    %swap3A_107 = arith.index_cast %swap3A_105 : i32 to index
    %swap3A_108 = arith.index_cast %swap3A_106 : i32 to index
    %swap3A_109 = arith.constant 48 : index
    %swap3A_110 = tpu.vector_load %arg6[%swap3A_107, %swap3A_108, %swap3A_109] {strides = array<i32>} : memref<2x2x128xi32, #tpu.memory_space<vmem>>, vector<16xi32>,
    tpu.vector_store %arg6[%swap3A_107, %swap3A_108, %swap3A_109], %mul3A_104 {strides = array<i32>} : memref<2x2x128xi32, #tpu.memory_space<vmem>>, vector<16xi32>,
    %get3A_111 = arith.constant 0 : i32
    %get3A_112 = arith.constant 0 : i32
    %get3A_113 = arith.index_cast %get3A_111 : i32 to index
    %get3A_114 = arith.index_cast %get3A_112 : i32 to index
    %get3A_115 = arith.constant 64 : index
    %get3A_116 = tpu.vector_load %arg5[%get3A_113, %get3A_114, %get3A_115] {strides = array<i32>} : memref<2x2x128xi32, #tpu.memory_space<vmem>>, vector<16xi32>,
    %mul3A_117 = arith.constant 2 : i32
    %mul3A_118 = vector.broadcast %mul3A_117 : i32 to vector<16xi32>
    %mul3A_119 = arith.muli %get3A_116, %mul3A_118 : vector<16xi32>
    %swap3A_120 = arith.constant 0 : i32
    %swap3A_121 = arith.constant 0 : i32
    %swap3A_122 = arith.index_cast %swap3A_120 : i32 to index
    %swap3A_123 = arith.index_cast %swap3A_121 : i32 to index
    %swap3A_124 = arith.constant 64 : index
    %swap3A_125 = tpu.vector_load %arg6[%swap3A_122, %swap3A_123, %swap3A_124] {strides = array<i32>} : memref<2x2x128xi32, #tpu.memory_space<vmem>>, vector<16xi32>,
    tpu.vector_store %arg6[%swap3A_122, %swap3A_123, %swap3A_124], %mul3A_119 {strides = array<i32>} : memref<2x2x128xi32, #tpu.memory_space<vmem>>, vector<16xi32>,
    %get3A_126 = arith.constant 0 : i32
    %get3A_127 = arith.constant 0 : i32
    %get3A_128 = arith.index_cast %get3A_126 : i32 to index
    %get3A_129 = arith.index_cast %get3A_127 : i32 to index
    %get3A_130 = arith.constant 80 : index
    %get3A_131 = tpu.vector_load %arg5[%get3A_128, %get3A_129, %get3A_130] {strides = array<i32>} : memref<2x2x128xi32, #tpu.memory_space<vmem>>, vector<16xi32>,
    %mul3A_132 = arith.constant 2 : i32
    %mul3A_133 = vector.broadcast %mul3A_132 : i32 to vector<16xi32>
    %mul3A_134 = arith.muli %get3A_131, %mul3A_133 : vector<16xi32>
    %swap3A_135 = arith.constant 0 : i32
    %swap3A_136 = arith.constant 0 : i32
    %swap3A_137 = arith.index_cast %swap3A_135 : i32 to index
    %swap3A_138 = arith.index_cast %swap3A_136 : i32 to index
    %swap3A_139 = arith.constant 80 : index
    %swap3A_140 = tpu.vector_load %arg6[%swap3A_137, %swap3A_138, %swap3A_139] {strides = array<i32>} : memref<2x2x128xi32, #tpu.memory_space<vmem>>, vector<16xi32>,
    tpu.vector_store %arg6[%swap3A_137, %swap3A_138, %swap3A_139], %mul3A_134 {strides = array<i32>} : memref<2x2x128xi32, #tpu.memory_space<vmem>>, vector<16xi32>,
    %get3A_141 = arith.constant 0 : i32
    %get3A_142 = arith.constant 0 : i32
    %get3A_143 = arith.index_cast %get3A_141 : i32 to index
    %get3A_144 = arith.index_cast %get3A_142 : i32 to index
    %get3A_145 = arith.constant 96 : index
    %get3A_146 = tpu.vector_load %arg5[%get3A_143, %get3A_144, %get3A_145] {strides = array<i32>} : memref<2x2x128xi32, #tpu.memory_space<vmem>>, vector<16xi32>,
    %mul3A_147 = arith.constant 2 : i32
    %mul3A_148 = vector.broadcast %mul3A_147 : i32 to vector<16xi32>
    %mul3A_149 = arith.muli %get3A_146, %mul3A_148 : vector<16xi32>
    %swap3A_150 = arith.constant 0 : i32
    %swap3A_151 = arith.constant 0 : i32
    %swap3A_152 = arith.index_cast %swap3A_150 : i32 to index
    %swap3A_153 = arith.index_cast %swap3A_151 : i32 to index
    %swap3A_154 = arith.constant 96 : index
    %swap3A_155 = tpu.vector_load %arg6[%swap3A_152, %swap3A_153, %swap3A_154] {strides = array<i32>} : memref<2x2x128xi32, #tpu.memory_space<vmem>>, vector<16xi32>,
    tpu.vector_store %arg6[%swap3A_152, %swap3A_153, %swap3A_154], %mul3A_149 {strides = array<i32>} : memref<2x2x128xi32, #tpu.memory_space<vmem>>, vector<16xi32>,
    %get3A_156 = arith.constant 0 : i32
    %get3A_157 = arith.constant 0 : i32
    %get3A_158 = arith.index_cast %get3A_156 : i32 to index
    %get3A_159 = arith.index_cast %get3A_157 : i32 to index
    %get3A_160 = arith.constant 112 : index
    %get3A_161 = tpu.vector_load %arg5[%get3A_158, %get3A_159, %get3A_160] {strides = array<i32>} : memref<2x2x128xi32, #tpu.memory_space<vmem>>, vector<16xi32>,
    %mul3A_162 = arith.constant 2 : i32
    %mul3A_163 = vector.broadcast %mul3A_162 : i32 to vector<16xi32>
    %mul3A_164 = arith.muli %get3A_161, %mul3A_163 : vector<16xi32>
    %swap3A_165 = arith.constant 0 : i32
    %swap3A_166 = arith.constant 0 : i32
    %swap3A_167 = arith.index_cast %swap3A_165 : i32 to index
    %swap3A_168 = arith.index_cast %swap3A_166 : i32 to index
    %swap3A_169 = arith.constant 112 : index
    %swap3A_170 = tpu.vector_load %arg6[%swap3A_167, %swap3A_168, %swap3A_169] {strides = array<i32>} : memref<2x2x128xi32, #tpu.memory_space<vmem>>, vector<16xi32>,
    tpu.vector_store %arg6[%swap3A_167, %swap3A_168, %swap3A_169], %mul3A_164 {strides = array<i32>} : memref<2x2x128xi32, #tpu.memory_space<vmem>>, vector<16xi32>,
    %get3A_171 = arith.constant 0 : i32
    %get3A_172 = arith.constant 1 : i32
    %get3A_173 = arith.index_cast %get3A_171 : i32 to index
    %get3A_174 = arith.index_cast %get3A_172 : i32 to index
    %get3A_175 = arith.constant 0 : index
    %get3A_176 = tpu.vector_load %arg5[%get3A_173, %get3A_174, %get3A_175] {strides = array<i32>} : memref<2x2x128xi32, #tpu.memory_space<vmem>>, vector<16xi32>,
    %mul3A_177 = arith.constant 2 : i32
    %mul3A_178 = vector.broadcast %mul3A_177 : i32 to vector<16xi32>
    %mul3A_179 = arith.muli %get3A_176, %mul3A_178 : vector<16xi32>
    %swap3A_180 = arith.constant 0 : i32
    %swap3A_181 = arith.constant 1 : i32
    %swap3A_182 = arith.index_cast %swap3A_180 : i32 to index
    %swap3A_183 = arith.index_cast %swap3A_181 : i32 to index
    %swap3A_184 = arith.constant 0 : index
    %swap3A_185 = tpu.vector_load %arg6[%swap3A_182, %swap3A_183, %swap3A_184] {strides = array<i32>} : memref<2x2x128xi32, #tpu.memory_space<vmem>>, vector<16xi32>,
    tpu.vector_store %arg6[%swap3A_182, %swap3A_183, %swap3A_184], %mul3A_179 {strides = array<i32>} : memref<2x2x128xi32, #tpu.memory_space<vmem>>, vector<16xi32>,
    %get3A_186 = arith.constant 0 : i32
    %get3A_187 = arith.constant 1 : i32
    %get3A_188 = arith.index_cast %get3A_186 : i32 to index
    %get3A_189 = arith.index_cast %get3A_187 : i32 to index
    %get3A_190 = arith.constant 16 : index
    %get3A_191 = tpu.vector_load %arg5[%get3A_188, %get3A_189, %get3A_190] {strides = array<i32>} : memref<2x2x128xi32, #tpu.memory_space<vmem>>, vector<16xi32>,
    %mul3A_192 = arith.constant 2 : i32
    %mul3A_193 = vector.broadcast %mul3A_192 : i32 to vector<16xi32>
    %mul3A_194 = arith.muli %get3A_191, %mul3A_193 : vector<16xi32>
    %swap3A_195 = arith.constant 0 : i32
    %swap3A_196 = arith.constant 1 : i32
    %swap3A_197 = arith.index_cast %swap3A_195 : i32 to index
    %swap3A_198 = arith.index_cast %swap3A_196 : i32 to index
    %swap3A_199 = arith.constant 16 : index
    %swap3A_200 = tpu.vector_load %arg6[%swap3A_197, %swap3A_198, %swap3A_199] {strides = array<i32>} : memref<2x2x128xi32, #tpu.memory_space<vmem>>, vector<16xi32>,
    tpu.vector_store %arg6[%swap3A_197, %swap3A_198, %swap3A_199], %mul3A_194 {strides = array<i32>} : memref<2x2x128xi32, #tpu.memory_space<vmem>>, vector<16xi32>,
    %get3A_201 = arith.constant 0 : i32
    %get3A_202 = arith.constant 1 : i32
    %get3A_203 = arith.index_cast %get3A_201 : i32 to index
    %get3A_204 = arith.index_cast %get3A_202 : i32 to index
    %get3A_205 = arith.constant 32 : index
    %get3A_206 = tpu.vector_load %arg5[%get3A_203, %get3A_204, %get3A_205] {strides = array<i32>} : memref<2x2x128xi32, #tpu.memory_space<vmem>>, vector<16xi32>,
    %mul3A_207 = arith.constant 2 : i32
    %mul3A_208 = vector.broadcast %mul3A_207 : i32 to vector<16xi32>
    %mul3A_209 = arith.muli %get3A_206, %mul3A_208 : vector<16xi32>
    %swap3A_210 = arith.constant 0 : i32
    %swap3A_211 = arith.constant 1 : i32
    %swap3A_212 = arith.index_cast %swap3A_210 : i32 to index
    %swap3A_213 = arith.index_cast %swap3A_211 : i32 to index
    %swap3A_214 = arith.constant 32 : index
    %swap3A_215 = tpu.vector_load %arg6[%swap3A_212, %swap3A_213, %swap3A_214] {strides = array<i32>} : memref<2x2x128xi32, #tpu.memory_space<vmem>>, vector<16xi32>,
    tpu.vector_store %arg6[%swap3A_212, %swap3A_213, %swap3A_214], %mul3A_209 {strides = array<i32>} : memref<2x2x128xi32, #tpu.memory_space<vmem>>, vector<16xi32>,
    %get3A_216 = arith.constant 0 : i32
    %get3A_217 = arith.constant 1 : i32
    %get3A_218 = arith.index_cast %get3A_216 : i32 to index
    %get3A_219 = arith.index_cast %get3A_217 : i32 to index
    %get3A_220 = arith.constant 48 : index
    %get3A_221 = tpu.vector_load %arg5[%get3A_218, %get3A_219, %get3A_220] {strides = array<i32>} : memref<2x2x128xi32, #tpu.memory_space<vmem>>, vector<16xi32>,
    %mul3A_222 = arith.constant 2 : i32
    %mul3A_223 = vector.broadcast %mul3A_222 : i32 to vector<16xi32>
    %mul3A_224 = arith.muli %get3A_221, %mul3A_223 : vector<16xi32>
    %swap3A_225 = arith.constant 0 : i32
    %swap3A_226 = arith.constant 1 : i32
    %swap3A_227 = arith.index_cast %swap3A_225 : i32 to index
    %swap3A_228 = arith.index_cast %swap3A_226 : i32 to index
    %swap3A_229 = arith.constant 48 : index
    %swap3A_230 = tpu.vector_load %arg6[%swap3A_227, %swap3A_228, %swap3A_229] {strides = array<i32>} : memref<2x2x128xi32, #tpu.memory_space<vmem>>, vector<16xi32>,
    tpu.vector_store %arg6[%swap3A_227, %swap3A_228, %swap3A_229], %mul3A_224 {strides = array<i32>} : memref<2x2x128xi32, #tpu.memory_space<vmem>>, vector<16xi32>,
    %get3A_231 = arith.constant 0 : i32
    %get3A_232 = arith.constant 1 : i32
    %get3A_233 = arith.index_cast %get3A_231 : i32 to index
    %get3A_234 = arith.index_cast %get3A_232 : i32 to index
    %get3A_235 = arith.constant 64 : index
    %get3A_236 = tpu.vector_load %arg5[%get3A_233, %get3A_234, %get3A_235] {strides = array<i32>} : memref<2x2x128xi32, #tpu.memory_space<vmem>>, vector<16xi32>,
    %mul3A_237 = arith.constant 2 : i32
    %mul3A_238 = vector.broadcast %mul3A_237 : i32 to vector<16xi32>
    %mul3A_239 = arith.muli %get3A_236, %mul3A_238 : vector<16xi32>
    %swap3A_240 = arith.constant 0 : i32
    %swap3A_241 = arith.constant 1 : i32
    %swap3A_242 = arith.index_cast %swap3A_240 : i32 to index
    %swap3A_243 = arith.index_cast %swap3A_241 : i32 to index
    %swap3A_244 = arith.constant 64 : index
    %swap3A_245 = tpu.vector_load %arg6[%swap3A_242, %swap3A_243, %swap3A_244] {strides = array<i32>} : memref<2x2x128xi32, #tpu.memory_space<vmem>>, vector<16xi32>,
    tpu.vector_store %arg6[%swap3A_242, %swap3A_243, %swap3A_244], %mul3A_239 {strides = array<i32>} : memref<2x2x128xi32, #tpu.memory_space<vmem>>, vector<16xi32>,
    %get3A_246 = arith.constant 0 : i32
    %get3A_247 = arith.constant 1 : i32
    %get3A_248 = arith.index_cast %get3A_246 : i32 to index
    %get3A_249 = arith.index_cast %get3A_247 : i32 to index
    %get3A_250 = arith.constant 80 : index
    %get3A_251 = tpu.vector_load %arg5[%get3A_248, %get3A_249, %get3A_250] {strides = array<i32>} : memref<2x2x128xi32, #tpu.memory_space<vmem>>, vector<16xi32>,
    %mul3A_252 = arith.constant 2 : i32
    %mul3A_253 = vector.broadcast %mul3A_252 : i32 to vector<16xi32>
    %mul3A_254 = arith.muli %get3A_251, %mul3A_253 : vector<16xi32>
    %swap3A_255 = arith.constant 0 : i32
    %swap3A_256 = arith.constant 1 : i32
    %swap3A_257 = arith.index_cast %swap3A_255 : i32 to index
    %swap3A_258 = arith.index_cast %swap3A_256 : i32 to index
    %swap3A_259 = arith.constant 80 : index
    %swap3A_260 = tpu.vector_load %arg6[%swap3A_257, %swap3A_258, %swap3A_259] {strides = array<i32>} : memref<2x2x128xi32, #tpu.memory_space<vmem>>, vector<16xi32>,
    tpu.vector_store %arg6[%swap3A_257, %swap3A_258, %swap3A_259], %mul3A_254 {strides = array<i32>} : memref<2x2x128xi32, #tpu.memory_space<vmem>>, vector<16xi32>,
    %get3A_261 = arith.constant 0 : i32
    %get3A_262 = arith.constant 1 : i32
    %get3A_263 = arith.index_cast %get3A_261 : i32 to index
    %get3A_264 = arith.index_cast %get3A_262 : i32 to index
    %get3A_265 = arith.constant 96 : index
    %get3A_266 = tpu.vector_load %arg5[%get3A_263, %get3A_264, %get3A_265] {strides = array<i32>} : memref<2x2x128xi32, #tpu.memory_space<vmem>>, vector<16xi32>,
    %mul3A_267 = arith.constant 2 : i32
    %mul3A_268 = vector.broadcast %mul3A_267 : i32 to vector<16xi32>
    %mul3A_269 = arith.muli %get3A_266, %mul3A_268 : vector<16xi32>
    %swap3A_270 = arith.constant 0 : i32
    %swap3A_271 = arith.constant 1 : i32
    %swap3A_272 = arith.index_cast %swap3A_270 : i32 to index
    %swap3A_273 = arith.index_cast %swap3A_271 : i32 to index
    %swap3A_274 = arith.constant 96 : index
    %swap3A_275 = tpu.vector_load %arg6[%swap3A_272, %swap3A_273, %swap3A_274] {strides = array<i32>} : memref<2x2x128xi32, #tpu.memory_space<vmem>>, vector<16xi32>,
    tpu.vector_store %arg6[%swap3A_272, %swap3A_273, %swap3A_274], %mul3A_269 {strides = array<i32>} : memref<2x2x128xi32, #tpu.memory_space<vmem>>, vector<16xi32>,
    %get3A_276 = arith.constant 0 : i32
    %get3A_277 = arith.constant 1 : i32
    %get3A_278 = arith.index_cast %get3A_276 : i32 to index
    %get3A_279 = arith.index_cast %get3A_277 : i32 to index
    %get3A_280 = arith.constant 112 : index
    %get3A_281 = tpu.vector_load %arg5[%get3A_278, %get3A_279, %get3A_280] {strides = array<i32>} : memref<2x2x128xi32, #tpu.memory_space<vmem>>, vector<16xi32>,
    %mul3A_282 = arith.constant 2 : i32
    %mul3A_283 = vector.broadcast %mul3A_282 : i32 to vector<16xi32>
    %mul3A_284 = arith.muli %get3A_281, %mul3A_283 : vector<16xi32>
    %swap3A_285 = arith.constant 0 : i32
    %swap3A_286 = arith.constant 1 : i32
    %swap3A_287 = arith.index_cast %swap3A_285 : i32 to index
    %swap3A_288 = arith.index_cast %swap3A_286 : i32 to index
    %swap3A_289 = arith.constant 112 : index
    %swap3A_290 = tpu.vector_load %arg6[%swap3A_287, %swap3A_288, %swap3A_289] {strides = array<i32>} : memref<2x2x128xi32, #tpu.memory_space<vmem>>, vector<16xi32>,
    tpu.vector_store %arg6[%swap3A_287, %swap3A_288, %swap3A_289], %mul3A_284 {strides = array<i32>} : memref<2x2x128xi32, #tpu.memory_space<vmem>>, vector<16xi32>,
    %dma_start3A_291 = arith.constant 0 : i32
    %dma_start3A_292 = arith.constant 0 : i32
    %dma_start3A_293 = arith.constant 0 : i32
    %dma_start3A_294 = arith.constant 0 : i32
    %dma_start3A_295 = arith.constant 0 : i32
    %dma_start3A_296 = tpu.memref_slice %arg7[%dma_start3A_293, %dma_start3A_294, %dma_start3A_295] : memref<2x256x64xf32, #tpu.memory_space<vmem>> -> memref<1x128x64xf32, #tpu.memory_space<vmem>>
    %dma_start3A_297 = tpu.memref_squeeze %dma_start3A_296 : memref<1x128x64xf32, #tpu.memory_space<vmem>> -> memref<128x64xf32, #tpu.memory_space<vmem>>
    %dma_start3A_298 = arith.constant 0 : i32
    %dma_start3A_299 = tpu.memref_slice %arg6[%dma_start3A_291, %dma_start3A_292, %dma_start3A_298] : memref<2x2x128xi32, #tpu.memory_space<vmem>> -> memref<1x1x128xi32, #tpu.memory_space<vmem>>
    %dma_start3A_300 = tpu.memref_squeeze %dma_start3A_299 : memref<1x1x128xi32, #tpu.memory_space<vmem>> -> memref<128xi32, #tpu.memory_space<vmem>>
    %dma_start3A_301 = arith.constant 0 : i32
    %dma_start3A_302 = arith.constant 0 : i32
    %dma_start3A_303 = tpu.memref_slice %arg3[%dma_start3A_301, %dma_start3A_302] : memref<2000000x64xf32, #tpu.memory_space<hbm>> -> memref<2000000x64xf32, #tpu.memory_space<hbm>>
    tpu.enqueue_indirect_dma source(%dma_start3A_303 : memref<2000000x64xf32, #tpu.memory_space<hbm>>) target(%dma_start3A_297 : memref<128x64xf32, #tpu.memory_space<vmem>>) offsets(%dma_start3A_300 : memref<128xi32, #tpu.memory_space<vmem>>) semaphore(%arg10 : memref<!tpu.dma_semaphore, #tpu.memory_space<semaphore_mem>>)
    %dma_start3A_304 = arith.constant 0 : i32
    %dma_start3A_305 = arith.constant 1 : i32
    %dma_start3A_306 = arith.constant 0 : i32
    %dma_start3A_307 = arith.constant 128 : i32
    %dma_start3A_308 = arith.constant 0 : i32
    %dma_start3A_309 = tpu.memref_slice %arg7[%dma_start3A_306, %dma_start3A_307, %dma_start3A_308] : memref<2x256x64xf32, #tpu.memory_space<vmem>> -> memref<1x128x64xf32, #tpu.memory_space<vmem>>
    %dma_start3A_310 = tpu.memref_squeeze %dma_start3A_309 : memref<1x128x64xf32, #tpu.memory_space<vmem>> -> memref<128x64xf32, #tpu.memory_space<vmem>>
    %dma_start3A_311 = arith.constant 0 : i32
    %dma_start3A_312 = tpu.memref_slice %arg6[%dma_start3A_304, %dma_start3A_305, %dma_start3A_311] : memref<2x2x128xi32, #tpu.memory_space<vmem>> -> memref<1x1x128xi32, #tpu.memory_space<vmem>>
    %dma_start3A_313 = tpu.memref_squeeze %dma_start3A_312 : memref<1x1x128xi32, #tpu.memory_space<vmem>> -> memref<128xi32, #tpu.memory_space<vmem>>
    %dma_start3A_314 = arith.constant 0 : i32
    %dma_start3A_315 = arith.constant 0 : i32
    %dma_start3A_316 = tpu.memref_slice %arg3[%dma_start3A_314, %dma_start3A_315] : memref<2000000x64xf32, #tpu.memory_space<hbm>> -> memref<2000000x64xf32, #tpu.memory_space<hbm>>
    tpu.enqueue_indirect_dma source(%dma_start3A_316 : memref<2000000x64xf32, #tpu.memory_space<hbm>>) target(%dma_start3A_310 : memref<128x64xf32, #tpu.memory_space<vmem>>) offsets(%dma_start3A_313 : memref<128xi32, #tpu.memory_space<vmem>>) semaphore(%arg10 : memref<!tpu.dma_semaphore, #tpu.memory_space<semaphore_mem>>)
    %scan3A = arith.constant 0 : i32
    %scan3A_317 = arith.constant 0 : i32
    %scan3A_318 = arith.constant 100 : i32
    %scan3A_319 = arith.addi %scan3A_317, %scan3A_318 : i32
    %scan3A_320 = arith.constant 1 : i32
    scf.for %scan3A_1090 = %scan3A_317 to %scan3A_319 step %scan3A_320  : i32 {
      %jit3A = arith.constant 2 : i32
      %eq3A = arith.constant 0 : i32
      %eq3A_1091 = arith.cmpi eq, %jit3A, %eq3A : i32
      %jit3A_1092 = arith.constant 1 : i32
      %select_n3A = arith.select %eq3A_1091, %jit3A_1092, %jit3A : i32
      %rem3A = arith.remsi %scan3A_1090, %select_n3A : i32
      %ne3A = arith.constant 0 : i32
      %ne3A_1093 = arith.cmpi ne, %rem3A, %ne3A : i32
      %lt3A = arith.constant 0 : i32
      %lt3A_1094 = arith.cmpi slt, %rem3A, %lt3A : i32
      %lt3A_1095 = arith.constant 0 : i32
      %lt3A_1096 = arith.cmpi slt, %select_n3A, %lt3A_1095 : i32
      %ne3A_1097 = arith.xori %lt3A_1094, %lt3A_1096 : i1
      %and3A = arith.andi %ne3A_1097, %ne3A_1093 : i1
      %add3A_1098 = arith.addi %rem3A, %select_n3A : i32
      %select_n3A_1099 = arith.select %and3A, %add3A_1098, %rem3A : i32
      %add3A_1100 = arith.constant 1 : i32
      %add3A_1101 = arith.addi %scan3A_1090, %add3A_1100 : i32
      %jit3A_1102 = arith.constant 2 : i32
      %eq3A_1103 = arith.constant 0 : i32
      %eq3A_1104 = arith.cmpi eq, %jit3A_1102, %eq3A_1103 : i32
      %jit3A_1105 = arith.constant 1 : i32
      %select_n3A_1106 = arith.select %eq3A_1104, %jit3A_1105, %jit3A_1102 : i32
      %rem3A_1107 = arith.remsi %add3A_1101, %select_n3A_1106 : i32
      %ne3A_1108 = arith.constant 0 : i32
      %ne3A_1109 = arith.cmpi ne, %rem3A_1107, %ne3A_1108 : i32
      %lt3A_1110 = arith.constant 0 : i32
      %lt3A_1111 = arith.cmpi slt, %rem3A_1107, %lt3A_1110 : i32
      %lt3A_1112 = arith.constant 0 : i32
      %lt3A_1113 = arith.cmpi slt, %select_n3A_1106, %lt3A_1112 : i32
      %ne3A_1114 = arith.xori %lt3A_1111, %lt3A_1113 : i1
      %and3A_1115 = arith.andi %ne3A_1114, %ne3A_1109 : i1
      %add3A_1116 = arith.addi %rem3A_1107, %select_n3A_1106 : i32
      %select_n3A_1117 = arith.select %and3A_1115, %add3A_1116, %rem3A_1107 : i32
      %dma_wait3A_1118 = arith.constant 0 : i32
      %dma_wait3A_1119 = arith.constant 0 : i32
      %dma_wait3A_1120 = arith.constant 0 : i32
      %dma_wait3A_1121 = tpu.memref_slice %arg7[%select_n3A_1099, %dma_wait3A_1119, %dma_wait3A_1120] : memref<2x256x64xf32, #tpu.memory_space<vmem>> -> memref<1x128x64xf32, #tpu.memory_space<vmem>>
      %dma_wait3A_1122 = tpu.memref_squeeze %dma_wait3A_1121 : memref<1x128x64xf32, #tpu.memory_space<vmem>> -> memref<128x64xf32, #tpu.memory_space<vmem>>
      %dma_wait3A_1123 = arith.constant 0 : i32
      %dma_wait3A_1124 = tpu.memref_slice %arg6[%select_n3A_1099, %dma_wait3A_1118, %dma_wait3A_1123] : memref<2x2x128xi32, #tpu.memory_space<vmem>> -> memref<1x1x128xi32, #tpu.memory_space<vmem>>
      %dma_wait3A_1125 = tpu.memref_squeeze %dma_wait3A_1124 : memref<1x1x128xi32, #tpu.memory_space<vmem>> -> memref<128xi32, #tpu.memory_space<vmem>>
      %dma_wait3A_1126 = arith.constant 0 : i32
      %dma_wait3A_1127 = arith.constant 0 : i32
      %dma_wait3A_1128 = tpu.memref_slice %arg3[%dma_wait3A_1126, %dma_wait3A_1127] : memref<2000000x64xf32, #tpu.memory_space<hbm>> -> memref<2000000x64xf32, #tpu.memory_space<hbm>>
      tpu.wait_indirect_dma semaphore(%arg10 : memref<!tpu.dma_semaphore, #tpu.memory_space<semaphore_mem>>) src(%dma_wait3A_1128 : memref<2000000x64xf32, #tpu.memory_space<hbm>>) dst(%dma_wait3A_1122 : memref<128x64xf32, #tpu.memory_space<vmem>>)
      %dma_wait3A_1129 = arith.constant 1 : i32
      %dma_wait3A_1130 = arith.constant 128 : i32
      %dma_wait3A_1131 = arith.constant 0 : i32
      %dma_wait3A_1132 = tpu.memref_slice %arg7[%select_n3A_1099, %dma_wait3A_1130, %dma_wait3A_1131] : memref<2x256x64xf32, #tpu.memory_space<vmem>> -> memref<1x128x64xf32, #tpu.memory_space<vmem>>
      %dma_wait3A_1133 = tpu.memref_squeeze %dma_wait3A_1132 : memref<1x128x64xf32, #tpu.memory_space<vmem>> -> memref<128x64xf32, #tpu.memory_space<vmem>>
      %dma_wait3A_1134 = arith.constant 0 : i32
      %dma_wait3A_1135 = tpu.memref_slice %arg6[%select_n3A_1099, %dma_wait3A_1129, %dma_wait3A_1134] : memref<2x2x128xi32, #tpu.memory_space<vmem>> -> memref<1x1x128xi32, #tpu.memory_space<vmem>>
      %dma_wait3A_1136 = tpu.memref_squeeze %dma_wait3A_1135 : memref<1x1x128xi32, #tpu.memory_space<vmem>> -> memref<128xi32, #tpu.memory_space<vmem>>
      %dma_wait3A_1137 = arith.constant 0 : i32
      %dma_wait3A_1138 = arith.constant 0 : i32
      %dma_wait3A_1139 = tpu.memref_slice %arg3[%dma_wait3A_1137, %dma_wait3A_1138] : memref<2000000x64xf32, #tpu.memory_space<hbm>> -> memref<2000000x64xf32, #tpu.memory_space<hbm>>
      tpu.wait_indirect_dma semaphore(%arg10 : memref<!tpu.dma_semaphore, #tpu.memory_space<semaphore_mem>>) src(%dma_wait3A_1139 : memref<2000000x64xf32, #tpu.memory_space<hbm>>) dst(%dma_wait3A_1133 : memref<128x64xf32, #tpu.memory_space<vmem>>)
      %add3A_1140 = arith.constant 2 : i32
      %add3A_1141 = arith.addi %scan3A_1090, %add3A_1140 : i32
      %lt3A_1142 = arith.constant 100 : i32
      %lt3A_1143 = arith.cmpi slt, %add3A_1141, %lt3A_1142 : i32
      %convert_element_type3A = arith.extui %lt3A_1143 : i1 to i32
      %cond3A = arith.constant 0 : i32
      %cond3A_1144 = arith.cmpi ne, %convert_element_type3A, %cond3A : i32
      scf.if %cond3A_1144 {
        %add3A_2192 = arith.constant 2 : i32
        %add3A_2193 = arith.addi %scan3A_1090, %add3A_2192 : i32
        %jit3A_2194 = arith.constant 2 : i32
        %div3A_2195 = arith.divsi %add3A_2193, %jit3A_2194 : i32
        %sign3A_2196 = arith.constant 0 : i32
        %sign3A_2197 = arith.cmpi sgt, %add3A_2193, %sign3A_2196 : i32
        %sign3A_2198 = arith.extui %sign3A_2197 : i1 to i32
        %sign3A_2199 = arith.constant 0 : i32
        %sign3A_2200 = arith.cmpi slt, %add3A_2193, %sign3A_2199 : i32
        %sign3A_2201 = arith.extui %sign3A_2200 : i1 to i32
        %sign3A_2202 = arith.subi %sign3A_2198, %sign3A_2201 : i32
        %sign3A_2203 = arith.constant 0 : i32
        %sign3A_2204 = arith.cmpi sgt, %jit3A_2194, %sign3A_2203 : i32
        %sign3A_2205 = arith.extui %sign3A_2204 : i1 to i32
        %sign3A_2206 = arith.constant 0 : i32
        %sign3A_2207 = arith.cmpi slt, %jit3A_2194, %sign3A_2206 : i32
        %sign3A_2208 = arith.extui %sign3A_2207 : i1 to i32
        %sign3A_2209 = arith.subi %sign3A_2205, %sign3A_2208 : i32
        %ne3A_2210 = arith.cmpi ne, %sign3A_2202, %sign3A_2209 : i32
        %rem3A_2211 = arith.remsi %add3A_2193, %jit3A_2194 : i32
        %ne3A_2212 = arith.constant 0 : i32
        %ne3A_2213 = arith.cmpi ne, %rem3A_2211, %ne3A_2212 : i32
        %and3A_2214 = arith.andi %ne3A_2210, %ne3A_2213 : i1
        %sub3A_2215 = arith.constant 1 : i32
        %sub3A_2216 = arith.subi %div3A_2195, %sub3A_2215 : i32
        %select_n3A_2217 = arith.select %and3A_2214, %sub3A_2216, %div3A_2195 : i32
        %jit3A_2218 = arith.constant 2 : i32
        %eq3A_2219 = arith.constant 0 : i32
        %eq3A_2220 = arith.cmpi eq, %jit3A_2218, %eq3A_2219 : i32
        %jit3A_2221 = arith.constant 1 : i32
        %select_n3A_2222 = arith.select %eq3A_2220, %jit3A_2221, %jit3A_2218 : i32
        %rem3A_2223 = arith.remsi %add3A_2193, %select_n3A_2222 : i32
        %ne3A_2224 = arith.constant 0 : i32
        %ne3A_2225 = arith.cmpi ne, %rem3A_2223, %ne3A_2224 : i32
        %lt3A_2226 = arith.constant 0 : i32
        %lt3A_2227 = arith.cmpi slt, %rem3A_2223, %lt3A_2226 : i32
        %lt3A_2228 = arith.constant 0 : i32
        %lt3A_2229 = arith.cmpi slt, %select_n3A_2222, %lt3A_2228 : i32
        %ne3A_2230 = arith.xori %lt3A_2227, %lt3A_2229 : i1
        %and3A_2231 = arith.andi %ne3A_2230, %ne3A_2225 : i1
        %add3A_2232 = arith.addi %rem3A_2223, %select_n3A_2222 : i32
        %select_n3A_2233 = arith.select %and3A_2231, %add3A_2232, %rem3A_2223 : i32
        %mul3A_2234 = arith.constant 2 : i32
        %mul3A_2235 = arith.muli %select_n3A_2233, %mul3A_2234 : i32
        %add3A_2236 = arith.addi %mul3A_2, %mul3A_2235 : i32
        %dma_start3A_2237 = arith.constant 0 : i32
        %dma_start3A_2238 = arith.constant 0 : i32
        %dma_start3A_2239 = tpu.memref_slice %arg5[%select_n3A_1099, %dma_start3A_2237, %dma_start3A_2238] : memref<2x2x128xi32, #tpu.memory_space<vmem>> -> memref<1x2x128xi32, #tpu.memory_space<vmem>>
        %dma_start3A_2240 = tpu.memref_squeeze %dma_start3A_2239 : memref<1x2x128xi32, #tpu.memory_space<vmem>> -> memref<2x128xi32, #tpu.memory_space<vmem>>
        %dma_start3A_2241 = arith.constant 0 : i32
        %dma_start3A_2242 = tpu.memref_slice %arg2[%select_n3A_2217, %add3A_2236, %dma_start3A_2241] : memref<50x128x128xi32, #tpu.memory_space<hbm>> -> memref<1x2x128xi32, #tpu.memory_space<hbm>>
        %dma_start3A_2243 = tpu.memref_squeeze %dma_start3A_2242 : memref<1x2x128xi32, #tpu.memory_space<hbm>> -> memref<2x128xi32, #tpu.memory_space<hbm>>
        %dma_start3A_2244 = arith.constant 0 : i32
        %dma_start3A_2245 = arith.constant 0 : i32
        %dma_start3A_2246 = tpu.memref_slice %arg5[%select_n3A_1099, %dma_start3A_2244, %dma_start3A_2245] : memref<2x2x128xi32, #tpu.memory_space<vmem>> -> memref<1x2x128xi32, #tpu.memory_space<vmem>>
        %dma_start3A_2247 = tpu.memref_squeeze %dma_start3A_2246 : memref<1x2x128xi32, #tpu.memory_space<vmem>> -> memref<2x128xi32, #tpu.memory_space<vmem>>
        %dma_start3A_2248 = arith.constant 0 : i32
        %dma_start3A_2249 = tpu.memref_slice %arg2[%select_n3A_2217, %add3A_2236, %dma_start3A_2248] : memref<50x128x128xi32, #tpu.memory_space<hbm>> -> memref<1x2x128xi32, #tpu.memory_space<hbm>>
        %dma_start3A_2250 = tpu.memref_squeeze %dma_start3A_2249 : memref<1x2x128xi32, #tpu.memory_space<hbm>> -> memref<2x128xi32, #tpu.memory_space<hbm>>
        tpu.enqueue_dma source(%dma_start3A_2250 : memref<2x128xi32, #tpu.memory_space<hbm>>) target(%dma_start3A_2247 : memref<2x128xi32, #tpu.memory_space<vmem>>) target_semaphore(%arg9 : memref<!tpu.dma_semaphore, #tpu.memory_space<semaphore_mem>>)
      } else {
      }
      %add3A_1145 = arith.constant 1 : i32
      %add3A_1146 = arith.addi %scan3A_1090, %add3A_1145 : i32
      %lt3A_1147 = arith.constant 100 : i32
      %lt3A_1148 = arith.cmpi slt, %add3A_1146, %lt3A_1147 : i32
      %convert_element_type3A_1149 = arith.extui %lt3A_1148 : i1 to i32
      %cond3A_1150 = arith.constant 0 : i32
      %cond3A_1151 = arith.cmpi ne, %convert_element_type3A_1149, %cond3A_1150 : i32
      scf.if %cond3A_1151 {
        %dma_wait3A_2192 = arith.constant 0 : i32
        %dma_wait3A_2193 = arith.constant 0 : i32
        %dma_wait3A_2194 = arith.constant 0 : i32
        %dma_wait3A_2195 = tpu.memref_slice %arg5[%select_n3A_1117, %dma_wait3A_2193, %dma_wait3A_2194] : memref<2x2x128xi32, #tpu.memory_space<vmem>> -> memref<1x2x128xi32, #tpu.memory_space<vmem>>
        %dma_wait3A_2196 = tpu.memref_squeeze %dma_wait3A_2195 : memref<1x2x128xi32, #tpu.memory_space<vmem>> -> memref<2x128xi32, #tpu.memory_space<vmem>>
        %dma_wait3A_2197 = arith.constant 0 : i32
        %dma_wait3A_2198 = tpu.memref_slice %arg2[%dma_wait3A_2192, %mul3A_2, %dma_wait3A_2197] : memref<50x128x128xi32, #tpu.memory_space<hbm>> -> memref<1x2x128xi32, #tpu.memory_space<hbm>>
        %dma_wait3A_2199 = tpu.memref_squeeze %dma_wait3A_2198 : memref<1x2x128xi32, #tpu.memory_space<hbm>> -> memref<2x128xi32, #tpu.memory_space<hbm>>
        %dma_wait3A_2200 = arith.constant 0 : i32
        %dma_wait3A_2201 = arith.constant 0 : i32
        %dma_wait3A_2202 = tpu.memref_slice %arg5[%select_n3A_1117, %dma_wait3A_2200, %dma_wait3A_2201] : memref<2x2x128xi32, #tpu.memory_space<vmem>> -> memref<1x2x128xi32, #tpu.memory_space<vmem>>
        %dma_wait3A_2203 = tpu.memref_squeeze %dma_wait3A_2202 : memref<1x2x128xi32, #tpu.memory_space<vmem>> -> memref<2x128xi32, #tpu.memory_space<vmem>>
        %dma_wait3A_2204 = arith.constant 0 : i32
        %dma_wait3A_2205 = tpu.memref_slice %arg2[%dma_wait3A_2192, %mul3A_2, %dma_wait3A_2204] : memref<50x128x128xi32, #tpu.memory_space<hbm>> -> memref<1x2x128xi32, #tpu.memory_space<hbm>>
        %dma_wait3A_2206 = tpu.memref_squeeze %dma_wait3A_2205 : memref<1x2x128xi32, #tpu.memory_space<hbm>> -> memref<2x128xi32, #tpu.memory_space<hbm>>
        tpu.wait_dma2 semaphore(%arg9 : memref<!tpu.dma_semaphore, #tpu.memory_space<semaphore_mem>>) src(%dma_wait3A_2206 : memref<2x128xi32, #tpu.memory_space<hbm>>) dst(%dma_wait3A_2203 : memref<2x128xi32, #tpu.memory_space<vmem>>)
        %get3A_2207 = arith.constant 0 : i32
        %get3A_2208 = arith.index_cast %select_n3A_1117 : i32 to index
        %get3A_2209 = arith.index_cast %get3A_2207 : i32 to index
        %get3A_2210 = arith.constant 0 : index
        %get3A_2211 = tpu.vector_load %arg5[%get3A_2208, %get3A_2209, %get3A_2210] {strides = array<i32>} : memref<2x2x128xi32, #tpu.memory_space<vmem>>, vector<16xi32>,
        %mul3A_2212 = arith.constant 2 : i32
        %mul3A_2213 = vector.broadcast %mul3A_2212 : i32 to vector<16xi32>
        %mul3A_2214 = arith.muli %get3A_2211, %mul3A_2213 : vector<16xi32>
        %swap3A_2215 = arith.constant 0 : i32
        %swap3A_2216 = arith.index_cast %select_n3A_1117 : i32 to index
        %swap3A_2217 = arith.index_cast %swap3A_2215 : i32 to index
        %swap3A_2218 = arith.constant 0 : index
        %swap3A_2219 = tpu.vector_load %arg6[%swap3A_2216, %swap3A_2217, %swap3A_2218] {strides = array<i32>} : memref<2x2x128xi32, #tpu.memory_space<vmem>>, vector<16xi32>,
        tpu.vector_store %arg6[%swap3A_2216, %swap3A_2217, %swap3A_2218], %mul3A_2214 {strides = array<i32>} : memref<2x2x128xi32, #tpu.memory_space<vmem>>, vector<16xi32>,
        %get3A_2220 = arith.constant 0 : i32
        %get3A_2221 = arith.index_cast %select_n3A_1117 : i32 to index
        %get3A_2222 = arith.index_cast %get3A_2220 : i32 to index
        %get3A_2223 = arith.constant 16 : index
        %get3A_2224 = tpu.vector_load %arg5[%get3A_2221, %get3A_2222, %get3A_2223] {strides = array<i32>} : memref<2x2x128xi32, #tpu.memory_space<vmem>>, vector<16xi32>,
        %mul3A_2225 = arith.constant 2 : i32
        %mul3A_2226 = vector.broadcast %mul3A_2225 : i32 to vector<16xi32>
        %mul3A_2227 = arith.muli %get3A_2224, %mul3A_2226 : vector<16xi32>
        %swap3A_2228 = arith.constant 0 : i32
        %swap3A_2229 = arith.index_cast %select_n3A_1117 : i32 to index
        %swap3A_2230 = arith.index_cast %swap3A_2228 : i32 to index
        %swap3A_2231 = arith.constant 16 : index
        %swap3A_2232 = tpu.vector_load %arg6[%swap3A_2229, %swap3A_2230, %swap3A_2231] {strides = array<i32>} : memref<2x2x128xi32, #tpu.memory_space<vmem>>, vector<16xi32>,
        tpu.vector_store %arg6[%swap3A_2229, %swap3A_2230, %swap3A_2231], %mul3A_2227 {strides = array<i32>} : memref<2x2x128xi32, #tpu.memory_space<vmem>>, vector<16xi32>,
        %get3A_2233 = arith.constant 0 : i32
        %get3A_2234 = arith.index_cast %select_n3A_1117 : i32 to index
        %get3A_2235 = arith.index_cast %get3A_2233 : i32 to index
        %get3A_2236 = arith.constant 32 : index
        %get3A_2237 = tpu.vector_load %arg5[%get3A_2234, %get3A_2235, %get3A_2236] {strides = array<i32>} : memref<2x2x128xi32, #tpu.memory_space<vmem>>, vector<16xi32>,
        %mul3A_2238 = arith.constant 2 : i32
        %mul3A_2239 = vector.broadcast %mul3A_2238 : i32 to vector<16xi32>
        %mul3A_2240 = arith.muli %get3A_2237, %mul3A_2239 : vector<16xi32>
        %swap3A_2241 = arith.constant 0 : i32
        %swap3A_2242 = arith.index_cast %select_n3A_1117 : i32 to index
        %swap3A_2243 = arith.index_cast %swap3A_2241 : i32 to index
        %swap3A_2244 = arith.constant 32 : index
        %swap3A_2245 = tpu.vector_load %arg6[%swap3A_2242, %swap3A_2243, %swap3A_2244] {strides = array<i32>} : memref<2x2x128xi32, #tpu.memory_space<vmem>>, vector<16xi32>,
        tpu.vector_store %arg6[%swap3A_2242, %swap3A_2243, %swap3A_2244], %mul3A_2240 {strides = array<i32>} : memref<2x2x128xi32, #tpu.memory_space<vmem>>, vector<16xi32>,
        %get3A_2246 = arith.constant 0 : i32
        %get3A_2247 = arith.index_cast %select_n3A_1117 : i32 to index
        %get3A_2248 = arith.index_cast %get3A_2246 : i32 to index
        %get3A_2249 = arith.constant 48 : index
        %get3A_2250 = tpu.vector_load %arg5[%get3A_2247, %get3A_2248, %get3A_2249] {strides = array<i32>} : memref<2x2x128xi32, #tpu.memory_space<vmem>>, vector<16xi32>,
        %mul3A_2251 = arith.constant 2 : i32
        %mul3A_2252 = vector.broadcast %mul3A_2251 : i32 to vector<16xi32>
        %mul3A_2253 = arith.muli %get3A_2250, %mul3A_2252 : vector<16xi32>
        %swap3A_2254 = arith.constant 0 : i32
        %swap3A_2255 = arith.index_cast %select_n3A_1117 : i32 to index
        %swap3A_2256 = arith.index_cast %swap3A_2254 : i32 to index
        %swap3A_2257 = arith.constant 48 : index
        %swap3A_2258 = tpu.vector_load %arg6[%swap3A_2255, %swap3A_2256, %swap3A_2257] {strides = array<i32>} : memref<2x2x128xi32, #tpu.memory_space<vmem>>, vector<16xi32>,
        tpu.vector_store %arg6[%swap3A_2255, %swap3A_2256, %swap3A_2257], %mul3A_2253 {strides = array<i32>} : memref<2x2x128xi32, #tpu.memory_space<vmem>>, vector<16xi32>,
        %get3A_2259 = arith.constant 0 : i32
        %get3A_2260 = arith.index_cast %select_n3A_1117 : i32 to index
        %get3A_2261 = arith.index_cast %get3A_2259 : i32 to index
        %get3A_2262 = arith.constant 64 : index
        %get3A_2263 = tpu.vector_load %arg5[%get3A_2260, %get3A_2261, %get3A_2262] {strides = array<i32>} : memref<2x2x128xi32, #tpu.memory_space<vmem>>, vector<16xi32>,
        %mul3A_2264 = arith.constant 2 : i32
        %mul3A_2265 = vector.broadcast %mul3A_2264 : i32 to vector<16xi32>
        %mul3A_2266 = arith.muli %get3A_2263, %mul3A_2265 : vector<16xi32>
        %swap3A_2267 = arith.constant 0 : i32
        %swap3A_2268 = arith.index_cast %select_n3A_1117 : i32 to index
        %swap3A_2269 = arith.index_cast %swap3A_2267 : i32 to index
        %swap3A_2270 = arith.constant 64 : index
        %swap3A_2271 = tpu.vector_load %arg6[%swap3A_2268, %swap3A_2269, %swap3A_2270] {strides = array<i32>} : memref<2x2x128xi32, #tpu.memory_space<vmem>>, vector<16xi32>,
        tpu.vector_store %arg6[%swap3A_2268, %swap3A_2269, %swap3A_2270], %mul3A_2266 {strides = array<i32>} : memref<2x2x128xi32, #tpu.memory_space<vmem>>, vector<16xi32>,
        %get3A_2272 = arith.constant 0 : i32
        %get3A_2273 = arith.index_cast %select_n3A_1117 : i32 to index
        %get3A_2274 = arith.index_cast %get3A_2272 : i32 to index
        %get3A_2275 = arith.constant 80 : index
        %get3A_2276 = tpu.vector_load %arg5[%get3A_2273, %get3A_2274, %get3A_2275] {strides = array<i32>} : memref<2x2x128xi32, #tpu.memory_space<vmem>>, vector<16xi32>,
        %mul3A_2277 = arith.constant 2 : i32
        %mul3A_2278 = vector.broadcast %mul3A_2277 : i32 to vector<16xi32>
        %mul3A_2279 = arith.muli %get3A_2276, %mul3A_2278 : vector<16xi32>
        %swap3A_2280 = arith.constant 0 : i32
        %swap3A_2281 = arith.index_cast %select_n3A_1117 : i32 to index
        %swap3A_2282 = arith.index_cast %swap3A_2280 : i32 to index
        %swap3A_2283 = arith.constant 80 : index
        %swap3A_2284 = tpu.vector_load %arg6[%swap3A_2281, %swap3A_2282, %swap3A_2283] {strides = array<i32>} : memref<2x2x128xi32, #tpu.memory_space<vmem>>, vector<16xi32>,
        tpu.vector_store %arg6[%swap3A_2281, %swap3A_2282, %swap3A_2283], %mul3A_2279 {strides = array<i32>} : memref<2x2x128xi32, #tpu.memory_space<vmem>>, vector<16xi32>,
        %get3A_2285 = arith.constant 0 : i32
        %get3A_2286 = arith.index_cast %select_n3A_1117 : i32 to index
        %get3A_2287 = arith.index_cast %get3A_2285 : i32 to index
        %get3A_2288 = arith.constant 96 : index
        %get3A_2289 = tpu.vector_load %arg5[%get3A_2286, %get3A_2287, %get3A_2288] {strides = array<i32>} : memref<2x2x128xi32, #tpu.memory_space<vmem>>, vector<16xi32>,
        %mul3A_2290 = arith.constant 2 : i32
        %mul3A_2291 = vector.broadcast %mul3A_2290 : i32 to vector<16xi32>
        %mul3A_2292 = arith.muli %get3A_2289, %mul3A_2291 : vector<16xi32>
        %swap3A_2293 = arith.constant 0 : i32
        %swap3A_2294 = arith.index_cast %select_n3A_1117 : i32 to index
        %swap3A_2295 = arith.index_cast %swap3A_2293 : i32 to index
        %swap3A_2296 = arith.constant 96 : index
        %swap3A_2297 = tpu.vector_load %arg6[%swap3A_2294, %swap3A_2295, %swap3A_2296] {strides = array<i32>} : memref<2x2x128xi32, #tpu.memory_space<vmem>>, vector<16xi32>,
        tpu.vector_store %arg6[%swap3A_2294, %swap3A_2295, %swap3A_2296], %mul3A_2292 {strides = array<i32>} : memref<2x2x128xi32, #tpu.memory_space<vmem>>, vector<16xi32>,
        %get3A_2298 = arith.constant 0 : i32
        %get3A_2299 = arith.index_cast %select_n3A_1117 : i32 to index
        %get3A_2300 = arith.index_cast %get3A_2298 : i32 to index
        %get3A_2301 = arith.constant 112 : index
        %get3A_2302 = tpu.vector_load %arg5[%get3A_2299, %get3A_2300, %get3A_2301] {strides = array<i32>} : memref<2x2x128xi32, #tpu.memory_space<vmem>>, vector<16xi32>,
        %mul3A_2303 = arith.constant 2 : i32
        %mul3A_2304 = vector.broadcast %mul3A_2303 : i32 to vector<16xi32>
        %mul3A_2305 = arith.muli %get3A_2302, %mul3A_2304 : vector<16xi32>
        %swap3A_2306 = arith.constant 0 : i32
        %swap3A_2307 = arith.index_cast %select_n3A_1117 : i32 to index
        %swap3A_2308 = arith.index_cast %swap3A_2306 : i32 to index
        %swap3A_2309 = arith.constant 112 : index
        %swap3A_2310 = tpu.vector_load %arg6[%swap3A_2307, %swap3A_2308, %swap3A_2309] {strides = array<i32>} : memref<2x2x128xi32, #tpu.memory_space<vmem>>, vector<16xi32>,
        tpu.vector_store %arg6[%swap3A_2307, %swap3A_2308, %swap3A_2309], %mul3A_2305 {strides = array<i32>} : memref<2x2x128xi32, #tpu.memory_space<vmem>>, vector<16xi32>,
        %get3A_2311 = arith.constant 1 : i32
        %get3A_2312 = arith.index_cast %select_n3A_1117 : i32 to index
        %get3A_2313 = arith.index_cast %get3A_2311 : i32 to index
        %get3A_2314 = arith.constant 0 : index
        %get3A_2315 = tpu.vector_load %arg5[%get3A_2312, %get3A_2313, %get3A_2314] {strides = array<i32>} : memref<2x2x128xi32, #tpu.memory_space<vmem>>, vector<16xi32>,
        %mul3A_2316 = arith.constant 2 : i32
        %mul3A_2317 = vector.broadcast %mul3A_2316 : i32 to vector<16xi32>
        %mul3A_2318 = arith.muli %get3A_2315, %mul3A_2317 : vector<16xi32>
        %swap3A_2319 = arith.constant 1 : i32
        %swap3A_2320 = arith.index_cast %select_n3A_1117 : i32 to index
        %swap3A_2321 = arith.index_cast %swap3A_2319 : i32 to index
        %swap3A_2322 = arith.constant 0 : index
        %swap3A_2323 = tpu.vector_load %arg6[%swap3A_2320, %swap3A_2321, %swap3A_2322] {strides = array<i32>} : memref<2x2x128xi32, #tpu.memory_space<vmem>>, vector<16xi32>,
        tpu.vector_store %arg6[%swap3A_2320, %swap3A_2321, %swap3A_2322], %mul3A_2318 {strides = array<i32>} : memref<2x2x128xi32, #tpu.memory_space<vmem>>, vector<16xi32>,
        %get3A_2324 = arith.constant 1 : i32
        %get3A_2325 = arith.index_cast %select_n3A_1117 : i32 to index
        %get3A_2326 = arith.index_cast %get3A_2324 : i32 to index
        %get3A_2327 = arith.constant 16 : index
        %get3A_2328 = tpu.vector_load %arg5[%get3A_2325, %get3A_2326, %get3A_2327] {strides = array<i32>} : memref<2x2x128xi32, #tpu.memory_space<vmem>>, vector<16xi32>,
        %mul3A_2329 = arith.constant 2 : i32
        %mul3A_2330 = vector.broadcast %mul3A_2329 : i32 to vector<16xi32>
        %mul3A_2331 = arith.muli %get3A_2328, %mul3A_2330 : vector<16xi32>
        %swap3A_2332 = arith.constant 1 : i32
        %swap3A_2333 = arith.index_cast %select_n3A_1117 : i32 to index
        %swap3A_2334 = arith.index_cast %swap3A_2332 : i32 to index
        %swap3A_2335 = arith.constant 16 : index
        %swap3A_2336 = tpu.vector_load %arg6[%swap3A_2333, %swap3A_2334, %swap3A_2335] {strides = array<i32>} : memref<2x2x128xi32, #tpu.memory_space<vmem>>, vector<16xi32>,
        tpu.vector_store %arg6[%swap3A_2333, %swap3A_2334, %swap3A_2335], %mul3A_2331 {strides = array<i32>} : memref<2x2x128xi32, #tpu.memory_space<vmem>>, vector<16xi32>,
        %get3A_2337 = arith.constant 1 : i32
        %get3A_2338 = arith.index_cast %select_n3A_1117 : i32 to index
        %get3A_2339 = arith.index_cast %get3A_2337 : i32 to index
        %get3A_2340 = arith.constant 32 : index
        %get3A_2341 = tpu.vector_load %arg5[%get3A_2338, %get3A_2339, %get3A_2340] {strides = array<i32>} : memref<2x2x128xi32, #tpu.memory_space<vmem>>, vector<16xi32>,
        %mul3A_2342 = arith.constant 2 : i32
        %mul3A_2343 = vector.broadcast %mul3A_2342 : i32 to vector<16xi32>
        %mul3A_2344 = arith.muli %get3A_2341, %mul3A_2343 : vector<16xi32>
        %swap3A_2345 = arith.constant 1 : i32
        %swap3A_2346 = arith.index_cast %select_n3A_1117 : i32 to index
        %swap3A_2347 = arith.index_cast %swap3A_2345 : i32 to index
        %swap3A_2348 = arith.constant 32 : index
        %swap3A_2349 = tpu.vector_load %arg6[%swap3A_2346, %swap3A_2347, %swap3A_2348] {strides = array<i32>} : memref<2x2x128xi32, #tpu.memory_space<vmem>>, vector<16xi32>,
        tpu.vector_store %arg6[%swap3A_2346, %swap3A_2347, %swap3A_2348], %mul3A_2344 {strides = array<i32>} : memref<2x2x128xi32, #tpu.memory_space<vmem>>, vector<16xi32>,
        %get3A_2350 = arith.constant 1 : i32
        %get3A_2351 = arith.index_cast %select_n3A_1117 : i32 to index
        %get3A_2352 = arith.index_cast %get3A_2350 : i32 to index
        %get3A_2353 = arith.constant 48 : index
        %get3A_2354 = tpu.vector_load %arg5[%get3A_2351, %get3A_2352, %get3A_2353] {strides = array<i32>} : memref<2x2x128xi32, #tpu.memory_space<vmem>>, vector<16xi32>,
        %mul3A_2355 = arith.constant 2 : i32
        %mul3A_2356 = vector.broadcast %mul3A_2355 : i32 to vector<16xi32>
        %mul3A_2357 = arith.muli %get3A_2354, %mul3A_2356 : vector<16xi32>
        %swap3A_2358 = arith.constant 1 : i32
        %swap3A_2359 = arith.index_cast %select_n3A_1117 : i32 to index
        %swap3A_2360 = arith.index_cast %swap3A_2358 : i32 to index
        %swap3A_2361 = arith.constant 48 : index
        %swap3A_2362 = tpu.vector_load %arg6[%swap3A_2359, %swap3A_2360, %swap3A_2361] {strides = array<i32>} : memref<2x2x128xi32, #tpu.memory_space<vmem>>, vector<16xi32>,
        tpu.vector_store %arg6[%swap3A_2359, %swap3A_2360, %swap3A_2361], %mul3A_2357 {strides = array<i32>} : memref<2x2x128xi32, #tpu.memory_space<vmem>>, vector<16xi32>,
        %get3A_2363 = arith.constant 1 : i32
        %get3A_2364 = arith.index_cast %select_n3A_1117 : i32 to index
        %get3A_2365 = arith.index_cast %get3A_2363 : i32 to index
        %get3A_2366 = arith.constant 64 : index
        %get3A_2367 = tpu.vector_load %arg5[%get3A_2364, %get3A_2365, %get3A_2366] {strides = array<i32>} : memref<2x2x128xi32, #tpu.memory_space<vmem>>, vector<16xi32>,
        %mul3A_2368 = arith.constant 2 : i32
        %mul3A_2369 = vector.broadcast %mul3A_2368 : i32 to vector<16xi32>
        %mul3A_2370 = arith.muli %get3A_2367, %mul3A_2369 : vector<16xi32>
        %swap3A_2371 = arith.constant 1 : i32
        %swap3A_2372 = arith.index_cast %select_n3A_1117 : i32 to index
        %swap3A_2373 = arith.index_cast %swap3A_2371 : i32 to index
        %swap3A_2374 = arith.constant 64 : index
        %swap3A_2375 = tpu.vector_load %arg6[%swap3A_2372, %swap3A_2373, %swap3A_2374] {strides = array<i32>} : memref<2x2x128xi32, #tpu.memory_space<vmem>>, vector<16xi32>,
        tpu.vector_store %arg6[%swap3A_2372, %swap3A_2373, %swap3A_2374], %mul3A_2370 {strides = array<i32>} : memref<2x2x128xi32, #tpu.memory_space<vmem>>, vector<16xi32>,
        %get3A_2376 = arith.constant 1 : i32
        %get3A_2377 = arith.index_cast %select_n3A_1117 : i32 to index
        %get3A_2378 = arith.index_cast %get3A_2376 : i32 to index
        %get3A_2379 = arith.constant 80 : index
        %get3A_2380 = tpu.vector_load %arg5[%get3A_2377, %get3A_2378, %get3A_2379] {strides = array<i32>} : memref<2x2x128xi32, #tpu.memory_space<vmem>>, vector<16xi32>,
        %mul3A_2381 = arith.constant 2 : i32
        %mul3A_2382 = vector.broadcast %mul3A_2381 : i32 to vector<16xi32>
        %mul3A_2383 = arith.muli %get3A_2380, %mul3A_2382 : vector<16xi32>
        %swap3A_2384 = arith.constant 1 : i32
        %swap3A_2385 = arith.index_cast %select_n3A_1117 : i32 to index
        %swap3A_2386 = arith.index_cast %swap3A_2384 : i32 to index
        %swap3A_2387 = arith.constant 80 : index
        %swap3A_2388 = tpu.vector_load %arg6[%swap3A_2385, %swap3A_2386, %swap3A_2387] {strides = array<i32>} : memref<2x2x128xi32, #tpu.memory_space<vmem>>, vector<16xi32>,
        tpu.vector_store %arg6[%swap3A_2385, %swap3A_2386, %swap3A_2387], %mul3A_2383 {strides = array<i32>} : memref<2x2x128xi32, #tpu.memory_space<vmem>>, vector<16xi32>,
        %get3A_2389 = arith.constant 1 : i32
        %get3A_2390 = arith.index_cast %select_n3A_1117 : i32 to index
        %get3A_2391 = arith.index_cast %get3A_2389 : i32 to index
        %get3A_2392 = arith.constant 96 : index
        %get3A_2393 = tpu.vector_load %arg5[%get3A_2390, %get3A_2391, %get3A_2392] {strides = array<i32>} : memref<2x2x128xi32, #tpu.memory_space<vmem>>, vector<16xi32>,
        %mul3A_2394 = arith.constant 2 : i32
        %mul3A_2395 = vector.broadcast %mul3A_2394 : i32 to vector<16xi32>
        %mul3A_2396 = arith.muli %get3A_2393, %mul3A_2395 : vector<16xi32>
        %swap3A_2397 = arith.constant 1 : i32
        %swap3A_2398 = arith.index_cast %select_n3A_1117 : i32 to index
        %swap3A_2399 = arith.index_cast %swap3A_2397 : i32 to index
        %swap3A_2400 = arith.constant 96 : index
        %swap3A_2401 = tpu.vector_load %arg6[%swap3A_2398, %swap3A_2399, %swap3A_2400] {strides = array<i32>} : memref<2x2x128xi32, #tpu.memory_space<vmem>>, vector<16xi32>,
        tpu.vector_store %arg6[%swap3A_2398, %swap3A_2399, %swap3A_2400], %mul3A_2396 {strides = array<i32>} : memref<2x2x128xi32, #tpu.memory_space<vmem>>, vector<16xi32>,
        %get3A_2402 = arith.constant 1 : i32
        %get3A_2403 = arith.index_cast %select_n3A_1117 : i32 to index
        %get3A_2404 = arith.index_cast %get3A_2402 : i32 to index
        %get3A_2405 = arith.constant 112 : index
        %get3A_2406 = tpu.vector_load %arg5[%get3A_2403, %get3A_2404, %get3A_2405] {strides = array<i32>} : memref<2x2x128xi32, #tpu.memory_space<vmem>>, vector<16xi32>,
        %mul3A_2407 = arith.constant 2 : i32
        %mul3A_2408 = vector.broadcast %mul3A_2407 : i32 to vector<16xi32>
        %mul3A_2409 = arith.muli %get3A_2406, %mul3A_2408 : vector<16xi32>
        %swap3A_2410 = arith.constant 1 : i32
        %swap3A_2411 = arith.index_cast %select_n3A_1117 : i32 to index
        %swap3A_2412 = arith.index_cast %swap3A_2410 : i32 to index
        %swap3A_2413 = arith.constant 112 : index
        %swap3A_2414 = tpu.vector_load %arg6[%swap3A_2411, %swap3A_2412, %swap3A_2413] {strides = array<i32>} : memref<2x2x128xi32, #tpu.memory_space<vmem>>, vector<16xi32>,
        tpu.vector_store %arg6[%swap3A_2411, %swap3A_2412, %swap3A_2413], %mul3A_2409 {strides = array<i32>} : memref<2x2x128xi32, #tpu.memory_space<vmem>>, vector<16xi32>,
        %dma_start3A_2415 = arith.constant 0 : i32
        %dma_start3A_2416 = arith.constant 0 : i32
        %dma_start3A_2417 = arith.constant 0 : i32
        %dma_start3A_2418 = tpu.memref_slice %arg7[%select_n3A_1117, %dma_start3A_2416, %dma_start3A_2417] : memref<2x256x64xf32, #tpu.memory_space<vmem>> -> memref<1x128x64xf32, #tpu.memory_space<vmem>>
        %dma_start3A_2419 = tpu.memref_squeeze %dma_start3A_2418 : memref<1x128x64xf32, #tpu.memory_space<vmem>> -> memref<128x64xf32, #tpu.memory_space<vmem>>
        %dma_start3A_2420 = arith.constant 0 : i32
        %dma_start3A_2421 = tpu.memref_slice %arg6[%select_n3A_1117, %dma_start3A_2415, %dma_start3A_2420] : memref<2x2x128xi32, #tpu.memory_space<vmem>> -> memref<1x1x128xi32, #tpu.memory_space<vmem>>
        %dma_start3A_2422 = tpu.memref_squeeze %dma_start3A_2421 : memref<1x1x128xi32, #tpu.memory_space<vmem>> -> memref<128xi32, #tpu.memory_space<vmem>>
        %dma_start3A_2423 = arith.constant 0 : i32
        %dma_start3A_2424 = arith.constant 0 : i32
        %dma_start3A_2425 = tpu.memref_slice %arg3[%dma_start3A_2423, %dma_start3A_2424] : memref<2000000x64xf32, #tpu.memory_space<hbm>> -> memref<2000000x64xf32, #tpu.memory_space<hbm>>
        tpu.enqueue_indirect_dma source(%dma_start3A_2425 : memref<2000000x64xf32, #tpu.memory_space<hbm>>) target(%dma_start3A_2419 : memref<128x64xf32, #tpu.memory_space<vmem>>) offsets(%dma_start3A_2422 : memref<128xi32, #tpu.memory_space<vmem>>) semaphore(%arg10 : memref<!tpu.dma_semaphore, #tpu.memory_space<semaphore_mem>>)
        %dma_start3A_2426 = arith.constant 1 : i32
        %dma_start3A_2427 = arith.constant 128 : i32
        %dma_start3A_2428 = arith.constant 0 : i32
        %dma_start3A_2429 = tpu.memref_slice %arg7[%select_n3A_1117, %dma_start3A_2427, %dma_start3A_2428] : memref<2x256x64xf32, #tpu.memory_space<vmem>> -> memref<1x128x64xf32, #tpu.memory_space<vmem>>
        %dma_start3A_2430 = tpu.memref_squeeze %dma_start3A_2429 : memref<1x128x64xf32, #tpu.memory_space<vmem>> -> memref<128x64xf32, #tpu.memory_space<vmem>>
        %dma_start3A_2431 = arith.constant 0 : i32
        %dma_start3A_2432 = tpu.memref_slice %arg6[%select_n3A_1117, %dma_start3A_2426, %dma_start3A_2431] : memref<2x2x128xi32, #tpu.memory_space<vmem>> -> memref<1x1x128xi32, #tpu.memory_space<vmem>>
        %dma_start3A_2433 = tpu.memref_squeeze %dma_start3A_2432 : memref<1x1x128xi32, #tpu.memory_space<vmem>> -> memref<128xi32, #tpu.memory_space<vmem>>
        %dma_start3A_2434 = arith.constant 0 : i32
        %dma_start3A_2435 = arith.constant 0 : i32
        %dma_start3A_2436 = tpu.memref_slice %arg3[%dma_start3A_2434, %dma_start3A_2435] : memref<2000000x64xf32, #tpu.memory_space<hbm>> -> memref<2000000x64xf32, #tpu.memory_space<hbm>>
        tpu.enqueue_indirect_dma source(%dma_start3A_2436 : memref<2000000x64xf32, #tpu.memory_space<hbm>>) target(%dma_start3A_2430 : memref<128x64xf32, #tpu.memory_space<vmem>>) offsets(%dma_start3A_2433 : memref<128xi32, #tpu.memory_space<vmem>>) semaphore(%arg10 : memref<!tpu.dma_semaphore, #tpu.memory_space<semaphore_mem>>)
      } else {
      }
      %ge3A = arith.constant 2 : i32
      %ge3A_1152 = arith.cmpi sge, %scan3A_1090, %ge3A : i32
      %convert_element_type3A_1153 = arith.extui %ge3A_1152 : i1 to i32
      %cond3A_1154 = arith.constant 0 : i32
      %cond3A_1155 = arith.cmpi ne, %convert_element_type3A_1153, %cond3A_1154 : i32
      scf.if %cond3A_1155 {
        %jit3A_2192 = arith.constant 2 : i32
        %div3A_2193 = arith.divsi %scan3A_1090, %jit3A_2192 : i32
        %sign3A_2194 = arith.constant 0 : i32
        %sign3A_2195 = arith.cmpi sgt, %scan3A_1090, %sign3A_2194 : i32
        %sign3A_2196 = arith.extui %sign3A_2195 : i1 to i32
        %sign3A_2197 = arith.constant 0 : i32
        %sign3A_2198 = arith.cmpi slt, %scan3A_1090, %sign3A_2197 : i32
        %sign3A_2199 = arith.extui %sign3A_2198 : i1 to i32
        %sign3A_2200 = arith.subi %sign3A_2196, %sign3A_2199 : i32
        %sign3A_2201 = arith.constant 0 : i32
        %sign3A_2202 = arith.cmpi sgt, %jit3A_2192, %sign3A_2201 : i32
        %sign3A_2203 = arith.extui %sign3A_2202 : i1 to i32
        %sign3A_2204 = arith.constant 0 : i32
        %sign3A_2205 = arith.cmpi slt, %jit3A_2192, %sign3A_2204 : i32
        %sign3A_2206 = arith.extui %sign3A_2205 : i1 to i32
        %sign3A_2207 = arith.subi %sign3A_2203, %sign3A_2206 : i32
        %ne3A_2208 = arith.cmpi ne, %sign3A_2200, %sign3A_2207 : i32
        %rem3A_2209 = arith.remsi %scan3A_1090, %jit3A_2192 : i32
        %ne3A_2210 = arith.constant 0 : i32
        %ne3A_2211 = arith.cmpi ne, %rem3A_2209, %ne3A_2210 : i32
        %and3A_2212 = arith.andi %ne3A_2208, %ne3A_2211 : i1
        %sub3A_2213 = arith.constant 1 : i32
        %sub3A_2214 = arith.subi %div3A_2193, %sub3A_2213 : i32
        %select_n3A_2215 = arith.select %and3A_2212, %sub3A_2214, %div3A_2193 : i32
        %jit3A_2216 = arith.constant 2 : i32
        %eq3A_2217 = arith.constant 0 : i32
        %eq3A_2218 = arith.cmpi eq, %jit3A_2216, %eq3A_2217 : i32
        %jit3A_2219 = arith.constant 1 : i32
        %select_n3A_2220 = arith.select %eq3A_2218, %jit3A_2219, %jit3A_2216 : i32
        %rem3A_2221 = arith.remsi %scan3A_1090, %select_n3A_2220 : i32
        %ne3A_2222 = arith.constant 0 : i32
        %ne3A_2223 = arith.cmpi ne, %rem3A_2221, %ne3A_2222 : i32
        %lt3A_2224 = arith.constant 0 : i32
        %lt3A_2225 = arith.cmpi slt, %rem3A_2221, %lt3A_2224 : i32
        %lt3A_2226 = arith.constant 0 : i32
        %lt3A_2227 = arith.cmpi slt, %select_n3A_2220, %lt3A_2226 : i32
        %ne3A_2228 = arith.xori %lt3A_2225, %lt3A_2227 : i1
        %and3A_2229 = arith.andi %ne3A_2228, %ne3A_2223 : i1
        %add3A_2230 = arith.addi %rem3A_2221, %select_n3A_2220 : i32
        %select_n3A_2231 = arith.select %and3A_2229, %add3A_2230, %rem3A_2221 : i32
        %mul3A_2232 = arith.constant 2 : i32
        %mul3A_2233 = arith.muli %select_n3A_2231, %mul3A_2232 : i32
        %add3A_2234 = arith.addi %mul3A_2, %mul3A_2233 : i32
        %add3A_2235 = arith.constant 0 : i32
        %add3A_2236 = arith.addi %add3A_2234, %add3A_2235 : i32
        %dma_wait3A_2237 = arith.constant 0 : i32
        %dma_wait3A_2238 = arith.constant 0 : i32
        %dma_wait3A_2239 = arith.constant 0 : i32
        %dma_wait3A_2240 = arith.constant 0 : i32
        %dma_wait3A_2241 = tpu.memref_slice %arg8[%select_n3A_1099, %dma_wait3A_2237, %dma_wait3A_2239, %dma_wait3A_2240] : memref<2x2x64x129xf32, #tpu.memory_space<vmem>> -> memref<1x1x8x128xf32, #tpu.memory_space<vmem>>
        %dma_wait3A_2242 = tpu.memref_squeeze %dma_wait3A_2241 : memref<1x1x8x128xf32, #tpu.memory_space<vmem>> -> memref<8x128xf32, #tpu.memory_space<vmem>>
        %dma_wait3A_2243 = arith.constant 0 : i32
        %dma_wait3A_2244 = arith.constant 0 : i32
        %dma_wait3A_2245 = tpu.memref_slice %arg4[%select_n3A_2215, %dma_wait3A_2238, %add3A_2236, %dma_wait3A_2243, %dma_wait3A_2244] : memref<50x8x128x8x128xf32, #tpu.memory_space<hbm>> -> memref<1x1x1x8x128xf32, #tpu.memory_space<hbm>>
        %dma_wait3A_2246 = tpu.memref_squeeze %dma_wait3A_2245 : memref<1x1x1x8x128xf32, #tpu.memory_space<hbm>> -> memref<8x128xf32, #tpu.memory_space<hbm>>
        %dma_wait3A_2247 = arith.constant 0 : i32
        %dma_wait3A_2248 = arith.constant 0 : i32
        %dma_wait3A_2249 = tpu.memref_slice %arg4[%select_n3A_2215, %dma_wait3A_2238, %add3A_2236, %dma_wait3A_2247, %dma_wait3A_2248] : memref<50x8x128x8x128xf32, #tpu.memory_space<hbm>> -> memref<1x1x1x8x128xf32, #tpu.memory_space<hbm>>
        %dma_wait3A_2250 = tpu.memref_squeeze %dma_wait3A_2249 : memref<1x1x1x8x128xf32, #tpu.memory_space<hbm>> -> memref<8x128xf32, #tpu.memory_space<hbm>>
        %dma_wait3A_2251 = arith.constant 0 : i32
        %dma_wait3A_2252 = arith.constant 0 : i32
        %dma_wait3A_2253 = tpu.memref_slice %arg8[%select_n3A_1099, %dma_wait3A_2237, %dma_wait3A_2251, %dma_wait3A_2252] : memref<2x2x64x129xf32, #tpu.memory_space<vmem>> -> memref<1x1x8x128xf32, #tpu.memory_space<vmem>>
        %dma_wait3A_2254 = tpu.memref_squeeze %dma_wait3A_2253 : memref<1x1x8x128xf32, #tpu.memory_space<vmem>> -> memref<8x128xf32, #tpu.memory_space<vmem>>
        tpu.wait_dma2 semaphore(%arg11 : memref<!tpu.dma_semaphore, #tpu.memory_space<semaphore_mem>>) src(%dma_wait3A_2254 : memref<8x128xf32, #tpu.memory_space<vmem>>) dst(%dma_wait3A_2250 : memref<8x128xf32, #tpu.memory_space<hbm>>)
        %jit3A_2255 = arith.constant 2 : i32
        %div3A_2256 = arith.divsi %scan3A_1090, %jit3A_2255 : i32
        %sign3A_2257 = arith.constant 0 : i32
        %sign3A_2258 = arith.cmpi sgt, %scan3A_1090, %sign3A_2257 : i32
        %sign3A_2259 = arith.extui %sign3A_2258 : i1 to i32
        %sign3A_2260 = arith.constant 0 : i32
        %sign3A_2261 = arith.cmpi slt, %scan3A_1090, %sign3A_2260 : i32
        %sign3A_2262 = arith.extui %sign3A_2261 : i1 to i32
        %sign3A_2263 = arith.subi %sign3A_2259, %sign3A_2262 : i32
        %sign3A_2264 = arith.constant 0 : i32
        %sign3A_2265 = arith.cmpi sgt, %jit3A_2255, %sign3A_2264 : i32
        %sign3A_2266 = arith.extui %sign3A_2265 : i1 to i32
        %sign3A_2267 = arith.constant 0 : i32
        %sign3A_2268 = arith.cmpi slt, %jit3A_2255, %sign3A_2267 : i32
        %sign3A_2269 = arith.extui %sign3A_2268 : i1 to i32
        %sign3A_2270 = arith.subi %sign3A_2266, %sign3A_2269 : i32
        %ne3A_2271 = arith.cmpi ne, %sign3A_2263, %sign3A_2270 : i32
        %rem3A_2272 = arith.remsi %scan3A_1090, %jit3A_2255 : i32
        %ne3A_2273 = arith.constant 0 : i32
        %ne3A_2274 = arith.cmpi ne, %rem3A_2272, %ne3A_2273 : i32
        %and3A_2275 = arith.andi %ne3A_2271, %ne3A_2274 : i1
        %sub3A_2276 = arith.constant 1 : i32
        %sub3A_2277 = arith.subi %div3A_2256, %sub3A_2276 : i32
        %select_n3A_2278 = arith.select %and3A_2275, %sub3A_2277, %div3A_2256 : i32
        %jit3A_2279 = arith.constant 2 : i32
        %eq3A_2280 = arith.constant 0 : i32
        %eq3A_2281 = arith.cmpi eq, %jit3A_2279, %eq3A_2280 : i32
        %jit3A_2282 = arith.constant 1 : i32
        %select_n3A_2283 = arith.select %eq3A_2281, %jit3A_2282, %jit3A_2279 : i32
        %rem3A_2284 = arith.remsi %scan3A_1090, %select_n3A_2283 : i32
        %ne3A_2285 = arith.constant 0 : i32
        %ne3A_2286 = arith.cmpi ne, %rem3A_2284, %ne3A_2285 : i32
        %lt3A_2287 = arith.constant 0 : i32
        %lt3A_2288 = arith.cmpi slt, %rem3A_2284, %lt3A_2287 : i32
        %lt3A_2289 = arith.constant 0 : i32
        %lt3A_2290 = arith.cmpi slt, %select_n3A_2283, %lt3A_2289 : i32
        %ne3A_2291 = arith.xori %lt3A_2288, %lt3A_2290 : i1
        %and3A_2292 = arith.andi %ne3A_2291, %ne3A_2286 : i1
        %add3A_2293 = arith.addi %rem3A_2284, %select_n3A_2283 : i32
        %select_n3A_2294 = arith.select %and3A_2292, %add3A_2293, %rem3A_2284 : i32
        %mul3A_2295 = arith.constant 2 : i32
        %mul3A_2296 = arith.muli %select_n3A_2294, %mul3A_2295 : i32
        %add3A_2297 = arith.addi %mul3A_2, %mul3A_2296 : i32
        %add3A_2298 = arith.constant 0 : i32
        %add3A_2299 = arith.addi %add3A_2297, %add3A_2298 : i32
        %dma_wait3A_2300 = arith.constant 0 : i32
        %dma_wait3A_2301 = arith.constant 1 : i32
        %dma_wait3A_2302 = arith.constant 8 : i32
        %dma_wait3A_2303 = arith.constant 0 : i32
        %dma_wait3A_2304 = tpu.memref_slice %arg8[%select_n3A_1099, %dma_wait3A_2300, %dma_wait3A_2302, %dma_wait3A_2303] : memref<2x2x64x129xf32, #tpu.memory_space<vmem>> -> memref<1x1x8x128xf32, #tpu.memory_space<vmem>>
        %dma_wait3A_2305 = tpu.memref_squeeze %dma_wait3A_2304 : memref<1x1x8x128xf32, #tpu.memory_space<vmem>> -> memref<8x128xf32, #tpu.memory_space<vmem>>
        %dma_wait3A_2306 = arith.constant 0 : i32
        %dma_wait3A_2307 = arith.constant 0 : i32
        %dma_wait3A_2308 = tpu.memref_slice %arg4[%select_n3A_2278, %dma_wait3A_2301, %add3A_2299, %dma_wait3A_2306, %dma_wait3A_2307] : memref<50x8x128x8x128xf32, #tpu.memory_space<hbm>> -> memref<1x1x1x8x128xf32, #tpu.memory_space<hbm>>
        %dma_wait3A_2309 = tpu.memref_squeeze %dma_wait3A_2308 : memref<1x1x1x8x128xf32, #tpu.memory_space<hbm>> -> memref<8x128xf32, #tpu.memory_space<hbm>>
        %dma_wait3A_2310 = arith.constant 0 : i32
        %dma_wait3A_2311 = arith.constant 0 : i32
        %dma_wait3A_2312 = tpu.memref_slice %arg4[%select_n3A_2278, %dma_wait3A_2301, %add3A_2299, %dma_wait3A_2310, %dma_wait3A_2311] : memref<50x8x128x8x128xf32, #tpu.memory_space<hbm>> -> memref<1x1x1x8x128xf32, #tpu.memory_space<hbm>>
        %dma_wait3A_2313 = tpu.memref_squeeze %dma_wait3A_2312 : memref<1x1x1x8x128xf32, #tpu.memory_space<hbm>> -> memref<8x128xf32, #tpu.memory_space<hbm>>
        %dma_wait3A_2314 = arith.constant 8 : i32
        %dma_wait3A_2315 = arith.constant 0 : i32
        %dma_wait3A_2316 = tpu.memref_slice %arg8[%select_n3A_1099, %dma_wait3A_2300, %dma_wait3A_2314, %dma_wait3A_2315] : memref<2x2x64x129xf32, #tpu.memory_space<vmem>> -> memref<1x1x8x128xf32, #tpu.memory_space<vmem>>
        %dma_wait3A_2317 = tpu.memref_squeeze %dma_wait3A_2316 : memref<1x1x8x128xf32, #tpu.memory_space<vmem>> -> memref<8x128xf32, #tpu.memory_space<vmem>>
        tpu.wait_dma2 semaphore(%arg11 : memref<!tpu.dma_semaphore, #tpu.memory_space<semaphore_mem>>) src(%dma_wait3A_2317 : memref<8x128xf32, #tpu.memory_space<vmem>>) dst(%dma_wait3A_2313 : memref<8x128xf32, #tpu.memory_space<hbm>>)
        %jit3A_2318 = arith.constant 2 : i32
        %div3A_2319 = arith.divsi %scan3A_1090, %jit3A_2318 : i32
        %sign3A_2320 = arith.constant 0 : i32
        %sign3A_2321 = arith.cmpi sgt, %scan3A_1090, %sign3A_2320 : i32
        %sign3A_2322 = arith.extui %sign3A_2321 : i1 to i32
        %sign3A_2323 = arith.constant 0 : i32
        %sign3A_2324 = arith.cmpi slt, %scan3A_1090, %sign3A_2323 : i32
        %sign3A_2325 = arith.extui %sign3A_2324 : i1 to i32
        %sign3A_2326 = arith.subi %sign3A_2322, %sign3A_2325 : i32
        %sign3A_2327 = arith.constant 0 : i32
        %sign3A_2328 = arith.cmpi sgt, %jit3A_2318, %sign3A_2327 : i32
        %sign3A_2329 = arith.extui %sign3A_2328 : i1 to i32
        %sign3A_2330 = arith.constant 0 : i32
        %sign3A_2331 = arith.cmpi slt, %jit3A_2318, %sign3A_2330 : i32
        %sign3A_2332 = arith.extui %sign3A_2331 : i1 to i32
        %sign3A_2333 = arith.subi %sign3A_2329, %sign3A_2332 : i32
        %ne3A_2334 = arith.cmpi ne, %sign3A_2326, %sign3A_2333 : i32
        %rem3A_2335 = arith.remsi %scan3A_1090, %jit3A_2318 : i32
        %ne3A_2336 = arith.constant 0 : i32
        %ne3A_2337 = arith.cmpi ne, %rem3A_2335, %ne3A_2336 : i32
        %and3A_2338 = arith.andi %ne3A_2334, %ne3A_2337 : i1
        %sub3A_2339 = arith.constant 1 : i32
        %sub3A_2340 = arith.subi %div3A_2319, %sub3A_2339 : i32
        %select_n3A_2341 = arith.select %and3A_2338, %sub3A_2340, %div3A_2319 : i32
        %jit3A_2342 = arith.constant 2 : i32
        %eq3A_2343 = arith.constant 0 : i32
        %eq3A_2344 = arith.cmpi eq, %jit3A_2342, %eq3A_2343 : i32
        %jit3A_2345 = arith.constant 1 : i32
        %select_n3A_2346 = arith.select %eq3A_2344, %jit3A_2345, %jit3A_2342 : i32
        %rem3A_2347 = arith.remsi %scan3A_1090, %select_n3A_2346 : i32
        %ne3A_2348 = arith.constant 0 : i32
        %ne3A_2349 = arith.cmpi ne, %rem3A_2347, %ne3A_2348 : i32
        %lt3A_2350 = arith.constant 0 : i32
        %lt3A_2351 = arith.cmpi slt, %rem3A_2347, %lt3A_2350 : i32
        %lt3A_2352 = arith.constant 0 : i32
        %lt3A_2353 = arith.cmpi slt, %select_n3A_2346, %lt3A_2352 : i32
        %ne3A_2354 = arith.xori %lt3A_2351, %lt3A_2353 : i1
        %and3A_2355 = arith.andi %ne3A_2354, %ne3A_2349 : i1
        %add3A_2356 = arith.addi %rem3A_2347, %select_n3A_2346 : i32
        %select_n3A_2357 = arith.select %and3A_2355, %add3A_2356, %rem3A_2347 : i32
        %mul3A_2358 = arith.constant 2 : i32
        %mul3A_2359 = arith.muli %select_n3A_2357, %mul3A_2358 : i32
        %add3A_2360 = arith.addi %mul3A_2, %mul3A_2359 : i32
        %add3A_2361 = arith.constant 0 : i32
        %add3A_2362 = arith.addi %add3A_2360, %add3A_2361 : i32
        %dma_wait3A_2363 = arith.constant 0 : i32
        %dma_wait3A_2364 = arith.constant 2 : i32
        %dma_wait3A_2365 = arith.constant 16 : i32
        %dma_wait3A_2366 = arith.constant 0 : i32
        %dma_wait3A_2367 = tpu.memref_slice %arg8[%select_n3A_1099, %dma_wait3A_2363, %dma_wait3A_2365, %dma_wait3A_2366] : memref<2x2x64x129xf32, #tpu.memory_space<vmem>> -> memref<1x1x8x128xf32, #tpu.memory_space<vmem>>
        %dma_wait3A_2368 = tpu.memref_squeeze %dma_wait3A_2367 : memref<1x1x8x128xf32, #tpu.memory_space<vmem>> -> memref<8x128xf32, #tpu.memory_space<vmem>>
        %dma_wait3A_2369 = arith.constant 0 : i32
        %dma_wait3A_2370 = arith.constant 0 : i32
        %dma_wait3A_2371 = tpu.memref_slice %arg4[%select_n3A_2341, %dma_wait3A_2364, %add3A_2362, %dma_wait3A_2369, %dma_wait3A_2370] : memref<50x8x128x8x128xf32, #tpu.memory_space<hbm>> -> memref<1x1x1x8x128xf32, #tpu.memory_space<hbm>>
        %dma_wait3A_2372 = tpu.memref_squeeze %dma_wait3A_2371 : memref<1x1x1x8x128xf32, #tpu.memory_space<hbm>> -> memref<8x128xf32, #tpu.memory_space<hbm>>
        %dma_wait3A_2373 = arith.constant 0 : i32
        %dma_wait3A_2374 = arith.constant 0 : i32
        %dma_wait3A_2375 = tpu.memref_slice %arg4[%select_n3A_2341, %dma_wait3A_2364, %add3A_2362, %dma_wait3A_2373, %dma_wait3A_2374] : memref<50x8x128x8x128xf32, #tpu.memory_space<hbm>> -> memref<1x1x1x8x128xf32, #tpu.memory_space<hbm>>
        %dma_wait3A_2376 = tpu.memref_squeeze %dma_wait3A_2375 : memref<1x1x1x8x128xf32, #tpu.memory_space<hbm>> -> memref<8x128xf32, #tpu.memory_space<hbm>>
        %dma_wait3A_2377 = arith.constant 16 : i32
        %dma_wait3A_2378 = arith.constant 0 : i32
        %dma_wait3A_2379 = tpu.memref_slice %arg8[%select_n3A_1099, %dma_wait3A_2363, %dma_wait3A_2377, %dma_wait3A_2378] : memref<2x2x64x129xf32, #tpu.memory_space<vmem>> -> memref<1x1x8x128xf32, #tpu.memory_space<vmem>>
        %dma_wait3A_2380 = tpu.memref_squeeze %dma_wait3A_2379 : memref<1x1x8x128xf32, #tpu.memory_space<vmem>> -> memref<8x128xf32, #tpu.memory_space<vmem>>
        tpu.wait_dma2 semaphore(%arg11 : memref<!tpu.dma_semaphore, #tpu.memory_space<semaphore_mem>>) src(%dma_wait3A_2380 : memref<8x128xf32, #tpu.memory_space<vmem>>) dst(%dma_wait3A_2376 : memref<8x128xf32, #tpu.memory_space<hbm>>)
        %jit3A_2381 = arith.constant 2 : i32
        %div3A_2382 = arith.divsi %scan3A_1090, %jit3A_2381 : i32
        %sign3A_2383 = arith.constant 0 : i32
        %sign3A_2384 = arith.cmpi sgt, %scan3A_1090, %sign3A_2383 : i32
        %sign3A_2385 = arith.extui %sign3A_2384 : i1 to i32
        %sign3A_2386 = arith.constant 0 : i32
        %sign3A_2387 = arith.cmpi slt, %scan3A_1090, %sign3A_2386 : i32
        %sign3A_2388 = arith.extui %sign3A_2387 : i1 to i32
        %sign3A_2389 = arith.subi %sign3A_2385, %sign3A_2388 : i32
        %sign3A_2390 = arith.constant 0 : i32
        %sign3A_2391 = arith.cmpi sgt, %jit3A_2381, %sign3A_2390 : i32
        %sign3A_2392 = arith.extui %sign3A_2391 : i1 to i32
        %sign3A_2393 = arith.constant 0 : i32
        %sign3A_2394 = arith.cmpi slt, %jit3A_2381, %sign3A_2393 : i32
        %sign3A_2395 = arith.extui %sign3A_2394 : i1 to i32
        %sign3A_2396 = arith.subi %sign3A_2392, %sign3A_2395 : i32
        %ne3A_2397 = arith.cmpi ne, %sign3A_2389, %sign3A_2396 : i32
        %rem3A_2398 = arith.remsi %scan3A_1090, %jit3A_2381 : i32
        %ne3A_2399 = arith.constant 0 : i32
        %ne3A_2400 = arith.cmpi ne, %rem3A_2398, %ne3A_2399 : i32
        %and3A_2401 = arith.andi %ne3A_2397, %ne3A_2400 : i1
        %sub3A_2402 = arith.constant 1 : i32
        %sub3A_2403 = arith.subi %div3A_2382, %sub3A_2402 : i32
        %select_n3A_2404 = arith.select %and3A_2401, %sub3A_2403, %div3A_2382 : i32
        %jit3A_2405 = arith.constant 2 : i32
        %eq3A_2406 = arith.constant 0 : i32
        %eq3A_2407 = arith.cmpi eq, %jit3A_2405, %eq3A_2406 : i32
        %jit3A_2408 = arith.constant 1 : i32
        %select_n3A_2409 = arith.select %eq3A_2407, %jit3A_2408, %jit3A_2405 : i32
        %rem3A_2410 = arith.remsi %scan3A_1090, %select_n3A_2409 : i32
        %ne3A_2411 = arith.constant 0 : i32
        %ne3A_2412 = arith.cmpi ne, %rem3A_2410, %ne3A_2411 : i32
        %lt3A_2413 = arith.constant 0 : i32
        %lt3A_2414 = arith.cmpi slt, %rem3A_2410, %lt3A_2413 : i32
        %lt3A_2415 = arith.constant 0 : i32
        %lt3A_2416 = arith.cmpi slt, %select_n3A_2409, %lt3A_2415 : i32
        %ne3A_2417 = arith.xori %lt3A_2414, %lt3A_2416 : i1
        %and3A_2418 = arith.andi %ne3A_2417, %ne3A_2412 : i1
        %add3A_2419 = arith.addi %rem3A_2410, %select_n3A_2409 : i32
        %select_n3A_2420 = arith.select %and3A_2418, %add3A_2419, %rem3A_2410 : i32
        %mul3A_2421 = arith.constant 2 : i32
        %mul3A_2422 = arith.muli %select_n3A_2420, %mul3A_2421 : i32
        %add3A_2423 = arith.addi %mul3A_2, %mul3A_2422 : i32
        %add3A_2424 = arith.constant 0 : i32
        %add3A_2425 = arith.addi %add3A_2423, %add3A_2424 : i32
        %dma_wait3A_2426 = arith.constant 0 : i32
        %dma_wait3A_2427 = arith.constant 3 : i32
        %dma_wait3A_2428 = arith.constant 24 : i32
        %dma_wait3A_2429 = arith.constant 0 : i32
        %dma_wait3A_2430 = tpu.memref_slice %arg8[%select_n3A_1099, %dma_wait3A_2426, %dma_wait3A_2428, %dma_wait3A_2429] : memref<2x2x64x129xf32, #tpu.memory_space<vmem>> -> memref<1x1x8x128xf32, #tpu.memory_space<vmem>>
        %dma_wait3A_2431 = tpu.memref_squeeze %dma_wait3A_2430 : memref<1x1x8x128xf32, #tpu.memory_space<vmem>> -> memref<8x128xf32, #tpu.memory_space<vmem>>
        %dma_wait3A_2432 = arith.constant 0 : i32
        %dma_wait3A_2433 = arith.constant 0 : i32
        %dma_wait3A_2434 = tpu.memref_slice %arg4[%select_n3A_2404, %dma_wait3A_2427, %add3A_2425, %dma_wait3A_2432, %dma_wait3A_2433] : memref<50x8x128x8x128xf32, #tpu.memory_space<hbm>> -> memref<1x1x1x8x128xf32, #tpu.memory_space<hbm>>
        %dma_wait3A_2435 = tpu.memref_squeeze %dma_wait3A_2434 : memref<1x1x1x8x128xf32, #tpu.memory_space<hbm>> -> memref<8x128xf32, #tpu.memory_space<hbm>>
        %dma_wait3A_2436 = arith.constant 0 : i32
        %dma_wait3A_2437 = arith.constant 0 : i32
        %dma_wait3A_2438 = tpu.memref_slice %arg4[%select_n3A_2404, %dma_wait3A_2427, %add3A_2425, %dma_wait3A_2436, %dma_wait3A_2437] : memref<50x8x128x8x128xf32, #tpu.memory_space<hbm>> -> memref<1x1x1x8x128xf32, #tpu.memory_space<hbm>>
        %dma_wait3A_2439 = tpu.memref_squeeze %dma_wait3A_2438 : memref<1x1x1x8x128xf32, #tpu.memory_space<hbm>> -> memref<8x128xf32, #tpu.memory_space<hbm>>
        %dma_wait3A_2440 = arith.constant 24 : i32
        %dma_wait3A_2441 = arith.constant 0 : i32
        %dma_wait3A_2442 = tpu.memref_slice %arg8[%select_n3A_1099, %dma_wait3A_2426, %dma_wait3A_2440, %dma_wait3A_2441] : memref<2x2x64x129xf32, #tpu.memory_space<vmem>> -> memref<1x1x8x128xf32, #tpu.memory_space<vmem>>
        %dma_wait3A_2443 = tpu.memref_squeeze %dma_wait3A_2442 : memref<1x1x8x128xf32, #tpu.memory_space<vmem>> -> memref<8x128xf32, #tpu.memory_space<vmem>>
        tpu.wait_dma2 semaphore(%arg11 : memref<!tpu.dma_semaphore, #tpu.memory_space<semaphore_mem>>) src(%dma_wait3A_2443 : memref<8x128xf32, #tpu.memory_space<vmem>>) dst(%dma_wait3A_2439 : memref<8x128xf32, #tpu.memory_space<hbm>>)
        %jit3A_2444 = arith.constant 2 : i32
        %div3A_2445 = arith.divsi %scan3A_1090, %jit3A_2444 : i32
        %sign3A_2446 = arith.constant 0 : i32
        %sign3A_2447 = arith.cmpi sgt, %scan3A_1090, %sign3A_2446 : i32
        %sign3A_2448 = arith.extui %sign3A_2447 : i1 to i32
        %sign3A_2449 = arith.constant 0 : i32
        %sign3A_2450 = arith.cmpi slt, %scan3A_1090, %sign3A_2449 : i32
        %sign3A_2451 = arith.extui %sign3A_2450 : i1 to i32
        %sign3A_2452 = arith.subi %sign3A_2448, %sign3A_2451 : i32
        %sign3A_2453 = arith.constant 0 : i32
        %sign3A_2454 = arith.cmpi sgt, %jit3A_2444, %sign3A_2453 : i32
        %sign3A_2455 = arith.extui %sign3A_2454 : i1 to i32
        %sign3A_2456 = arith.constant 0 : i32
        %sign3A_2457 = arith.cmpi slt, %jit3A_2444, %sign3A_2456 : i32
        %sign3A_2458 = arith.extui %sign3A_2457 : i1 to i32
        %sign3A_2459 = arith.subi %sign3A_2455, %sign3A_2458 : i32
        %ne3A_2460 = arith.cmpi ne, %sign3A_2452, %sign3A_2459 : i32
        %rem3A_2461 = arith.remsi %scan3A_1090, %jit3A_2444 : i32
        %ne3A_2462 = arith.constant 0 : i32
        %ne3A_2463 = arith.cmpi ne, %rem3A_2461, %ne3A_2462 : i32
        %and3A_2464 = arith.andi %ne3A_2460, %ne3A_2463 : i1
        %sub3A_2465 = arith.constant 1 : i32
        %sub3A_2466 = arith.subi %div3A_2445, %sub3A_2465 : i32
        %select_n3A_2467 = arith.select %and3A_2464, %sub3A_2466, %div3A_2445 : i32
        %jit3A_2468 = arith.constant 2 : i32
        %eq3A_2469 = arith.constant 0 : i32
        %eq3A_2470 = arith.cmpi eq, %jit3A_2468, %eq3A_2469 : i32
        %jit3A_2471 = arith.constant 1 : i32
        %select_n3A_2472 = arith.select %eq3A_2470, %jit3A_2471, %jit3A_2468 : i32
        %rem3A_2473 = arith.remsi %scan3A_1090, %select_n3A_2472 : i32
        %ne3A_2474 = arith.constant 0 : i32
        %ne3A_2475 = arith.cmpi ne, %rem3A_2473, %ne3A_2474 : i32
        %lt3A_2476 = arith.constant 0 : i32
        %lt3A_2477 = arith.cmpi slt, %rem3A_2473, %lt3A_2476 : i32
        %lt3A_2478 = arith.constant 0 : i32
        %lt3A_2479 = arith.cmpi slt, %select_n3A_2472, %lt3A_2478 : i32
        %ne3A_2480 = arith.xori %lt3A_2477, %lt3A_2479 : i1
        %and3A_2481 = arith.andi %ne3A_2480, %ne3A_2475 : i1
        %add3A_2482 = arith.addi %rem3A_2473, %select_n3A_2472 : i32
        %select_n3A_2483 = arith.select %and3A_2481, %add3A_2482, %rem3A_2473 : i32
        %mul3A_2484 = arith.constant 2 : i32
        %mul3A_2485 = arith.muli %select_n3A_2483, %mul3A_2484 : i32
        %add3A_2486 = arith.addi %mul3A_2, %mul3A_2485 : i32
        %add3A_2487 = arith.constant 0 : i32
        %add3A_2488 = arith.addi %add3A_2486, %add3A_2487 : i32
        %dma_wait3A_2489 = arith.constant 0 : i32
        %dma_wait3A_2490 = arith.constant 4 : i32
        %dma_wait3A_2491 = arith.constant 32 : i32
        %dma_wait3A_2492 = arith.constant 0 : i32
        %dma_wait3A_2493 = tpu.memref_slice %arg8[%select_n3A_1099, %dma_wait3A_2489, %dma_wait3A_2491, %dma_wait3A_2492] : memref<2x2x64x129xf32, #tpu.memory_space<vmem>> -> memref<1x1x8x128xf32, #tpu.memory_space<vmem>>
        %dma_wait3A_2494 = tpu.memref_squeeze %dma_wait3A_2493 : memref<1x1x8x128xf32, #tpu.memory_space<vmem>> -> memref<8x128xf32, #tpu.memory_space<vmem>>
        %dma_wait3A_2495 = arith.constant 0 : i32
        %dma_wait3A_2496 = arith.constant 0 : i32
        %dma_wait3A_2497 = tpu.memref_slice %arg4[%select_n3A_2467, %dma_wait3A_2490, %add3A_2488, %dma_wait3A_2495, %dma_wait3A_2496] : memref<50x8x128x8x128xf32, #tpu.memory_space<hbm>> -> memref<1x1x1x8x128xf32, #tpu.memory_space<hbm>>
        %dma_wait3A_2498 = tpu.memref_squeeze %dma_wait3A_2497 : memref<1x1x1x8x128xf32, #tpu.memory_space<hbm>> -> memref<8x128xf32, #tpu.memory_space<hbm>>
        %dma_wait3A_2499 = arith.constant 0 : i32
        %dma_wait3A_2500 = arith.constant 0 : i32
        %dma_wait3A_2501 = tpu.memref_slice %arg4[%select_n3A_2467, %dma_wait3A_2490, %add3A_2488, %dma_wait3A_2499, %dma_wait3A_2500] : memref<50x8x128x8x128xf32, #tpu.memory_space<hbm>> -> memref<1x1x1x8x128xf32, #tpu.memory_space<hbm>>
        %dma_wait3A_2502 = tpu.memref_squeeze %dma_wait3A_2501 : memref<1x1x1x8x128xf32, #tpu.memory_space<hbm>> -> memref<8x128xf32, #tpu.memory_space<hbm>>
        %dma_wait3A_2503 = arith.constant 32 : i32
        %dma_wait3A_2504 = arith.constant 0 : i32
        %dma_wait3A_2505 = tpu.memref_slice %arg8[%select_n3A_1099, %dma_wait3A_2489, %dma_wait3A_2503, %dma_wait3A_2504] : memref<2x2x64x129xf32, #tpu.memory_space<vmem>> -> memref<1x1x8x128xf32, #tpu.memory_space<vmem>>
        %dma_wait3A_2506 = tpu.memref_squeeze %dma_wait3A_2505 : memref<1x1x8x128xf32, #tpu.memory_space<vmem>> -> memref<8x128xf32, #tpu.memory_space<vmem>>
        tpu.wait_dma2 semaphore(%arg11 : memref<!tpu.dma_semaphore, #tpu.memory_space<semaphore_mem>>) src(%dma_wait3A_2506 : memref<8x128xf32, #tpu.memory_space<vmem>>) dst(%dma_wait3A_2502 : memref<8x128xf32, #tpu.memory_space<hbm>>)
        %jit3A_2507 = arith.constant 2 : i32
        %div3A_2508 = arith.divsi %scan3A_1090, %jit3A_2507 : i32
        %sign3A_2509 = arith.constant 0 : i32
        %sign3A_2510 = arith.cmpi sgt, %scan3A_1090, %sign3A_2509 : i32
        %sign3A_2511 = arith.extui %sign3A_2510 : i1 to i32
        %sign3A_2512 = arith.constant 0 : i32
        %sign3A_2513 = arith.cmpi slt, %scan3A_1090, %sign3A_2512 : i32
        %sign3A_2514 = arith.extui %sign3A_2513 : i1 to i32
        %sign3A_2515 = arith.subi %sign3A_2511, %sign3A_2514 : i32
        %sign3A_2516 = arith.constant 0 : i32
        %sign3A_2517 = arith.cmpi sgt, %jit3A_2507, %sign3A_2516 : i32
        %sign3A_2518 = arith.extui %sign3A_2517 : i1 to i32
        %sign3A_2519 = arith.constant 0 : i32
        %sign3A_2520 = arith.cmpi slt, %jit3A_2507, %sign3A_2519 : i32
        %sign3A_2521 = arith.extui %sign3A_2520 : i1 to i32
        %sign3A_2522 = arith.subi %sign3A_2518, %sign3A_2521 : i32
        %ne3A_2523 = arith.cmpi ne, %sign3A_2515, %sign3A_2522 : i32
        %rem3A_2524 = arith.remsi %scan3A_1090, %jit3A_2507 : i32
        %ne3A_2525 = arith.constant 0 : i32
        %ne3A_2526 = arith.cmpi ne, %rem3A_2524, %ne3A_2525 : i32
        %and3A_2527 = arith.andi %ne3A_2523, %ne3A_2526 : i1
        %sub3A_2528 = arith.constant 1 : i32
        %sub3A_2529 = arith.subi %div3A_2508, %sub3A_2528 : i32
        %select_n3A_2530 = arith.select %and3A_2527, %sub3A_2529, %div3A_2508 : i32
        %jit3A_2531 = arith.constant 2 : i32
        %eq3A_2532 = arith.constant 0 : i32
        %eq3A_2533 = arith.cmpi eq, %jit3A_2531, %eq3A_2532 : i32
        %jit3A_2534 = arith.constant 1 : i32
        %select_n3A_2535 = arith.select %eq3A_2533, %jit3A_2534, %jit3A_2531 : i32
        %rem3A_2536 = arith.remsi %scan3A_1090, %select_n3A_2535 : i32
        %ne3A_2537 = arith.constant 0 : i32
        %ne3A_2538 = arith.cmpi ne, %rem3A_2536, %ne3A_2537 : i32
        %lt3A_2539 = arith.constant 0 : i32
        %lt3A_2540 = arith.cmpi slt, %rem3A_2536, %lt3A_2539 : i32
        %lt3A_2541 = arith.constant 0 : i32
        %lt3A_2542 = arith.cmpi slt, %select_n3A_2535, %lt3A_2541 : i32
        %ne3A_2543 = arith.xori %lt3A_2540, %lt3A_2542 : i1
        %and3A_2544 = arith.andi %ne3A_2543, %ne3A_2538 : i1
        %add3A_2545 = arith.addi %rem3A_2536, %select_n3A_2535 : i32
        %select_n3A_2546 = arith.select %and3A_2544, %add3A_2545, %rem3A_2536 : i32
        %mul3A_2547 = arith.constant 2 : i32
        %mul3A_2548 = arith.muli %select_n3A_2546, %mul3A_2547 : i32
        %add3A_2549 = arith.addi %mul3A_2, %mul3A_2548 : i32
        %add3A_2550 = arith.constant 0 : i32
        %add3A_2551 = arith.addi %add3A_2549, %add3A_2550 : i32
        %dma_wait3A_2552 = arith.constant 0 : i32
        %dma_wait3A_2553 = arith.constant 5 : i32
        %dma_wait3A_2554 = arith.constant 40 : i32
        %dma_wait3A_2555 = arith.constant 0 : i32
        %dma_wait3A_2556 = tpu.memref_slice %arg8[%select_n3A_1099, %dma_wait3A_2552, %dma_wait3A_2554, %dma_wait3A_2555] : memref<2x2x64x129xf32, #tpu.memory_space<vmem>> -> memref<1x1x8x128xf32, #tpu.memory_space<vmem>>
        %dma_wait3A_2557 = tpu.memref_squeeze %dma_wait3A_2556 : memref<1x1x8x128xf32, #tpu.memory_space<vmem>> -> memref<8x128xf32, #tpu.memory_space<vmem>>
        %dma_wait3A_2558 = arith.constant 0 : i32
        %dma_wait3A_2559 = arith.constant 0 : i32
        %dma_wait3A_2560 = tpu.memref_slice %arg4[%select_n3A_2530, %dma_wait3A_2553, %add3A_2551, %dma_wait3A_2558, %dma_wait3A_2559] : memref<50x8x128x8x128xf32, #tpu.memory_space<hbm>> -> memref<1x1x1x8x128xf32, #tpu.memory_space<hbm>>
        %dma_wait3A_2561 = tpu.memref_squeeze %dma_wait3A_2560 : memref<1x1x1x8x128xf32, #tpu.memory_space<hbm>> -> memref<8x128xf32, #tpu.memory_space<hbm>>
        %dma_wait3A_2562 = arith.constant 0 : i32
        %dma_wait3A_2563 = arith.constant 0 : i32
        %dma_wait3A_2564 = tpu.memref_slice %arg4[%select_n3A_2530, %dma_wait3A_2553, %add3A_2551, %dma_wait3A_2562, %dma_wait3A_2563] : memref<50x8x128x8x128xf32, #tpu.memory_space<hbm>> -> memref<1x1x1x8x128xf32, #tpu.memory_space<hbm>>
        %dma_wait3A_2565 = tpu.memref_squeeze %dma_wait3A_2564 : memref<1x1x1x8x128xf32, #tpu.memory_space<hbm>> -> memref<8x128xf32, #tpu.memory_space<hbm>>
        %dma_wait3A_2566 = arith.constant 40 : i32
        %dma_wait3A_2567 = arith.constant 0 : i32
        %dma_wait3A_2568 = tpu.memref_slice %arg8[%select_n3A_1099, %dma_wait3A_2552, %dma_wait3A_2566, %dma_wait3A_2567] : memref<2x2x64x129xf32, #tpu.memory_space<vmem>> -> memref<1x1x8x128xf32, #tpu.memory_space<vmem>>
        %dma_wait3A_2569 = tpu.memref_squeeze %dma_wait3A_2568 : memref<1x1x8x128xf32, #tpu.memory_space<vmem>> -> memref<8x128xf32, #tpu.memory_space<vmem>>
        tpu.wait_dma2 semaphore(%arg11 : memref<!tpu.dma_semaphore, #tpu.memory_space<semaphore_mem>>) src(%dma_wait3A_2569 : memref<8x128xf32, #tpu.memory_space<vmem>>) dst(%dma_wait3A_2565 : memref<8x128xf32, #tpu.memory_space<hbm>>)
        %jit3A_2570 = arith.constant 2 : i32
        %div3A_2571 = arith.divsi %scan3A_1090, %jit3A_2570 : i32
        %sign3A_2572 = arith.constant 0 : i32
        %sign3A_2573 = arith.cmpi sgt, %scan3A_1090, %sign3A_2572 : i32
        %sign3A_2574 = arith.extui %sign3A_2573 : i1 to i32
        %sign3A_2575 = arith.constant 0 : i32
        %sign3A_2576 = arith.cmpi slt, %scan3A_1090, %sign3A_2575 : i32
        %sign3A_2577 = arith.extui %sign3A_2576 : i1 to i32
        %sign3A_2578 = arith.subi %sign3A_2574, %sign3A_2577 : i32
        %sign3A_2579 = arith.constant 0 : i32
        %sign3A_2580 = arith.cmpi sgt, %jit3A_2570, %sign3A_2579 : i32
        %sign3A_2581 = arith.extui %sign3A_2580 : i1 to i32
        %sign3A_2582 = arith.constant 0 : i32
        %sign3A_2583 = arith.cmpi slt, %jit3A_2570, %sign3A_2582 : i32
        %sign3A_2584 = arith.extui %sign3A_2583 : i1 to i32
        %sign3A_2585 = arith.subi %sign3A_2581, %sign3A_2584 : i32
        %ne3A_2586 = arith.cmpi ne, %sign3A_2578, %sign3A_2585 : i32
        %rem3A_2587 = arith.remsi %scan3A_1090, %jit3A_2570 : i32
        %ne3A_2588 = arith.constant 0 : i32
        %ne3A_2589 = arith.cmpi ne, %rem3A_2587, %ne3A_2588 : i32
        %and3A_2590 = arith.andi %ne3A_2586, %ne3A_2589 : i1
        %sub3A_2591 = arith.constant 1 : i32
        %sub3A_2592 = arith.subi %div3A_2571, %sub3A_2591 : i32
        %select_n3A_2593 = arith.select %and3A_2590, %sub3A_2592, %div3A_2571 : i32
        %jit3A_2594 = arith.constant 2 : i32
        %eq3A_2595 = arith.constant 0 : i32
        %eq3A_2596 = arith.cmpi eq, %jit3A_2594, %eq3A_2595 : i32
        %jit3A_2597 = arith.constant 1 : i32
        %select_n3A_2598 = arith.select %eq3A_2596, %jit3A_2597, %jit3A_2594 : i32
        %rem3A_2599 = arith.remsi %scan3A_1090, %select_n3A_2598 : i32
        %ne3A_2600 = arith.constant 0 : i32
        %ne3A_2601 = arith.cmpi ne, %rem3A_2599, %ne3A_2600 : i32
        %lt3A_2602 = arith.constant 0 : i32
        %lt3A_2603 = arith.cmpi slt, %rem3A_2599, %lt3A_2602 : i32
        %lt3A_2604 = arith.constant 0 : i32
        %lt3A_2605 = arith.cmpi slt, %select_n3A_2598, %lt3A_2604 : i32
        %ne3A_2606 = arith.xori %lt3A_2603, %lt3A_2605 : i1
        %and3A_2607 = arith.andi %ne3A_2606, %ne3A_2601 : i1
        %add3A_2608 = arith.addi %rem3A_2599, %select_n3A_2598 : i32
        %select_n3A_2609 = arith.select %and3A_2607, %add3A_2608, %rem3A_2599 : i32
        %mul3A_2610 = arith.constant 2 : i32
        %mul3A_2611 = arith.muli %select_n3A_2609, %mul3A_2610 : i32
        %add3A_2612 = arith.addi %mul3A_2, %mul3A_2611 : i32
        %add3A_2613 = arith.constant 0 : i32
        %add3A_2614 = arith.addi %add3A_2612, %add3A_2613 : i32
        %dma_wait3A_2615 = arith.constant 0 : i32
        %dma_wait3A_2616 = arith.constant 6 : i32
        %dma_wait3A_2617 = arith.constant 48 : i32
        %dma_wait3A_2618 = arith.constant 0 : i32
        %dma_wait3A_2619 = tpu.memref_slice %arg8[%select_n3A_1099, %dma_wait3A_2615, %dma_wait3A_2617, %dma_wait3A_2618] : memref<2x2x64x129xf32, #tpu.memory_space<vmem>> -> memref<1x1x8x128xf32, #tpu.memory_space<vmem>>
        %dma_wait3A_2620 = tpu.memref_squeeze %dma_wait3A_2619 : memref<1x1x8x128xf32, #tpu.memory_space<vmem>> -> memref<8x128xf32, #tpu.memory_space<vmem>>
        %dma_wait3A_2621 = arith.constant 0 : i32
        %dma_wait3A_2622 = arith.constant 0 : i32
        %dma_wait3A_2623 = tpu.memref_slice %arg4[%select_n3A_2593, %dma_wait3A_2616, %add3A_2614, %dma_wait3A_2621, %dma_wait3A_2622] : memref<50x8x128x8x128xf32, #tpu.memory_space<hbm>> -> memref<1x1x1x8x128xf32, #tpu.memory_space<hbm>>
        %dma_wait3A_2624 = tpu.memref_squeeze %dma_wait3A_2623 : memref<1x1x1x8x128xf32, #tpu.memory_space<hbm>> -> memref<8x128xf32, #tpu.memory_space<hbm>>
        %dma_wait3A_2625 = arith.constant 0 : i32
        %dma_wait3A_2626 = arith.constant 0 : i32
        %dma_wait3A_2627 = tpu.memref_slice %arg4[%select_n3A_2593, %dma_wait3A_2616, %add3A_2614, %dma_wait3A_2625, %dma_wait3A_2626] : memref<50x8x128x8x128xf32, #tpu.memory_space<hbm>> -> memref<1x1x1x8x128xf32, #tpu.memory_space<hbm>>
        %dma_wait3A_2628 = tpu.memref_squeeze %dma_wait3A_2627 : memref<1x1x1x8x128xf32, #tpu.memory_space<hbm>> -> memref<8x128xf32, #tpu.memory_space<hbm>>
        %dma_wait3A_2629 = arith.constant 48 : i32
        %dma_wait3A_2630 = arith.constant 0 : i32
        %dma_wait3A_2631 = tpu.memref_slice %arg8[%select_n3A_1099, %dma_wait3A_2615, %dma_wait3A_2629, %dma_wait3A_2630] : memref<2x2x64x129xf32, #tpu.memory_space<vmem>> -> memref<1x1x8x128xf32, #tpu.memory_space<vmem>>
        %dma_wait3A_2632 = tpu.memref_squeeze %dma_wait3A_2631 : memref<1x1x8x128xf32, #tpu.memory_space<vmem>> -> memref<8x128xf32, #tpu.memory_space<vmem>>
        tpu.wait_dma2 semaphore(%arg11 : memref<!tpu.dma_semaphore, #tpu.memory_space<semaphore_mem>>) src(%dma_wait3A_2632 : memref<8x128xf32, #tpu.memory_space<vmem>>) dst(%dma_wait3A_2628 : memref<8x128xf32, #tpu.memory_space<hbm>>)
        %jit3A_2633 = arith.constant 2 : i32
        %div3A_2634 = arith.divsi %scan3A_1090, %jit3A_2633 : i32
        %sign3A_2635 = arith.constant 0 : i32
        %sign3A_2636 = arith.cmpi sgt, %scan3A_1090, %sign3A_2635 : i32
        %sign3A_2637 = arith.extui %sign3A_2636 : i1 to i32
        %sign3A_2638 = arith.constant 0 : i32
        %sign3A_2639 = arith.cmpi slt, %scan3A_1090, %sign3A_2638 : i32
        %sign3A_2640 = arith.extui %sign3A_2639 : i1 to i32
        %sign3A_2641 = arith.subi %sign3A_2637, %sign3A_2640 : i32
        %sign3A_2642 = arith.constant 0 : i32
        %sign3A_2643 = arith.cmpi sgt, %jit3A_2633, %sign3A_2642 : i32
        %sign3A_2644 = arith.extui %sign3A_2643 : i1 to i32
        %sign3A_2645 = arith.constant 0 : i32
        %sign3A_2646 = arith.cmpi slt, %jit3A_2633, %sign3A_2645 : i32
        %sign3A_2647 = arith.extui %sign3A_2646 : i1 to i32
        %sign3A_2648 = arith.subi %sign3A_2644, %sign3A_2647 : i32
        %ne3A_2649 = arith.cmpi ne, %sign3A_2641, %sign3A_2648 : i32
        %rem3A_2650 = arith.remsi %scan3A_1090, %jit3A_2633 : i32
        %ne3A_2651 = arith.constant 0 : i32
        %ne3A_2652 = arith.cmpi ne, %rem3A_2650, %ne3A_2651 : i32
        %and3A_2653 = arith.andi %ne3A_2649, %ne3A_2652 : i1
        %sub3A_2654 = arith.constant 1 : i32
        %sub3A_2655 = arith.subi %div3A_2634, %sub3A_2654 : i32
        %select_n3A_2656 = arith.select %and3A_2653, %sub3A_2655, %div3A_2634 : i32
        %jit3A_2657 = arith.constant 2 : i32
        %eq3A_2658 = arith.constant 0 : i32
        %eq3A_2659 = arith.cmpi eq, %jit3A_2657, %eq3A_2658 : i32
        %jit3A_2660 = arith.constant 1 : i32
        %select_n3A_2661 = arith.select %eq3A_2659, %jit3A_2660, %jit3A_2657 : i32
        %rem3A_2662 = arith.remsi %scan3A_1090, %select_n3A_2661 : i32
        %ne3A_2663 = arith.constant 0 : i32
        %ne3A_2664 = arith.cmpi ne, %rem3A_2662, %ne3A_2663 : i32
        %lt3A_2665 = arith.constant 0 : i32
        %lt3A_2666 = arith.cmpi slt, %rem3A_2662, %lt3A_2665 : i32
        %lt3A_2667 = arith.constant 0 : i32
        %lt3A_2668 = arith.cmpi slt, %select_n3A_2661, %lt3A_2667 : i32
        %ne3A_2669 = arith.xori %lt3A_2666, %lt3A_2668 : i1
        %and3A_2670 = arith.andi %ne3A_2669, %ne3A_2664 : i1
        %add3A_2671 = arith.addi %rem3A_2662, %select_n3A_2661 : i32
        %select_n3A_2672 = arith.select %and3A_2670, %add3A_2671, %rem3A_2662 : i32
        %mul3A_2673 = arith.constant 2 : i32
        %mul3A_2674 = arith.muli %select_n3A_2672, %mul3A_2673 : i32
        %add3A_2675 = arith.addi %mul3A_2, %mul3A_2674 : i32
        %add3A_2676 = arith.constant 0 : i32
        %add3A_2677 = arith.addi %add3A_2675, %add3A_2676 : i32
        %dma_wait3A_2678 = arith.constant 0 : i32
        %dma_wait3A_2679 = arith.constant 7 : i32
        %dma_wait3A_2680 = arith.constant 56 : i32
        %dma_wait3A_2681 = arith.constant 0 : i32
        %dma_wait3A_2682 = tpu.memref_slice %arg8[%select_n3A_1099, %dma_wait3A_2678, %dma_wait3A_2680, %dma_wait3A_2681] : memref<2x2x64x129xf32, #tpu.memory_space<vmem>> -> memref<1x1x8x128xf32, #tpu.memory_space<vmem>>
        %dma_wait3A_2683 = tpu.memref_squeeze %dma_wait3A_2682 : memref<1x1x8x128xf32, #tpu.memory_space<vmem>> -> memref<8x128xf32, #tpu.memory_space<vmem>>
        %dma_wait3A_2684 = arith.constant 0 : i32
        %dma_wait3A_2685 = arith.constant 0 : i32
        %dma_wait3A_2686 = tpu.memref_slice %arg4[%select_n3A_2656, %dma_wait3A_2679, %add3A_2677, %dma_wait3A_2684, %dma_wait3A_2685] : memref<50x8x128x8x128xf32, #tpu.memory_space<hbm>> -> memref<1x1x1x8x128xf32, #tpu.memory_space<hbm>>
        %dma_wait3A_2687 = tpu.memref_squeeze %dma_wait3A_2686 : memref<1x1x1x8x128xf32, #tpu.memory_space<hbm>> -> memref<8x128xf32, #tpu.memory_space<hbm>>
        %dma_wait3A_2688 = arith.constant 0 : i32
        %dma_wait3A_2689 = arith.constant 0 : i32
        %dma_wait3A_2690 = tpu.memref_slice %arg4[%select_n3A_2656, %dma_wait3A_2679, %add3A_2677, %dma_wait3A_2688, %dma_wait3A_2689] : memref<50x8x128x8x128xf32, #tpu.memory_space<hbm>> -> memref<1x1x1x8x128xf32, #tpu.memory_space<hbm>>
        %dma_wait3A_2691 = tpu.memref_squeeze %dma_wait3A_2690 : memref<1x1x1x8x128xf32, #tpu.memory_space<hbm>> -> memref<8x128xf32, #tpu.memory_space<hbm>>
        %dma_wait3A_2692 = arith.constant 56 : i32
        %dma_wait3A_2693 = arith.constant 0 : i32
        %dma_wait3A_2694 = tpu.memref_slice %arg8[%select_n3A_1099, %dma_wait3A_2678, %dma_wait3A_2692, %dma_wait3A_2693] : memref<2x2x64x129xf32, #tpu.memory_space<vmem>> -> memref<1x1x8x128xf32, #tpu.memory_space<vmem>>
        %dma_wait3A_2695 = tpu.memref_squeeze %dma_wait3A_2694 : memref<1x1x8x128xf32, #tpu.memory_space<vmem>> -> memref<8x128xf32, #tpu.memory_space<vmem>>
        tpu.wait_dma2 semaphore(%arg11 : memref<!tpu.dma_semaphore, #tpu.memory_space<semaphore_mem>>) src(%dma_wait3A_2695 : memref<8x128xf32, #tpu.memory_space<vmem>>) dst(%dma_wait3A_2691 : memref<8x128xf32, #tpu.memory_space<hbm>>)
        %jit3A_2696 = arith.constant 2 : i32
        %div3A_2697 = arith.divsi %scan3A_1090, %jit3A_2696 : i32
        %sign3A_2698 = arith.constant 0 : i32
        %sign3A_2699 = arith.cmpi sgt, %scan3A_1090, %sign3A_2698 : i32
        %sign3A_2700 = arith.extui %sign3A_2699 : i1 to i32
        %sign3A_2701 = arith.constant 0 : i32
        %sign3A_2702 = arith.cmpi slt, %scan3A_1090, %sign3A_2701 : i32
        %sign3A_2703 = arith.extui %sign3A_2702 : i1 to i32
        %sign3A_2704 = arith.subi %sign3A_2700, %sign3A_2703 : i32
        %sign3A_2705 = arith.constant 0 : i32
        %sign3A_2706 = arith.cmpi sgt, %jit3A_2696, %sign3A_2705 : i32
        %sign3A_2707 = arith.extui %sign3A_2706 : i1 to i32
        %sign3A_2708 = arith.constant 0 : i32
        %sign3A_2709 = arith.cmpi slt, %jit3A_2696, %sign3A_2708 : i32
        %sign3A_2710 = arith.extui %sign3A_2709 : i1 to i32
        %sign3A_2711 = arith.subi %sign3A_2707, %sign3A_2710 : i32
        %ne3A_2712 = arith.cmpi ne, %sign3A_2704, %sign3A_2711 : i32
        %rem3A_2713 = arith.remsi %scan3A_1090, %jit3A_2696 : i32
        %ne3A_2714 = arith.constant 0 : i32
        %ne3A_2715 = arith.cmpi ne, %rem3A_2713, %ne3A_2714 : i32
        %and3A_2716 = arith.andi %ne3A_2712, %ne3A_2715 : i1
        %sub3A_2717 = arith.constant 1 : i32
        %sub3A_2718 = arith.subi %div3A_2697, %sub3A_2717 : i32
        %select_n3A_2719 = arith.select %and3A_2716, %sub3A_2718, %div3A_2697 : i32
        %jit3A_2720 = arith.constant 2 : i32
        %eq3A_2721 = arith.constant 0 : i32
        %eq3A_2722 = arith.cmpi eq, %jit3A_2720, %eq3A_2721 : i32
        %jit3A_2723 = arith.constant 1 : i32
        %select_n3A_2724 = arith.select %eq3A_2722, %jit3A_2723, %jit3A_2720 : i32
        %rem3A_2725 = arith.remsi %scan3A_1090, %select_n3A_2724 : i32
        %ne3A_2726 = arith.constant 0 : i32
        %ne3A_2727 = arith.cmpi ne, %rem3A_2725, %ne3A_2726 : i32
        %lt3A_2728 = arith.constant 0 : i32
        %lt3A_2729 = arith.cmpi slt, %rem3A_2725, %lt3A_2728 : i32
        %lt3A_2730 = arith.constant 0 : i32
        %lt3A_2731 = arith.cmpi slt, %select_n3A_2724, %lt3A_2730 : i32
        %ne3A_2732 = arith.xori %lt3A_2729, %lt3A_2731 : i1
        %and3A_2733 = arith.andi %ne3A_2732, %ne3A_2727 : i1
        %add3A_2734 = arith.addi %rem3A_2725, %select_n3A_2724 : i32
        %select_n3A_2735 = arith.select %and3A_2733, %add3A_2734, %rem3A_2725 : i32
        %mul3A_2736 = arith.constant 2 : i32
        %mul3A_2737 = arith.muli %select_n3A_2735, %mul3A_2736 : i32
        %add3A_2738 = arith.addi %mul3A_2, %mul3A_2737 : i32
        %add3A_2739 = arith.constant 1 : i32
        %add3A_2740 = arith.addi %add3A_2738, %add3A_2739 : i32
        %dma_wait3A_2741 = arith.constant 1 : i32
        %dma_wait3A_2742 = arith.constant 0 : i32
        %dma_wait3A_2743 = arith.constant 0 : i32
        %dma_wait3A_2744 = arith.constant 0 : i32
        %dma_wait3A_2745 = tpu.memref_slice %arg8[%select_n3A_1099, %dma_wait3A_2741, %dma_wait3A_2743, %dma_wait3A_2744] : memref<2x2x64x129xf32, #tpu.memory_space<vmem>> -> memref<1x1x8x128xf32, #tpu.memory_space<vmem>>
        %dma_wait3A_2746 = tpu.memref_squeeze %dma_wait3A_2745 : memref<1x1x8x128xf32, #tpu.memory_space<vmem>> -> memref<8x128xf32, #tpu.memory_space<vmem>>
        %dma_wait3A_2747 = arith.constant 0 : i32
        %dma_wait3A_2748 = arith.constant 0 : i32
        %dma_wait3A_2749 = tpu.memref_slice %arg4[%select_n3A_2719, %dma_wait3A_2742, %add3A_2740, %dma_wait3A_2747, %dma_wait3A_2748] : memref<50x8x128x8x128xf32, #tpu.memory_space<hbm>> -> memref<1x1x1x8x128xf32, #tpu.memory_space<hbm>>
        %dma_wait3A_2750 = tpu.memref_squeeze %dma_wait3A_2749 : memref<1x1x1x8x128xf32, #tpu.memory_space<hbm>> -> memref<8x128xf32, #tpu.memory_space<hbm>>
        %dma_wait3A_2751 = arith.constant 0 : i32
        %dma_wait3A_2752 = arith.constant 0 : i32
        %dma_wait3A_2753 = tpu.memref_slice %arg4[%select_n3A_2719, %dma_wait3A_2742, %add3A_2740, %dma_wait3A_2751, %dma_wait3A_2752] : memref<50x8x128x8x128xf32, #tpu.memory_space<hbm>> -> memref<1x1x1x8x128xf32, #tpu.memory_space<hbm>>
        %dma_wait3A_2754 = tpu.memref_squeeze %dma_wait3A_2753 : memref<1x1x1x8x128xf32, #tpu.memory_space<hbm>> -> memref<8x128xf32, #tpu.memory_space<hbm>>
        %dma_wait3A_2755 = arith.constant 0 : i32
        %dma_wait3A_2756 = arith.constant 0 : i32
        %dma_wait3A_2757 = tpu.memref_slice %arg8[%select_n3A_1099, %dma_wait3A_2741, %dma_wait3A_2755, %dma_wait3A_2756] : memref<2x2x64x129xf32, #tpu.memory_space<vmem>> -> memref<1x1x8x128xf32, #tpu.memory_space<vmem>>
        %dma_wait3A_2758 = tpu.memref_squeeze %dma_wait3A_2757 : memref<1x1x8x128xf32, #tpu.memory_space<vmem>> -> memref<8x128xf32, #tpu.memory_space<vmem>>
        tpu.wait_dma2 semaphore(%arg11 : memref<!tpu.dma_semaphore, #tpu.memory_space<semaphore_mem>>) src(%dma_wait3A_2758 : memref<8x128xf32, #tpu.memory_space<vmem>>) dst(%dma_wait3A_2754 : memref<8x128xf32, #tpu.memory_space<hbm>>)
        %jit3A_2759 = arith.constant 2 : i32
        %div3A_2760 = arith.divsi %scan3A_1090, %jit3A_2759 : i32
        %sign3A_2761 = arith.constant 0 : i32
        %sign3A_2762 = arith.cmpi sgt, %scan3A_1090, %sign3A_2761 : i32
        %sign3A_2763 = arith.extui %sign3A_2762 : i1 to i32
        %sign3A_2764 = arith.constant 0 : i32
        %sign3A_2765 = arith.cmpi slt, %scan3A_1090, %sign3A_2764 : i32
        %sign3A_2766 = arith.extui %sign3A_2765 : i1 to i32
        %sign3A_2767 = arith.subi %sign3A_2763, %sign3A_2766 : i32
        %sign3A_2768 = arith.constant 0 : i32
        %sign3A_2769 = arith.cmpi sgt, %jit3A_2759, %sign3A_2768 : i32
        %sign3A_2770 = arith.extui %sign3A_2769 : i1 to i32
        %sign3A_2771 = arith.constant 0 : i32
        %sign3A_2772 = arith.cmpi slt, %jit3A_2759, %sign3A_2771 : i32
        %sign3A_2773 = arith.extui %sign3A_2772 : i1 to i32
        %sign3A_2774 = arith.subi %sign3A_2770, %sign3A_2773 : i32
        %ne3A_2775 = arith.cmpi ne, %sign3A_2767, %sign3A_2774 : i32
        %rem3A_2776 = arith.remsi %scan3A_1090, %jit3A_2759 : i32
        %ne3A_2777 = arith.constant 0 : i32
        %ne3A_2778 = arith.cmpi ne, %rem3A_2776, %ne3A_2777 : i32
        %and3A_2779 = arith.andi %ne3A_2775, %ne3A_2778 : i1
        %sub3A_2780 = arith.constant 1 : i32
        %sub3A_2781 = arith.subi %div3A_2760, %sub3A_2780 : i32
        %select_n3A_2782 = arith.select %and3A_2779, %sub3A_2781, %div3A_2760 : i32
        %jit3A_2783 = arith.constant 2 : i32
        %eq3A_2784 = arith.constant 0 : i32
        %eq3A_2785 = arith.cmpi eq, %jit3A_2783, %eq3A_2784 : i32
        %jit3A_2786 = arith.constant 1 : i32
        %select_n3A_2787 = arith.select %eq3A_2785, %jit3A_2786, %jit3A_2783 : i32
        %rem3A_2788 = arith.remsi %scan3A_1090, %select_n3A_2787 : i32
        %ne3A_2789 = arith.constant 0 : i32
        %ne3A_2790 = arith.cmpi ne, %rem3A_2788, %ne3A_2789 : i32
        %lt3A_2791 = arith.constant 0 : i32
        %lt3A_2792 = arith.cmpi slt, %rem3A_2788, %lt3A_2791 : i32
        %lt3A_2793 = arith.constant 0 : i32
        %lt3A_2794 = arith.cmpi slt, %select_n3A_2787, %lt3A_2793 : i32
        %ne3A_2795 = arith.xori %lt3A_2792, %lt3A_2794 : i1
        %and3A_2796 = arith.andi %ne3A_2795, %ne3A_2790 : i1
        %add3A_2797 = arith.addi %rem3A_2788, %select_n3A_2787 : i32
        %select_n3A_2798 = arith.select %and3A_2796, %add3A_2797, %rem3A_2788 : i32
        %mul3A_2799 = arith.constant 2 : i32
        %mul3A_2800 = arith.muli %select_n3A_2798, %mul3A_2799 : i32
        %add3A_2801 = arith.addi %mul3A_2, %mul3A_2800 : i32
        %add3A_2802 = arith.constant 1 : i32
        %add3A_2803 = arith.addi %add3A_2801, %add3A_2802 : i32
        %dma_wait3A_2804 = arith.constant 1 : i32
        %dma_wait3A_2805 = arith.constant 1 : i32
        %dma_wait3A_2806 = arith.constant 8 : i32
        %dma_wait3A_2807 = arith.constant 0 : i32
        %dma_wait3A_2808 = tpu.memref_slice %arg8[%select_n3A_1099, %dma_wait3A_2804, %dma_wait3A_2806, %dma_wait3A_2807] : memref<2x2x64x129xf32, #tpu.memory_space<vmem>> -> memref<1x1x8x128xf32, #tpu.memory_space<vmem>>
        %dma_wait3A_2809 = tpu.memref_squeeze %dma_wait3A_2808 : memref<1x1x8x128xf32, #tpu.memory_space<vmem>> -> memref<8x128xf32, #tpu.memory_space<vmem>>
        %dma_wait3A_2810 = arith.constant 0 : i32
        %dma_wait3A_2811 = arith.constant 0 : i32
        %dma_wait3A_2812 = tpu.memref_slice %arg4[%select_n3A_2782, %dma_wait3A_2805, %add3A_2803, %dma_wait3A_2810, %dma_wait3A_2811] : memref<50x8x128x8x128xf32, #tpu.memory_space<hbm>> -> memref<1x1x1x8x128xf32, #tpu.memory_space<hbm>>
        %dma_wait3A_2813 = tpu.memref_squeeze %dma_wait3A_2812 : memref<1x1x1x8x128xf32, #tpu.memory_space<hbm>> -> memref<8x128xf32, #tpu.memory_space<hbm>>
        %dma_wait3A_2814 = arith.constant 0 : i32
        %dma_wait3A_2815 = arith.constant 0 : i32
        %dma_wait3A_2816 = tpu.memref_slice %arg4[%select_n3A_2782, %dma_wait3A_2805, %add3A_2803, %dma_wait3A_2814, %dma_wait3A_2815] : memref<50x8x128x8x128xf32, #tpu.memory_space<hbm>> -> memref<1x1x1x8x128xf32, #tpu.memory_space<hbm>>
        %dma_wait3A_2817 = tpu.memref_squeeze %dma_wait3A_2816 : memref<1x1x1x8x128xf32, #tpu.memory_space<hbm>> -> memref<8x128xf32, #tpu.memory_space<hbm>>
        %dma_wait3A_2818 = arith.constant 8 : i32
        %dma_wait3A_2819 = arith.constant 0 : i32
        %dma_wait3A_2820 = tpu.memref_slice %arg8[%select_n3A_1099, %dma_wait3A_2804, %dma_wait3A_2818, %dma_wait3A_2819] : memref<2x2x64x129xf32, #tpu.memory_space<vmem>> -> memref<1x1x8x128xf32, #tpu.memory_space<vmem>>
        %dma_wait3A_2821 = tpu.memref_squeeze %dma_wait3A_2820 : memref<1x1x8x128xf32, #tpu.memory_space<vmem>> -> memref<8x128xf32, #tpu.memory_space<vmem>>
        tpu.wait_dma2 semaphore(%arg11 : memref<!tpu.dma_semaphore, #tpu.memory_space<semaphore_mem>>) src(%dma_wait3A_2821 : memref<8x128xf32, #tpu.memory_space<vmem>>) dst(%dma_wait3A_2817 : memref<8x128xf32, #tpu.memory_space<hbm>>)
        %jit3A_2822 = arith.constant 2 : i32
        %div3A_2823 = arith.divsi %scan3A_1090, %jit3A_2822 : i32
        %sign3A_2824 = arith.constant 0 : i32
        %sign3A_2825 = arith.cmpi sgt, %scan3A_1090, %sign3A_2824 : i32
        %sign3A_2826 = arith.extui %sign3A_2825 : i1 to i32
        %sign3A_2827 = arith.constant 0 : i32
        %sign3A_2828 = arith.cmpi slt, %scan3A_1090, %sign3A_2827 : i32
        %sign3A_2829 = arith.extui %sign3A_2828 : i1 to i32
        %sign3A_2830 = arith.subi %sign3A_2826, %sign3A_2829 : i32
        %sign3A_2831 = arith.constant 0 : i32
        %sign3A_2832 = arith.cmpi sgt, %jit3A_2822, %sign3A_2831 : i32
        %sign3A_2833 = arith.extui %sign3A_2832 : i1 to i32
        %sign3A_2834 = arith.constant 0 : i32
        %sign3A_2835 = arith.cmpi slt, %jit3A_2822, %sign3A_2834 : i32
        %sign3A_2836 = arith.extui %sign3A_2835 : i1 to i32
        %sign3A_2837 = arith.subi %sign3A_2833, %sign3A_2836 : i32
        %ne3A_2838 = arith.cmpi ne, %sign3A_2830, %sign3A_2837 : i32
        %rem3A_2839 = arith.remsi %scan3A_1090, %jit3A_2822 : i32
        %ne3A_2840 = arith.constant 0 : i32
        %ne3A_2841 = arith.cmpi ne, %rem3A_2839, %ne3A_2840 : i32
        %and3A_2842 = arith.andi %ne3A_2838, %ne3A_2841 : i1
        %sub3A_2843 = arith.constant 1 : i32
        %sub3A_2844 = arith.subi %div3A_2823, %sub3A_2843 : i32
        %select_n3A_2845 = arith.select %and3A_2842, %sub3A_2844, %div3A_2823 : i32
        %jit3A_2846 = arith.constant 2 : i32
        %eq3A_2847 = arith.constant 0 : i32
        %eq3A_2848 = arith.cmpi eq, %jit3A_2846, %eq3A_2847 : i32
        %jit3A_2849 = arith.constant 1 : i32
        %select_n3A_2850 = arith.select %eq3A_2848, %jit3A_2849, %jit3A_2846 : i32
        %rem3A_2851 = arith.remsi %scan3A_1090, %select_n3A_2850 : i32
        %ne3A_2852 = arith.constant 0 : i32
        %ne3A_2853 = arith.cmpi ne, %rem3A_2851, %ne3A_2852 : i32
        %lt3A_2854 = arith.constant 0 : i32
        %lt3A_2855 = arith.cmpi slt, %rem3A_2851, %lt3A_2854 : i32
        %lt3A_2856 = arith.constant 0 : i32
        %lt3A_2857 = arith.cmpi slt, %select_n3A_2850, %lt3A_2856 : i32
        %ne3A_2858 = arith.xori %lt3A_2855, %lt3A_2857 : i1
        %and3A_2859 = arith.andi %ne3A_2858, %ne3A_2853 : i1
        %add3A_2860 = arith.addi %rem3A_2851, %select_n3A_2850 : i32
        %select_n3A_2861 = arith.select %and3A_2859, %add3A_2860, %rem3A_2851 : i32
        %mul3A_2862 = arith.constant 2 : i32
        %mul3A_2863 = arith.muli %select_n3A_2861, %mul3A_2862 : i32
        %add3A_2864 = arith.addi %mul3A_2, %mul3A_2863 : i32
        %add3A_2865 = arith.constant 1 : i32
        %add3A_2866 = arith.addi %add3A_2864, %add3A_2865 : i32
        %dma_wait3A_2867 = arith.constant 1 : i32
        %dma_wait3A_2868 = arith.constant 2 : i32
        %dma_wait3A_2869 = arith.constant 16 : i32
        %dma_wait3A_2870 = arith.constant 0 : i32
        %dma_wait3A_2871 = tpu.memref_slice %arg8[%select_n3A_1099, %dma_wait3A_2867, %dma_wait3A_2869, %dma_wait3A_2870] : memref<2x2x64x129xf32, #tpu.memory_space<vmem>> -> memref<1x1x8x128xf32, #tpu.memory_space<vmem>>
        %dma_wait3A_2872 = tpu.memref_squeeze %dma_wait3A_2871 : memref<1x1x8x128xf32, #tpu.memory_space<vmem>> -> memref<8x128xf32, #tpu.memory_space<vmem>>
        %dma_wait3A_2873 = arith.constant 0 : i32
        %dma_wait3A_2874 = arith.constant 0 : i32
        %dma_wait3A_2875 = tpu.memref_slice %arg4[%select_n3A_2845, %dma_wait3A_2868, %add3A_2866, %dma_wait3A_2873, %dma_wait3A_2874] : memref<50x8x128x8x128xf32, #tpu.memory_space<hbm>> -> memref<1x1x1x8x128xf32, #tpu.memory_space<hbm>>
        %dma_wait3A_2876 = tpu.memref_squeeze %dma_wait3A_2875 : memref<1x1x1x8x128xf32, #tpu.memory_space<hbm>> -> memref<8x128xf32, #tpu.memory_space<hbm>>
        %dma_wait3A_2877 = arith.constant 0 : i32
        %dma_wait3A_2878 = arith.constant 0 : i32
        %dma_wait3A_2879 = tpu.memref_slice %arg4[%select_n3A_2845, %dma_wait3A_2868, %add3A_2866, %dma_wait3A_2877, %dma_wait3A_2878] : memref<50x8x128x8x128xf32, #tpu.memory_space<hbm>> -> memref<1x1x1x8x128xf32, #tpu.memory_space<hbm>>
        %dma_wait3A_2880 = tpu.memref_squeeze %dma_wait3A_2879 : memref<1x1x1x8x128xf32, #tpu.memory_space<hbm>> -> memref<8x128xf32, #tpu.memory_space<hbm>>
        %dma_wait3A_2881 = arith.constant 16 : i32
        %dma_wait3A_2882 = arith.constant 0 : i32
        %dma_wait3A_2883 = tpu.memref_slice %arg8[%select_n3A_1099, %dma_wait3A_2867, %dma_wait3A_2881, %dma_wait3A_2882] : memref<2x2x64x129xf32, #tpu.memory_space<vmem>> -> memref<1x1x8x128xf32, #tpu.memory_space<vmem>>
        %dma_wait3A_2884 = tpu.memref_squeeze %dma_wait3A_2883 : memref<1x1x8x128xf32, #tpu.memory_space<vmem>> -> memref<8x128xf32, #tpu.memory_space<vmem>>
        tpu.wait_dma2 semaphore(%arg11 : memref<!tpu.dma_semaphore, #tpu.memory_space<semaphore_mem>>) src(%dma_wait3A_2884 : memref<8x128xf32, #tpu.memory_space<vmem>>) dst(%dma_wait3A_2880 : memref<8x128xf32, #tpu.memory_space<hbm>>)
        %jit3A_2885 = arith.constant 2 : i32
        %div3A_2886 = arith.divsi %scan3A_1090, %jit3A_2885 : i32
        %sign3A_2887 = arith.constant 0 : i32
        %sign3A_2888 = arith.cmpi sgt, %scan3A_1090, %sign3A_2887 : i32
        %sign3A_2889 = arith.extui %sign3A_2888 : i1 to i32
        %sign3A_2890 = arith.constant 0 : i32
        %sign3A_2891 = arith.cmpi slt, %scan3A_1090, %sign3A_2890 : i32
        %sign3A_2892 = arith.extui %sign3A_2891 : i1 to i32
        %sign3A_2893 = arith.subi %sign3A_2889, %sign3A_2892 : i32
        %sign3A_2894 = arith.constant 0 : i32
        %sign3A_2895 = arith.cmpi sgt, %jit3A_2885, %sign3A_2894 : i32
        %sign3A_2896 = arith.extui %sign3A_2895 : i1 to i32
        %sign3A_2897 = arith.constant 0 : i32
        %sign3A_2898 = arith.cmpi slt, %jit3A_2885, %sign3A_2897 : i32
        %sign3A_2899 = arith.extui %sign3A_2898 : i1 to i32
        %sign3A_2900 = arith.subi %sign3A_2896, %sign3A_2899 : i32
        %ne3A_2901 = arith.cmpi ne, %sign3A_2893, %sign3A_2900 : i32
        %rem3A_2902 = arith.remsi %scan3A_1090, %jit3A_2885 : i32
        %ne3A_2903 = arith.constant 0 : i32
        %ne3A_2904 = arith.cmpi ne, %rem3A_2902, %ne3A_2903 : i32
        %and3A_2905 = arith.andi %ne3A_2901, %ne3A_2904 : i1
        %sub3A_2906 = arith.constant 1 : i32
        %sub3A_2907 = arith.subi %div3A_2886, %sub3A_2906 : i32
        %select_n3A_2908 = arith.select %and3A_2905, %sub3A_2907, %div3A_2886 : i32
        %jit3A_2909 = arith.constant 2 : i32
        %eq3A_2910 = arith.constant 0 : i32
        %eq3A_2911 = arith.cmpi eq, %jit3A_2909, %eq3A_2910 : i32
        %jit3A_2912 = arith.constant 1 : i32
        %select_n3A_2913 = arith.select %eq3A_2911, %jit3A_2912, %jit3A_2909 : i32
        %rem3A_2914 = arith.remsi %scan3A_1090, %select_n3A_2913 : i32
        %ne3A_2915 = arith.constant 0 : i32
        %ne3A_2916 = arith.cmpi ne, %rem3A_2914, %ne3A_2915 : i32
        %lt3A_2917 = arith.constant 0 : i32
        %lt3A_2918 = arith.cmpi slt, %rem3A_2914, %lt3A_2917 : i32
        %lt3A_2919 = arith.constant 0 : i32
        %lt3A_2920 = arith.cmpi slt, %select_n3A_2913, %lt3A_2919 : i32
        %ne3A_2921 = arith.xori %lt3A_2918, %lt3A_2920 : i1
        %and3A_2922 = arith.andi %ne3A_2921, %ne3A_2916 : i1
        %add3A_2923 = arith.addi %rem3A_2914, %select_n3A_2913 : i32
        %select_n3A_2924 = arith.select %and3A_2922, %add3A_2923, %rem3A_2914 : i32
        %mul3A_2925 = arith.constant 2 : i32
        %mul3A_2926 = arith.muli %select_n3A_2924, %mul3A_2925 : i32
        %add3A_2927 = arith.addi %mul3A_2, %mul3A_2926 : i32
        %add3A_2928 = arith.constant 1 : i32
        %add3A_2929 = arith.addi %add3A_2927, %add3A_2928 : i32
        %dma_wait3A_2930 = arith.constant 1 : i32
        %dma_wait3A_2931 = arith.constant 3 : i32
        %dma_wait3A_2932 = arith.constant 24 : i32
        %dma_wait3A_2933 = arith.constant 0 : i32
        %dma_wait3A_2934 = tpu.memref_slice %arg8[%select_n3A_1099, %dma_wait3A_2930, %dma_wait3A_2932, %dma_wait3A_2933] : memref<2x2x64x129xf32, #tpu.memory_space<vmem>> -> memref<1x1x8x128xf32, #tpu.memory_space<vmem>>
        %dma_wait3A_2935 = tpu.memref_squeeze %dma_wait3A_2934 : memref<1x1x8x128xf32, #tpu.memory_space<vmem>> -> memref<8x128xf32, #tpu.memory_space<vmem>>
        %dma_wait3A_2936 = arith.constant 0 : i32
        %dma_wait3A_2937 = arith.constant 0 : i32
        %dma_wait3A_2938 = tpu.memref_slice %arg4[%select_n3A_2908, %dma_wait3A_2931, %add3A_2929, %dma_wait3A_2936, %dma_wait3A_2937] : memref<50x8x128x8x128xf32, #tpu.memory_space<hbm>> -> memref<1x1x1x8x128xf32, #tpu.memory_space<hbm>>
        %dma_wait3A_2939 = tpu.memref_squeeze %dma_wait3A_2938 : memref<1x1x1x8x128xf32, #tpu.memory_space<hbm>> -> memref<8x128xf32, #tpu.memory_space<hbm>>
        %dma_wait3A_2940 = arith.constant 0 : i32
        %dma_wait3A_2941 = arith.constant 0 : i32
        %dma_wait3A_2942 = tpu.memref_slice %arg4[%select_n3A_2908, %dma_wait3A_2931, %add3A_2929, %dma_wait3A_2940, %dma_wait3A_2941] : memref<50x8x128x8x128xf32, #tpu.memory_space<hbm>> -> memref<1x1x1x8x128xf32, #tpu.memory_space<hbm>>
        %dma_wait3A_2943 = tpu.memref_squeeze %dma_wait3A_2942 : memref<1x1x1x8x128xf32, #tpu.memory_space<hbm>> -> memref<8x128xf32, #tpu.memory_space<hbm>>
        %dma_wait3A_2944 = arith.constant 24 : i32
        %dma_wait3A_2945 = arith.constant 0 : i32
        %dma_wait3A_2946 = tpu.memref_slice %arg8[%select_n3A_1099, %dma_wait3A_2930, %dma_wait3A_2944, %dma_wait3A_2945] : memref<2x2x64x129xf32, #tpu.memory_space<vmem>> -> memref<1x1x8x128xf32, #tpu.memory_space<vmem>>
        %dma_wait3A_2947 = tpu.memref_squeeze %dma_wait3A_2946 : memref<1x1x8x128xf32, #tpu.memory_space<vmem>> -> memref<8x128xf32, #tpu.memory_space<vmem>>
        tpu.wait_dma2 semaphore(%arg11 : memref<!tpu.dma_semaphore, #tpu.memory_space<semaphore_mem>>) src(%dma_wait3A_2947 : memref<8x128xf32, #tpu.memory_space<vmem>>) dst(%dma_wait3A_2943 : memref<8x128xf32, #tpu.memory_space<hbm>>)
        %jit3A_2948 = arith.constant 2 : i32
        %div3A_2949 = arith.divsi %scan3A_1090, %jit3A_2948 : i32
        %sign3A_2950 = arith.constant 0 : i32
        %sign3A_2951 = arith.cmpi sgt, %scan3A_1090, %sign3A_2950 : i32
        %sign3A_2952 = arith.extui %sign3A_2951 : i1 to i32
        %sign3A_2953 = arith.constant 0 : i32
        %sign3A_2954 = arith.cmpi slt, %scan3A_1090, %sign3A_2953 : i32
        %sign3A_2955 = arith.extui %sign3A_2954 : i1 to i32
        %sign3A_2956 = arith.subi %sign3A_2952, %sign3A_2955 : i32
        %sign3A_2957 = arith.constant 0 : i32
        %sign3A_2958 = arith.cmpi sgt, %jit3A_2948, %sign3A_2957 : i32
        %sign3A_2959 = arith.extui %sign3A_2958 : i1 to i32
        %sign3A_2960 = arith.constant 0 : i32
        %sign3A_2961 = arith.cmpi slt, %jit3A_2948, %sign3A_2960 : i32
        %sign3A_2962 = arith.extui %sign3A_2961 : i1 to i32
        %sign3A_2963 = arith.subi %sign3A_2959, %sign3A_2962 : i32
        %ne3A_2964 = arith.cmpi ne, %sign3A_2956, %sign3A_2963 : i32
        %rem3A_2965 = arith.remsi %scan3A_1090, %jit3A_2948 : i32
        %ne3A_2966 = arith.constant 0 : i32
        %ne3A_2967 = arith.cmpi ne, %rem3A_2965, %ne3A_2966 : i32
        %and3A_2968 = arith.andi %ne3A_2964, %ne3A_2967 : i1
        %sub3A_2969 = arith.constant 1 : i32
        %sub3A_2970 = arith.subi %div3A_2949, %sub3A_2969 : i32
        %select_n3A_2971 = arith.select %and3A_2968, %sub3A_2970, %div3A_2949 : i32
        %jit3A_2972 = arith.constant 2 : i32
        %eq3A_2973 = arith.constant 0 : i32
        %eq3A_2974 = arith.cmpi eq, %jit3A_2972, %eq3A_2973 : i32
        %jit3A_2975 = arith.constant 1 : i32
        %select_n3A_2976 = arith.select %eq3A_2974, %jit3A_2975, %jit3A_2972 : i32
        %rem3A_2977 = arith.remsi %scan3A_1090, %select_n3A_2976 : i32
        %ne3A_2978 = arith.constant 0 : i32
        %ne3A_2979 = arith.cmpi ne, %rem3A_2977, %ne3A_2978 : i32
        %lt3A_2980 = arith.constant 0 : i32
        %lt3A_2981 = arith.cmpi slt, %rem3A_2977, %lt3A_2980 : i32
        %lt3A_2982 = arith.constant 0 : i32
        %lt3A_2983 = arith.cmpi slt, %select_n3A_2976, %lt3A_2982 : i32
        %ne3A_2984 = arith.xori %lt3A_2981, %lt3A_2983 : i1
        %and3A_2985 = arith.andi %ne3A_2984, %ne3A_2979 : i1
        %add3A_2986 = arith.addi %rem3A_2977, %select_n3A_2976 : i32
        %select_n3A_2987 = arith.select %and3A_2985, %add3A_2986, %rem3A_2977 : i32
        %mul3A_2988 = arith.constant 2 : i32
        %mul3A_2989 = arith.muli %select_n3A_2987, %mul3A_2988 : i32
        %add3A_2990 = arith.addi %mul3A_2, %mul3A_2989 : i32
        %add3A_2991 = arith.constant 1 : i32
        %add3A_2992 = arith.addi %add3A_2990, %add3A_2991 : i32
        %dma_wait3A_2993 = arith.constant 1 : i32
        %dma_wait3A_2994 = arith.constant 4 : i32
        %dma_wait3A_2995 = arith.constant 32 : i32
        %dma_wait3A_2996 = arith.constant 0 : i32
        %dma_wait3A_2997 = tpu.memref_slice %arg8[%select_n3A_1099, %dma_wait3A_2993, %dma_wait3A_2995, %dma_wait3A_2996] : memref<2x2x64x129xf32, #tpu.memory_space<vmem>> -> memref<1x1x8x128xf32, #tpu.memory_space<vmem>>
        %dma_wait3A_2998 = tpu.memref_squeeze %dma_wait3A_2997 : memref<1x1x8x128xf32, #tpu.memory_space<vmem>> -> memref<8x128xf32, #tpu.memory_space<vmem>>
        %dma_wait3A_2999 = arith.constant 0 : i32
        %dma_wait3A_3000 = arith.constant 0 : i32
        %dma_wait3A_3001 = tpu.memref_slice %arg4[%select_n3A_2971, %dma_wait3A_2994, %add3A_2992, %dma_wait3A_2999, %dma_wait3A_3000] : memref<50x8x128x8x128xf32, #tpu.memory_space<hbm>> -> memref<1x1x1x8x128xf32, #tpu.memory_space<hbm>>
        %dma_wait3A_3002 = tpu.memref_squeeze %dma_wait3A_3001 : memref<1x1x1x8x128xf32, #tpu.memory_space<hbm>> -> memref<8x128xf32, #tpu.memory_space<hbm>>
        %dma_wait3A_3003 = arith.constant 0 : i32
        %dma_wait3A_3004 = arith.constant 0 : i32
        %dma_wait3A_3005 = tpu.memref_slice %arg4[%select_n3A_2971, %dma_wait3A_2994, %add3A_2992, %dma_wait3A_3003, %dma_wait3A_3004] : memref<50x8x128x8x128xf32, #tpu.memory_space<hbm>> -> memref<1x1x1x8x128xf32, #tpu.memory_space<hbm>>
        %dma_wait3A_3006 = tpu.memref_squeeze %dma_wait3A_3005 : memref<1x1x1x8x128xf32, #tpu.memory_space<hbm>> -> memref<8x128xf32, #tpu.memory_space<hbm>>
        %dma_wait3A_3007 = arith.constant 32 : i32
        %dma_wait3A_3008 = arith.constant 0 : i32
        %dma_wait3A_3009 = tpu.memref_slice %arg8[%select_n3A_1099, %dma_wait3A_2993, %dma_wait3A_3007, %dma_wait3A_3008] : memref<2x2x64x129xf32, #tpu.memory_space<vmem>> -> memref<1x1x8x128xf32, #tpu.memory_space<vmem>>
        %dma_wait3A_3010 = tpu.memref_squeeze %dma_wait3A_3009 : memref<1x1x8x128xf32, #tpu.memory_space<vmem>> -> memref<8x128xf32, #tpu.memory_space<vmem>>
        tpu.wait_dma2 semaphore(%arg11 : memref<!tpu.dma_semaphore, #tpu.memory_space<semaphore_mem>>) src(%dma_wait3A_3010 : memref<8x128xf32, #tpu.memory_space<vmem>>) dst(%dma_wait3A_3006 : memref<8x128xf32, #tpu.memory_space<hbm>>)
        %jit3A_3011 = arith.constant 2 : i32
        %div3A_3012 = arith.divsi %scan3A_1090, %jit3A_3011 : i32
        %sign3A_3013 = arith.constant 0 : i32
        %sign3A_3014 = arith.cmpi sgt, %scan3A_1090, %sign3A_3013 : i32
        %sign3A_3015 = arith.extui %sign3A_3014 : i1 to i32
        %sign3A_3016 = arith.constant 0 : i32
        %sign3A_3017 = arith.cmpi slt, %scan3A_1090, %sign3A_3016 : i32
        %sign3A_3018 = arith.extui %sign3A_3017 : i1 to i32
        %sign3A_3019 = arith.subi %sign3A_3015, %sign3A_3018 : i32
        %sign3A_3020 = arith.constant 0 : i32
        %sign3A_3021 = arith.cmpi sgt, %jit3A_3011, %sign3A_3020 : i32
        %sign3A_3022 = arith.extui %sign3A_3021 : i1 to i32
        %sign3A_3023 = arith.constant 0 : i32
        %sign3A_3024 = arith.cmpi slt, %jit3A_3011, %sign3A_3023 : i32
        %sign3A_3025 = arith.extui %sign3A_3024 : i1 to i32
        %sign3A_3026 = arith.subi %sign3A_3022, %sign3A_3025 : i32
        %ne3A_3027 = arith.cmpi ne, %sign3A_3019, %sign3A_3026 : i32
        %rem3A_3028 = arith.remsi %scan3A_1090, %jit3A_3011 : i32
        %ne3A_3029 = arith.constant 0 : i32
        %ne3A_3030 = arith.cmpi ne, %rem3A_3028, %ne3A_3029 : i32
        %and3A_3031 = arith.andi %ne3A_3027, %ne3A_3030 : i1
        %sub3A_3032 = arith.constant 1 : i32
        %sub3A_3033 = arith.subi %div3A_3012, %sub3A_3032 : i32
        %select_n3A_3034 = arith.select %and3A_3031, %sub3A_3033, %div3A_3012 : i32
        %jit3A_3035 = arith.constant 2 : i32
        %eq3A_3036 = arith.constant 0 : i32
        %eq3A_3037 = arith.cmpi eq, %jit3A_3035, %eq3A_3036 : i32
        %jit3A_3038 = arith.constant 1 : i32
        %select_n3A_3039 = arith.select %eq3A_3037, %jit3A_3038, %jit3A_3035 : i32
        %rem3A_3040 = arith.remsi %scan3A_1090, %select_n3A_3039 : i32
        %ne3A_3041 = arith.constant 0 : i32
        %ne3A_3042 = arith.cmpi ne, %rem3A_3040, %ne3A_3041 : i32
        %lt3A_3043 = arith.constant 0 : i32
        %lt3A_3044 = arith.cmpi slt, %rem3A_3040, %lt3A_3043 : i32
        %lt3A_3045 = arith.constant 0 : i32
        %lt3A_3046 = arith.cmpi slt, %select_n3A_3039, %lt3A_3045 : i32
        %ne3A_3047 = arith.xori %lt3A_3044, %lt3A_3046 : i1
        %and3A_3048 = arith.andi %ne3A_3047, %ne3A_3042 : i1
        %add3A_3049 = arith.addi %rem3A_3040, %select_n3A_3039 : i32
        %select_n3A_3050 = arith.select %and3A_3048, %add3A_3049, %rem3A_3040 : i32
        %mul3A_3051 = arith.constant 2 : i32
        %mul3A_3052 = arith.muli %select_n3A_3050, %mul3A_3051 : i32
        %add3A_3053 = arith.addi %mul3A_2, %mul3A_3052 : i32
        %add3A_3054 = arith.constant 1 : i32
        %add3A_3055 = arith.addi %add3A_3053, %add3A_3054 : i32
        %dma_wait3A_3056 = arith.constant 1 : i32
        %dma_wait3A_3057 = arith.constant 5 : i32
        %dma_wait3A_3058 = arith.constant 40 : i32
        %dma_wait3A_3059 = arith.constant 0 : i32
        %dma_wait3A_3060 = tpu.memref_slice %arg8[%select_n3A_1099, %dma_wait3A_3056, %dma_wait3A_3058, %dma_wait3A_3059] : memref<2x2x64x129xf32, #tpu.memory_space<vmem>> -> memref<1x1x8x128xf32, #tpu.memory_space<vmem>>
        %dma_wait3A_3061 = tpu.memref_squeeze %dma_wait3A_3060 : memref<1x1x8x128xf32, #tpu.memory_space<vmem>> -> memref<8x128xf32, #tpu.memory_space<vmem>>
        %dma_wait3A_3062 = arith.constant 0 : i32
        %dma_wait3A_3063 = arith.constant 0 : i32
        %dma_wait3A_3064 = tpu.memref_slice %arg4[%select_n3A_3034, %dma_wait3A_3057, %add3A_3055, %dma_wait3A_3062, %dma_wait3A_3063] : memref<50x8x128x8x128xf32, #tpu.memory_space<hbm>> -> memref<1x1x1x8x128xf32, #tpu.memory_space<hbm>>
        %dma_wait3A_3065 = tpu.memref_squeeze %dma_wait3A_3064 : memref<1x1x1x8x128xf32, #tpu.memory_space<hbm>> -> memref<8x128xf32, #tpu.memory_space<hbm>>
        %dma_wait3A_3066 = arith.constant 0 : i32
        %dma_wait3A_3067 = arith.constant 0 : i32
        %dma_wait3A_3068 = tpu.memref_slice %arg4[%select_n3A_3034, %dma_wait3A_3057, %add3A_3055, %dma_wait3A_3066, %dma_wait3A_3067] : memref<50x8x128x8x128xf32, #tpu.memory_space<hbm>> -> memref<1x1x1x8x128xf32, #tpu.memory_space<hbm>>
        %dma_wait3A_3069 = tpu.memref_squeeze %dma_wait3A_3068 : memref<1x1x1x8x128xf32, #tpu.memory_space<hbm>> -> memref<8x128xf32, #tpu.memory_space<hbm>>
        %dma_wait3A_3070 = arith.constant 40 : i32
        %dma_wait3A_3071 = arith.constant 0 : i32
        %dma_wait3A_3072 = tpu.memref_slice %arg8[%select_n3A_1099, %dma_wait3A_3056, %dma_wait3A_3070, %dma_wait3A_3071] : memref<2x2x64x129xf32, #tpu.memory_space<vmem>> -> memref<1x1x8x128xf32, #tpu.memory_space<vmem>>
        %dma_wait3A_3073 = tpu.memref_squeeze %dma_wait3A_3072 : memref<1x1x8x128xf32, #tpu.memory_space<vmem>> -> memref<8x128xf32, #tpu.memory_space<vmem>>
        tpu.wait_dma2 semaphore(%arg11 : memref<!tpu.dma_semaphore, #tpu.memory_space<semaphore_mem>>) src(%dma_wait3A_3073 : memref<8x128xf32, #tpu.memory_space<vmem>>) dst(%dma_wait3A_3069 : memref<8x128xf32, #tpu.memory_space<hbm>>)
        %jit3A_3074 = arith.constant 2 : i32
        %div3A_3075 = arith.divsi %scan3A_1090, %jit3A_3074 : i32
        %sign3A_3076 = arith.constant 0 : i32
        %sign3A_3077 = arith.cmpi sgt, %scan3A_1090, %sign3A_3076 : i32
        %sign3A_3078 = arith.extui %sign3A_3077 : i1 to i32
        %sign3A_3079 = arith.constant 0 : i32
        %sign3A_3080 = arith.cmpi slt, %scan3A_1090, %sign3A_3079 : i32
        %sign3A_3081 = arith.extui %sign3A_3080 : i1 to i32
        %sign3A_3082 = arith.subi %sign3A_3078, %sign3A_3081 : i32
        %sign3A_3083 = arith.constant 0 : i32
        %sign3A_3084 = arith.cmpi sgt, %jit3A_3074, %sign3A_3083 : i32
        %sign3A_3085 = arith.extui %sign3A_3084 : i1 to i32
        %sign3A_3086 = arith.constant 0 : i32
        %sign3A_3087 = arith.cmpi slt, %jit3A_3074, %sign3A_3086 : i32
        %sign3A_3088 = arith.extui %sign3A_3087 : i1 to i32
        %sign3A_3089 = arith.subi %sign3A_3085, %sign3A_3088 : i32
        %ne3A_3090 = arith.cmpi ne, %sign3A_3082, %sign3A_3089 : i32
        %rem3A_3091 = arith.remsi %scan3A_1090, %jit3A_3074 : i32
        %ne3A_3092 = arith.constant 0 : i32
        %ne3A_3093 = arith.cmpi ne, %rem3A_3091, %ne3A_3092 : i32
        %and3A_3094 = arith.andi %ne3A_3090, %ne3A_3093 : i1
        %sub3A_3095 = arith.constant 1 : i32
        %sub3A_3096 = arith.subi %div3A_3075, %sub3A_3095 : i32
        %select_n3A_3097 = arith.select %and3A_3094, %sub3A_3096, %div3A_3075 : i32
        %jit3A_3098 = arith.constant 2 : i32
        %eq3A_3099 = arith.constant 0 : i32
        %eq3A_3100 = arith.cmpi eq, %jit3A_3098, %eq3A_3099 : i32
        %jit3A_3101 = arith.constant 1 : i32
        %select_n3A_3102 = arith.select %eq3A_3100, %jit3A_3101, %jit3A_3098 : i32
        %rem3A_3103 = arith.remsi %scan3A_1090, %select_n3A_3102 : i32
        %ne3A_3104 = arith.constant 0 : i32
        %ne3A_3105 = arith.cmpi ne, %rem3A_3103, %ne3A_3104 : i32
        %lt3A_3106 = arith.constant 0 : i32
        %lt3A_3107 = arith.cmpi slt, %rem3A_3103, %lt3A_3106 : i32
        %lt3A_3108 = arith.constant 0 : i32
        %lt3A_3109 = arith.cmpi slt, %select_n3A_3102, %lt3A_3108 : i32
        %ne3A_3110 = arith.xori %lt3A_3107, %lt3A_3109 : i1
        %and3A_3111 = arith.andi %ne3A_3110, %ne3A_3105 : i1
        %add3A_3112 = arith.addi %rem3A_3103, %select_n3A_3102 : i32
        %select_n3A_3113 = arith.select %and3A_3111, %add3A_3112, %rem3A_3103 : i32
        %mul3A_3114 = arith.constant 2 : i32
        %mul3A_3115 = arith.muli %select_n3A_3113, %mul3A_3114 : i32
        %add3A_3116 = arith.addi %mul3A_2, %mul3A_3115 : i32
        %add3A_3117 = arith.constant 1 : i32
        %add3A_3118 = arith.addi %add3A_3116, %add3A_3117 : i32
        %dma_wait3A_3119 = arith.constant 1 : i32
        %dma_wait3A_3120 = arith.constant 6 : i32
        %dma_wait3A_3121 = arith.constant 48 : i32
        %dma_wait3A_3122 = arith.constant 0 : i32
        %dma_wait3A_3123 = tpu.memref_slice %arg8[%select_n3A_1099, %dma_wait3A_3119, %dma_wait3A_3121, %dma_wait3A_3122] : memref<2x2x64x129xf32, #tpu.memory_space<vmem>> -> memref<1x1x8x128xf32, #tpu.memory_space<vmem>>
        %dma_wait3A_3124 = tpu.memref_squeeze %dma_wait3A_3123 : memref<1x1x8x128xf32, #tpu.memory_space<vmem>> -> memref<8x128xf32, #tpu.memory_space<vmem>>
        %dma_wait3A_3125 = arith.constant 0 : i32
        %dma_wait3A_3126 = arith.constant 0 : i32
        %dma_wait3A_3127 = tpu.memref_slice %arg4[%select_n3A_3097, %dma_wait3A_3120, %add3A_3118, %dma_wait3A_3125, %dma_wait3A_3126] : memref<50x8x128x8x128xf32, #tpu.memory_space<hbm>> -> memref<1x1x1x8x128xf32, #tpu.memory_space<hbm>>
        %dma_wait3A_3128 = tpu.memref_squeeze %dma_wait3A_3127 : memref<1x1x1x8x128xf32, #tpu.memory_space<hbm>> -> memref<8x128xf32, #tpu.memory_space<hbm>>
        %dma_wait3A_3129 = arith.constant 0 : i32
        %dma_wait3A_3130 = arith.constant 0 : i32
        %dma_wait3A_3131 = tpu.memref_slice %arg4[%select_n3A_3097, %dma_wait3A_3120, %add3A_3118, %dma_wait3A_3129, %dma_wait3A_3130] : memref<50x8x128x8x128xf32, #tpu.memory_space<hbm>> -> memref<1x1x1x8x128xf32, #tpu.memory_space<hbm>>
        %dma_wait3A_3132 = tpu.memref_squeeze %dma_wait3A_3131 : memref<1x1x1x8x128xf32, #tpu.memory_space<hbm>> -> memref<8x128xf32, #tpu.memory_space<hbm>>
        %dma_wait3A_3133 = arith.constant 48 : i32
        %dma_wait3A_3134 = arith.constant 0 : i32
        %dma_wait3A_3135 = tpu.memref_slice %arg8[%select_n3A_1099, %dma_wait3A_3119, %dma_wait3A_3133, %dma_wait3A_3134] : memref<2x2x64x129xf32, #tpu.memory_space<vmem>> -> memref<1x1x8x128xf32, #tpu.memory_space<vmem>>
        %dma_wait3A_3136 = tpu.memref_squeeze %dma_wait3A_3135 : memref<1x1x8x128xf32, #tpu.memory_space<vmem>> -> memref<8x128xf32, #tpu.memory_space<vmem>>
        tpu.wait_dma2 semaphore(%arg11 : memref<!tpu.dma_semaphore, #tpu.memory_space<semaphore_mem>>) src(%dma_wait3A_3136 : memref<8x128xf32, #tpu.memory_space<vmem>>) dst(%dma_wait3A_3132 : memref<8x128xf32, #tpu.memory_space<hbm>>)
        %jit3A_3137 = arith.constant 2 : i32
        %div3A_3138 = arith.divsi %scan3A_1090, %jit3A_3137 : i32
        %sign3A_3139 = arith.constant 0 : i32
        %sign3A_3140 = arith.cmpi sgt, %scan3A_1090, %sign3A_3139 : i32
        %sign3A_3141 = arith.extui %sign3A_3140 : i1 to i32
        %sign3A_3142 = arith.constant 0 : i32
        %sign3A_3143 = arith.cmpi slt, %scan3A_1090, %sign3A_3142 : i32
        %sign3A_3144 = arith.extui %sign3A_3143 : i1 to i32
        %sign3A_3145 = arith.subi %sign3A_3141, %sign3A_3144 : i32
        %sign3A_3146 = arith.constant 0 : i32
        %sign3A_3147 = arith.cmpi sgt, %jit3A_3137, %sign3A_3146 : i32
        %sign3A_3148 = arith.extui %sign3A_3147 : i1 to i32
        %sign3A_3149 = arith.constant 0 : i32
        %sign3A_3150 = arith.cmpi slt, %jit3A_3137, %sign3A_3149 : i32
        %sign3A_3151 = arith.extui %sign3A_3150 : i1 to i32
        %sign3A_3152 = arith.subi %sign3A_3148, %sign3A_3151 : i32
        %ne3A_3153 = arith.cmpi ne, %sign3A_3145, %sign3A_3152 : i32
        %rem3A_3154 = arith.remsi %scan3A_1090, %jit3A_3137 : i32
        %ne3A_3155 = arith.constant 0 : i32
        %ne3A_3156 = arith.cmpi ne, %rem3A_3154, %ne3A_3155 : i32
        %and3A_3157 = arith.andi %ne3A_3153, %ne3A_3156 : i1
        %sub3A_3158 = arith.constant 1 : i32
        %sub3A_3159 = arith.subi %div3A_3138, %sub3A_3158 : i32
        %select_n3A_3160 = arith.select %and3A_3157, %sub3A_3159, %div3A_3138 : i32
        %jit3A_3161 = arith.constant 2 : i32
        %eq3A_3162 = arith.constant 0 : i32
        %eq3A_3163 = arith.cmpi eq, %jit3A_3161, %eq3A_3162 : i32
        %jit3A_3164 = arith.constant 1 : i32
        %select_n3A_3165 = arith.select %eq3A_3163, %jit3A_3164, %jit3A_3161 : i32
        %rem3A_3166 = arith.remsi %scan3A_1090, %select_n3A_3165 : i32
        %ne3A_3167 = arith.constant 0 : i32
        %ne3A_3168 = arith.cmpi ne, %rem3A_3166, %ne3A_3167 : i32
        %lt3A_3169 = arith.constant 0 : i32
        %lt3A_3170 = arith.cmpi slt, %rem3A_3166, %lt3A_3169 : i32
        %lt3A_3171 = arith.constant 0 : i32
        %lt3A_3172 = arith.cmpi slt, %select_n3A_3165, %lt3A_3171 : i32
        %ne3A_3173 = arith.xori %lt3A_3170, %lt3A_3172 : i1
        %and3A_3174 = arith.andi %ne3A_3173, %ne3A_3168 : i1
        %add3A_3175 = arith.addi %rem3A_3166, %select_n3A_3165 : i32
        %select_n3A_3176 = arith.select %and3A_3174, %add3A_3175, %rem3A_3166 : i32
        %mul3A_3177 = arith.constant 2 : i32
        %mul3A_3178 = arith.muli %select_n3A_3176, %mul3A_3177 : i32
        %add3A_3179 = arith.addi %mul3A_2, %mul3A_3178 : i32
        %add3A_3180 = arith.constant 1 : i32
        %add3A_3181 = arith.addi %add3A_3179, %add3A_3180 : i32
        %dma_wait3A_3182 = arith.constant 1 : i32
        %dma_wait3A_3183 = arith.constant 7 : i32
        %dma_wait3A_3184 = arith.constant 56 : i32
        %dma_wait3A_3185 = arith.constant 0 : i32
        %dma_wait3A_3186 = tpu.memref_slice %arg8[%select_n3A_1099, %dma_wait3A_3182, %dma_wait3A_3184, %dma_wait3A_3185] : memref<2x2x64x129xf32, #tpu.memory_space<vmem>> -> memref<1x1x8x128xf32, #tpu.memory_space<vmem>>
        %dma_wait3A_3187 = tpu.memref_squeeze %dma_wait3A_3186 : memref<1x1x8x128xf32, #tpu.memory_space<vmem>> -> memref<8x128xf32, #tpu.memory_space<vmem>>
        %dma_wait3A_3188 = arith.constant 0 : i32
        %dma_wait3A_3189 = arith.constant 0 : i32
        %dma_wait3A_3190 = tpu.memref_slice %arg4[%select_n3A_3160, %dma_wait3A_3183, %add3A_3181, %dma_wait3A_3188, %dma_wait3A_3189] : memref<50x8x128x8x128xf32, #tpu.memory_space<hbm>> -> memref<1x1x1x8x128xf32, #tpu.memory_space<hbm>>
        %dma_wait3A_3191 = tpu.memref_squeeze %dma_wait3A_3190 : memref<1x1x1x8x128xf32, #tpu.memory_space<hbm>> -> memref<8x128xf32, #tpu.memory_space<hbm>>
        %dma_wait3A_3192 = arith.constant 0 : i32
        %dma_wait3A_3193 = arith.constant 0 : i32
        %dma_wait3A_3194 = tpu.memref_slice %arg4[%select_n3A_3160, %dma_wait3A_3183, %add3A_3181, %dma_wait3A_3192, %dma_wait3A_3193] : memref<50x8x128x8x128xf32, #tpu.memory_space<hbm>> -> memref<1x1x1x8x128xf32, #tpu.memory_space<hbm>>
        %dma_wait3A_3195 = tpu.memref_squeeze %dma_wait3A_3194 : memref<1x1x1x8x128xf32, #tpu.memory_space<hbm>> -> memref<8x128xf32, #tpu.memory_space<hbm>>
        %dma_wait3A_3196 = arith.constant 56 : i32
        %dma_wait3A_3197 = arith.constant 0 : i32
        %dma_wait3A_3198 = tpu.memref_slice %arg8[%select_n3A_1099, %dma_wait3A_3182, %dma_wait3A_3196, %dma_wait3A_3197] : memref<2x2x64x129xf32, #tpu.memory_space<vmem>> -> memref<1x1x8x128xf32, #tpu.memory_space<vmem>>
        %dma_wait3A_3199 = tpu.memref_squeeze %dma_wait3A_3198 : memref<1x1x8x128xf32, #tpu.memory_space<vmem>> -> memref<8x128xf32, #tpu.memory_space<vmem>>
        tpu.wait_dma2 semaphore(%arg11 : memref<!tpu.dma_semaphore, #tpu.memory_space<semaphore_mem>>) src(%dma_wait3A_3199 : memref<8x128xf32, #tpu.memory_space<vmem>>) dst(%dma_wait3A_3195 : memref<8x128xf32, #tpu.memory_space<hbm>>)
      } else {
      }
      %add3A_1156 = arith.constant 0 : i32
      %add3A_1157 = vector.broadcast %add3A_1156 : i32 to vector<16xi32>
      %add3A_1158 = arith.addi %add3A_1157, %iota3A : vector<16xi32>
      %add3A_1159 = arith.constant 16 : i32
      %add3A_1160 = vector.broadcast %add3A_1159 : i32 to vector<16xi32>
      %add3A_1161 = arith.addi %add3A_1160, %iota3A : vector<16xi32>
      %add3A_1162 = arith.constant 32 : i32
      %add3A_1163 = vector.broadcast %add3A_1162 : i32 to vector<16xi32>
      %add3A_1164 = arith.addi %add3A_1163, %iota3A : vector<16xi32>
      %add3A_1165 = arith.constant 48 : i32
      %add3A_1166 = vector.broadcast %add3A_1165 : i32 to vector<16xi32>
      %add3A_1167 = arith.addi %add3A_1166, %iota3A : vector<16xi32>
      %parallel_loop3A = arith.constant 0 : i32
      %parallel_loop3A_1168 = arith.constant 128 : i32
      %parallel_loop3A_1169 = arith.constant 1 : i32
      %parallel_loop3A_1170 = arith.constant 0 : i32
      scf.for %parallel_loop3A_2192 = %parallel_loop3A to %parallel_loop3A_1168 step %parallel_loop3A_1169  : i32 {
        %parallel_loop3A_2193 = vector.broadcast %parallel_loop3A_2192 : i32 to vector<16xi32>
        %parallel_loop3A_2194 = arith.constant 0 : i32
        %parallel_loop3A_2195 = arith.addi %parallel_loop3A_2194, %parallel_loop3A_2192 : i32
        %parallel_loop3A_2196 = arith.index_cast %select_n3A_1099 : i32 to index
        %parallel_loop3A_2197 = arith.index_cast %parallel_loop3A_2195 : i32 to index
        %parallel_loop3A_2198 = arith.constant 0 : index
        %parallel_loop3A_2199 = tpu.vector_load %arg7[%parallel_loop3A_2196, %parallel_loop3A_2197, %parallel_loop3A_2198] {strides = array<i32>} : memref<2x256x64xf32, #tpu.memory_space<vmem>>, vector<16xf32>,
        %parallel_loop3A_2200 = arith.constant 0 : i32
        %parallel_loop3A_2201 = arith.constant 0 : i32
        %parallel_loop3A_2202 = tpu.memref_slice %arg8[%select_n3A_1099, %parallel_loop3A_1170, %parallel_loop3A_2200, %parallel_loop3A_2201] : memref<2x2x64x129xf32, #tpu.memory_space<vmem>> -> memref<1x1x64x129xf32, #tpu.memory_space<vmem>>
        %parallel_loop3A_2203 = tpu.memref_squeeze %parallel_loop3A_2202 : memref<1x1x64x129xf32, #tpu.memory_space<vmem>> -> memref<64x129xf32, #tpu.memory_space<vmem>>
        tpu.vector_store_idx %parallel_loop3A_2203[%add3A_1158, %parallel_loop3A_2193], %parallel_loop3A_2199 : memref<64x129xf32, #tpu.memory_space<vmem>>[vector<16xi32>, vector<16xi32>], vector<16xf32>,
        %parallel_loop3A_2204 = arith.constant 0 : i32
        %parallel_loop3A_2205 = arith.addi %parallel_loop3A_2204, %parallel_loop3A_2192 : i32
        %parallel_loop3A_2206 = arith.index_cast %select_n3A_1099 : i32 to index
        %parallel_loop3A_2207 = arith.index_cast %parallel_loop3A_2205 : i32 to index
        %parallel_loop3A_2208 = arith.constant 16 : index
        %parallel_loop3A_2209 = tpu.vector_load %arg7[%parallel_loop3A_2206, %parallel_loop3A_2207, %parallel_loop3A_2208] {strides = array<i32>} : memref<2x256x64xf32, #tpu.memory_space<vmem>>, vector<16xf32>,
        %parallel_loop3A_2210 = arith.constant 0 : i32
        %parallel_loop3A_2211 = arith.constant 0 : i32
        %parallel_loop3A_2212 = tpu.memref_slice %arg8[%select_n3A_1099, %parallel_loop3A_1170, %parallel_loop3A_2210, %parallel_loop3A_2211] : memref<2x2x64x129xf32, #tpu.memory_space<vmem>> -> memref<1x1x64x129xf32, #tpu.memory_space<vmem>>
        %parallel_loop3A_2213 = tpu.memref_squeeze %parallel_loop3A_2212 : memref<1x1x64x129xf32, #tpu.memory_space<vmem>> -> memref<64x129xf32, #tpu.memory_space<vmem>>
        tpu.vector_store_idx %parallel_loop3A_2213[%add3A_1161, %parallel_loop3A_2193], %parallel_loop3A_2209 : memref<64x129xf32, #tpu.memory_space<vmem>>[vector<16xi32>, vector<16xi32>], vector<16xf32>,
        %parallel_loop3A_2214 = arith.constant 0 : i32
        %parallel_loop3A_2215 = arith.addi %parallel_loop3A_2214, %parallel_loop3A_2192 : i32
        %parallel_loop3A_2216 = arith.index_cast %select_n3A_1099 : i32 to index
        %parallel_loop3A_2217 = arith.index_cast %parallel_loop3A_2215 : i32 to index
        %parallel_loop3A_2218 = arith.constant 32 : index
        %parallel_loop3A_2219 = tpu.vector_load %arg7[%parallel_loop3A_2216, %parallel_loop3A_2217, %parallel_loop3A_2218] {strides = array<i32>} : memref<2x256x64xf32, #tpu.memory_space<vmem>>, vector<16xf32>,
        %parallel_loop3A_2220 = arith.constant 0 : i32
        %parallel_loop3A_2221 = arith.constant 0 : i32
        %parallel_loop3A_2222 = tpu.memref_slice %arg8[%select_n3A_1099, %parallel_loop3A_1170, %parallel_loop3A_2220, %parallel_loop3A_2221] : memref<2x2x64x129xf32, #tpu.memory_space<vmem>> -> memref<1x1x64x129xf32, #tpu.memory_space<vmem>>
        %parallel_loop3A_2223 = tpu.memref_squeeze %parallel_loop3A_2222 : memref<1x1x64x129xf32, #tpu.memory_space<vmem>> -> memref<64x129xf32, #tpu.memory_space<vmem>>
        tpu.vector_store_idx %parallel_loop3A_2223[%add3A_1164, %parallel_loop3A_2193], %parallel_loop3A_2219 : memref<64x129xf32, #tpu.memory_space<vmem>>[vector<16xi32>, vector<16xi32>], vector<16xf32>,
        %parallel_loop3A_2224 = arith.constant 0 : i32
        %parallel_loop3A_2225 = arith.addi %parallel_loop3A_2224, %parallel_loop3A_2192 : i32
        %parallel_loop3A_2226 = arith.index_cast %select_n3A_1099 : i32 to index
        %parallel_loop3A_2227 = arith.index_cast %parallel_loop3A_2225 : i32 to index
        %parallel_loop3A_2228 = arith.constant 48 : index
        %parallel_loop3A_2229 = tpu.vector_load %arg7[%parallel_loop3A_2226, %parallel_loop3A_2227, %parallel_loop3A_2228] {strides = array<i32>} : memref<2x256x64xf32, #tpu.memory_space<vmem>>, vector<16xf32>,
        %parallel_loop3A_2230 = arith.constant 0 : i32
        %parallel_loop3A_2231 = arith.constant 0 : i32
        %parallel_loop3A_2232 = tpu.memref_slice %arg8[%select_n3A_1099, %parallel_loop3A_1170, %parallel_loop3A_2230, %parallel_loop3A_2231] : memref<2x2x64x129xf32, #tpu.memory_space<vmem>> -> memref<1x1x64x129xf32, #tpu.memory_space<vmem>>
        %parallel_loop3A_2233 = tpu.memref_squeeze %parallel_loop3A_2232 : memref<1x1x64x129xf32, #tpu.memory_space<vmem>> -> memref<64x129xf32, #tpu.memory_space<vmem>>
        tpu.vector_store_idx %parallel_loop3A_2233[%add3A_1167, %parallel_loop3A_2193], %parallel_loop3A_2229 : memref<64x129xf32, #tpu.memory_space<vmem>>[vector<16xi32>, vector<16xi32>], vector<16xf32>,
      } {sc.loop_unroll_factor = 2 : i64, sc.parallel_access}
      %add3A_1171 = arith.constant 0 : i32
      %add3A_1172 = vector.broadcast %add3A_1171 : i32 to vector<16xi32>
      %add3A_1173 = arith.addi %add3A_1172, %iota3A : vector<16xi32>
      %add3A_1174 = arith.constant 16 : i32
      %add3A_1175 = vector.broadcast %add3A_1174 : i32 to vector<16xi32>
      %add3A_1176 = arith.addi %add3A_1175, %iota3A : vector<16xi32>
      %add3A_1177 = arith.constant 32 : i32
      %add3A_1178 = vector.broadcast %add3A_1177 : i32 to vector<16xi32>
      %add3A_1179 = arith.addi %add3A_1178, %iota3A : vector<16xi32>
      %add3A_1180 = arith.constant 48 : i32
      %add3A_1181 = vector.broadcast %add3A_1180 : i32 to vector<16xi32>
      %add3A_1182 = arith.addi %add3A_1181, %iota3A : vector<16xi32>
      %parallel_loop3A_1183 = arith.constant 0 : i32
      %parallel_loop3A_1184 = arith.constant 128 : i32
      %parallel_loop3A_1185 = arith.constant 1 : i32
      %parallel_loop3A_1186 = arith.constant 1 : i32
      scf.for %parallel_loop3A_2192 = %parallel_loop3A_1183 to %parallel_loop3A_1184 step %parallel_loop3A_1185  : i32 {
        %parallel_loop3A_2193 = vector.broadcast %parallel_loop3A_2192 : i32 to vector<16xi32>
        %parallel_loop3A_2194 = arith.constant 128 : i32
        %parallel_loop3A_2195 = arith.addi %parallel_loop3A_2194, %parallel_loop3A_2192 : i32
        %parallel_loop3A_2196 = arith.index_cast %select_n3A_1099 : i32 to index
        %parallel_loop3A_2197 = arith.index_cast %parallel_loop3A_2195 : i32 to index
        %parallel_loop3A_2198 = arith.constant 0 : index
        %parallel_loop3A_2199 = tpu.vector_load %arg7[%parallel_loop3A_2196, %parallel_loop3A_2197, %parallel_loop3A_2198] {strides = array<i32>} : memref<2x256x64xf32, #tpu.memory_space<vmem>>, vector<16xf32>,
        %parallel_loop3A_2200 = arith.constant 0 : i32
        %parallel_loop3A_2201 = arith.constant 0 : i32
        %parallel_loop3A_2202 = tpu.memref_slice %arg8[%select_n3A_1099, %parallel_loop3A_1186, %parallel_loop3A_2200, %parallel_loop3A_2201] : memref<2x2x64x129xf32, #tpu.memory_space<vmem>> -> memref<1x1x64x129xf32, #tpu.memory_space<vmem>>
        %parallel_loop3A_2203 = tpu.memref_squeeze %parallel_loop3A_2202 : memref<1x1x64x129xf32, #tpu.memory_space<vmem>> -> memref<64x129xf32, #tpu.memory_space<vmem>>
        tpu.vector_store_idx %parallel_loop3A_2203[%add3A_1173, %parallel_loop3A_2193], %parallel_loop3A_2199 : memref<64x129xf32, #tpu.memory_space<vmem>>[vector<16xi32>, vector<16xi32>], vector<16xf32>,
        %parallel_loop3A_2204 = arith.constant 128 : i32
        %parallel_loop3A_2205 = arith.addi %parallel_loop3A_2204, %parallel_loop3A_2192 : i32
        %parallel_loop3A_2206 = arith.index_cast %select_n3A_1099 : i32 to index
        %parallel_loop3A_2207 = arith.index_cast %parallel_loop3A_2205 : i32 to index
        %parallel_loop3A_2208 = arith.constant 16 : index
        %parallel_loop3A_2209 = tpu.vector_load %arg7[%parallel_loop3A_2206, %parallel_loop3A_2207, %parallel_loop3A_2208] {strides = array<i32>} : memref<2x256x64xf32, #tpu.memory_space<vmem>>, vector<16xf32>,
        %parallel_loop3A_2210 = arith.constant 0 : i32
        %parallel_loop3A_2211 = arith.constant 0 : i32
        %parallel_loop3A_2212 = tpu.memref_slice %arg8[%select_n3A_1099, %parallel_loop3A_1186, %parallel_loop3A_2210, %parallel_loop3A_2211] : memref<2x2x64x129xf32, #tpu.memory_space<vmem>> -> memref<1x1x64x129xf32, #tpu.memory_space<vmem>>
        %parallel_loop3A_2213 = tpu.memref_squeeze %parallel_loop3A_2212 : memref<1x1x64x129xf32, #tpu.memory_space<vmem>> -> memref<64x129xf32, #tpu.memory_space<vmem>>
        tpu.vector_store_idx %parallel_loop3A_2213[%add3A_1176, %parallel_loop3A_2193], %parallel_loop3A_2209 : memref<64x129xf32, #tpu.memory_space<vmem>>[vector<16xi32>, vector<16xi32>], vector<16xf32>,
        %parallel_loop3A_2214 = arith.constant 128 : i32
        %parallel_loop3A_2215 = arith.addi %parallel_loop3A_2214, %parallel_loop3A_2192 : i32
        %parallel_loop3A_2216 = arith.index_cast %select_n3A_1099 : i32 to index
        %parallel_loop3A_2217 = arith.index_cast %parallel_loop3A_2215 : i32 to index
        %parallel_loop3A_2218 = arith.constant 32 : index
        %parallel_loop3A_2219 = tpu.vector_load %arg7[%parallel_loop3A_2216, %parallel_loop3A_2217, %parallel_loop3A_2218] {strides = array<i32>} : memref<2x256x64xf32, #tpu.memory_space<vmem>>, vector<16xf32>,
        %parallel_loop3A_2220 = arith.constant 0 : i32
        %parallel_loop3A_2221 = arith.constant 0 : i32
        %parallel_loop3A_2222 = tpu.memref_slice %arg8[%select_n3A_1099, %parallel_loop3A_1186, %parallel_loop3A_2220, %parallel_loop3A_2221] : memref<2x2x64x129xf32, #tpu.memory_space<vmem>> -> memref<1x1x64x129xf32, #tpu.memory_space<vmem>>
        %parallel_loop3A_2223 = tpu.memref_squeeze %parallel_loop3A_2222 : memref<1x1x64x129xf32, #tpu.memory_space<vmem>> -> memref<64x129xf32, #tpu.memory_space<vmem>>
        tpu.vector_store_idx %parallel_loop3A_2223[%add3A_1179, %parallel_loop3A_2193], %parallel_loop3A_2219 : memref<64x129xf32, #tpu.memory_space<vmem>>[vector<16xi32>, vector<16xi32>], vector<16xf32>,
        %parallel_loop3A_2224 = arith.constant 128 : i32
        %parallel_loop3A_2225 = arith.addi %parallel_loop3A_2224, %parallel_loop3A_2192 : i32
        %parallel_loop3A_2226 = arith.index_cast %select_n3A_1099 : i32 to index
        %parallel_loop3A_2227 = arith.index_cast %parallel_loop3A_2225 : i32 to index
        %parallel_loop3A_2228 = arith.constant 48 : index
        %parallel_loop3A_2229 = tpu.vector_load %arg7[%parallel_loop3A_2226, %parallel_loop3A_2227, %parallel_loop3A_2228] {strides = array<i32>} : memref<2x256x64xf32, #tpu.memory_space<vmem>>, vector<16xf32>,
        %parallel_loop3A_2230 = arith.constant 0 : i32
        %parallel_loop3A_2231 = arith.constant 0 : i32
        %parallel_loop3A_2232 = tpu.memref_slice %arg8[%select_n3A_1099, %parallel_loop3A_1186, %parallel_loop3A_2230, %parallel_loop3A_2231] : memref<2x2x64x129xf32, #tpu.memory_space<vmem>> -> memref<1x1x64x129xf32, #tpu.memory_space<vmem>>
        %parallel_loop3A_2233 = tpu.memref_squeeze %parallel_loop3A_2232 : memref<1x1x64x129xf32, #tpu.memory_space<vmem>> -> memref<64x129xf32, #tpu.memory_space<vmem>>
        tpu.vector_store_idx %parallel_loop3A_2233[%add3A_1182, %parallel_loop3A_2193], %parallel_loop3A_2229 : memref<64x129xf32, #tpu.memory_space<vmem>>[vector<16xi32>, vector<16xi32>], vector<16xf32>,
      } {sc.loop_unroll_factor = 2 : i64, sc.parallel_access}
      %jit3A_1187 = arith.constant 2 : i32
      %div3A = arith.divsi %scan3A_1090, %jit3A_1187 : i32
      %sign3A = arith.constant 0 : i32
      %sign3A_1188 = arith.cmpi sgt, %scan3A_1090, %sign3A : i32
      %sign3A_1189 = arith.extui %sign3A_1188 : i1 to i32
      %sign3A_1190 = arith.constant 0 : i32
      %sign3A_1191 = arith.cmpi slt, %scan3A_1090, %sign3A_1190 : i32
      %sign3A_1192 = arith.extui %sign3A_1191 : i1 to i32
      %sign3A_1193 = arith.subi %sign3A_1189, %sign3A_1192 : i32
      %sign3A_1194 = arith.constant 0 : i32
      %sign3A_1195 = arith.cmpi sgt, %jit3A_1187, %sign3A_1194 : i32
      %sign3A_1196 = arith.extui %sign3A_1195 : i1 to i32
      %sign3A_1197 = arith.constant 0 : i32
      %sign3A_1198 = arith.cmpi slt, %jit3A_1187, %sign3A_1197 : i32
      %sign3A_1199 = arith.extui %sign3A_1198 : i1 to i32
      %sign3A_1200 = arith.subi %sign3A_1196, %sign3A_1199 : i32
      %ne3A_1201 = arith.cmpi ne, %sign3A_1193, %sign3A_1200 : i32
      %rem3A_1202 = arith.remsi %scan3A_1090, %jit3A_1187 : i32
      %ne3A_1203 = arith.constant 0 : i32
      %ne3A_1204 = arith.cmpi ne, %rem3A_1202, %ne3A_1203 : i32
      %and3A_1205 = arith.andi %ne3A_1201, %ne3A_1204 : i1
      %sub3A = arith.constant 1 : i32
      %sub3A_1206 = arith.subi %div3A, %sub3A : i32
      %select_n3A_1207 = arith.select %and3A_1205, %sub3A_1206, %div3A : i32
      %jit3A_1208 = arith.constant 2 : i32
      %eq3A_1209 = arith.constant 0 : i32
      %eq3A_1210 = arith.cmpi eq, %jit3A_1208, %eq3A_1209 : i32
      %jit3A_1211 = arith.constant 1 : i32
      %select_n3A_1212 = arith.select %eq3A_1210, %jit3A_1211, %jit3A_1208 : i32
      %rem3A_1213 = arith.remsi %scan3A_1090, %select_n3A_1212 : i32
      %ne3A_1214 = arith.constant 0 : i32
      %ne3A_1215 = arith.cmpi ne, %rem3A_1213, %ne3A_1214 : i32
      %lt3A_1216 = arith.constant 0 : i32
      %lt3A_1217 = arith.cmpi slt, %rem3A_1213, %lt3A_1216 : i32
      %lt3A_1218 = arith.constant 0 : i32
      %lt3A_1219 = arith.cmpi slt, %select_n3A_1212, %lt3A_1218 : i32
      %ne3A_1220 = arith.xori %lt3A_1217, %lt3A_1219 : i1
      %and3A_1221 = arith.andi %ne3A_1220, %ne3A_1215 : i1
      %add3A_1222 = arith.addi %rem3A_1213, %select_n3A_1212 : i32
      %select_n3A_1223 = arith.select %and3A_1221, %add3A_1222, %rem3A_1213 : i32
      %mul3A_1224 = arith.constant 2 : i32
      %mul3A_1225 = arith.muli %select_n3A_1223, %mul3A_1224 : i32
      %add3A_1226 = arith.addi %mul3A_2, %mul3A_1225 : i32
      %add3A_1227 = arith.constant 0 : i32
      %add3A_1228 = arith.addi %add3A_1226, %add3A_1227 : i32
      %dma_start3A_1229 = arith.constant 0 : i32
      %dma_start3A_1230 = arith.constant 0 : i32
      %dma_start3A_1231 = arith.constant 0 : i32
      %dma_start3A_1232 = arith.constant 0 : i32
      %dma_start3A_1233 = tpu.memref_slice %arg8[%select_n3A_1099, %dma_start3A_1229, %dma_start3A_1231, %dma_start3A_1232] : memref<2x2x64x129xf32, #tpu.memory_space<vmem>> -> memref<1x1x8x128xf32, #tpu.memory_space<vmem>>
      %dma_start3A_1234 = tpu.memref_squeeze %dma_start3A_1233 : memref<1x1x8x128xf32, #tpu.memory_space<vmem>> -> memref<8x128xf32, #tpu.memory_space<vmem>>
      %dma_start3A_1235 = arith.constant 0 : i32
      %dma_start3A_1236 = arith.constant 0 : i32
      %dma_start3A_1237 = tpu.memref_slice %arg4[%select_n3A_1207, %dma_start3A_1230, %add3A_1228, %dma_start3A_1235, %dma_start3A_1236] : memref<50x8x128x8x128xf32, #tpu.memory_space<hbm>> -> memref<1x1x1x8x128xf32, #tpu.memory_space<hbm>>
      %dma_start3A_1238 = tpu.memref_squeeze %dma_start3A_1237 : memref<1x1x1x8x128xf32, #tpu.memory_space<hbm>> -> memref<8x128xf32, #tpu.memory_space<hbm>>
      %dma_start3A_1239 = arith.constant 0 : i32
      %dma_start3A_1240 = arith.constant 0 : i32
      %dma_start3A_1241 = tpu.memref_slice %arg4[%select_n3A_1207, %dma_start3A_1230, %add3A_1228, %dma_start3A_1239, %dma_start3A_1240] : memref<50x8x128x8x128xf32, #tpu.memory_space<hbm>> -> memref<1x1x1x8x128xf32, #tpu.memory_space<hbm>>
      %dma_start3A_1242 = tpu.memref_squeeze %dma_start3A_1241 : memref<1x1x1x8x128xf32, #tpu.memory_space<hbm>> -> memref<8x128xf32, #tpu.memory_space<hbm>>
      %dma_start3A_1243 = arith.constant 0 : i32
      %dma_start3A_1244 = arith.constant 0 : i32
      %dma_start3A_1245 = tpu.memref_slice %arg8[%select_n3A_1099, %dma_start3A_1229, %dma_start3A_1243, %dma_start3A_1244] : memref<2x2x64x129xf32, #tpu.memory_space<vmem>> -> memref<1x1x8x128xf32, #tpu.memory_space<vmem>>
      %dma_start3A_1246 = tpu.memref_squeeze %dma_start3A_1245 : memref<1x1x8x128xf32, #tpu.memory_space<vmem>> -> memref<8x128xf32, #tpu.memory_space<vmem>>
      tpu.enqueue_dma source(%dma_start3A_1246 : memref<8x128xf32, #tpu.memory_space<vmem>>) target(%dma_start3A_1242 : memref<8x128xf32, #tpu.memory_space<hbm>>) target_semaphore(%arg11 : memref<!tpu.dma_semaphore, #tpu.memory_space<semaphore_mem>>)
      %jit3A_1247 = arith.constant 2 : i32
      %div3A_1248 = arith.divsi %scan3A_1090, %jit3A_1247 : i32
      %sign3A_1249 = arith.constant 0 : i32
      %sign3A_1250 = arith.cmpi sgt, %scan3A_1090, %sign3A_1249 : i32
      %sign3A_1251 = arith.extui %sign3A_1250 : i1 to i32
      %sign3A_1252 = arith.constant 0 : i32
      %sign3A_1253 = arith.cmpi slt, %scan3A_1090, %sign3A_1252 : i32
      %sign3A_1254 = arith.extui %sign3A_1253 : i1 to i32
      %sign3A_1255 = arith.subi %sign3A_1251, %sign3A_1254 : i32
      %sign3A_1256 = arith.constant 0 : i32
      %sign3A_1257 = arith.cmpi sgt, %jit3A_1247, %sign3A_1256 : i32
      %sign3A_1258 = arith.extui %sign3A_1257 : i1 to i32
      %sign3A_1259 = arith.constant 0 : i32
      %sign3A_1260 = arith.cmpi slt, %jit3A_1247, %sign3A_1259 : i32
      %sign3A_1261 = arith.extui %sign3A_1260 : i1 to i32
      %sign3A_1262 = arith.subi %sign3A_1258, %sign3A_1261 : i32
      %ne3A_1263 = arith.cmpi ne, %sign3A_1255, %sign3A_1262 : i32
      %rem3A_1264 = arith.remsi %scan3A_1090, %jit3A_1247 : i32
      %ne3A_1265 = arith.constant 0 : i32
      %ne3A_1266 = arith.cmpi ne, %rem3A_1264, %ne3A_1265 : i32
      %and3A_1267 = arith.andi %ne3A_1263, %ne3A_1266 : i1
      %sub3A_1268 = arith.constant 1 : i32
      %sub3A_1269 = arith.subi %div3A_1248, %sub3A_1268 : i32
      %select_n3A_1270 = arith.select %and3A_1267, %sub3A_1269, %div3A_1248 : i32
      %jit3A_1271 = arith.constant 2 : i32
      %eq3A_1272 = arith.constant 0 : i32
      %eq3A_1273 = arith.cmpi eq, %jit3A_1271, %eq3A_1272 : i32
      %jit3A_1274 = arith.constant 1 : i32
      %select_n3A_1275 = arith.select %eq3A_1273, %jit3A_1274, %jit3A_1271 : i32
      %rem3A_1276 = arith.remsi %scan3A_1090, %select_n3A_1275 : i32
      %ne3A_1277 = arith.constant 0 : i32
      %ne3A_1278 = arith.cmpi ne, %rem3A_1276, %ne3A_1277 : i32
      %lt3A_1279 = arith.constant 0 : i32
      %lt3A_1280 = arith.cmpi slt, %rem3A_1276, %lt3A_1279 : i32
      %lt3A_1281 = arith.constant 0 : i32
      %lt3A_1282 = arith.cmpi slt, %select_n3A_1275, %lt3A_1281 : i32
      %ne3A_1283 = arith.xori %lt3A_1280, %lt3A_1282 : i1
      %and3A_1284 = arith.andi %ne3A_1283, %ne3A_1278 : i1
      %add3A_1285 = arith.addi %rem3A_1276, %select_n3A_1275 : i32
      %select_n3A_1286 = arith.select %and3A_1284, %add3A_1285, %rem3A_1276 : i32
      %mul3A_1287 = arith.constant 2 : i32
      %mul3A_1288 = arith.muli %select_n3A_1286, %mul3A_1287 : i32
      %add3A_1289 = arith.addi %mul3A_2, %mul3A_1288 : i32
      %add3A_1290 = arith.constant 0 : i32
      %add3A_1291 = arith.addi %add3A_1289, %add3A_1290 : i32
      %dma_start3A_1292 = arith.constant 0 : i32
      %dma_start3A_1293 = arith.constant 1 : i32
      %dma_start3A_1294 = arith.constant 8 : i32
      %dma_start3A_1295 = arith.constant 0 : i32
      %dma_start3A_1296 = tpu.memref_slice %arg8[%select_n3A_1099, %dma_start3A_1292, %dma_start3A_1294, %dma_start3A_1295] : memref<2x2x64x129xf32, #tpu.memory_space<vmem>> -> memref<1x1x8x128xf32, #tpu.memory_space<vmem>>
      %dma_start3A_1297 = tpu.memref_squeeze %dma_start3A_1296 : memref<1x1x8x128xf32, #tpu.memory_space<vmem>> -> memref<8x128xf32, #tpu.memory_space<vmem>>
      %dma_start3A_1298 = arith.constant 0 : i32
      %dma_start3A_1299 = arith.constant 0 : i32
      %dma_start3A_1300 = tpu.memref_slice %arg4[%select_n3A_1270, %dma_start3A_1293, %add3A_1291, %dma_start3A_1298, %dma_start3A_1299] : memref<50x8x128x8x128xf32, #tpu.memory_space<hbm>> -> memref<1x1x1x8x128xf32, #tpu.memory_space<hbm>>
      %dma_start3A_1301 = tpu.memref_squeeze %dma_start3A_1300 : memref<1x1x1x8x128xf32, #tpu.memory_space<hbm>> -> memref<8x128xf32, #tpu.memory_space<hbm>>
      %dma_start3A_1302 = arith.constant 0 : i32
      %dma_start3A_1303 = arith.constant 0 : i32
      %dma_start3A_1304 = tpu.memref_slice %arg4[%select_n3A_1270, %dma_start3A_1293, %add3A_1291, %dma_start3A_1302, %dma_start3A_1303] : memref<50x8x128x8x128xf32, #tpu.memory_space<hbm>> -> memref<1x1x1x8x128xf32, #tpu.memory_space<hbm>>
      %dma_start3A_1305 = tpu.memref_squeeze %dma_start3A_1304 : memref<1x1x1x8x128xf32, #tpu.memory_space<hbm>> -> memref<8x128xf32, #tpu.memory_space<hbm>>
      %dma_start3A_1306 = arith.constant 8 : i32
      %dma_start3A_1307 = arith.constant 0 : i32
      %dma_start3A_1308 = tpu.memref_slice %arg8[%select_n3A_1099, %dma_start3A_1292, %dma_start3A_1306, %dma_start3A_1307] : memref<2x2x64x129xf32, #tpu.memory_space<vmem>> -> memref<1x1x8x128xf32, #tpu.memory_space<vmem>>
      %dma_start3A_1309 = tpu.memref_squeeze %dma_start3A_1308 : memref<1x1x8x128xf32, #tpu.memory_space<vmem>> -> memref<8x128xf32, #tpu.memory_space<vmem>>
      tpu.enqueue_dma source(%dma_start3A_1309 : memref<8x128xf32, #tpu.memory_space<vmem>>) target(%dma_start3A_1305 : memref<8x128xf32, #tpu.memory_space<hbm>>) target_semaphore(%arg11 : memref<!tpu.dma_semaphore, #tpu.memory_space<semaphore_mem>>)
      %jit3A_1310 = arith.constant 2 : i32
      %div3A_1311 = arith.divsi %scan3A_1090, %jit3A_1310 : i32
      %sign3A_1312 = arith.constant 0 : i32
      %sign3A_1313 = arith.cmpi sgt, %scan3A_1090, %sign3A_1312 : i32
      %sign3A_1314 = arith.extui %sign3A_1313 : i1 to i32
      %sign3A_1315 = arith.constant 0 : i32
      %sign3A_1316 = arith.cmpi slt, %scan3A_1090, %sign3A_1315 : i32
      %sign3A_1317 = arith.extui %sign3A_1316 : i1 to i32
      %sign3A_1318 = arith.subi %sign3A_1314, %sign3A_1317 : i32
      %sign3A_1319 = arith.constant 0 : i32
      %sign3A_1320 = arith.cmpi sgt, %jit3A_1310, %sign3A_1319 : i32
      %sign3A_1321 = arith.extui %sign3A_1320 : i1 to i32
      %sign3A_1322 = arith.constant 0 : i32
      %sign3A_1323 = arith.cmpi slt, %jit3A_1310, %sign3A_1322 : i32
      %sign3A_1324 = arith.extui %sign3A_1323 : i1 to i32
      %sign3A_1325 = arith.subi %sign3A_1321, %sign3A_1324 : i32
      %ne3A_1326 = arith.cmpi ne, %sign3A_1318, %sign3A_1325 : i32
      %rem3A_1327 = arith.remsi %scan3A_1090, %jit3A_1310 : i32
      %ne3A_1328 = arith.constant 0 : i32
      %ne3A_1329 = arith.cmpi ne, %rem3A_1327, %ne3A_1328 : i32
      %and3A_1330 = arith.andi %ne3A_1326, %ne3A_1329 : i1
      %sub3A_1331 = arith.constant 1 : i32
      %sub3A_1332 = arith.subi %div3A_1311, %sub3A_1331 : i32
      %select_n3A_1333 = arith.select %and3A_1330, %sub3A_1332, %div3A_1311 : i32
      %jit3A_1334 = arith.constant 2 : i32
      %eq3A_1335 = arith.constant 0 : i32
      %eq3A_1336 = arith.cmpi eq, %jit3A_1334, %eq3A_1335 : i32
      %jit3A_1337 = arith.constant 1 : i32
      %select_n3A_1338 = arith.select %eq3A_1336, %jit3A_1337, %jit3A_1334 : i32
      %rem3A_1339 = arith.remsi %scan3A_1090, %select_n3A_1338 : i32
      %ne3A_1340 = arith.constant 0 : i32
      %ne3A_1341 = arith.cmpi ne, %rem3A_1339, %ne3A_1340 : i32
      %lt3A_1342 = arith.constant 0 : i32
      %lt3A_1343 = arith.cmpi slt, %rem3A_1339, %lt3A_1342 : i32
      %lt3A_1344 = arith.constant 0 : i32
      %lt3A_1345 = arith.cmpi slt, %select_n3A_1338, %lt3A_1344 : i32
      %ne3A_1346 = arith.xori %lt3A_1343, %lt3A_1345 : i1
      %and3A_1347 = arith.andi %ne3A_1346, %ne3A_1341 : i1
      %add3A_1348 = arith.addi %rem3A_1339, %select_n3A_1338 : i32
      %select_n3A_1349 = arith.select %and3A_1347, %add3A_1348, %rem3A_1339 : i32
      %mul3A_1350 = arith.constant 2 : i32
      %mul3A_1351 = arith.muli %select_n3A_1349, %mul3A_1350 : i32
      %add3A_1352 = arith.addi %mul3A_2, %mul3A_1351 : i32
      %add3A_1353 = arith.constant 0 : i32
      %add3A_1354 = arith.addi %add3A_1352, %add3A_1353 : i32
      %dma_start3A_1355 = arith.constant 0 : i32
      %dma_start3A_1356 = arith.constant 2 : i32
      %dma_start3A_1357 = arith.constant 16 : i32
      %dma_start3A_1358 = arith.constant 0 : i32
      %dma_start3A_1359 = tpu.memref_slice %arg8[%select_n3A_1099, %dma_start3A_1355, %dma_start3A_1357, %dma_start3A_1358] : memref<2x2x64x129xf32, #tpu.memory_space<vmem>> -> memref<1x1x8x128xf32, #tpu.memory_space<vmem>>
      %dma_start3A_1360 = tpu.memref_squeeze %dma_start3A_1359 : memref<1x1x8x128xf32, #tpu.memory_space<vmem>> -> memref<8x128xf32, #tpu.memory_space<vmem>>
      %dma_start3A_1361 = arith.constant 0 : i32
      %dma_start3A_1362 = arith.constant 0 : i32
      %dma_start3A_1363 = tpu.memref_slice %arg4[%select_n3A_1333, %dma_start3A_1356, %add3A_1354, %dma_start3A_1361, %dma_start3A_1362] : memref<50x8x128x8x128xf32, #tpu.memory_space<hbm>> -> memref<1x1x1x8x128xf32, #tpu.memory_space<hbm>>
      %dma_start3A_1364 = tpu.memref_squeeze %dma_start3A_1363 : memref<1x1x1x8x128xf32, #tpu.memory_space<hbm>> -> memref<8x128xf32, #tpu.memory_space<hbm>>
      %dma_start3A_1365 = arith.constant 0 : i32
      %dma_start3A_1366 = arith.constant 0 : i32
      %dma_start3A_1367 = tpu.memref_slice %arg4[%select_n3A_1333, %dma_start3A_1356, %add3A_1354, %dma_start3A_1365, %dma_start3A_1366] : memref<50x8x128x8x128xf32, #tpu.memory_space<hbm>> -> memref<1x1x1x8x128xf32, #tpu.memory_space<hbm>>
      %dma_start3A_1368 = tpu.memref_squeeze %dma_start3A_1367 : memref<1x1x1x8x128xf32, #tpu.memory_space<hbm>> -> memref<8x128xf32, #tpu.memory_space<hbm>>
      %dma_start3A_1369 = arith.constant 16 : i32
      %dma_start3A_1370 = arith.constant 0 : i32
      %dma_start3A_1371 = tpu.memref_slice %arg8[%select_n3A_1099, %dma_start3A_1355, %dma_start3A_1369, %dma_start3A_1370] : memref<2x2x64x129xf32, #tpu.memory_space<vmem>> -> memref<1x1x8x128xf32, #tpu.memory_space<vmem>>
      %dma_start3A_1372 = tpu.memref_squeeze %dma_start3A_1371 : memref<1x1x8x128xf32, #tpu.memory_space<vmem>> -> memref<8x128xf32, #tpu.memory_space<vmem>>
      tpu.enqueue_dma source(%dma_start3A_1372 : memref<8x128xf32, #tpu.memory_space<vmem>>) target(%dma_start3A_1368 : memref<8x128xf32, #tpu.memory_space<hbm>>) target_semaphore(%arg11 : memref<!tpu.dma_semaphore, #tpu.memory_space<semaphore_mem>>)
      %jit3A_1373 = arith.constant 2 : i32
      %div3A_1374 = arith.divsi %scan3A_1090, %jit3A_1373 : i32
      %sign3A_1375 = arith.constant 0 : i32
      %sign3A_1376 = arith.cmpi sgt, %scan3A_1090, %sign3A_1375 : i32
      %sign3A_1377 = arith.extui %sign3A_1376 : i1 to i32
      %sign3A_1378 = arith.constant 0 : i32
      %sign3A_1379 = arith.cmpi slt, %scan3A_1090, %sign3A_1378 : i32
      %sign3A_1380 = arith.extui %sign3A_1379 : i1 to i32
      %sign3A_1381 = arith.subi %sign3A_1377, %sign3A_1380 : i32
      %sign3A_1382 = arith.constant 0 : i32
      %sign3A_1383 = arith.cmpi sgt, %jit3A_1373, %sign3A_1382 : i32
      %sign3A_1384 = arith.extui %sign3A_1383 : i1 to i32
      %sign3A_1385 = arith.constant 0 : i32
      %sign3A_1386 = arith.cmpi slt, %jit3A_1373, %sign3A_1385 : i32
      %sign3A_1387 = arith.extui %sign3A_1386 : i1 to i32
      %sign3A_1388 = arith.subi %sign3A_1384, %sign3A_1387 : i32
      %ne3A_1389 = arith.cmpi ne, %sign3A_1381, %sign3A_1388 : i32
      %rem3A_1390 = arith.remsi %scan3A_1090, %jit3A_1373 : i32
      %ne3A_1391 = arith.constant 0 : i32
      %ne3A_1392 = arith.cmpi ne, %rem3A_1390, %ne3A_1391 : i32
      %and3A_1393 = arith.andi %ne3A_1389, %ne3A_1392 : i1
      %sub3A_1394 = arith.constant 1 : i32
      %sub3A_1395 = arith.subi %div3A_1374, %sub3A_1394 : i32
      %select_n3A_1396 = arith.select %and3A_1393, %sub3A_1395, %div3A_1374 : i32
      %jit3A_1397 = arith.constant 2 : i32
      %eq3A_1398 = arith.constant 0 : i32
      %eq3A_1399 = arith.cmpi eq, %jit3A_1397, %eq3A_1398 : i32
      %jit3A_1400 = arith.constant 1 : i32
      %select_n3A_1401 = arith.select %eq3A_1399, %jit3A_1400, %jit3A_1397 : i32
      %rem3A_1402 = arith.remsi %scan3A_1090, %select_n3A_1401 : i32
      %ne3A_1403 = arith.constant 0 : i32
      %ne3A_1404 = arith.cmpi ne, %rem3A_1402, %ne3A_1403 : i32
      %lt3A_1405 = arith.constant 0 : i32
      %lt3A_1406 = arith.cmpi slt, %rem3A_1402, %lt3A_1405 : i32
      %lt3A_1407 = arith.constant 0 : i32
      %lt3A_1408 = arith.cmpi slt, %select_n3A_1401, %lt3A_1407 : i32
      %ne3A_1409 = arith.xori %lt3A_1406, %lt3A_1408 : i1
      %and3A_1410 = arith.andi %ne3A_1409, %ne3A_1404 : i1
      %add3A_1411 = arith.addi %rem3A_1402, %select_n3A_1401 : i32
      %select_n3A_1412 = arith.select %and3A_1410, %add3A_1411, %rem3A_1402 : i32
      %mul3A_1413 = arith.constant 2 : i32
      %mul3A_1414 = arith.muli %select_n3A_1412, %mul3A_1413 : i32
      %add3A_1415 = arith.addi %mul3A_2, %mul3A_1414 : i32
      %add3A_1416 = arith.constant 0 : i32
      %add3A_1417 = arith.addi %add3A_1415, %add3A_1416 : i32
      %dma_start3A_1418 = arith.constant 0 : i32
      %dma_start3A_1419 = arith.constant 3 : i32
      %dma_start3A_1420 = arith.constant 24 : i32
      %dma_start3A_1421 = arith.constant 0 : i32
      %dma_start3A_1422 = tpu.memref_slice %arg8[%select_n3A_1099, %dma_start3A_1418, %dma_start3A_1420, %dma_start3A_1421] : memref<2x2x64x129xf32, #tpu.memory_space<vmem>> -> memref<1x1x8x128xf32, #tpu.memory_space<vmem>>
      %dma_start3A_1423 = tpu.memref_squeeze %dma_start3A_1422 : memref<1x1x8x128xf32, #tpu.memory_space<vmem>> -> memref<8x128xf32, #tpu.memory_space<vmem>>
      %dma_start3A_1424 = arith.constant 0 : i32
      %dma_start3A_1425 = arith.constant 0 : i32
      %dma_start3A_1426 = tpu.memref_slice %arg4[%select_n3A_1396, %dma_start3A_1419, %add3A_1417, %dma_start3A_1424, %dma_start3A_1425] : memref<50x8x128x8x128xf32, #tpu.memory_space<hbm>> -> memref<1x1x1x8x128xf32, #tpu.memory_space<hbm>>
      %dma_start3A_1427 = tpu.memref_squeeze %dma_start3A_1426 : memref<1x1x1x8x128xf32, #tpu.memory_space<hbm>> -> memref<8x128xf32, #tpu.memory_space<hbm>>
      %dma_start3A_1428 = arith.constant 0 : i32
      %dma_start3A_1429 = arith.constant 0 : i32
      %dma_start3A_1430 = tpu.memref_slice %arg4[%select_n3A_1396, %dma_start3A_1419, %add3A_1417, %dma_start3A_1428, %dma_start3A_1429] : memref<50x8x128x8x128xf32, #tpu.memory_space<hbm>> -> memref<1x1x1x8x128xf32, #tpu.memory_space<hbm>>
      %dma_start3A_1431 = tpu.memref_squeeze %dma_start3A_1430 : memref<1x1x1x8x128xf32, #tpu.memory_space<hbm>> -> memref<8x128xf32, #tpu.memory_space<hbm>>
      %dma_start3A_1432 = arith.constant 24 : i32
      %dma_start3A_1433 = arith.constant 0 : i32
      %dma_start3A_1434 = tpu.memref_slice %arg8[%select_n3A_1099, %dma_start3A_1418, %dma_start3A_1432, %dma_start3A_1433] : memref<2x2x64x129xf32, #tpu.memory_space<vmem>> -> memref<1x1x8x128xf32, #tpu.memory_space<vmem>>
      %dma_start3A_1435 = tpu.memref_squeeze %dma_start3A_1434 : memref<1x1x8x128xf32, #tpu.memory_space<vmem>> -> memref<8x128xf32, #tpu.memory_space<vmem>>
      tpu.enqueue_dma source(%dma_start3A_1435 : memref<8x128xf32, #tpu.memory_space<vmem>>) target(%dma_start3A_1431 : memref<8x128xf32, #tpu.memory_space<hbm>>) target_semaphore(%arg11 : memref<!tpu.dma_semaphore, #tpu.memory_space<semaphore_mem>>)
      %jit3A_1436 = arith.constant 2 : i32
      %div3A_1437 = arith.divsi %scan3A_1090, %jit3A_1436 : i32
      %sign3A_1438 = arith.constant 0 : i32
      %sign3A_1439 = arith.cmpi sgt, %scan3A_1090, %sign3A_1438 : i32
      %sign3A_1440 = arith.extui %sign3A_1439 : i1 to i32
      %sign3A_1441 = arith.constant 0 : i32
      %sign3A_1442 = arith.cmpi slt, %scan3A_1090, %sign3A_1441 : i32
      %sign3A_1443 = arith.extui %sign3A_1442 : i1 to i32
      %sign3A_1444 = arith.subi %sign3A_1440, %sign3A_1443 : i32
      %sign3A_1445 = arith.constant 0 : i32
      %sign3A_1446 = arith.cmpi sgt, %jit3A_1436, %sign3A_1445 : i32
      %sign3A_1447 = arith.extui %sign3A_1446 : i1 to i32
      %sign3A_1448 = arith.constant 0 : i32
      %sign3A_1449 = arith.cmpi slt, %jit3A_1436, %sign3A_1448 : i32
      %sign3A_1450 = arith.extui %sign3A_1449 : i1 to i32
      %sign3A_1451 = arith.subi %sign3A_1447, %sign3A_1450 : i32
      %ne3A_1452 = arith.cmpi ne, %sign3A_1444, %sign3A_1451 : i32
      %rem3A_1453 = arith.remsi %scan3A_1090, %jit3A_1436 : i32
      %ne3A_1454 = arith.constant 0 : i32
      %ne3A_1455 = arith.cmpi ne, %rem3A_1453, %ne3A_1454 : i32
      %and3A_1456 = arith.andi %ne3A_1452, %ne3A_1455 : i1
      %sub3A_1457 = arith.constant 1 : i32
      %sub3A_1458 = arith.subi %div3A_1437, %sub3A_1457 : i32
      %select_n3A_1459 = arith.select %and3A_1456, %sub3A_1458, %div3A_1437 : i32
      %jit3A_1460 = arith.constant 2 : i32
      %eq3A_1461 = arith.constant 0 : i32
      %eq3A_1462 = arith.cmpi eq, %jit3A_1460, %eq3A_1461 : i32
      %jit3A_1463 = arith.constant 1 : i32
      %select_n3A_1464 = arith.select %eq3A_1462, %jit3A_1463, %jit3A_1460 : i32
      %rem3A_1465 = arith.remsi %scan3A_1090, %select_n3A_1464 : i32
      %ne3A_1466 = arith.constant 0 : i32
      %ne3A_1467 = arith.cmpi ne, %rem3A_1465, %ne3A_1466 : i32
      %lt3A_1468 = arith.constant 0 : i32
      %lt3A_1469 = arith.cmpi slt, %rem3A_1465, %lt3A_1468 : i32
      %lt3A_1470 = arith.constant 0 : i32
      %lt3A_1471 = arith.cmpi slt, %select_n3A_1464, %lt3A_1470 : i32
      %ne3A_1472 = arith.xori %lt3A_1469, %lt3A_1471 : i1
      %and3A_1473 = arith.andi %ne3A_1472, %ne3A_1467 : i1
      %add3A_1474 = arith.addi %rem3A_1465, %select_n3A_1464 : i32
      %select_n3A_1475 = arith.select %and3A_1473, %add3A_1474, %rem3A_1465 : i32
      %mul3A_1476 = arith.constant 2 : i32
      %mul3A_1477 = arith.muli %select_n3A_1475, %mul3A_1476 : i32
      %add3A_1478 = arith.addi %mul3A_2, %mul3A_1477 : i32
      %add3A_1479 = arith.constant 0 : i32
      %add3A_1480 = arith.addi %add3A_1478, %add3A_1479 : i32
      %dma_start3A_1481 = arith.constant 0 : i32
      %dma_start3A_1482 = arith.constant 4 : i32
      %dma_start3A_1483 = arith.constant 32 : i32
      %dma_start3A_1484 = arith.constant 0 : i32
      %dma_start3A_1485 = tpu.memref_slice %arg8[%select_n3A_1099, %dma_start3A_1481, %dma_start3A_1483, %dma_start3A_1484] : memref<2x2x64x129xf32, #tpu.memory_space<vmem>> -> memref<1x1x8x128xf32, #tpu.memory_space<vmem>>
      %dma_start3A_1486 = tpu.memref_squeeze %dma_start3A_1485 : memref<1x1x8x128xf32, #tpu.memory_space<vmem>> -> memref<8x128xf32, #tpu.memory_space<vmem>>
      %dma_start3A_1487 = arith.constant 0 : i32
      %dma_start3A_1488 = arith.constant 0 : i32
      %dma_start3A_1489 = tpu.memref_slice %arg4[%select_n3A_1459, %dma_start3A_1482, %add3A_1480, %dma_start3A_1487, %dma_start3A_1488] : memref<50x8x128x8x128xf32, #tpu.memory_space<hbm>> -> memref<1x1x1x8x128xf32, #tpu.memory_space<hbm>>
      %dma_start3A_1490 = tpu.memref_squeeze %dma_start3A_1489 : memref<1x1x1x8x128xf32, #tpu.memory_space<hbm>> -> memref<8x128xf32, #tpu.memory_space<hbm>>
      %dma_start3A_1491 = arith.constant 0 : i32
      %dma_start3A_1492 = arith.constant 0 : i32
      %dma_start3A_1493 = tpu.memref_slice %arg4[%select_n3A_1459, %dma_start3A_1482, %add3A_1480, %dma_start3A_1491, %dma_start3A_1492] : memref<50x8x128x8x128xf32, #tpu.memory_space<hbm>> -> memref<1x1x1x8x128xf32, #tpu.memory_space<hbm>>
      %dma_start3A_1494 = tpu.memref_squeeze %dma_start3A_1493 : memref<1x1x1x8x128xf32, #tpu.memory_space<hbm>> -> memref<8x128xf32, #tpu.memory_space<hbm>>
      %dma_start3A_1495 = arith.constant 32 : i32
      %dma_start3A_1496 = arith.constant 0 : i32
      %dma_start3A_1497 = tpu.memref_slice %arg8[%select_n3A_1099, %dma_start3A_1481, %dma_start3A_1495, %dma_start3A_1496] : memref<2x2x64x129xf32, #tpu.memory_space<vmem>> -> memref<1x1x8x128xf32, #tpu.memory_space<vmem>>
      %dma_start3A_1498 = tpu.memref_squeeze %dma_start3A_1497 : memref<1x1x8x128xf32, #tpu.memory_space<vmem>> -> memref<8x128xf32, #tpu.memory_space<vmem>>
      tpu.enqueue_dma source(%dma_start3A_1498 : memref<8x128xf32, #tpu.memory_space<vmem>>) target(%dma_start3A_1494 : memref<8x128xf32, #tpu.memory_space<hbm>>) target_semaphore(%arg11 : memref<!tpu.dma_semaphore, #tpu.memory_space<semaphore_mem>>)
      %jit3A_1499 = arith.constant 2 : i32
      %div3A_1500 = arith.divsi %scan3A_1090, %jit3A_1499 : i32
      %sign3A_1501 = arith.constant 0 : i32
      %sign3A_1502 = arith.cmpi sgt, %scan3A_1090, %sign3A_1501 : i32
      %sign3A_1503 = arith.extui %sign3A_1502 : i1 to i32
      %sign3A_1504 = arith.constant 0 : i32
      %sign3A_1505 = arith.cmpi slt, %scan3A_1090, %sign3A_1504 : i32
      %sign3A_1506 = arith.extui %sign3A_1505 : i1 to i32
      %sign3A_1507 = arith.subi %sign3A_1503, %sign3A_1506 : i32
      %sign3A_1508 = arith.constant 0 : i32
      %sign3A_1509 = arith.cmpi sgt, %jit3A_1499, %sign3A_1508 : i32
      %sign3A_1510 = arith.extui %sign3A_1509 : i1 to i32
      %sign3A_1511 = arith.constant 0 : i32
      %sign3A_1512 = arith.cmpi slt, %jit3A_1499, %sign3A_1511 : i32
      %sign3A_1513 = arith.extui %sign3A_1512 : i1 to i32
      %sign3A_1514 = arith.subi %sign3A_1510, %sign3A_1513 : i32
      %ne3A_1515 = arith.cmpi ne, %sign3A_1507, %sign3A_1514 : i32
      %rem3A_1516 = arith.remsi %scan3A_1090, %jit3A_1499 : i32
      %ne3A_1517 = arith.constant 0 : i32
      %ne3A_1518 = arith.cmpi ne, %rem3A_1516, %ne3A_1517 : i32
      %and3A_1519 = arith.andi %ne3A_1515, %ne3A_1518 : i1
      %sub3A_1520 = arith.constant 1 : i32
      %sub3A_1521 = arith.subi %div3A_1500, %sub3A_1520 : i32
      %select_n3A_1522 = arith.select %and3A_1519, %sub3A_1521, %div3A_1500 : i32
      %jit3A_1523 = arith.constant 2 : i32
      %eq3A_1524 = arith.constant 0 : i32
      %eq3A_1525 = arith.cmpi eq, %jit3A_1523, %eq3A_1524 : i32
      %jit3A_1526 = arith.constant 1 : i32
      %select_n3A_1527 = arith.select %eq3A_1525, %jit3A_1526, %jit3A_1523 : i32
      %rem3A_1528 = arith.remsi %scan3A_1090, %select_n3A_1527 : i32
      %ne3A_1529 = arith.constant 0 : i32
      %ne3A_1530 = arith.cmpi ne, %rem3A_1528, %ne3A_1529 : i32
      %lt3A_1531 = arith.constant 0 : i32
      %lt3A_1532 = arith.cmpi slt, %rem3A_1528, %lt3A_1531 : i32
      %lt3A_1533 = arith.constant 0 : i32
      %lt3A_1534 = arith.cmpi slt, %select_n3A_1527, %lt3A_1533 : i32
      %ne3A_1535 = arith.xori %lt3A_1532, %lt3A_1534 : i1
      %and3A_1536 = arith.andi %ne3A_1535, %ne3A_1530 : i1
      %add3A_1537 = arith.addi %rem3A_1528, %select_n3A_1527 : i32
      %select_n3A_1538 = arith.select %and3A_1536, %add3A_1537, %rem3A_1528 : i32
      %mul3A_1539 = arith.constant 2 : i32
      %mul3A_1540 = arith.muli %select_n3A_1538, %mul3A_1539 : i32
      %add3A_1541 = arith.addi %mul3A_2, %mul3A_1540 : i32
      %add3A_1542 = arith.constant 0 : i32
      %add3A_1543 = arith.addi %add3A_1541, %add3A_1542 : i32
      %dma_start3A_1544 = arith.constant 0 : i32
      %dma_start3A_1545 = arith.constant 5 : i32
      %dma_start3A_1546 = arith.constant 40 : i32
      %dma_start3A_1547 = arith.constant 0 : i32
      %dma_start3A_1548 = tpu.memref_slice %arg8[%select_n3A_1099, %dma_start3A_1544, %dma_start3A_1546, %dma_start3A_1547] : memref<2x2x64x129xf32, #tpu.memory_space<vmem>> -> memref<1x1x8x128xf32, #tpu.memory_space<vmem>>
      %dma_start3A_1549 = tpu.memref_squeeze %dma_start3A_1548 : memref<1x1x8x128xf32, #tpu.memory_space<vmem>> -> memref<8x128xf32, #tpu.memory_space<vmem>>
      %dma_start3A_1550 = arith.constant 0 : i32
      %dma_start3A_1551 = arith.constant 0 : i32
      %dma_start3A_1552 = tpu.memref_slice %arg4[%select_n3A_1522, %dma_start3A_1545, %add3A_1543, %dma_start3A_1550, %dma_start3A_1551] : memref<50x8x128x8x128xf32, #tpu.memory_space<hbm>> -> memref<1x1x1x8x128xf32, #tpu.memory_space<hbm>>
      %dma_start3A_1553 = tpu.memref_squeeze %dma_start3A_1552 : memref<1x1x1x8x128xf32, #tpu.memory_space<hbm>> -> memref<8x128xf32, #tpu.memory_space<hbm>>
      %dma_start3A_1554 = arith.constant 0 : i32
      %dma_start3A_1555 = arith.constant 0 : i32
      %dma_start3A_1556 = tpu.memref_slice %arg4[%select_n3A_1522, %dma_start3A_1545, %add3A_1543, %dma_start3A_1554, %dma_start3A_1555] : memref<50x8x128x8x128xf32, #tpu.memory_space<hbm>> -> memref<1x1x1x8x128xf32, #tpu.memory_space<hbm>>
      %dma_start3A_1557 = tpu.memref_squeeze %dma_start3A_1556 : memref<1x1x1x8x128xf32, #tpu.memory_space<hbm>> -> memref<8x128xf32, #tpu.memory_space<hbm>>
      %dma_start3A_1558 = arith.constant 40 : i32
      %dma_start3A_1559 = arith.constant 0 : i32
      %dma_start3A_1560 = tpu.memref_slice %arg8[%select_n3A_1099, %dma_start3A_1544, %dma_start3A_1558, %dma_start3A_1559] : memref<2x2x64x129xf32, #tpu.memory_space<vmem>> -> memref<1x1x8x128xf32, #tpu.memory_space<vmem>>
      %dma_start3A_1561 = tpu.memref_squeeze %dma_start3A_1560 : memref<1x1x8x128xf32, #tpu.memory_space<vmem>> -> memref<8x128xf32, #tpu.memory_space<vmem>>
      tpu.enqueue_dma source(%dma_start3A_1561 : memref<8x128xf32, #tpu.memory_space<vmem>>) target(%dma_start3A_1557 : memref<8x128xf32, #tpu.memory_space<hbm>>) target_semaphore(%arg11 : memref<!tpu.dma_semaphore, #tpu.memory_space<semaphore_mem>>)
      %jit3A_1562 = arith.constant 2 : i32
      %div3A_1563 = arith.divsi %scan3A_1090, %jit3A_1562 : i32
      %sign3A_1564 = arith.constant 0 : i32
      %sign3A_1565 = arith.cmpi sgt, %scan3A_1090, %sign3A_1564 : i32
      %sign3A_1566 = arith.extui %sign3A_1565 : i1 to i32
      %sign3A_1567 = arith.constant 0 : i32
      %sign3A_1568 = arith.cmpi slt, %scan3A_1090, %sign3A_1567 : i32
      %sign3A_1569 = arith.extui %sign3A_1568 : i1 to i32
      %sign3A_1570 = arith.subi %sign3A_1566, %sign3A_1569 : i32
      %sign3A_1571 = arith.constant 0 : i32
      %sign3A_1572 = arith.cmpi sgt, %jit3A_1562, %sign3A_1571 : i32
      %sign3A_1573 = arith.extui %sign3A_1572 : i1 to i32
      %sign3A_1574 = arith.constant 0 : i32
      %sign3A_1575 = arith.cmpi slt, %jit3A_1562, %sign3A_1574 : i32
      %sign3A_1576 = arith.extui %sign3A_1575 : i1 to i32
      %sign3A_1577 = arith.subi %sign3A_1573, %sign3A_1576 : i32
      %ne3A_1578 = arith.cmpi ne, %sign3A_1570, %sign3A_1577 : i32
      %rem3A_1579 = arith.remsi %scan3A_1090, %jit3A_1562 : i32
      %ne3A_1580 = arith.constant 0 : i32
      %ne3A_1581 = arith.cmpi ne, %rem3A_1579, %ne3A_1580 : i32
      %and3A_1582 = arith.andi %ne3A_1578, %ne3A_1581 : i1
      %sub3A_1583 = arith.constant 1 : i32
      %sub3A_1584 = arith.subi %div3A_1563, %sub3A_1583 : i32
      %select_n3A_1585 = arith.select %and3A_1582, %sub3A_1584, %div3A_1563 : i32
      %jit3A_1586 = arith.constant 2 : i32
      %eq3A_1587 = arith.constant 0 : i32
      %eq3A_1588 = arith.cmpi eq, %jit3A_1586, %eq3A_1587 : i32
      %jit3A_1589 = arith.constant 1 : i32
      %select_n3A_1590 = arith.select %eq3A_1588, %jit3A_1589, %jit3A_1586 : i32
      %rem3A_1591 = arith.remsi %scan3A_1090, %select_n3A_1590 : i32
      %ne3A_1592 = arith.constant 0 : i32
      %ne3A_1593 = arith.cmpi ne, %rem3A_1591, %ne3A_1592 : i32
      %lt3A_1594 = arith.constant 0 : i32
      %lt3A_1595 = arith.cmpi slt, %rem3A_1591, %lt3A_1594 : i32
      %lt3A_1596 = arith.constant 0 : i32
      %lt3A_1597 = arith.cmpi slt, %select_n3A_1590, %lt3A_1596 : i32
      %ne3A_1598 = arith.xori %lt3A_1595, %lt3A_1597 : i1
      %and3A_1599 = arith.andi %ne3A_1598, %ne3A_1593 : i1
      %add3A_1600 = arith.addi %rem3A_1591, %select_n3A_1590 : i32
      %select_n3A_1601 = arith.select %and3A_1599, %add3A_1600, %rem3A_1591 : i32
      %mul3A_1602 = arith.constant 2 : i32
      %mul3A_1603 = arith.muli %select_n3A_1601, %mul3A_1602 : i32
      %add3A_1604 = arith.addi %mul3A_2, %mul3A_1603 : i32
      %add3A_1605 = arith.constant 0 : i32
      %add3A_1606 = arith.addi %add3A_1604, %add3A_1605 : i32
      %dma_start3A_1607 = arith.constant 0 : i32
      %dma_start3A_1608 = arith.constant 6 : i32
      %dma_start3A_1609 = arith.constant 48 : i32
      %dma_start3A_1610 = arith.constant 0 : i32
      %dma_start3A_1611 = tpu.memref_slice %arg8[%select_n3A_1099, %dma_start3A_1607, %dma_start3A_1609, %dma_start3A_1610] : memref<2x2x64x129xf32, #tpu.memory_space<vmem>> -> memref<1x1x8x128xf32, #tpu.memory_space<vmem>>
      %dma_start3A_1612 = tpu.memref_squeeze %dma_start3A_1611 : memref<1x1x8x128xf32, #tpu.memory_space<vmem>> -> memref<8x128xf32, #tpu.memory_space<vmem>>
      %dma_start3A_1613 = arith.constant 0 : i32
      %dma_start3A_1614 = arith.constant 0 : i32
      %dma_start3A_1615 = tpu.memref_slice %arg4[%select_n3A_1585, %dma_start3A_1608, %add3A_1606, %dma_start3A_1613, %dma_start3A_1614] : memref<50x8x128x8x128xf32, #tpu.memory_space<hbm>> -> memref<1x1x1x8x128xf32, #tpu.memory_space<hbm>>
      %dma_start3A_1616 = tpu.memref_squeeze %dma_start3A_1615 : memref<1x1x1x8x128xf32, #tpu.memory_space<hbm>> -> memref<8x128xf32, #tpu.memory_space<hbm>>
      %dma_start3A_1617 = arith.constant 0 : i32
      %dma_start3A_1618 = arith.constant 0 : i32
      %dma_start3A_1619 = tpu.memref_slice %arg4[%select_n3A_1585, %dma_start3A_1608, %add3A_1606, %dma_start3A_1617, %dma_start3A_1618] : memref<50x8x128x8x128xf32, #tpu.memory_space<hbm>> -> memref<1x1x1x8x128xf32, #tpu.memory_space<hbm>>
      %dma_start3A_1620 = tpu.memref_squeeze %dma_start3A_1619 : memref<1x1x1x8x128xf32, #tpu.memory_space<hbm>> -> memref<8x128xf32, #tpu.memory_space<hbm>>
      %dma_start3A_1621 = arith.constant 48 : i32
      %dma_start3A_1622 = arith.constant 0 : i32
      %dma_start3A_1623 = tpu.memref_slice %arg8[%select_n3A_1099, %dma_start3A_1607, %dma_start3A_1621, %dma_start3A_1622] : memref<2x2x64x129xf32, #tpu.memory_space<vmem>> -> memref<1x1x8x128xf32, #tpu.memory_space<vmem>>
      %dma_start3A_1624 = tpu.memref_squeeze %dma_start3A_1623 : memref<1x1x8x128xf32, #tpu.memory_space<vmem>> -> memref<8x128xf32, #tpu.memory_space<vmem>>
      tpu.enqueue_dma source(%dma_start3A_1624 : memref<8x128xf32, #tpu.memory_space<vmem>>) target(%dma_start3A_1620 : memref<8x128xf32, #tpu.memory_space<hbm>>) target_semaphore(%arg11 : memref<!tpu.dma_semaphore, #tpu.memory_space<semaphore_mem>>)
      %jit3A_1625 = arith.constant 2 : i32
      %div3A_1626 = arith.divsi %scan3A_1090, %jit3A_1625 : i32
      %sign3A_1627 = arith.constant 0 : i32
      %sign3A_1628 = arith.cmpi sgt, %scan3A_1090, %sign3A_1627 : i32
      %sign3A_1629 = arith.extui %sign3A_1628 : i1 to i32
      %sign3A_1630 = arith.constant 0 : i32
      %sign3A_1631 = arith.cmpi slt, %scan3A_1090, %sign3A_1630 : i32
      %sign3A_1632 = arith.extui %sign3A_1631 : i1 to i32
      %sign3A_1633 = arith.subi %sign3A_1629, %sign3A_1632 : i32
      %sign3A_1634 = arith.constant 0 : i32
      %sign3A_1635 = arith.cmpi sgt, %jit3A_1625, %sign3A_1634 : i32
      %sign3A_1636 = arith.extui %sign3A_1635 : i1 to i32
      %sign3A_1637 = arith.constant 0 : i32
      %sign3A_1638 = arith.cmpi slt, %jit3A_1625, %sign3A_1637 : i32
      %sign3A_1639 = arith.extui %sign3A_1638 : i1 to i32
      %sign3A_1640 = arith.subi %sign3A_1636, %sign3A_1639 : i32
      %ne3A_1641 = arith.cmpi ne, %sign3A_1633, %sign3A_1640 : i32
      %rem3A_1642 = arith.remsi %scan3A_1090, %jit3A_1625 : i32
      %ne3A_1643 = arith.constant 0 : i32
      %ne3A_1644 = arith.cmpi ne, %rem3A_1642, %ne3A_1643 : i32
      %and3A_1645 = arith.andi %ne3A_1641, %ne3A_1644 : i1
      %sub3A_1646 = arith.constant 1 : i32
      %sub3A_1647 = arith.subi %div3A_1626, %sub3A_1646 : i32
      %select_n3A_1648 = arith.select %and3A_1645, %sub3A_1647, %div3A_1626 : i32
      %jit3A_1649 = arith.constant 2 : i32
      %eq3A_1650 = arith.constant 0 : i32
      %eq3A_1651 = arith.cmpi eq, %jit3A_1649, %eq3A_1650 : i32
      %jit3A_1652 = arith.constant 1 : i32
      %select_n3A_1653 = arith.select %eq3A_1651, %jit3A_1652, %jit3A_1649 : i32
      %rem3A_1654 = arith.remsi %scan3A_1090, %select_n3A_1653 : i32
      %ne3A_1655 = arith.constant 0 : i32
      %ne3A_1656 = arith.cmpi ne, %rem3A_1654, %ne3A_1655 : i32
      %lt3A_1657 = arith.constant 0 : i32
      %lt3A_1658 = arith.cmpi slt, %rem3A_1654, %lt3A_1657 : i32
      %lt3A_1659 = arith.constant 0 : i32
      %lt3A_1660 = arith.cmpi slt, %select_n3A_1653, %lt3A_1659 : i32
      %ne3A_1661 = arith.xori %lt3A_1658, %lt3A_1660 : i1
      %and3A_1662 = arith.andi %ne3A_1661, %ne3A_1656 : i1
      %add3A_1663 = arith.addi %rem3A_1654, %select_n3A_1653 : i32
      %select_n3A_1664 = arith.select %and3A_1662, %add3A_1663, %rem3A_1654 : i32
      %mul3A_1665 = arith.constant 2 : i32
      %mul3A_1666 = arith.muli %select_n3A_1664, %mul3A_1665 : i32
      %add3A_1667 = arith.addi %mul3A_2, %mul3A_1666 : i32
      %add3A_1668 = arith.constant 0 : i32
      %add3A_1669 = arith.addi %add3A_1667, %add3A_1668 : i32
      %dma_start3A_1670 = arith.constant 0 : i32
      %dma_start3A_1671 = arith.constant 7 : i32
      %dma_start3A_1672 = arith.constant 56 : i32
      %dma_start3A_1673 = arith.constant 0 : i32
      %dma_start3A_1674 = tpu.memref_slice %arg8[%select_n3A_1099, %dma_start3A_1670, %dma_start3A_1672, %dma_start3A_1673] : memref<2x2x64x129xf32, #tpu.memory_space<vmem>> -> memref<1x1x8x128xf32, #tpu.memory_space<vmem>>
      %dma_start3A_1675 = tpu.memref_squeeze %dma_start3A_1674 : memref<1x1x8x128xf32, #tpu.memory_space<vmem>> -> memref<8x128xf32, #tpu.memory_space<vmem>>
      %dma_start3A_1676 = arith.constant 0 : i32
      %dma_start3A_1677 = arith.constant 0 : i32
      %dma_start3A_1678 = tpu.memref_slice %arg4[%select_n3A_1648, %dma_start3A_1671, %add3A_1669, %dma_start3A_1676, %dma_start3A_1677] : memref<50x8x128x8x128xf32, #tpu.memory_space<hbm>> -> memref<1x1x1x8x128xf32, #tpu.memory_space<hbm>>
      %dma_start3A_1679 = tpu.memref_squeeze %dma_start3A_1678 : memref<1x1x1x8x128xf32, #tpu.memory_space<hbm>> -> memref<8x128xf32, #tpu.memory_space<hbm>>
      %dma_start3A_1680 = arith.constant 0 : i32
      %dma_start3A_1681 = arith.constant 0 : i32
      %dma_start3A_1682 = tpu.memref_slice %arg4[%select_n3A_1648, %dma_start3A_1671, %add3A_1669, %dma_start3A_1680, %dma_start3A_1681] : memref<50x8x128x8x128xf32, #tpu.memory_space<hbm>> -> memref<1x1x1x8x128xf32, #tpu.memory_space<hbm>>
      %dma_start3A_1683 = tpu.memref_squeeze %dma_start3A_1682 : memref<1x1x1x8x128xf32, #tpu.memory_space<hbm>> -> memref<8x128xf32, #tpu.memory_space<hbm>>
      %dma_start3A_1684 = arith.constant 56 : i32
      %dma_start3A_1685 = arith.constant 0 : i32
      %dma_start3A_1686 = tpu.memref_slice %arg8[%select_n3A_1099, %dma_start3A_1670, %dma_start3A_1684, %dma_start3A_1685] : memref<2x2x64x129xf32, #tpu.memory_space<vmem>> -> memref<1x1x8x128xf32, #tpu.memory_space<vmem>>
      %dma_start3A_1687 = tpu.memref_squeeze %dma_start3A_1686 : memref<1x1x8x128xf32, #tpu.memory_space<vmem>> -> memref<8x128xf32, #tpu.memory_space<vmem>>
      tpu.enqueue_dma source(%dma_start3A_1687 : memref<8x128xf32, #tpu.memory_space<vmem>>) target(%dma_start3A_1683 : memref<8x128xf32, #tpu.memory_space<hbm>>) target_semaphore(%arg11 : memref<!tpu.dma_semaphore, #tpu.memory_space<semaphore_mem>>)
      %jit3A_1688 = arith.constant 2 : i32
      %div3A_1689 = arith.divsi %scan3A_1090, %jit3A_1688 : i32
      %sign3A_1690 = arith.constant 0 : i32
      %sign3A_1691 = arith.cmpi sgt, %scan3A_1090, %sign3A_1690 : i32
      %sign3A_1692 = arith.extui %sign3A_1691 : i1 to i32
      %sign3A_1693 = arith.constant 0 : i32
      %sign3A_1694 = arith.cmpi slt, %scan3A_1090, %sign3A_1693 : i32
      %sign3A_1695 = arith.extui %sign3A_1694 : i1 to i32
      %sign3A_1696 = arith.subi %sign3A_1692, %sign3A_1695 : i32
      %sign3A_1697 = arith.constant 0 : i32
      %sign3A_1698 = arith.cmpi sgt, %jit3A_1688, %sign3A_1697 : i32
      %sign3A_1699 = arith.extui %sign3A_1698 : i1 to i32
      %sign3A_1700 = arith.constant 0 : i32
      %sign3A_1701 = arith.cmpi slt, %jit3A_1688, %sign3A_1700 : i32
      %sign3A_1702 = arith.extui %sign3A_1701 : i1 to i32
      %sign3A_1703 = arith.subi %sign3A_1699, %sign3A_1702 : i32
      %ne3A_1704 = arith.cmpi ne, %sign3A_1696, %sign3A_1703 : i32
      %rem3A_1705 = arith.remsi %scan3A_1090, %jit3A_1688 : i32
      %ne3A_1706 = arith.constant 0 : i32
      %ne3A_1707 = arith.cmpi ne, %rem3A_1705, %ne3A_1706 : i32
      %and3A_1708 = arith.andi %ne3A_1704, %ne3A_1707 : i1
      %sub3A_1709 = arith.constant 1 : i32
      %sub3A_1710 = arith.subi %div3A_1689, %sub3A_1709 : i32
      %select_n3A_1711 = arith.select %and3A_1708, %sub3A_1710, %div3A_1689 : i32
      %jit3A_1712 = arith.constant 2 : i32
      %eq3A_1713 = arith.constant 0 : i32
      %eq3A_1714 = arith.cmpi eq, %jit3A_1712, %eq3A_1713 : i32
      %jit3A_1715 = arith.constant 1 : i32
      %select_n3A_1716 = arith.select %eq3A_1714, %jit3A_1715, %jit3A_1712 : i32
      %rem3A_1717 = arith.remsi %scan3A_1090, %select_n3A_1716 : i32
      %ne3A_1718 = arith.constant 0 : i32
      %ne3A_1719 = arith.cmpi ne, %rem3A_1717, %ne3A_1718 : i32
      %lt3A_1720 = arith.constant 0 : i32
      %lt3A_1721 = arith.cmpi slt, %rem3A_1717, %lt3A_1720 : i32
      %lt3A_1722 = arith.constant 0 : i32
      %lt3A_1723 = arith.cmpi slt, %select_n3A_1716, %lt3A_1722 : i32
      %ne3A_1724 = arith.xori %lt3A_1721, %lt3A_1723 : i1
      %and3A_1725 = arith.andi %ne3A_1724, %ne3A_1719 : i1
      %add3A_1726 = arith.addi %rem3A_1717, %select_n3A_1716 : i32
      %select_n3A_1727 = arith.select %and3A_1725, %add3A_1726, %rem3A_1717 : i32
      %mul3A_1728 = arith.constant 2 : i32
      %mul3A_1729 = arith.muli %select_n3A_1727, %mul3A_1728 : i32
      %add3A_1730 = arith.addi %mul3A_2, %mul3A_1729 : i32
      %add3A_1731 = arith.constant 1 : i32
      %add3A_1732 = arith.addi %add3A_1730, %add3A_1731 : i32
      %dma_start3A_1733 = arith.constant 1 : i32
      %dma_start3A_1734 = arith.constant 0 : i32
      %dma_start3A_1735 = arith.constant 0 : i32
      %dma_start3A_1736 = arith.constant 0 : i32
      %dma_start3A_1737 = tpu.memref_slice %arg8[%select_n3A_1099, %dma_start3A_1733, %dma_start3A_1735, %dma_start3A_1736] : memref<2x2x64x129xf32, #tpu.memory_space<vmem>> -> memref<1x1x8x128xf32, #tpu.memory_space<vmem>>
      %dma_start3A_1738 = tpu.memref_squeeze %dma_start3A_1737 : memref<1x1x8x128xf32, #tpu.memory_space<vmem>> -> memref<8x128xf32, #tpu.memory_space<vmem>>
      %dma_start3A_1739 = arith.constant 0 : i32
      %dma_start3A_1740 = arith.constant 0 : i32
      %dma_start3A_1741 = tpu.memref_slice %arg4[%select_n3A_1711, %dma_start3A_1734, %add3A_1732, %dma_start3A_1739, %dma_start3A_1740] : memref<50x8x128x8x128xf32, #tpu.memory_space<hbm>> -> memref<1x1x1x8x128xf32, #tpu.memory_space<hbm>>
      %dma_start3A_1742 = tpu.memref_squeeze %dma_start3A_1741 : memref<1x1x1x8x128xf32, #tpu.memory_space<hbm>> -> memref<8x128xf32, #tpu.memory_space<hbm>>
      %dma_start3A_1743 = arith.constant 0 : i32
      %dma_start3A_1744 = arith.constant 0 : i32
      %dma_start3A_1745 = tpu.memref_slice %arg4[%select_n3A_1711, %dma_start3A_1734, %add3A_1732, %dma_start3A_1743, %dma_start3A_1744] : memref<50x8x128x8x128xf32, #tpu.memory_space<hbm>> -> memref<1x1x1x8x128xf32, #tpu.memory_space<hbm>>
      %dma_start3A_1746 = tpu.memref_squeeze %dma_start3A_1745 : memref<1x1x1x8x128xf32, #tpu.memory_space<hbm>> -> memref<8x128xf32, #tpu.memory_space<hbm>>
      %dma_start3A_1747 = arith.constant 0 : i32
      %dma_start3A_1748 = arith.constant 0 : i32
      %dma_start3A_1749 = tpu.memref_slice %arg8[%select_n3A_1099, %dma_start3A_1733, %dma_start3A_1747, %dma_start3A_1748] : memref<2x2x64x129xf32, #tpu.memory_space<vmem>> -> memref<1x1x8x128xf32, #tpu.memory_space<vmem>>
      %dma_start3A_1750 = tpu.memref_squeeze %dma_start3A_1749 : memref<1x1x8x128xf32, #tpu.memory_space<vmem>> -> memref<8x128xf32, #tpu.memory_space<vmem>>
      tpu.enqueue_dma source(%dma_start3A_1750 : memref<8x128xf32, #tpu.memory_space<vmem>>) target(%dma_start3A_1746 : memref<8x128xf32, #tpu.memory_space<hbm>>) target_semaphore(%arg11 : memref<!tpu.dma_semaphore, #tpu.memory_space<semaphore_mem>>)
      %jit3A_1751 = arith.constant 2 : i32
      %div3A_1752 = arith.divsi %scan3A_1090, %jit3A_1751 : i32
      %sign3A_1753 = arith.constant 0 : i32
      %sign3A_1754 = arith.cmpi sgt, %scan3A_1090, %sign3A_1753 : i32
      %sign3A_1755 = arith.extui %sign3A_1754 : i1 to i32
      %sign3A_1756 = arith.constant 0 : i32
      %sign3A_1757 = arith.cmpi slt, %scan3A_1090, %sign3A_1756 : i32
      %sign3A_1758 = arith.extui %sign3A_1757 : i1 to i32
      %sign3A_1759 = arith.subi %sign3A_1755, %sign3A_1758 : i32
      %sign3A_1760 = arith.constant 0 : i32
      %sign3A_1761 = arith.cmpi sgt, %jit3A_1751, %sign3A_1760 : i32
      %sign3A_1762 = arith.extui %sign3A_1761 : i1 to i32
      %sign3A_1763 = arith.constant 0 : i32
      %sign3A_1764 = arith.cmpi slt, %jit3A_1751, %sign3A_1763 : i32
      %sign3A_1765 = arith.extui %sign3A_1764 : i1 to i32
      %sign3A_1766 = arith.subi %sign3A_1762, %sign3A_1765 : i32
      %ne3A_1767 = arith.cmpi ne, %sign3A_1759, %sign3A_1766 : i32
      %rem3A_1768 = arith.remsi %scan3A_1090, %jit3A_1751 : i32
      %ne3A_1769 = arith.constant 0 : i32
      %ne3A_1770 = arith.cmpi ne, %rem3A_1768, %ne3A_1769 : i32
      %and3A_1771 = arith.andi %ne3A_1767, %ne3A_1770 : i1
      %sub3A_1772 = arith.constant 1 : i32
      %sub3A_1773 = arith.subi %div3A_1752, %sub3A_1772 : i32
      %select_n3A_1774 = arith.select %and3A_1771, %sub3A_1773, %div3A_1752 : i32
      %jit3A_1775 = arith.constant 2 : i32
      %eq3A_1776 = arith.constant 0 : i32
      %eq3A_1777 = arith.cmpi eq, %jit3A_1775, %eq3A_1776 : i32
      %jit3A_1778 = arith.constant 1 : i32
      %select_n3A_1779 = arith.select %eq3A_1777, %jit3A_1778, %jit3A_1775 : i32
      %rem3A_1780 = arith.remsi %scan3A_1090, %select_n3A_1779 : i32
      %ne3A_1781 = arith.constant 0 : i32
      %ne3A_1782 = arith.cmpi ne, %rem3A_1780, %ne3A_1781 : i32
      %lt3A_1783 = arith.constant 0 : i32
      %lt3A_1784 = arith.cmpi slt, %rem3A_1780, %lt3A_1783 : i32
      %lt3A_1785 = arith.constant 0 : i32
      %lt3A_1786 = arith.cmpi slt, %select_n3A_1779, %lt3A_1785 : i32
      %ne3A_1787 = arith.xori %lt3A_1784, %lt3A_1786 : i1
      %and3A_1788 = arith.andi %ne3A_1787, %ne3A_1782 : i1
      %add3A_1789 = arith.addi %rem3A_1780, %select_n3A_1779 : i32
      %select_n3A_1790 = arith.select %and3A_1788, %add3A_1789, %rem3A_1780 : i32
      %mul3A_1791 = arith.constant 2 : i32
      %mul3A_1792 = arith.muli %select_n3A_1790, %mul3A_1791 : i32
      %add3A_1793 = arith.addi %mul3A_2, %mul3A_1792 : i32
      %add3A_1794 = arith.constant 1 : i32
      %add3A_1795 = arith.addi %add3A_1793, %add3A_1794 : i32
      %dma_start3A_1796 = arith.constant 1 : i32
      %dma_start3A_1797 = arith.constant 1 : i32
      %dma_start3A_1798 = arith.constant 8 : i32
      %dma_start3A_1799 = arith.constant 0 : i32
      %dma_start3A_1800 = tpu.memref_slice %arg8[%select_n3A_1099, %dma_start3A_1796, %dma_start3A_1798, %dma_start3A_1799] : memref<2x2x64x129xf32, #tpu.memory_space<vmem>> -> memref<1x1x8x128xf32, #tpu.memory_space<vmem>>
      %dma_start3A_1801 = tpu.memref_squeeze %dma_start3A_1800 : memref<1x1x8x128xf32, #tpu.memory_space<vmem>> -> memref<8x128xf32, #tpu.memory_space<vmem>>
      %dma_start3A_1802 = arith.constant 0 : i32
      %dma_start3A_1803 = arith.constant 0 : i32
      %dma_start3A_1804 = tpu.memref_slice %arg4[%select_n3A_1774, %dma_start3A_1797, %add3A_1795, %dma_start3A_1802, %dma_start3A_1803] : memref<50x8x128x8x128xf32, #tpu.memory_space<hbm>> -> memref<1x1x1x8x128xf32, #tpu.memory_space<hbm>>
      %dma_start3A_1805 = tpu.memref_squeeze %dma_start3A_1804 : memref<1x1x1x8x128xf32, #tpu.memory_space<hbm>> -> memref<8x128xf32, #tpu.memory_space<hbm>>
      %dma_start3A_1806 = arith.constant 0 : i32
      %dma_start3A_1807 = arith.constant 0 : i32
      %dma_start3A_1808 = tpu.memref_slice %arg4[%select_n3A_1774, %dma_start3A_1797, %add3A_1795, %dma_start3A_1806, %dma_start3A_1807] : memref<50x8x128x8x128xf32, #tpu.memory_space<hbm>> -> memref<1x1x1x8x128xf32, #tpu.memory_space<hbm>>
      %dma_start3A_1809 = tpu.memref_squeeze %dma_start3A_1808 : memref<1x1x1x8x128xf32, #tpu.memory_space<hbm>> -> memref<8x128xf32, #tpu.memory_space<hbm>>
      %dma_start3A_1810 = arith.constant 8 : i32
      %dma_start3A_1811 = arith.constant 0 : i32
      %dma_start3A_1812 = tpu.memref_slice %arg8[%select_n3A_1099, %dma_start3A_1796, %dma_start3A_1810, %dma_start3A_1811] : memref<2x2x64x129xf32, #tpu.memory_space<vmem>> -> memref<1x1x8x128xf32, #tpu.memory_space<vmem>>
      %dma_start3A_1813 = tpu.memref_squeeze %dma_start3A_1812 : memref<1x1x8x128xf32, #tpu.memory_space<vmem>> -> memref<8x128xf32, #tpu.memory_space<vmem>>
      tpu.enqueue_dma source(%dma_start3A_1813 : memref<8x128xf32, #tpu.memory_space<vmem>>) target(%dma_start3A_1809 : memref<8x128xf32, #tpu.memory_space<hbm>>) target_semaphore(%arg11 : memref<!tpu.dma_semaphore, #tpu.memory_space<semaphore_mem>>)
      %jit3A_1814 = arith.constant 2 : i32
      %div3A_1815 = arith.divsi %scan3A_1090, %jit3A_1814 : i32
      %sign3A_1816 = arith.constant 0 : i32
      %sign3A_1817 = arith.cmpi sgt, %scan3A_1090, %sign3A_1816 : i32
      %sign3A_1818 = arith.extui %sign3A_1817 : i1 to i32
      %sign3A_1819 = arith.constant 0 : i32
      %sign3A_1820 = arith.cmpi slt, %scan3A_1090, %sign3A_1819 : i32
      %sign3A_1821 = arith.extui %sign3A_1820 : i1 to i32
      %sign3A_1822 = arith.subi %sign3A_1818, %sign3A_1821 : i32
      %sign3A_1823 = arith.constant 0 : i32
      %sign3A_1824 = arith.cmpi sgt, %jit3A_1814, %sign3A_1823 : i32
      %sign3A_1825 = arith.extui %sign3A_1824 : i1 to i32
      %sign3A_1826 = arith.constant 0 : i32
      %sign3A_1827 = arith.cmpi slt, %jit3A_1814, %sign3A_1826 : i32
      %sign3A_1828 = arith.extui %sign3A_1827 : i1 to i32
      %sign3A_1829 = arith.subi %sign3A_1825, %sign3A_1828 : i32
      %ne3A_1830 = arith.cmpi ne, %sign3A_1822, %sign3A_1829 : i32
      %rem3A_1831 = arith.remsi %scan3A_1090, %jit3A_1814 : i32
      %ne3A_1832 = arith.constant 0 : i32
      %ne3A_1833 = arith.cmpi ne, %rem3A_1831, %ne3A_1832 : i32
      %and3A_1834 = arith.andi %ne3A_1830, %ne3A_1833 : i1
      %sub3A_1835 = arith.constant 1 : i32
      %sub3A_1836 = arith.subi %div3A_1815, %sub3A_1835 : i32
      %select_n3A_1837 = arith.select %and3A_1834, %sub3A_1836, %div3A_1815 : i32
      %jit3A_1838 = arith.constant 2 : i32
      %eq3A_1839 = arith.constant 0 : i32
      %eq3A_1840 = arith.cmpi eq, %jit3A_1838, %eq3A_1839 : i32
      %jit3A_1841 = arith.constant 1 : i32
      %select_n3A_1842 = arith.select %eq3A_1840, %jit3A_1841, %jit3A_1838 : i32
      %rem3A_1843 = arith.remsi %scan3A_1090, %select_n3A_1842 : i32
      %ne3A_1844 = arith.constant 0 : i32
      %ne3A_1845 = arith.cmpi ne, %rem3A_1843, %ne3A_1844 : i32
      %lt3A_1846 = arith.constant 0 : i32
      %lt3A_1847 = arith.cmpi slt, %rem3A_1843, %lt3A_1846 : i32
      %lt3A_1848 = arith.constant 0 : i32
      %lt3A_1849 = arith.cmpi slt, %select_n3A_1842, %lt3A_1848 : i32
      %ne3A_1850 = arith.xori %lt3A_1847, %lt3A_1849 : i1
      %and3A_1851 = arith.andi %ne3A_1850, %ne3A_1845 : i1
      %add3A_1852 = arith.addi %rem3A_1843, %select_n3A_1842 : i32
      %select_n3A_1853 = arith.select %and3A_1851, %add3A_1852, %rem3A_1843 : i32
      %mul3A_1854 = arith.constant 2 : i32
      %mul3A_1855 = arith.muli %select_n3A_1853, %mul3A_1854 : i32
      %add3A_1856 = arith.addi %mul3A_2, %mul3A_1855 : i32
      %add3A_1857 = arith.constant 1 : i32
      %add3A_1858 = arith.addi %add3A_1856, %add3A_1857 : i32
      %dma_start3A_1859 = arith.constant 1 : i32
      %dma_start3A_1860 = arith.constant 2 : i32
      %dma_start3A_1861 = arith.constant 16 : i32
      %dma_start3A_1862 = arith.constant 0 : i32
      %dma_start3A_1863 = tpu.memref_slice %arg8[%select_n3A_1099, %dma_start3A_1859, %dma_start3A_1861, %dma_start3A_1862] : memref<2x2x64x129xf32, #tpu.memory_space<vmem>> -> memref<1x1x8x128xf32, #tpu.memory_space<vmem>>
      %dma_start3A_1864 = tpu.memref_squeeze %dma_start3A_1863 : memref<1x1x8x128xf32, #tpu.memory_space<vmem>> -> memref<8x128xf32, #tpu.memory_space<vmem>>
      %dma_start3A_1865 = arith.constant 0 : i32
      %dma_start3A_1866 = arith.constant 0 : i32
      %dma_start3A_1867 = tpu.memref_slice %arg4[%select_n3A_1837, %dma_start3A_1860, %add3A_1858, %dma_start3A_1865, %dma_start3A_1866] : memref<50x8x128x8x128xf32, #tpu.memory_space<hbm>> -> memref<1x1x1x8x128xf32, #tpu.memory_space<hbm>>
      %dma_start3A_1868 = tpu.memref_squeeze %dma_start3A_1867 : memref<1x1x1x8x128xf32, #tpu.memory_space<hbm>> -> memref<8x128xf32, #tpu.memory_space<hbm>>
      %dma_start3A_1869 = arith.constant 0 : i32
      %dma_start3A_1870 = arith.constant 0 : i32
      %dma_start3A_1871 = tpu.memref_slice %arg4[%select_n3A_1837, %dma_start3A_1860, %add3A_1858, %dma_start3A_1869, %dma_start3A_1870] : memref<50x8x128x8x128xf32, #tpu.memory_space<hbm>> -> memref<1x1x1x8x128xf32, #tpu.memory_space<hbm>>
      %dma_start3A_1872 = tpu.memref_squeeze %dma_start3A_1871 : memref<1x1x1x8x128xf32, #tpu.memory_space<hbm>> -> memref<8x128xf32, #tpu.memory_space<hbm>>
      %dma_start3A_1873 = arith.constant 16 : i32
      %dma_start3A_1874 = arith.constant 0 : i32
      %dma_start3A_1875 = tpu.memref_slice %arg8[%select_n3A_1099, %dma_start3A_1859, %dma_start3A_1873, %dma_start3A_1874] : memref<2x2x64x129xf32, #tpu.memory_space<vmem>> -> memref<1x1x8x128xf32, #tpu.memory_space<vmem>>
      %dma_start3A_1876 = tpu.memref_squeeze %dma_start3A_1875 : memref<1x1x8x128xf32, #tpu.memory_space<vmem>> -> memref<8x128xf32, #tpu.memory_space<vmem>>
      tpu.enqueue_dma source(%dma_start3A_1876 : memref<8x128xf32, #tpu.memory_space<vmem>>) target(%dma_start3A_1872 : memref<8x128xf32, #tpu.memory_space<hbm>>) target_semaphore(%arg11 : memref<!tpu.dma_semaphore, #tpu.memory_space<semaphore_mem>>)
      %jit3A_1877 = arith.constant 2 : i32
      %div3A_1878 = arith.divsi %scan3A_1090, %jit3A_1877 : i32
      %sign3A_1879 = arith.constant 0 : i32
      %sign3A_1880 = arith.cmpi sgt, %scan3A_1090, %sign3A_1879 : i32
      %sign3A_1881 = arith.extui %sign3A_1880 : i1 to i32
      %sign3A_1882 = arith.constant 0 : i32
      %sign3A_1883 = arith.cmpi slt, %scan3A_1090, %sign3A_1882 : i32
      %sign3A_1884 = arith.extui %sign3A_1883 : i1 to i32
      %sign3A_1885 = arith.subi %sign3A_1881, %sign3A_1884 : i32
      %sign3A_1886 = arith.constant 0 : i32
      %sign3A_1887 = arith.cmpi sgt, %jit3A_1877, %sign3A_1886 : i32
      %sign3A_1888 = arith.extui %sign3A_1887 : i1 to i32
      %sign3A_1889 = arith.constant 0 : i32
      %sign3A_1890 = arith.cmpi slt, %jit3A_1877, %sign3A_1889 : i32
      %sign3A_1891 = arith.extui %sign3A_1890 : i1 to i32
      %sign3A_1892 = arith.subi %sign3A_1888, %sign3A_1891 : i32
      %ne3A_1893 = arith.cmpi ne, %sign3A_1885, %sign3A_1892 : i32
      %rem3A_1894 = arith.remsi %scan3A_1090, %jit3A_1877 : i32
      %ne3A_1895 = arith.constant 0 : i32
      %ne3A_1896 = arith.cmpi ne, %rem3A_1894, %ne3A_1895 : i32
      %and3A_1897 = arith.andi %ne3A_1893, %ne3A_1896 : i1
      %sub3A_1898 = arith.constant 1 : i32
      %sub3A_1899 = arith.subi %div3A_1878, %sub3A_1898 : i32
      %select_n3A_1900 = arith.select %and3A_1897, %sub3A_1899, %div3A_1878 : i32
      %jit3A_1901 = arith.constant 2 : i32
      %eq3A_1902 = arith.constant 0 : i32
      %eq3A_1903 = arith.cmpi eq, %jit3A_1901, %eq3A_1902 : i32
      %jit3A_1904 = arith.constant 1 : i32
      %select_n3A_1905 = arith.select %eq3A_1903, %jit3A_1904, %jit3A_1901 : i32
      %rem3A_1906 = arith.remsi %scan3A_1090, %select_n3A_1905 : i32
      %ne3A_1907 = arith.constant 0 : i32
      %ne3A_1908 = arith.cmpi ne, %rem3A_1906, %ne3A_1907 : i32
      %lt3A_1909 = arith.constant 0 : i32
      %lt3A_1910 = arith.cmpi slt, %rem3A_1906, %lt3A_1909 : i32
      %lt3A_1911 = arith.constant 0 : i32
      %lt3A_1912 = arith.cmpi slt, %select_n3A_1905, %lt3A_1911 : i32
      %ne3A_1913 = arith.xori %lt3A_1910, %lt3A_1912 : i1
      %and3A_1914 = arith.andi %ne3A_1913, %ne3A_1908 : i1
      %add3A_1915 = arith.addi %rem3A_1906, %select_n3A_1905 : i32
      %select_n3A_1916 = arith.select %and3A_1914, %add3A_1915, %rem3A_1906 : i32
      %mul3A_1917 = arith.constant 2 : i32
      %mul3A_1918 = arith.muli %select_n3A_1916, %mul3A_1917 : i32
      %add3A_1919 = arith.addi %mul3A_2, %mul3A_1918 : i32
      %add3A_1920 = arith.constant 1 : i32
      %add3A_1921 = arith.addi %add3A_1919, %add3A_1920 : i32
      %dma_start3A_1922 = arith.constant 1 : i32
      %dma_start3A_1923 = arith.constant 3 : i32
      %dma_start3A_1924 = arith.constant 24 : i32
      %dma_start3A_1925 = arith.constant 0 : i32
      %dma_start3A_1926 = tpu.memref_slice %arg8[%select_n3A_1099, %dma_start3A_1922, %dma_start3A_1924, %dma_start3A_1925] : memref<2x2x64x129xf32, #tpu.memory_space<vmem>> -> memref<1x1x8x128xf32, #tpu.memory_space<vmem>>
      %dma_start3A_1927 = tpu.memref_squeeze %dma_start3A_1926 : memref<1x1x8x128xf32, #tpu.memory_space<vmem>> -> memref<8x128xf32, #tpu.memory_space<vmem>>
      %dma_start3A_1928 = arith.constant 0 : i32
      %dma_start3A_1929 = arith.constant 0 : i32
      %dma_start3A_1930 = tpu.memref_slice %arg4[%select_n3A_1900, %dma_start3A_1923, %add3A_1921, %dma_start3A_1928, %dma_start3A_1929] : memref<50x8x128x8x128xf32, #tpu.memory_space<hbm>> -> memref<1x1x1x8x128xf32, #tpu.memory_space<hbm>>
      %dma_start3A_1931 = tpu.memref_squeeze %dma_start3A_1930 : memref<1x1x1x8x128xf32, #tpu.memory_space<hbm>> -> memref<8x128xf32, #tpu.memory_space<hbm>>
      %dma_start3A_1932 = arith.constant 0 : i32
      %dma_start3A_1933 = arith.constant 0 : i32
      %dma_start3A_1934 = tpu.memref_slice %arg4[%select_n3A_1900, %dma_start3A_1923, %add3A_1921, %dma_start3A_1932, %dma_start3A_1933] : memref<50x8x128x8x128xf32, #tpu.memory_space<hbm>> -> memref<1x1x1x8x128xf32, #tpu.memory_space<hbm>>
      %dma_start3A_1935 = tpu.memref_squeeze %dma_start3A_1934 : memref<1x1x1x8x128xf32, #tpu.memory_space<hbm>> -> memref<8x128xf32, #tpu.memory_space<hbm>>
      %dma_start3A_1936 = arith.constant 24 : i32
      %dma_start3A_1937 = arith.constant 0 : i32
      %dma_start3A_1938 = tpu.memref_slice %arg8[%select_n3A_1099, %dma_start3A_1922, %dma_start3A_1936, %dma_start3A_1937] : memref<2x2x64x129xf32, #tpu.memory_space<vmem>> -> memref<1x1x8x128xf32, #tpu.memory_space<vmem>>
      %dma_start3A_1939 = tpu.memref_squeeze %dma_start3A_1938 : memref<1x1x8x128xf32, #tpu.memory_space<vmem>> -> memref<8x128xf32, #tpu.memory_space<vmem>>
      tpu.enqueue_dma source(%dma_start3A_1939 : memref<8x128xf32, #tpu.memory_space<vmem>>) target(%dma_start3A_1935 : memref<8x128xf32, #tpu.memory_space<hbm>>) target_semaphore(%arg11 : memref<!tpu.dma_semaphore, #tpu.memory_space<semaphore_mem>>)
      %jit3A_1940 = arith.constant 2 : i32
      %div3A_1941 = arith.divsi %scan3A_1090, %jit3A_1940 : i32
      %sign3A_1942 = arith.constant 0 : i32
      %sign3A_1943 = arith.cmpi sgt, %scan3A_1090, %sign3A_1942 : i32
      %sign3A_1944 = arith.extui %sign3A_1943 : i1 to i32
      %sign3A_1945 = arith.constant 0 : i32
      %sign3A_1946 = arith.cmpi slt, %scan3A_1090, %sign3A_1945 : i32
      %sign3A_1947 = arith.extui %sign3A_1946 : i1 to i32
      %sign3A_1948 = arith.subi %sign3A_1944, %sign3A_1947 : i32
      %sign3A_1949 = arith.constant 0 : i32
      %sign3A_1950 = arith.cmpi sgt, %jit3A_1940, %sign3A_1949 : i32
      %sign3A_1951 = arith.extui %sign3A_1950 : i1 to i32
      %sign3A_1952 = arith.constant 0 : i32
      %sign3A_1953 = arith.cmpi slt, %jit3A_1940, %sign3A_1952 : i32
      %sign3A_1954 = arith.extui %sign3A_1953 : i1 to i32
      %sign3A_1955 = arith.subi %sign3A_1951, %sign3A_1954 : i32
      %ne3A_1956 = arith.cmpi ne, %sign3A_1948, %sign3A_1955 : i32
      %rem3A_1957 = arith.remsi %scan3A_1090, %jit3A_1940 : i32
      %ne3A_1958 = arith.constant 0 : i32
      %ne3A_1959 = arith.cmpi ne, %rem3A_1957, %ne3A_1958 : i32
      %and3A_1960 = arith.andi %ne3A_1956, %ne3A_1959 : i1
      %sub3A_1961 = arith.constant 1 : i32
      %sub3A_1962 = arith.subi %div3A_1941, %sub3A_1961 : i32
      %select_n3A_1963 = arith.select %and3A_1960, %sub3A_1962, %div3A_1941 : i32
      %jit3A_1964 = arith.constant 2 : i32
      %eq3A_1965 = arith.constant 0 : i32
      %eq3A_1966 = arith.cmpi eq, %jit3A_1964, %eq3A_1965 : i32
      %jit3A_1967 = arith.constant 1 : i32
      %select_n3A_1968 = arith.select %eq3A_1966, %jit3A_1967, %jit3A_1964 : i32
      %rem3A_1969 = arith.remsi %scan3A_1090, %select_n3A_1968 : i32
      %ne3A_1970 = arith.constant 0 : i32
      %ne3A_1971 = arith.cmpi ne, %rem3A_1969, %ne3A_1970 : i32
      %lt3A_1972 = arith.constant 0 : i32
      %lt3A_1973 = arith.cmpi slt, %rem3A_1969, %lt3A_1972 : i32
      %lt3A_1974 = arith.constant 0 : i32
      %lt3A_1975 = arith.cmpi slt, %select_n3A_1968, %lt3A_1974 : i32
      %ne3A_1976 = arith.xori %lt3A_1973, %lt3A_1975 : i1
      %and3A_1977 = arith.andi %ne3A_1976, %ne3A_1971 : i1
      %add3A_1978 = arith.addi %rem3A_1969, %select_n3A_1968 : i32
      %select_n3A_1979 = arith.select %and3A_1977, %add3A_1978, %rem3A_1969 : i32
      %mul3A_1980 = arith.constant 2 : i32
      %mul3A_1981 = arith.muli %select_n3A_1979, %mul3A_1980 : i32
      %add3A_1982 = arith.addi %mul3A_2, %mul3A_1981 : i32
      %add3A_1983 = arith.constant 1 : i32
      %add3A_1984 = arith.addi %add3A_1982, %add3A_1983 : i32
      %dma_start3A_1985 = arith.constant 1 : i32
      %dma_start3A_1986 = arith.constant 4 : i32
      %dma_start3A_1987 = arith.constant 32 : i32
      %dma_start3A_1988 = arith.constant 0 : i32
      %dma_start3A_1989 = tpu.memref_slice %arg8[%select_n3A_1099, %dma_start3A_1985, %dma_start3A_1987, %dma_start3A_1988] : memref<2x2x64x129xf32, #tpu.memory_space<vmem>> -> memref<1x1x8x128xf32, #tpu.memory_space<vmem>>
      %dma_start3A_1990 = tpu.memref_squeeze %dma_start3A_1989 : memref<1x1x8x128xf32, #tpu.memory_space<vmem>> -> memref<8x128xf32, #tpu.memory_space<vmem>>
      %dma_start3A_1991 = arith.constant 0 : i32
      %dma_start3A_1992 = arith.constant 0 : i32
      %dma_start3A_1993 = tpu.memref_slice %arg4[%select_n3A_1963, %dma_start3A_1986, %add3A_1984, %dma_start3A_1991, %dma_start3A_1992] : memref<50x8x128x8x128xf32, #tpu.memory_space<hbm>> -> memref<1x1x1x8x128xf32, #tpu.memory_space<hbm>>
      %dma_start3A_1994 = tpu.memref_squeeze %dma_start3A_1993 : memref<1x1x1x8x128xf32, #tpu.memory_space<hbm>> -> memref<8x128xf32, #tpu.memory_space<hbm>>
      %dma_start3A_1995 = arith.constant 0 : i32
      %dma_start3A_1996 = arith.constant 0 : i32
      %dma_start3A_1997 = tpu.memref_slice %arg4[%select_n3A_1963, %dma_start3A_1986, %add3A_1984, %dma_start3A_1995, %dma_start3A_1996] : memref<50x8x128x8x128xf32, #tpu.memory_space<hbm>> -> memref<1x1x1x8x128xf32, #tpu.memory_space<hbm>>
      %dma_start3A_1998 = tpu.memref_squeeze %dma_start3A_1997 : memref<1x1x1x8x128xf32, #tpu.memory_space<hbm>> -> memref<8x128xf32, #tpu.memory_space<hbm>>
      %dma_start3A_1999 = arith.constant 32 : i32
      %dma_start3A_2000 = arith.constant 0 : i32
      %dma_start3A_2001 = tpu.memref_slice %arg8[%select_n3A_1099, %dma_start3A_1985, %dma_start3A_1999, %dma_start3A_2000] : memref<2x2x64x129xf32, #tpu.memory_space<vmem>> -> memref<1x1x8x128xf32, #tpu.memory_space<vmem>>
      %dma_start3A_2002 = tpu.memref_squeeze %dma_start3A_2001 : memref<1x1x8x128xf32, #tpu.memory_space<vmem>> -> memref<8x128xf32, #tpu.memory_space<vmem>>
      tpu.enqueue_dma source(%dma_start3A_2002 : memref<8x128xf32, #tpu.memory_space<vmem>>) target(%dma_start3A_1998 : memref<8x128xf32, #tpu.memory_space<hbm>>) target_semaphore(%arg11 : memref<!tpu.dma_semaphore, #tpu.memory_space<semaphore_mem>>)
      %jit3A_2003 = arith.constant 2 : i32
      %div3A_2004 = arith.divsi %scan3A_1090, %jit3A_2003 : i32
      %sign3A_2005 = arith.constant 0 : i32
      %sign3A_2006 = arith.cmpi sgt, %scan3A_1090, %sign3A_2005 : i32
      %sign3A_2007 = arith.extui %sign3A_2006 : i1 to i32
      %sign3A_2008 = arith.constant 0 : i32
      %sign3A_2009 = arith.cmpi slt, %scan3A_1090, %sign3A_2008 : i32
      %sign3A_2010 = arith.extui %sign3A_2009 : i1 to i32
      %sign3A_2011 = arith.subi %sign3A_2007, %sign3A_2010 : i32
      %sign3A_2012 = arith.constant 0 : i32
      %sign3A_2013 = arith.cmpi sgt, %jit3A_2003, %sign3A_2012 : i32
      %sign3A_2014 = arith.extui %sign3A_2013 : i1 to i32
      %sign3A_2015 = arith.constant 0 : i32
      %sign3A_2016 = arith.cmpi slt, %jit3A_2003, %sign3A_2015 : i32
      %sign3A_2017 = arith.extui %sign3A_2016 : i1 to i32
      %sign3A_2018 = arith.subi %sign3A_2014, %sign3A_2017 : i32
      %ne3A_2019 = arith.cmpi ne, %sign3A_2011, %sign3A_2018 : i32
      %rem3A_2020 = arith.remsi %scan3A_1090, %jit3A_2003 : i32
      %ne3A_2021 = arith.constant 0 : i32
      %ne3A_2022 = arith.cmpi ne, %rem3A_2020, %ne3A_2021 : i32
      %and3A_2023 = arith.andi %ne3A_2019, %ne3A_2022 : i1
      %sub3A_2024 = arith.constant 1 : i32
      %sub3A_2025 = arith.subi %div3A_2004, %sub3A_2024 : i32
      %select_n3A_2026 = arith.select %and3A_2023, %sub3A_2025, %div3A_2004 : i32
      %jit3A_2027 = arith.constant 2 : i32
      %eq3A_2028 = arith.constant 0 : i32
      %eq3A_2029 = arith.cmpi eq, %jit3A_2027, %eq3A_2028 : i32
      %jit3A_2030 = arith.constant 1 : i32
      %select_n3A_2031 = arith.select %eq3A_2029, %jit3A_2030, %jit3A_2027 : i32
      %rem3A_2032 = arith.remsi %scan3A_1090, %select_n3A_2031 : i32
      %ne3A_2033 = arith.constant 0 : i32
      %ne3A_2034 = arith.cmpi ne, %rem3A_2032, %ne3A_2033 : i32
      %lt3A_2035 = arith.constant 0 : i32
      %lt3A_2036 = arith.cmpi slt, %rem3A_2032, %lt3A_2035 : i32
      %lt3A_2037 = arith.constant 0 : i32
      %lt3A_2038 = arith.cmpi slt, %select_n3A_2031, %lt3A_2037 : i32
      %ne3A_2039 = arith.xori %lt3A_2036, %lt3A_2038 : i1
      %and3A_2040 = arith.andi %ne3A_2039, %ne3A_2034 : i1
      %add3A_2041 = arith.addi %rem3A_2032, %select_n3A_2031 : i32
      %select_n3A_2042 = arith.select %and3A_2040, %add3A_2041, %rem3A_2032 : i32
      %mul3A_2043 = arith.constant 2 : i32
      %mul3A_2044 = arith.muli %select_n3A_2042, %mul3A_2043 : i32
      %add3A_2045 = arith.addi %mul3A_2, %mul3A_2044 : i32
      %add3A_2046 = arith.constant 1 : i32
      %add3A_2047 = arith.addi %add3A_2045, %add3A_2046 : i32
      %dma_start3A_2048 = arith.constant 1 : i32
      %dma_start3A_2049 = arith.constant 5 : i32
      %dma_start3A_2050 = arith.constant 40 : i32
      %dma_start3A_2051 = arith.constant 0 : i32
      %dma_start3A_2052 = tpu.memref_slice %arg8[%select_n3A_1099, %dma_start3A_2048, %dma_start3A_2050, %dma_start3A_2051] : memref<2x2x64x129xf32, #tpu.memory_space<vmem>> -> memref<1x1x8x128xf32, #tpu.memory_space<vmem>>
      %dma_start3A_2053 = tpu.memref_squeeze %dma_start3A_2052 : memref<1x1x8x128xf32, #tpu.memory_space<vmem>> -> memref<8x128xf32, #tpu.memory_space<vmem>>
      %dma_start3A_2054 = arith.constant 0 : i32
      %dma_start3A_2055 = arith.constant 0 : i32
      %dma_start3A_2056 = tpu.memref_slice %arg4[%select_n3A_2026, %dma_start3A_2049, %add3A_2047, %dma_start3A_2054, %dma_start3A_2055] : memref<50x8x128x8x128xf32, #tpu.memory_space<hbm>> -> memref<1x1x1x8x128xf32, #tpu.memory_space<hbm>>
      %dma_start3A_2057 = tpu.memref_squeeze %dma_start3A_2056 : memref<1x1x1x8x128xf32, #tpu.memory_space<hbm>> -> memref<8x128xf32, #tpu.memory_space<hbm>>
      %dma_start3A_2058 = arith.constant 0 : i32
      %dma_start3A_2059 = arith.constant 0 : i32
      %dma_start3A_2060 = tpu.memref_slice %arg4[%select_n3A_2026, %dma_start3A_2049, %add3A_2047, %dma_start3A_2058, %dma_start3A_2059] : memref<50x8x128x8x128xf32, #tpu.memory_space<hbm>> -> memref<1x1x1x8x128xf32, #tpu.memory_space<hbm>>
      %dma_start3A_2061 = tpu.memref_squeeze %dma_start3A_2060 : memref<1x1x1x8x128xf32, #tpu.memory_space<hbm>> -> memref<8x128xf32, #tpu.memory_space<hbm>>
      %dma_start3A_2062 = arith.constant 40 : i32
      %dma_start3A_2063 = arith.constant 0 : i32
      %dma_start3A_2064 = tpu.memref_slice %arg8[%select_n3A_1099, %dma_start3A_2048, %dma_start3A_2062, %dma_start3A_2063] : memref<2x2x64x129xf32, #tpu.memory_space<vmem>> -> memref<1x1x8x128xf32, #tpu.memory_space<vmem>>
      %dma_start3A_2065 = tpu.memref_squeeze %dma_start3A_2064 : memref<1x1x8x128xf32, #tpu.memory_space<vmem>> -> memref<8x128xf32, #tpu.memory_space<vmem>>
      tpu.enqueue_dma source(%dma_start3A_2065 : memref<8x128xf32, #tpu.memory_space<vmem>>) target(%dma_start3A_2061 : memref<8x128xf32, #tpu.memory_space<hbm>>) target_semaphore(%arg11 : memref<!tpu.dma_semaphore, #tpu.memory_space<semaphore_mem>>)
      %jit3A_2066 = arith.constant 2 : i32
      %div3A_2067 = arith.divsi %scan3A_1090, %jit3A_2066 : i32
      %sign3A_2068 = arith.constant 0 : i32
      %sign3A_2069 = arith.cmpi sgt, %scan3A_1090, %sign3A_2068 : i32
      %sign3A_2070 = arith.extui %sign3A_2069 : i1 to i32
      %sign3A_2071 = arith.constant 0 : i32
      %sign3A_2072 = arith.cmpi slt, %scan3A_1090, %sign3A_2071 : i32
      %sign3A_2073 = arith.extui %sign3A_2072 : i1 to i32
      %sign3A_2074 = arith.subi %sign3A_2070, %sign3A_2073 : i32
      %sign3A_2075 = arith.constant 0 : i32
      %sign3A_2076 = arith.cmpi sgt, %jit3A_2066, %sign3A_2075 : i32
      %sign3A_2077 = arith.extui %sign3A_2076 : i1 to i32
      %sign3A_2078 = arith.constant 0 : i32
      %sign3A_2079 = arith.cmpi slt, %jit3A_2066, %sign3A_2078 : i32
      %sign3A_2080 = arith.extui %sign3A_2079 : i1 to i32
      %sign3A_2081 = arith.subi %sign3A_2077, %sign3A_2080 : i32
      %ne3A_2082 = arith.cmpi ne, %sign3A_2074, %sign3A_2081 : i32
      %rem3A_2083 = arith.remsi %scan3A_1090, %jit3A_2066 : i32
      %ne3A_2084 = arith.constant 0 : i32
      %ne3A_2085 = arith.cmpi ne, %rem3A_2083, %ne3A_2084 : i32
      %and3A_2086 = arith.andi %ne3A_2082, %ne3A_2085 : i1
      %sub3A_2087 = arith.constant 1 : i32
      %sub3A_2088 = arith.subi %div3A_2067, %sub3A_2087 : i32
      %select_n3A_2089 = arith.select %and3A_2086, %sub3A_2088, %div3A_2067 : i32
      %jit3A_2090 = arith.constant 2 : i32
      %eq3A_2091 = arith.constant 0 : i32
      %eq3A_2092 = arith.cmpi eq, %jit3A_2090, %eq3A_2091 : i32
      %jit3A_2093 = arith.constant 1 : i32
      %select_n3A_2094 = arith.select %eq3A_2092, %jit3A_2093, %jit3A_2090 : i32
      %rem3A_2095 = arith.remsi %scan3A_1090, %select_n3A_2094 : i32
      %ne3A_2096 = arith.constant 0 : i32
      %ne3A_2097 = arith.cmpi ne, %rem3A_2095, %ne3A_2096 : i32
      %lt3A_2098 = arith.constant 0 : i32
      %lt3A_2099 = arith.cmpi slt, %rem3A_2095, %lt3A_2098 : i32
      %lt3A_2100 = arith.constant 0 : i32
      %lt3A_2101 = arith.cmpi slt, %select_n3A_2094, %lt3A_2100 : i32
      %ne3A_2102 = arith.xori %lt3A_2099, %lt3A_2101 : i1
      %and3A_2103 = arith.andi %ne3A_2102, %ne3A_2097 : i1
      %add3A_2104 = arith.addi %rem3A_2095, %select_n3A_2094 : i32
      %select_n3A_2105 = arith.select %and3A_2103, %add3A_2104, %rem3A_2095 : i32
      %mul3A_2106 = arith.constant 2 : i32
      %mul3A_2107 = arith.muli %select_n3A_2105, %mul3A_2106 : i32
      %add3A_2108 = arith.addi %mul3A_2, %mul3A_2107 : i32
      %add3A_2109 = arith.constant 1 : i32
      %add3A_2110 = arith.addi %add3A_2108, %add3A_2109 : i32
      %dma_start3A_2111 = arith.constant 1 : i32
      %dma_start3A_2112 = arith.constant 6 : i32
      %dma_start3A_2113 = arith.constant 48 : i32
      %dma_start3A_2114 = arith.constant 0 : i32
      %dma_start3A_2115 = tpu.memref_slice %arg8[%select_n3A_1099, %dma_start3A_2111, %dma_start3A_2113, %dma_start3A_2114] : memref<2x2x64x129xf32, #tpu.memory_space<vmem>> -> memref<1x1x8x128xf32, #tpu.memory_space<vmem>>
      %dma_start3A_2116 = tpu.memref_squeeze %dma_start3A_2115 : memref<1x1x8x128xf32, #tpu.memory_space<vmem>> -> memref<8x128xf32, #tpu.memory_space<vmem>>
      %dma_start3A_2117 = arith.constant 0 : i32
      %dma_start3A_2118 = arith.constant 0 : i32
      %dma_start3A_2119 = tpu.memref_slice %arg4[%select_n3A_2089, %dma_start3A_2112, %add3A_2110, %dma_start3A_2117, %dma_start3A_2118] : memref<50x8x128x8x128xf32, #tpu.memory_space<hbm>> -> memref<1x1x1x8x128xf32, #tpu.memory_space<hbm>>
      %dma_start3A_2120 = tpu.memref_squeeze %dma_start3A_2119 : memref<1x1x1x8x128xf32, #tpu.memory_space<hbm>> -> memref<8x128xf32, #tpu.memory_space<hbm>>
      %dma_start3A_2121 = arith.constant 0 : i32
      %dma_start3A_2122 = arith.constant 0 : i32
      %dma_start3A_2123 = tpu.memref_slice %arg4[%select_n3A_2089, %dma_start3A_2112, %add3A_2110, %dma_start3A_2121, %dma_start3A_2122] : memref<50x8x128x8x128xf32, #tpu.memory_space<hbm>> -> memref<1x1x1x8x128xf32, #tpu.memory_space<hbm>>
      %dma_start3A_2124 = tpu.memref_squeeze %dma_start3A_2123 : memref<1x1x1x8x128xf32, #tpu.memory_space<hbm>> -> memref<8x128xf32, #tpu.memory_space<hbm>>
      %dma_start3A_2125 = arith.constant 48 : i32
      %dma_start3A_2126 = arith.constant 0 : i32
      %dma_start3A_2127 = tpu.memref_slice %arg8[%select_n3A_1099, %dma_start3A_2111, %dma_start3A_2125, %dma_start3A_2126] : memref<2x2x64x129xf32, #tpu.memory_space<vmem>> -> memref<1x1x8x128xf32, #tpu.memory_space<vmem>>
      %dma_start3A_2128 = tpu.memref_squeeze %dma_start3A_2127 : memref<1x1x8x128xf32, #tpu.memory_space<vmem>> -> memref<8x128xf32, #tpu.memory_space<vmem>>
      tpu.enqueue_dma source(%dma_start3A_2128 : memref<8x128xf32, #tpu.memory_space<vmem>>) target(%dma_start3A_2124 : memref<8x128xf32, #tpu.memory_space<hbm>>) target_semaphore(%arg11 : memref<!tpu.dma_semaphore, #tpu.memory_space<semaphore_mem>>)
      %jit3A_2129 = arith.constant 2 : i32
      %div3A_2130 = arith.divsi %scan3A_1090, %jit3A_2129 : i32
      %sign3A_2131 = arith.constant 0 : i32
      %sign3A_2132 = arith.cmpi sgt, %scan3A_1090, %sign3A_2131 : i32
      %sign3A_2133 = arith.extui %sign3A_2132 : i1 to i32
      %sign3A_2134 = arith.constant 0 : i32
      %sign3A_2135 = arith.cmpi slt, %scan3A_1090, %sign3A_2134 : i32
      %sign3A_2136 = arith.extui %sign3A_2135 : i1 to i32
      %sign3A_2137 = arith.subi %sign3A_2133, %sign3A_2136 : i32
      %sign3A_2138 = arith.constant 0 : i32
      %sign3A_2139 = arith.cmpi sgt, %jit3A_2129, %sign3A_2138 : i32
      %sign3A_2140 = arith.extui %sign3A_2139 : i1 to i32
      %sign3A_2141 = arith.constant 0 : i32
      %sign3A_2142 = arith.cmpi slt, %jit3A_2129, %sign3A_2141 : i32
      %sign3A_2143 = arith.extui %sign3A_2142 : i1 to i32
      %sign3A_2144 = arith.subi %sign3A_2140, %sign3A_2143 : i32
      %ne3A_2145 = arith.cmpi ne, %sign3A_2137, %sign3A_2144 : i32
      %rem3A_2146 = arith.remsi %scan3A_1090, %jit3A_2129 : i32
      %ne3A_2147 = arith.constant 0 : i32
      %ne3A_2148 = arith.cmpi ne, %rem3A_2146, %ne3A_2147 : i32
      %and3A_2149 = arith.andi %ne3A_2145, %ne3A_2148 : i1
      %sub3A_2150 = arith.constant 1 : i32
      %sub3A_2151 = arith.subi %div3A_2130, %sub3A_2150 : i32
      %select_n3A_2152 = arith.select %and3A_2149, %sub3A_2151, %div3A_2130 : i32
      %jit3A_2153 = arith.constant 2 : i32
      %eq3A_2154 = arith.constant 0 : i32
      %eq3A_2155 = arith.cmpi eq, %jit3A_2153, %eq3A_2154 : i32
      %jit3A_2156 = arith.constant 1 : i32
      %select_n3A_2157 = arith.select %eq3A_2155, %jit3A_2156, %jit3A_2153 : i32
      %rem3A_2158 = arith.remsi %scan3A_1090, %select_n3A_2157 : i32
      %ne3A_2159 = arith.constant 0 : i32
      %ne3A_2160 = arith.cmpi ne, %rem3A_2158, %ne3A_2159 : i32
      %lt3A_2161 = arith.constant 0 : i32
      %lt3A_2162 = arith.cmpi slt, %rem3A_2158, %lt3A_2161 : i32
      %lt3A_2163 = arith.constant 0 : i32
      %lt3A_2164 = arith.cmpi slt, %select_n3A_2157, %lt3A_2163 : i32
      %ne3A_2165 = arith.xori %lt3A_2162, %lt3A_2164 : i1
      %and3A_2166 = arith.andi %ne3A_2165, %ne3A_2160 : i1
      %add3A_2167 = arith.addi %rem3A_2158, %select_n3A_2157 : i32
      %select_n3A_2168 = arith.select %and3A_2166, %add3A_2167, %rem3A_2158 : i32
      %mul3A_2169 = arith.constant 2 : i32
      %mul3A_2170 = arith.muli %select_n3A_2168, %mul3A_2169 : i32
      %add3A_2171 = arith.addi %mul3A_2, %mul3A_2170 : i32
      %add3A_2172 = arith.constant 1 : i32
      %add3A_2173 = arith.addi %add3A_2171, %add3A_2172 : i32
      %dma_start3A_2174 = arith.constant 1 : i32
      %dma_start3A_2175 = arith.constant 7 : i32
      %dma_start3A_2176 = arith.constant 56 : i32
      %dma_start3A_2177 = arith.constant 0 : i32
      %dma_start3A_2178 = tpu.memref_slice %arg8[%select_n3A_1099, %dma_start3A_2174, %dma_start3A_2176, %dma_start3A_2177] : memref<2x2x64x129xf32, #tpu.memory_space<vmem>> -> memref<1x1x8x128xf32, #tpu.memory_space<vmem>>
      %dma_start3A_2179 = tpu.memref_squeeze %dma_start3A_2178 : memref<1x1x8x128xf32, #tpu.memory_space<vmem>> -> memref<8x128xf32, #tpu.memory_space<vmem>>
      %dma_start3A_2180 = arith.constant 0 : i32
      %dma_start3A_2181 = arith.constant 0 : i32
      %dma_start3A_2182 = tpu.memref_slice %arg4[%select_n3A_2152, %dma_start3A_2175, %add3A_2173, %dma_start3A_2180, %dma_start3A_2181] : memref<50x8x128x8x128xf32, #tpu.memory_space<hbm>> -> memref<1x1x1x8x128xf32, #tpu.memory_space<hbm>>
      %dma_start3A_2183 = tpu.memref_squeeze %dma_start3A_2182 : memref<1x1x1x8x128xf32, #tpu.memory_space<hbm>> -> memref<8x128xf32, #tpu.memory_space<hbm>>
      %dma_start3A_2184 = arith.constant 0 : i32
      %dma_start3A_2185 = arith.constant 0 : i32
      %dma_start3A_2186 = tpu.memref_slice %arg4[%select_n3A_2152, %dma_start3A_2175, %add3A_2173, %dma_start3A_2184, %dma_start3A_2185] : memref<50x8x128x8x128xf32, #tpu.memory_space<hbm>> -> memref<1x1x1x8x128xf32, #tpu.memory_space<hbm>>
      %dma_start3A_2187 = tpu.memref_squeeze %dma_start3A_2186 : memref<1x1x1x8x128xf32, #tpu.memory_space<hbm>> -> memref<8x128xf32, #tpu.memory_space<hbm>>
      %dma_start3A_2188 = arith.constant 56 : i32
      %dma_start3A_2189 = arith.constant 0 : i32
      %dma_start3A_2190 = tpu.memref_slice %arg8[%select_n3A_1099, %dma_start3A_2174, %dma_start3A_2188, %dma_start3A_2189] : memref<2x2x64x129xf32, #tpu.memory_space<vmem>> -> memref<1x1x8x128xf32, #tpu.memory_space<vmem>>
      %dma_start3A_2191 = tpu.memref_squeeze %dma_start3A_2190 : memref<1x1x8x128xf32, #tpu.memory_space<vmem>> -> memref<8x128xf32, #tpu.memory_space<vmem>>
      tpu.enqueue_dma source(%dma_start3A_2191 : memref<8x128xf32, #tpu.memory_space<vmem>>) target(%dma_start3A_2187 : memref<8x128xf32, #tpu.memory_space<hbm>>) target_semaphore(%arg11 : memref<!tpu.dma_semaphore, #tpu.memory_space<semaphore_mem>>)
    }
    %scan3A_321 = arith.constant 100 : i32
    %add3A_322 = arith.constant 0 : i32
    %add3A_323 = arith.addi %mul3A_2, %add3A_322 : i32
    %add3A_324 = arith.constant 0 : i32
    %add3A_325 = arith.addi %add3A_323, %add3A_324 : i32
    %dma_wait3A_326 = arith.constant 0 : i32
    %dma_wait3A_327 = arith.constant 0 : i32
    %dma_wait3A_328 = arith.constant 49 : i32
    %dma_wait3A_329 = arith.constant 0 : i32
    %dma_wait3A_330 = arith.constant 0 : i32
    %dma_wait3A_331 = arith.constant 0 : i32
    %dma_wait3A_332 = tpu.memref_slice %arg8[%dma_wait3A_326, %dma_wait3A_327, %dma_wait3A_330, %dma_wait3A_331] : memref<2x2x64x129xf32, #tpu.memory_space<vmem>> -> memref<1x1x8x128xf32, #tpu.memory_space<vmem>>
    %dma_wait3A_333 = tpu.memref_squeeze %dma_wait3A_332 : memref<1x1x8x128xf32, #tpu.memory_space<vmem>> -> memref<8x128xf32, #tpu.memory_space<vmem>>
    %dma_wait3A_334 = arith.constant 0 : i32
    %dma_wait3A_335 = arith.constant 0 : i32
    %dma_wait3A_336 = tpu.memref_slice %arg4[%dma_wait3A_328, %dma_wait3A_329, %add3A_325, %dma_wait3A_334, %dma_wait3A_335] : memref<50x8x128x8x128xf32, #tpu.memory_space<hbm>> -> memref<1x1x1x8x128xf32, #tpu.memory_space<hbm>>
    %dma_wait3A_337 = tpu.memref_squeeze %dma_wait3A_336 : memref<1x1x1x8x128xf32, #tpu.memory_space<hbm>> -> memref<8x128xf32, #tpu.memory_space<hbm>>
    %dma_wait3A_338 = arith.constant 0 : i32
    %dma_wait3A_339 = arith.constant 0 : i32
    %dma_wait3A_340 = tpu.memref_slice %arg4[%dma_wait3A_328, %dma_wait3A_329, %add3A_325, %dma_wait3A_338, %dma_wait3A_339] : memref<50x8x128x8x128xf32, #tpu.memory_space<hbm>> -> memref<1x1x1x8x128xf32, #tpu.memory_space<hbm>>
    %dma_wait3A_341 = tpu.memref_squeeze %dma_wait3A_340 : memref<1x1x1x8x128xf32, #tpu.memory_space<hbm>> -> memref<8x128xf32, #tpu.memory_space<hbm>>
    %dma_wait3A_342 = arith.constant 0 : i32
    %dma_wait3A_343 = arith.constant 0 : i32
    %dma_wait3A_344 = tpu.memref_slice %arg8[%dma_wait3A_326, %dma_wait3A_327, %dma_wait3A_342, %dma_wait3A_343] : memref<2x2x64x129xf32, #tpu.memory_space<vmem>> -> memref<1x1x8x128xf32, #tpu.memory_space<vmem>>
    %dma_wait3A_345 = tpu.memref_squeeze %dma_wait3A_344 : memref<1x1x8x128xf32, #tpu.memory_space<vmem>> -> memref<8x128xf32, #tpu.memory_space<vmem>>
    tpu.wait_dma2 semaphore(%arg11 : memref<!tpu.dma_semaphore, #tpu.memory_space<semaphore_mem>>) src(%dma_wait3A_345 : memref<8x128xf32, #tpu.memory_space<vmem>>) dst(%dma_wait3A_341 : memref<8x128xf32, #tpu.memory_space<hbm>>)
    %add3A_346 = arith.constant 0 : i32
    %add3A_347 = arith.addi %mul3A_2, %add3A_346 : i32
    %add3A_348 = arith.constant 0 : i32
    %add3A_349 = arith.addi %add3A_347, %add3A_348 : i32
    %dma_wait3A_350 = arith.constant 0 : i32
    %dma_wait3A_351 = arith.constant 0 : i32
    %dma_wait3A_352 = arith.constant 49 : i32
    %dma_wait3A_353 = arith.constant 1 : i32
    %dma_wait3A_354 = arith.constant 8 : i32
    %dma_wait3A_355 = arith.constant 0 : i32
    %dma_wait3A_356 = tpu.memref_slice %arg8[%dma_wait3A_350, %dma_wait3A_351, %dma_wait3A_354, %dma_wait3A_355] : memref<2x2x64x129xf32, #tpu.memory_space<vmem>> -> memref<1x1x8x128xf32, #tpu.memory_space<vmem>>
    %dma_wait3A_357 = tpu.memref_squeeze %dma_wait3A_356 : memref<1x1x8x128xf32, #tpu.memory_space<vmem>> -> memref<8x128xf32, #tpu.memory_space<vmem>>
    %dma_wait3A_358 = arith.constant 0 : i32
    %dma_wait3A_359 = arith.constant 0 : i32
    %dma_wait3A_360 = tpu.memref_slice %arg4[%dma_wait3A_352, %dma_wait3A_353, %add3A_349, %dma_wait3A_358, %dma_wait3A_359] : memref<50x8x128x8x128xf32, #tpu.memory_space<hbm>> -> memref<1x1x1x8x128xf32, #tpu.memory_space<hbm>>
    %dma_wait3A_361 = tpu.memref_squeeze %dma_wait3A_360 : memref<1x1x1x8x128xf32, #tpu.memory_space<hbm>> -> memref<8x128xf32, #tpu.memory_space<hbm>>
    %dma_wait3A_362 = arith.constant 0 : i32
    %dma_wait3A_363 = arith.constant 0 : i32
    %dma_wait3A_364 = tpu.memref_slice %arg4[%dma_wait3A_352, %dma_wait3A_353, %add3A_349, %dma_wait3A_362, %dma_wait3A_363] : memref<50x8x128x8x128xf32, #tpu.memory_space<hbm>> -> memref<1x1x1x8x128xf32, #tpu.memory_space<hbm>>
    %dma_wait3A_365 = tpu.memref_squeeze %dma_wait3A_364 : memref<1x1x1x8x128xf32, #tpu.memory_space<hbm>> -> memref<8x128xf32, #tpu.memory_space<hbm>>
    %dma_wait3A_366 = arith.constant 8 : i32
    %dma_wait3A_367 = arith.constant 0 : i32
    %dma_wait3A_368 = tpu.memref_slice %arg8[%dma_wait3A_350, %dma_wait3A_351, %dma_wait3A_366, %dma_wait3A_367] : memref<2x2x64x129xf32, #tpu.memory_space<vmem>> -> memref<1x1x8x128xf32, #tpu.memory_space<vmem>>
    %dma_wait3A_369 = tpu.memref_squeeze %dma_wait3A_368 : memref<1x1x8x128xf32, #tpu.memory_space<vmem>> -> memref<8x128xf32, #tpu.memory_space<vmem>>
    tpu.wait_dma2 semaphore(%arg11 : memref<!tpu.dma_semaphore, #tpu.memory_space<semaphore_mem>>) src(%dma_wait3A_369 : memref<8x128xf32, #tpu.memory_space<vmem>>) dst(%dma_wait3A_365 : memref<8x128xf32, #tpu.memory_space<hbm>>)
    %add3A_370 = arith.constant 0 : i32
    %add3A_371 = arith.addi %mul3A_2, %add3A_370 : i32
    %add3A_372 = arith.constant 0 : i32
    %add3A_373 = arith.addi %add3A_371, %add3A_372 : i32
    %dma_wait3A_374 = arith.constant 0 : i32
    %dma_wait3A_375 = arith.constant 0 : i32
    %dma_wait3A_376 = arith.constant 49 : i32
    %dma_wait3A_377 = arith.constant 2 : i32
    %dma_wait3A_378 = arith.constant 16 : i32
    %dma_wait3A_379 = arith.constant 0 : i32
    %dma_wait3A_380 = tpu.memref_slice %arg8[%dma_wait3A_374, %dma_wait3A_375, %dma_wait3A_378, %dma_wait3A_379] : memref<2x2x64x129xf32, #tpu.memory_space<vmem>> -> memref<1x1x8x128xf32, #tpu.memory_space<vmem>>
    %dma_wait3A_381 = tpu.memref_squeeze %dma_wait3A_380 : memref<1x1x8x128xf32, #tpu.memory_space<vmem>> -> memref<8x128xf32, #tpu.memory_space<vmem>>
    %dma_wait3A_382 = arith.constant 0 : i32
    %dma_wait3A_383 = arith.constant 0 : i32
    %dma_wait3A_384 = tpu.memref_slice %arg4[%dma_wait3A_376, %dma_wait3A_377, %add3A_373, %dma_wait3A_382, %dma_wait3A_383] : memref<50x8x128x8x128xf32, #tpu.memory_space<hbm>> -> memref<1x1x1x8x128xf32, #tpu.memory_space<hbm>>
    %dma_wait3A_385 = tpu.memref_squeeze %dma_wait3A_384 : memref<1x1x1x8x128xf32, #tpu.memory_space<hbm>> -> memref<8x128xf32, #tpu.memory_space<hbm>>
    %dma_wait3A_386 = arith.constant 0 : i32
    %dma_wait3A_387 = arith.constant 0 : i32
    %dma_wait3A_388 = tpu.memref_slice %arg4[%dma_wait3A_376, %dma_wait3A_377, %add3A_373, %dma_wait3A_386, %dma_wait3A_387] : memref<50x8x128x8x128xf32, #tpu.memory_space<hbm>> -> memref<1x1x1x8x128xf32, #tpu.memory_space<hbm>>
    %dma_wait3A_389 = tpu.memref_squeeze %dma_wait3A_388 : memref<1x1x1x8x128xf32, #tpu.memory_space<hbm>> -> memref<8x128xf32, #tpu.memory_space<hbm>>
    %dma_wait3A_390 = arith.constant 16 : i32
    %dma_wait3A_391 = arith.constant 0 : i32
    %dma_wait3A_392 = tpu.memref_slice %arg8[%dma_wait3A_374, %dma_wait3A_375, %dma_wait3A_390, %dma_wait3A_391] : memref<2x2x64x129xf32, #tpu.memory_space<vmem>> -> memref<1x1x8x128xf32, #tpu.memory_space<vmem>>
    %dma_wait3A_393 = tpu.memref_squeeze %dma_wait3A_392 : memref<1x1x8x128xf32, #tpu.memory_space<vmem>> -> memref<8x128xf32, #tpu.memory_space<vmem>>
    tpu.wait_dma2 semaphore(%arg11 : memref<!tpu.dma_semaphore, #tpu.memory_space<semaphore_mem>>) src(%dma_wait3A_393 : memref<8x128xf32, #tpu.memory_space<vmem>>) dst(%dma_wait3A_389 : memref<8x128xf32, #tpu.memory_space<hbm>>)
    %add3A_394 = arith.constant 0 : i32
    %add3A_395 = arith.addi %mul3A_2, %add3A_394 : i32
    %add3A_396 = arith.constant 0 : i32
    %add3A_397 = arith.addi %add3A_395, %add3A_396 : i32
    %dma_wait3A_398 = arith.constant 0 : i32
    %dma_wait3A_399 = arith.constant 0 : i32
    %dma_wait3A_400 = arith.constant 49 : i32
    %dma_wait3A_401 = arith.constant 3 : i32
    %dma_wait3A_402 = arith.constant 24 : i32
    %dma_wait3A_403 = arith.constant 0 : i32
    %dma_wait3A_404 = tpu.memref_slice %arg8[%dma_wait3A_398, %dma_wait3A_399, %dma_wait3A_402, %dma_wait3A_403] : memref<2x2x64x129xf32, #tpu.memory_space<vmem>> -> memref<1x1x8x128xf32, #tpu.memory_space<vmem>>
    %dma_wait3A_405 = tpu.memref_squeeze %dma_wait3A_404 : memref<1x1x8x128xf32, #tpu.memory_space<vmem>> -> memref<8x128xf32, #tpu.memory_space<vmem>>
    %dma_wait3A_406 = arith.constant 0 : i32
    %dma_wait3A_407 = arith.constant 0 : i32
    %dma_wait3A_408 = tpu.memref_slice %arg4[%dma_wait3A_400, %dma_wait3A_401, %add3A_397, %dma_wait3A_406, %dma_wait3A_407] : memref<50x8x128x8x128xf32, #tpu.memory_space<hbm>> -> memref<1x1x1x8x128xf32, #tpu.memory_space<hbm>>
    %dma_wait3A_409 = tpu.memref_squeeze %dma_wait3A_408 : memref<1x1x1x8x128xf32, #tpu.memory_space<hbm>> -> memref<8x128xf32, #tpu.memory_space<hbm>>
    %dma_wait3A_410 = arith.constant 0 : i32
    %dma_wait3A_411 = arith.constant 0 : i32
    %dma_wait3A_412 = tpu.memref_slice %arg4[%dma_wait3A_400, %dma_wait3A_401, %add3A_397, %dma_wait3A_410, %dma_wait3A_411] : memref<50x8x128x8x128xf32, #tpu.memory_space<hbm>> -> memref<1x1x1x8x128xf32, #tpu.memory_space<hbm>>
    %dma_wait3A_413 = tpu.memref_squeeze %dma_wait3A_412 : memref<1x1x1x8x128xf32, #tpu.memory_space<hbm>> -> memref<8x128xf32, #tpu.memory_space<hbm>>
    %dma_wait3A_414 = arith.constant 24 : i32
    %dma_wait3A_415 = arith.constant 0 : i32
    %dma_wait3A_416 = tpu.memref_slice %arg8[%dma_wait3A_398, %dma_wait3A_399, %dma_wait3A_414, %dma_wait3A_415] : memref<2x2x64x129xf32, #tpu.memory_space<vmem>> -> memref<1x1x8x128xf32, #tpu.memory_space<vmem>>
    %dma_wait3A_417 = tpu.memref_squeeze %dma_wait3A_416 : memref<1x1x8x128xf32, #tpu.memory_space<vmem>> -> memref<8x128xf32, #tpu.memory_space<vmem>>
    tpu.wait_dma2 semaphore(%arg11 : memref<!tpu.dma_semaphore, #tpu.memory_space<semaphore_mem>>) src(%dma_wait3A_417 : memref<8x128xf32, #tpu.memory_space<vmem>>) dst(%dma_wait3A_413 : memref<8x128xf32, #tpu.memory_space<hbm>>)
    %add3A_418 = arith.constant 0 : i32
    %add3A_419 = arith.addi %mul3A_2, %add3A_418 : i32
    %add3A_420 = arith.constant 0 : i32
    %add3A_421 = arith.addi %add3A_419, %add3A_420 : i32
    %dma_wait3A_422 = arith.constant 0 : i32
    %dma_wait3A_423 = arith.constant 0 : i32
    %dma_wait3A_424 = arith.constant 49 : i32
    %dma_wait3A_425 = arith.constant 4 : i32
    %dma_wait3A_426 = arith.constant 32 : i32
    %dma_wait3A_427 = arith.constant 0 : i32
    %dma_wait3A_428 = tpu.memref_slice %arg8[%dma_wait3A_422, %dma_wait3A_423, %dma_wait3A_426, %dma_wait3A_427] : memref<2x2x64x129xf32, #tpu.memory_space<vmem>> -> memref<1x1x8x128xf32, #tpu.memory_space<vmem>>
    %dma_wait3A_429 = tpu.memref_squeeze %dma_wait3A_428 : memref<1x1x8x128xf32, #tpu.memory_space<vmem>> -> memref<8x128xf32, #tpu.memory_space<vmem>>
    %dma_wait3A_430 = arith.constant 0 : i32
    %dma_wait3A_431 = arith.constant 0 : i32
    %dma_wait3A_432 = tpu.memref_slice %arg4[%dma_wait3A_424, %dma_wait3A_425, %add3A_421, %dma_wait3A_430, %dma_wait3A_431] : memref<50x8x128x8x128xf32, #tpu.memory_space<hbm>> -> memref<1x1x1x8x128xf32, #tpu.memory_space<hbm>>
    %dma_wait3A_433 = tpu.memref_squeeze %dma_wait3A_432 : memref<1x1x1x8x128xf32, #tpu.memory_space<hbm>> -> memref<8x128xf32, #tpu.memory_space<hbm>>
    %dma_wait3A_434 = arith.constant 0 : i32
    %dma_wait3A_435 = arith.constant 0 : i32
    %dma_wait3A_436 = tpu.memref_slice %arg4[%dma_wait3A_424, %dma_wait3A_425, %add3A_421, %dma_wait3A_434, %dma_wait3A_435] : memref<50x8x128x8x128xf32, #tpu.memory_space<hbm>> -> memref<1x1x1x8x128xf32, #tpu.memory_space<hbm>>
    %dma_wait3A_437 = tpu.memref_squeeze %dma_wait3A_436 : memref<1x1x1x8x128xf32, #tpu.memory_space<hbm>> -> memref<8x128xf32, #tpu.memory_space<hbm>>
    %dma_wait3A_438 = arith.constant 32 : i32
    %dma_wait3A_439 = arith.constant 0 : i32
    %dma_wait3A_440 = tpu.memref_slice %arg8[%dma_wait3A_422, %dma_wait3A_423, %dma_wait3A_438, %dma_wait3A_439] : memref<2x2x64x129xf32, #tpu.memory_space<vmem>> -> memref<1x1x8x128xf32, #tpu.memory_space<vmem>>
    %dma_wait3A_441 = tpu.memref_squeeze %dma_wait3A_440 : memref<1x1x8x128xf32, #tpu.memory_space<vmem>> -> memref<8x128xf32, #tpu.memory_space<vmem>>
    tpu.wait_dma2 semaphore(%arg11 : memref<!tpu.dma_semaphore, #tpu.memory_space<semaphore_mem>>) src(%dma_wait3A_441 : memref<8x128xf32, #tpu.memory_space<vmem>>) dst(%dma_wait3A_437 : memref<8x128xf32, #tpu.memory_space<hbm>>)
    %add3A_442 = arith.constant 0 : i32
    %add3A_443 = arith.addi %mul3A_2, %add3A_442 : i32
    %add3A_444 = arith.constant 0 : i32
    %add3A_445 = arith.addi %add3A_443, %add3A_444 : i32
    %dma_wait3A_446 = arith.constant 0 : i32
    %dma_wait3A_447 = arith.constant 0 : i32
    %dma_wait3A_448 = arith.constant 49 : i32
    %dma_wait3A_449 = arith.constant 5 : i32
    %dma_wait3A_450 = arith.constant 40 : i32
    %dma_wait3A_451 = arith.constant 0 : i32
    %dma_wait3A_452 = tpu.memref_slice %arg8[%dma_wait3A_446, %dma_wait3A_447, %dma_wait3A_450, %dma_wait3A_451] : memref<2x2x64x129xf32, #tpu.memory_space<vmem>> -> memref<1x1x8x128xf32, #tpu.memory_space<vmem>>
    %dma_wait3A_453 = tpu.memref_squeeze %dma_wait3A_452 : memref<1x1x8x128xf32, #tpu.memory_space<vmem>> -> memref<8x128xf32, #tpu.memory_space<vmem>>
    %dma_wait3A_454 = arith.constant 0 : i32
    %dma_wait3A_455 = arith.constant 0 : i32
    %dma_wait3A_456 = tpu.memref_slice %arg4[%dma_wait3A_448, %dma_wait3A_449, %add3A_445, %dma_wait3A_454, %dma_wait3A_455] : memref<50x8x128x8x128xf32, #tpu.memory_space<hbm>> -> memref<1x1x1x8x128xf32, #tpu.memory_space<hbm>>
    %dma_wait3A_457 = tpu.memref_squeeze %dma_wait3A_456 : memref<1x1x1x8x128xf32, #tpu.memory_space<hbm>> -> memref<8x128xf32, #tpu.memory_space<hbm>>
    %dma_wait3A_458 = arith.constant 0 : i32
    %dma_wait3A_459 = arith.constant 0 : i32
    %dma_wait3A_460 = tpu.memref_slice %arg4[%dma_wait3A_448, %dma_wait3A_449, %add3A_445, %dma_wait3A_458, %dma_wait3A_459] : memref<50x8x128x8x128xf32, #tpu.memory_space<hbm>> -> memref<1x1x1x8x128xf32, #tpu.memory_space<hbm>>
    %dma_wait3A_461 = tpu.memref_squeeze %dma_wait3A_460 : memref<1x1x1x8x128xf32, #tpu.memory_space<hbm>> -> memref<8x128xf32, #tpu.memory_space<hbm>>
    %dma_wait3A_462 = arith.constant 40 : i32
    %dma_wait3A_463 = arith.constant 0 : i32
    %dma_wait3A_464 = tpu.memref_slice %arg8[%dma_wait3A_446, %dma_wait3A_447, %dma_wait3A_462, %dma_wait3A_463] : memref<2x2x64x129xf32, #tpu.memory_space<vmem>> -> memref<1x1x8x128xf32, #tpu.memory_space<vmem>>
    %dma_wait3A_465 = tpu.memref_squeeze %dma_wait3A_464 : memref<1x1x8x128xf32, #tpu.memory_space<vmem>> -> memref<8x128xf32, #tpu.memory_space<vmem>>
    tpu.wait_dma2 semaphore(%arg11 : memref<!tpu.dma_semaphore, #tpu.memory_space<semaphore_mem>>) src(%dma_wait3A_465 : memref<8x128xf32, #tpu.memory_space<vmem>>) dst(%dma_wait3A_461 : memref<8x128xf32, #tpu.memory_space<hbm>>)
    %add3A_466 = arith.constant 0 : i32
    %add3A_467 = arith.addi %mul3A_2, %add3A_466 : i32
    %add3A_468 = arith.constant 0 : i32
    %add3A_469 = arith.addi %add3A_467, %add3A_468 : i32
    %dma_wait3A_470 = arith.constant 0 : i32
    %dma_wait3A_471 = arith.constant 0 : i32
    %dma_wait3A_472 = arith.constant 49 : i32
    %dma_wait3A_473 = arith.constant 6 : i32
    %dma_wait3A_474 = arith.constant 48 : i32
    %dma_wait3A_475 = arith.constant 0 : i32
    %dma_wait3A_476 = tpu.memref_slice %arg8[%dma_wait3A_470, %dma_wait3A_471, %dma_wait3A_474, %dma_wait3A_475] : memref<2x2x64x129xf32, #tpu.memory_space<vmem>> -> memref<1x1x8x128xf32, #tpu.memory_space<vmem>>
    %dma_wait3A_477 = tpu.memref_squeeze %dma_wait3A_476 : memref<1x1x8x128xf32, #tpu.memory_space<vmem>> -> memref<8x128xf32, #tpu.memory_space<vmem>>
    %dma_wait3A_478 = arith.constant 0 : i32
    %dma_wait3A_479 = arith.constant 0 : i32
    %dma_wait3A_480 = tpu.memref_slice %arg4[%dma_wait3A_472, %dma_wait3A_473, %add3A_469, %dma_wait3A_478, %dma_wait3A_479] : memref<50x8x128x8x128xf32, #tpu.memory_space<hbm>> -> memref<1x1x1x8x128xf32, #tpu.memory_space<hbm>>
    %dma_wait3A_481 = tpu.memref_squeeze %dma_wait3A_480 : memref<1x1x1x8x128xf32, #tpu.memory_space<hbm>> -> memref<8x128xf32, #tpu.memory_space<hbm>>
    %dma_wait3A_482 = arith.constant 0 : i32
    %dma_wait3A_483 = arith.constant 0 : i32
    %dma_wait3A_484 = tpu.memref_slice %arg4[%dma_wait3A_472, %dma_wait3A_473, %add3A_469, %dma_wait3A_482, %dma_wait3A_483] : memref<50x8x128x8x128xf32, #tpu.memory_space<hbm>> -> memref<1x1x1x8x128xf32, #tpu.memory_space<hbm>>
    %dma_wait3A_485 = tpu.memref_squeeze %dma_wait3A_484 : memref<1x1x1x8x128xf32, #tpu.memory_space<hbm>> -> memref<8x128xf32, #tpu.memory_space<hbm>>
    %dma_wait3A_486 = arith.constant 48 : i32
    %dma_wait3A_487 = arith.constant 0 : i32
    %dma_wait3A_488 = tpu.memref_slice %arg8[%dma_wait3A_470, %dma_wait3A_471, %dma_wait3A_486, %dma_wait3A_487] : memref<2x2x64x129xf32, #tpu.memory_space<vmem>> -> memref<1x1x8x128xf32, #tpu.memory_space<vmem>>
    %dma_wait3A_489 = tpu.memref_squeeze %dma_wait3A_488 : memref<1x1x8x128xf32, #tpu.memory_space<vmem>> -> memref<8x128xf32, #tpu.memory_space<vmem>>
    tpu.wait_dma2 semaphore(%arg11 : memref<!tpu.dma_semaphore, #tpu.memory_space<semaphore_mem>>) src(%dma_wait3A_489 : memref<8x128xf32, #tpu.memory_space<vmem>>) dst(%dma_wait3A_485 : memref<8x128xf32, #tpu.memory_space<hbm>>)
    %add3A_490 = arith.constant 0 : i32
    %add3A_491 = arith.addi %mul3A_2, %add3A_490 : i32
    %add3A_492 = arith.constant 0 : i32
    %add3A_493 = arith.addi %add3A_491, %add3A_492 : i32
    %dma_wait3A_494 = arith.constant 0 : i32
    %dma_wait3A_495 = arith.constant 0 : i32
    %dma_wait3A_496 = arith.constant 49 : i32
    %dma_wait3A_497 = arith.constant 7 : i32
    %dma_wait3A_498 = arith.constant 56 : i32
    %dma_wait3A_499 = arith.constant 0 : i32
    %dma_wait3A_500 = tpu.memref_slice %arg8[%dma_wait3A_494, %dma_wait3A_495, %dma_wait3A_498, %dma_wait3A_499] : memref<2x2x64x129xf32, #tpu.memory_space<vmem>> -> memref<1x1x8x128xf32, #tpu.memory_space<vmem>>
    %dma_wait3A_501 = tpu.memref_squeeze %dma_wait3A_500 : memref<1x1x8x128xf32, #tpu.memory_space<vmem>> -> memref<8x128xf32, #tpu.memory_space<vmem>>
    %dma_wait3A_502 = arith.constant 0 : i32
    %dma_wait3A_503 = arith.constant 0 : i32
    %dma_wait3A_504 = tpu.memref_slice %arg4[%dma_wait3A_496, %dma_wait3A_497, %add3A_493, %dma_wait3A_502, %dma_wait3A_503] : memref<50x8x128x8x128xf32, #tpu.memory_space<hbm>> -> memref<1x1x1x8x128xf32, #tpu.memory_space<hbm>>
    %dma_wait3A_505 = tpu.memref_squeeze %dma_wait3A_504 : memref<1x1x1x8x128xf32, #tpu.memory_space<hbm>> -> memref<8x128xf32, #tpu.memory_space<hbm>>
    %dma_wait3A_506 = arith.constant 0 : i32
    %dma_wait3A_507 = arith.constant 0 : i32
    %dma_wait3A_508 = tpu.memref_slice %arg4[%dma_wait3A_496, %dma_wait3A_497, %add3A_493, %dma_wait3A_506, %dma_wait3A_507] : memref<50x8x128x8x128xf32, #tpu.memory_space<hbm>> -> memref<1x1x1x8x128xf32, #tpu.memory_space<hbm>>
    %dma_wait3A_509 = tpu.memref_squeeze %dma_wait3A_508 : memref<1x1x1x8x128xf32, #tpu.memory_space<hbm>> -> memref<8x128xf32, #tpu.memory_space<hbm>>
    %dma_wait3A_510 = arith.constant 56 : i32
    %dma_wait3A_511 = arith.constant 0 : i32
    %dma_wait3A_512 = tpu.memref_slice %arg8[%dma_wait3A_494, %dma_wait3A_495, %dma_wait3A_510, %dma_wait3A_511] : memref<2x2x64x129xf32, #tpu.memory_space<vmem>> -> memref<1x1x8x128xf32, #tpu.memory_space<vmem>>
    %dma_wait3A_513 = tpu.memref_squeeze %dma_wait3A_512 : memref<1x1x8x128xf32, #tpu.memory_space<vmem>> -> memref<8x128xf32, #tpu.memory_space<vmem>>
    tpu.wait_dma2 semaphore(%arg11 : memref<!tpu.dma_semaphore, #tpu.memory_space<semaphore_mem>>) src(%dma_wait3A_513 : memref<8x128xf32, #tpu.memory_space<vmem>>) dst(%dma_wait3A_509 : memref<8x128xf32, #tpu.memory_space<hbm>>)
    %add3A_514 = arith.constant 0 : i32
    %add3A_515 = arith.addi %mul3A_2, %add3A_514 : i32
    %add3A_516 = arith.constant 1 : i32
    %add3A_517 = arith.addi %add3A_515, %add3A_516 : i32
    %dma_wait3A_518 = arith.constant 0 : i32
    %dma_wait3A_519 = arith.constant 1 : i32
    %dma_wait3A_520 = arith.constant 49 : i32
    %dma_wait3A_521 = arith.constant 0 : i32
    %dma_wait3A_522 = arith.constant 0 : i32
    %dma_wait3A_523 = arith.constant 0 : i32
    %dma_wait3A_524 = tpu.memref_slice %arg8[%dma_wait3A_518, %dma_wait3A_519, %dma_wait3A_522, %dma_wait3A_523] : memref<2x2x64x129xf32, #tpu.memory_space<vmem>> -> memref<1x1x8x128xf32, #tpu.memory_space<vmem>>
    %dma_wait3A_525 = tpu.memref_squeeze %dma_wait3A_524 : memref<1x1x8x128xf32, #tpu.memory_space<vmem>> -> memref<8x128xf32, #tpu.memory_space<vmem>>
    %dma_wait3A_526 = arith.constant 0 : i32
    %dma_wait3A_527 = arith.constant 0 : i32
    %dma_wait3A_528 = tpu.memref_slice %arg4[%dma_wait3A_520, %dma_wait3A_521, %add3A_517, %dma_wait3A_526, %dma_wait3A_527] : memref<50x8x128x8x128xf32, #tpu.memory_space<hbm>> -> memref<1x1x1x8x128xf32, #tpu.memory_space<hbm>>
    %dma_wait3A_529 = tpu.memref_squeeze %dma_wait3A_528 : memref<1x1x1x8x128xf32, #tpu.memory_space<hbm>> -> memref<8x128xf32, #tpu.memory_space<hbm>>
    %dma_wait3A_530 = arith.constant 0 : i32
    %dma_wait3A_531 = arith.constant 0 : i32
    %dma_wait3A_532 = tpu.memref_slice %arg4[%dma_wait3A_520, %dma_wait3A_521, %add3A_517, %dma_wait3A_530, %dma_wait3A_531] : memref<50x8x128x8x128xf32, #tpu.memory_space<hbm>> -> memref<1x1x1x8x128xf32, #tpu.memory_space<hbm>>
    %dma_wait3A_533 = tpu.memref_squeeze %dma_wait3A_532 : memref<1x1x1x8x128xf32, #tpu.memory_space<hbm>> -> memref<8x128xf32, #tpu.memory_space<hbm>>
    %dma_wait3A_534 = arith.constant 0 : i32
    %dma_wait3A_535 = arith.constant 0 : i32
    %dma_wait3A_536 = tpu.memref_slice %arg8[%dma_wait3A_518, %dma_wait3A_519, %dma_wait3A_534, %dma_wait3A_535] : memref<2x2x64x129xf32, #tpu.memory_space<vmem>> -> memref<1x1x8x128xf32, #tpu.memory_space<vmem>>
    %dma_wait3A_537 = tpu.memref_squeeze %dma_wait3A_536 : memref<1x1x8x128xf32, #tpu.memory_space<vmem>> -> memref<8x128xf32, #tpu.memory_space<vmem>>
    tpu.wait_dma2 semaphore(%arg11 : memref<!tpu.dma_semaphore, #tpu.memory_space<semaphore_mem>>) src(%dma_wait3A_537 : memref<8x128xf32, #tpu.memory_space<vmem>>) dst(%dma_wait3A_533 : memref<8x128xf32, #tpu.memory_space<hbm>>)
    %add3A_538 = arith.constant 0 : i32
    %add3A_539 = arith.addi %mul3A_2, %add3A_538 : i32
    %add3A_540 = arith.constant 1 : i32
    %add3A_541 = arith.addi %add3A_539, %add3A_540 : i32
    %dma_wait3A_542 = arith.constant 0 : i32
    %dma_wait3A_543 = arith.constant 1 : i32
    %dma_wait3A_544 = arith.constant 49 : i32
    %dma_wait3A_545 = arith.constant 1 : i32
    %dma_wait3A_546 = arith.constant 8 : i32
    %dma_wait3A_547 = arith.constant 0 : i32
    %dma_wait3A_548 = tpu.memref_slice %arg8[%dma_wait3A_542, %dma_wait3A_543, %dma_wait3A_546, %dma_wait3A_547] : memref<2x2x64x129xf32, #tpu.memory_space<vmem>> -> memref<1x1x8x128xf32, #tpu.memory_space<vmem>>
    %dma_wait3A_549 = tpu.memref_squeeze %dma_wait3A_548 : memref<1x1x8x128xf32, #tpu.memory_space<vmem>> -> memref<8x128xf32, #tpu.memory_space<vmem>>
    %dma_wait3A_550 = arith.constant 0 : i32
    %dma_wait3A_551 = arith.constant 0 : i32
    %dma_wait3A_552 = tpu.memref_slice %arg4[%dma_wait3A_544, %dma_wait3A_545, %add3A_541, %dma_wait3A_550, %dma_wait3A_551] : memref<50x8x128x8x128xf32, #tpu.memory_space<hbm>> -> memref<1x1x1x8x128xf32, #tpu.memory_space<hbm>>
    %dma_wait3A_553 = tpu.memref_squeeze %dma_wait3A_552 : memref<1x1x1x8x128xf32, #tpu.memory_space<hbm>> -> memref<8x128xf32, #tpu.memory_space<hbm>>
    %dma_wait3A_554 = arith.constant 0 : i32
    %dma_wait3A_555 = arith.constant 0 : i32
    %dma_wait3A_556 = tpu.memref_slice %arg4[%dma_wait3A_544, %dma_wait3A_545, %add3A_541, %dma_wait3A_554, %dma_wait3A_555] : memref<50x8x128x8x128xf32, #tpu.memory_space<hbm>> -> memref<1x1x1x8x128xf32, #tpu.memory_space<hbm>>
    %dma_wait3A_557 = tpu.memref_squeeze %dma_wait3A_556 : memref<1x1x1x8x128xf32, #tpu.memory_space<hbm>> -> memref<8x128xf32, #tpu.memory_space<hbm>>
    %dma_wait3A_558 = arith.constant 8 : i32
    %dma_wait3A_559 = arith.constant 0 : i32
    %dma_wait3A_560 = tpu.memref_slice %arg8[%dma_wait3A_542, %dma_wait3A_543, %dma_wait3A_558, %dma_wait3A_559] : memref<2x2x64x129xf32, #tpu.memory_space<vmem>> -> memref<1x1x8x128xf32, #tpu.memory_space<vmem>>
    %dma_wait3A_561 = tpu.memref_squeeze %dma_wait3A_560 : memref<1x1x8x128xf32, #tpu.memory_space<vmem>> -> memref<8x128xf32, #tpu.memory_space<vmem>>
    tpu.wait_dma2 semaphore(%arg11 : memref<!tpu.dma_semaphore, #tpu.memory_space<semaphore_mem>>) src(%dma_wait3A_561 : memref<8x128xf32, #tpu.memory_space<vmem>>) dst(%dma_wait3A_557 : memref<8x128xf32, #tpu.memory_space<hbm>>)
    %add3A_562 = arith.constant 0 : i32
    %add3A_563 = arith.addi %mul3A_2, %add3A_562 : i32
    %add3A_564 = arith.constant 1 : i32
    %add3A_565 = arith.addi %add3A_563, %add3A_564 : i32
    %dma_wait3A_566 = arith.constant 0 : i32
    %dma_wait3A_567 = arith.constant 1 : i32
    %dma_wait3A_568 = arith.constant 49 : i32
    %dma_wait3A_569 = arith.constant 2 : i32
    %dma_wait3A_570 = arith.constant 16 : i32
    %dma_wait3A_571 = arith.constant 0 : i32
    %dma_wait3A_572 = tpu.memref_slice %arg8[%dma_wait3A_566, %dma_wait3A_567, %dma_wait3A_570, %dma_wait3A_571] : memref<2x2x64x129xf32, #tpu.memory_space<vmem>> -> memref<1x1x8x128xf32, #tpu.memory_space<vmem>>
    %dma_wait3A_573 = tpu.memref_squeeze %dma_wait3A_572 : memref<1x1x8x128xf32, #tpu.memory_space<vmem>> -> memref<8x128xf32, #tpu.memory_space<vmem>>
    %dma_wait3A_574 = arith.constant 0 : i32
    %dma_wait3A_575 = arith.constant 0 : i32
    %dma_wait3A_576 = tpu.memref_slice %arg4[%dma_wait3A_568, %dma_wait3A_569, %add3A_565, %dma_wait3A_574, %dma_wait3A_575] : memref<50x8x128x8x128xf32, #tpu.memory_space<hbm>> -> memref<1x1x1x8x128xf32, #tpu.memory_space<hbm>>
    %dma_wait3A_577 = tpu.memref_squeeze %dma_wait3A_576 : memref<1x1x1x8x128xf32, #tpu.memory_space<hbm>> -> memref<8x128xf32, #tpu.memory_space<hbm>>
    %dma_wait3A_578 = arith.constant 0 : i32
    %dma_wait3A_579 = arith.constant 0 : i32
    %dma_wait3A_580 = tpu.memref_slice %arg4[%dma_wait3A_568, %dma_wait3A_569, %add3A_565, %dma_wait3A_578, %dma_wait3A_579] : memref<50x8x128x8x128xf32, #tpu.memory_space<hbm>> -> memref<1x1x1x8x128xf32, #tpu.memory_space<hbm>>
    %dma_wait3A_581 = tpu.memref_squeeze %dma_wait3A_580 : memref<1x1x1x8x128xf32, #tpu.memory_space<hbm>> -> memref<8x128xf32, #tpu.memory_space<hbm>>
    %dma_wait3A_582 = arith.constant 16 : i32
    %dma_wait3A_583 = arith.constant 0 : i32
    %dma_wait3A_584 = tpu.memref_slice %arg8[%dma_wait3A_566, %dma_wait3A_567, %dma_wait3A_582, %dma_wait3A_583] : memref<2x2x64x129xf32, #tpu.memory_space<vmem>> -> memref<1x1x8x128xf32, #tpu.memory_space<vmem>>
    %dma_wait3A_585 = tpu.memref_squeeze %dma_wait3A_584 : memref<1x1x8x128xf32, #tpu.memory_space<vmem>> -> memref<8x128xf32, #tpu.memory_space<vmem>>
    tpu.wait_dma2 semaphore(%arg11 : memref<!tpu.dma_semaphore, #tpu.memory_space<semaphore_mem>>) src(%dma_wait3A_585 : memref<8x128xf32, #tpu.memory_space<vmem>>) dst(%dma_wait3A_581 : memref<8x128xf32, #tpu.memory_space<hbm>>)
    %add3A_586 = arith.constant 0 : i32
    %add3A_587 = arith.addi %mul3A_2, %add3A_586 : i32
    %add3A_588 = arith.constant 1 : i32
    %add3A_589 = arith.addi %add3A_587, %add3A_588 : i32
    %dma_wait3A_590 = arith.constant 0 : i32
    %dma_wait3A_591 = arith.constant 1 : i32
    %dma_wait3A_592 = arith.constant 49 : i32
    %dma_wait3A_593 = arith.constant 3 : i32
    %dma_wait3A_594 = arith.constant 24 : i32
    %dma_wait3A_595 = arith.constant 0 : i32
    %dma_wait3A_596 = tpu.memref_slice %arg8[%dma_wait3A_590, %dma_wait3A_591, %dma_wait3A_594, %dma_wait3A_595] : memref<2x2x64x129xf32, #tpu.memory_space<vmem>> -> memref<1x1x8x128xf32, #tpu.memory_space<vmem>>
    %dma_wait3A_597 = tpu.memref_squeeze %dma_wait3A_596 : memref<1x1x8x128xf32, #tpu.memory_space<vmem>> -> memref<8x128xf32, #tpu.memory_space<vmem>>
    %dma_wait3A_598 = arith.constant 0 : i32
    %dma_wait3A_599 = arith.constant 0 : i32
    %dma_wait3A_600 = tpu.memref_slice %arg4[%dma_wait3A_592, %dma_wait3A_593, %add3A_589, %dma_wait3A_598, %dma_wait3A_599] : memref<50x8x128x8x128xf32, #tpu.memory_space<hbm>> -> memref<1x1x1x8x128xf32, #tpu.memory_space<hbm>>
    %dma_wait3A_601 = tpu.memref_squeeze %dma_wait3A_600 : memref<1x1x1x8x128xf32, #tpu.memory_space<hbm>> -> memref<8x128xf32, #tpu.memory_space<hbm>>
    %dma_wait3A_602 = arith.constant 0 : i32
    %dma_wait3A_603 = arith.constant 0 : i32
    %dma_wait3A_604 = tpu.memref_slice %arg4[%dma_wait3A_592, %dma_wait3A_593, %add3A_589, %dma_wait3A_602, %dma_wait3A_603] : memref<50x8x128x8x128xf32, #tpu.memory_space<hbm>> -> memref<1x1x1x8x128xf32, #tpu.memory_space<hbm>>
    %dma_wait3A_605 = tpu.memref_squeeze %dma_wait3A_604 : memref<1x1x1x8x128xf32, #tpu.memory_space<hbm>> -> memref<8x128xf32, #tpu.memory_space<hbm>>
    %dma_wait3A_606 = arith.constant 24 : i32
    %dma_wait3A_607 = arith.constant 0 : i32
    %dma_wait3A_608 = tpu.memref_slice %arg8[%dma_wait3A_590, %dma_wait3A_591, %dma_wait3A_606, %dma_wait3A_607] : memref<2x2x64x129xf32, #tpu.memory_space<vmem>> -> memref<1x1x8x128xf32, #tpu.memory_space<vmem>>
    %dma_wait3A_609 = tpu.memref_squeeze %dma_wait3A_608 : memref<1x1x8x128xf32, #tpu.memory_space<vmem>> -> memref<8x128xf32, #tpu.memory_space<vmem>>
    tpu.wait_dma2 semaphore(%arg11 : memref<!tpu.dma_semaphore, #tpu.memory_space<semaphore_mem>>) src(%dma_wait3A_609 : memref<8x128xf32, #tpu.memory_space<vmem>>) dst(%dma_wait3A_605 : memref<8x128xf32, #tpu.memory_space<hbm>>)
    %add3A_610 = arith.constant 0 : i32
    %add3A_611 = arith.addi %mul3A_2, %add3A_610 : i32
    %add3A_612 = arith.constant 1 : i32
    %add3A_613 = arith.addi %add3A_611, %add3A_612 : i32
    %dma_wait3A_614 = arith.constant 0 : i32
    %dma_wait3A_615 = arith.constant 1 : i32
    %dma_wait3A_616 = arith.constant 49 : i32
    %dma_wait3A_617 = arith.constant 4 : i32
    %dma_wait3A_618 = arith.constant 32 : i32
    %dma_wait3A_619 = arith.constant 0 : i32
    %dma_wait3A_620 = tpu.memref_slice %arg8[%dma_wait3A_614, %dma_wait3A_615, %dma_wait3A_618, %dma_wait3A_619] : memref<2x2x64x129xf32, #tpu.memory_space<vmem>> -> memref<1x1x8x128xf32, #tpu.memory_space<vmem>>
    %dma_wait3A_621 = tpu.memref_squeeze %dma_wait3A_620 : memref<1x1x8x128xf32, #tpu.memory_space<vmem>> -> memref<8x128xf32, #tpu.memory_space<vmem>>
    %dma_wait3A_622 = arith.constant 0 : i32
    %dma_wait3A_623 = arith.constant 0 : i32
    %dma_wait3A_624 = tpu.memref_slice %arg4[%dma_wait3A_616, %dma_wait3A_617, %add3A_613, %dma_wait3A_622, %dma_wait3A_623] : memref<50x8x128x8x128xf32, #tpu.memory_space<hbm>> -> memref<1x1x1x8x128xf32, #tpu.memory_space<hbm>>
    %dma_wait3A_625 = tpu.memref_squeeze %dma_wait3A_624 : memref<1x1x1x8x128xf32, #tpu.memory_space<hbm>> -> memref<8x128xf32, #tpu.memory_space<hbm>>
    %dma_wait3A_626 = arith.constant 0 : i32
    %dma_wait3A_627 = arith.constant 0 : i32
    %dma_wait3A_628 = tpu.memref_slice %arg4[%dma_wait3A_616, %dma_wait3A_617, %add3A_613, %dma_wait3A_626, %dma_wait3A_627] : memref<50x8x128x8x128xf32, #tpu.memory_space<hbm>> -> memref<1x1x1x8x128xf32, #tpu.memory_space<hbm>>
    %dma_wait3A_629 = tpu.memref_squeeze %dma_wait3A_628 : memref<1x1x1x8x128xf32, #tpu.memory_space<hbm>> -> memref<8x128xf32, #tpu.memory_space<hbm>>
    %dma_wait3A_630 = arith.constant 32 : i32
    %dma_wait3A_631 = arith.constant 0 : i32
    %dma_wait3A_632 = tpu.memref_slice %arg8[%dma_wait3A_614, %dma_wait3A_615, %dma_wait3A_630, %dma_wait3A_631] : memref<2x2x64x129xf32, #tpu.memory_space<vmem>> -> memref<1x1x8x128xf32, #tpu.memory_space<vmem>>
    %dma_wait3A_633 = tpu.memref_squeeze %dma_wait3A_632 : memref<1x1x8x128xf32, #tpu.memory_space<vmem>> -> memref<8x128xf32, #tpu.memory_space<vmem>>
    tpu.wait_dma2 semaphore(%arg11 : memref<!tpu.dma_semaphore, #tpu.memory_space<semaphore_mem>>) src(%dma_wait3A_633 : memref<8x128xf32, #tpu.memory_space<vmem>>) dst(%dma_wait3A_629 : memref<8x128xf32, #tpu.memory_space<hbm>>)
    %add3A_634 = arith.constant 0 : i32
    %add3A_635 = arith.addi %mul3A_2, %add3A_634 : i32
    %add3A_636 = arith.constant 1 : i32
    %add3A_637 = arith.addi %add3A_635, %add3A_636 : i32
    %dma_wait3A_638 = arith.constant 0 : i32
    %dma_wait3A_639 = arith.constant 1 : i32
    %dma_wait3A_640 = arith.constant 49 : i32
    %dma_wait3A_641 = arith.constant 5 : i32
    %dma_wait3A_642 = arith.constant 40 : i32
    %dma_wait3A_643 = arith.constant 0 : i32
    %dma_wait3A_644 = tpu.memref_slice %arg8[%dma_wait3A_638, %dma_wait3A_639, %dma_wait3A_642, %dma_wait3A_643] : memref<2x2x64x129xf32, #tpu.memory_space<vmem>> -> memref<1x1x8x128xf32, #tpu.memory_space<vmem>>
    %dma_wait3A_645 = tpu.memref_squeeze %dma_wait3A_644 : memref<1x1x8x128xf32, #tpu.memory_space<vmem>> -> memref<8x128xf32, #tpu.memory_space<vmem>>
    %dma_wait3A_646 = arith.constant 0 : i32
    %dma_wait3A_647 = arith.constant 0 : i32
    %dma_wait3A_648 = tpu.memref_slice %arg4[%dma_wait3A_640, %dma_wait3A_641, %add3A_637, %dma_wait3A_646, %dma_wait3A_647] : memref<50x8x128x8x128xf32, #tpu.memory_space<hbm>> -> memref<1x1x1x8x128xf32, #tpu.memory_space<hbm>>
    %dma_wait3A_649 = tpu.memref_squeeze %dma_wait3A_648 : memref<1x1x1x8x128xf32, #tpu.memory_space<hbm>> -> memref<8x128xf32, #tpu.memory_space<hbm>>
    %dma_wait3A_650 = arith.constant 0 : i32
    %dma_wait3A_651 = arith.constant 0 : i32
    %dma_wait3A_652 = tpu.memref_slice %arg4[%dma_wait3A_640, %dma_wait3A_641, %add3A_637, %dma_wait3A_650, %dma_wait3A_651] : memref<50x8x128x8x128xf32, #tpu.memory_space<hbm>> -> memref<1x1x1x8x128xf32, #tpu.memory_space<hbm>>
    %dma_wait3A_653 = tpu.memref_squeeze %dma_wait3A_652 : memref<1x1x1x8x128xf32, #tpu.memory_space<hbm>> -> memref<8x128xf32, #tpu.memory_space<hbm>>
    %dma_wait3A_654 = arith.constant 40 : i32
    %dma_wait3A_655 = arith.constant 0 : i32
    %dma_wait3A_656 = tpu.memref_slice %arg8[%dma_wait3A_638, %dma_wait3A_639, %dma_wait3A_654, %dma_wait3A_655] : memref<2x2x64x129xf32, #tpu.memory_space<vmem>> -> memref<1x1x8x128xf32, #tpu.memory_space<vmem>>
    %dma_wait3A_657 = tpu.memref_squeeze %dma_wait3A_656 : memref<1x1x8x128xf32, #tpu.memory_space<vmem>> -> memref<8x128xf32, #tpu.memory_space<vmem>>
    tpu.wait_dma2 semaphore(%arg11 : memref<!tpu.dma_semaphore, #tpu.memory_space<semaphore_mem>>) src(%dma_wait3A_657 : memref<8x128xf32, #tpu.memory_space<vmem>>) dst(%dma_wait3A_653 : memref<8x128xf32, #tpu.memory_space<hbm>>)
    %add3A_658 = arith.constant 0 : i32
    %add3A_659 = arith.addi %mul3A_2, %add3A_658 : i32
    %add3A_660 = arith.constant 1 : i32
    %add3A_661 = arith.addi %add3A_659, %add3A_660 : i32
    %dma_wait3A_662 = arith.constant 0 : i32
    %dma_wait3A_663 = arith.constant 1 : i32
    %dma_wait3A_664 = arith.constant 49 : i32
    %dma_wait3A_665 = arith.constant 6 : i32
    %dma_wait3A_666 = arith.constant 48 : i32
    %dma_wait3A_667 = arith.constant 0 : i32
    %dma_wait3A_668 = tpu.memref_slice %arg8[%dma_wait3A_662, %dma_wait3A_663, %dma_wait3A_666, %dma_wait3A_667] : memref<2x2x64x129xf32, #tpu.memory_space<vmem>> -> memref<1x1x8x128xf32, #tpu.memory_space<vmem>>
    %dma_wait3A_669 = tpu.memref_squeeze %dma_wait3A_668 : memref<1x1x8x128xf32, #tpu.memory_space<vmem>> -> memref<8x128xf32, #tpu.memory_space<vmem>>
    %dma_wait3A_670 = arith.constant 0 : i32
    %dma_wait3A_671 = arith.constant 0 : i32
    %dma_wait3A_672 = tpu.memref_slice %arg4[%dma_wait3A_664, %dma_wait3A_665, %add3A_661, %dma_wait3A_670, %dma_wait3A_671] : memref<50x8x128x8x128xf32, #tpu.memory_space<hbm>> -> memref<1x1x1x8x128xf32, #tpu.memory_space<hbm>>
    %dma_wait3A_673 = tpu.memref_squeeze %dma_wait3A_672 : memref<1x1x1x8x128xf32, #tpu.memory_space<hbm>> -> memref<8x128xf32, #tpu.memory_space<hbm>>
    %dma_wait3A_674 = arith.constant 0 : i32
    %dma_wait3A_675 = arith.constant 0 : i32
    %dma_wait3A_676 = tpu.memref_slice %arg4[%dma_wait3A_664, %dma_wait3A_665, %add3A_661, %dma_wait3A_674, %dma_wait3A_675] : memref<50x8x128x8x128xf32, #tpu.memory_space<hbm>> -> memref<1x1x1x8x128xf32, #tpu.memory_space<hbm>>
    %dma_wait3A_677 = tpu.memref_squeeze %dma_wait3A_676 : memref<1x1x1x8x128xf32, #tpu.memory_space<hbm>> -> memref<8x128xf32, #tpu.memory_space<hbm>>
    %dma_wait3A_678 = arith.constant 48 : i32
    %dma_wait3A_679 = arith.constant 0 : i32
    %dma_wait3A_680 = tpu.memref_slice %arg8[%dma_wait3A_662, %dma_wait3A_663, %dma_wait3A_678, %dma_wait3A_679] : memref<2x2x64x129xf32, #tpu.memory_space<vmem>> -> memref<1x1x8x128xf32, #tpu.memory_space<vmem>>
    %dma_wait3A_681 = tpu.memref_squeeze %dma_wait3A_680 : memref<1x1x8x128xf32, #tpu.memory_space<vmem>> -> memref<8x128xf32, #tpu.memory_space<vmem>>
    tpu.wait_dma2 semaphore(%arg11 : memref<!tpu.dma_semaphore, #tpu.memory_space<semaphore_mem>>) src(%dma_wait3A_681 : memref<8x128xf32, #tpu.memory_space<vmem>>) dst(%dma_wait3A_677 : memref<8x128xf32, #tpu.memory_space<hbm>>)
    %add3A_682 = arith.constant 0 : i32
    %add3A_683 = arith.addi %mul3A_2, %add3A_682 : i32
    %add3A_684 = arith.constant 1 : i32
    %add3A_685 = arith.addi %add3A_683, %add3A_684 : i32
    %dma_wait3A_686 = arith.constant 0 : i32
    %dma_wait3A_687 = arith.constant 1 : i32
    %dma_wait3A_688 = arith.constant 49 : i32
    %dma_wait3A_689 = arith.constant 7 : i32
    %dma_wait3A_690 = arith.constant 56 : i32
    %dma_wait3A_691 = arith.constant 0 : i32
    %dma_wait3A_692 = tpu.memref_slice %arg8[%dma_wait3A_686, %dma_wait3A_687, %dma_wait3A_690, %dma_wait3A_691] : memref<2x2x64x129xf32, #tpu.memory_space<vmem>> -> memref<1x1x8x128xf32, #tpu.memory_space<vmem>>
    %dma_wait3A_693 = tpu.memref_squeeze %dma_wait3A_692 : memref<1x1x8x128xf32, #tpu.memory_space<vmem>> -> memref<8x128xf32, #tpu.memory_space<vmem>>
    %dma_wait3A_694 = arith.constant 0 : i32
    %dma_wait3A_695 = arith.constant 0 : i32
    %dma_wait3A_696 = tpu.memref_slice %arg4[%dma_wait3A_688, %dma_wait3A_689, %add3A_685, %dma_wait3A_694, %dma_wait3A_695] : memref<50x8x128x8x128xf32, #tpu.memory_space<hbm>> -> memref<1x1x1x8x128xf32, #tpu.memory_space<hbm>>
    %dma_wait3A_697 = tpu.memref_squeeze %dma_wait3A_696 : memref<1x1x1x8x128xf32, #tpu.memory_space<hbm>> -> memref<8x128xf32, #tpu.memory_space<hbm>>
    %dma_wait3A_698 = arith.constant 0 : i32
    %dma_wait3A_699 = arith.constant 0 : i32
    %dma_wait3A_700 = tpu.memref_slice %arg4[%dma_wait3A_688, %dma_wait3A_689, %add3A_685, %dma_wait3A_698, %dma_wait3A_699] : memref<50x8x128x8x128xf32, #tpu.memory_space<hbm>> -> memref<1x1x1x8x128xf32, #tpu.memory_space<hbm>>
    %dma_wait3A_701 = tpu.memref_squeeze %dma_wait3A_700 : memref<1x1x1x8x128xf32, #tpu.memory_space<hbm>> -> memref<8x128xf32, #tpu.memory_space<hbm>>
    %dma_wait3A_702 = arith.constant 56 : i32
    %dma_wait3A_703 = arith.constant 0 : i32
    %dma_wait3A_704 = tpu.memref_slice %arg8[%dma_wait3A_686, %dma_wait3A_687, %dma_wait3A_702, %dma_wait3A_703] : memref<2x2x64x129xf32, #tpu.memory_space<vmem>> -> memref<1x1x8x128xf32, #tpu.memory_space<vmem>>
    %dma_wait3A_705 = tpu.memref_squeeze %dma_wait3A_704 : memref<1x1x8x128xf32, #tpu.memory_space<vmem>> -> memref<8x128xf32, #tpu.memory_space<vmem>>
    tpu.wait_dma2 semaphore(%arg11 : memref<!tpu.dma_semaphore, #tpu.memory_space<semaphore_mem>>) src(%dma_wait3A_705 : memref<8x128xf32, #tpu.memory_space<vmem>>) dst(%dma_wait3A_701 : memref<8x128xf32, #tpu.memory_space<hbm>>)
    %add3A_706 = arith.constant 2 : i32
    %add3A_707 = arith.addi %mul3A_2, %add3A_706 : i32
    %add3A_708 = arith.constant 0 : i32
    %add3A_709 = arith.addi %add3A_707, %add3A_708 : i32
    %dma_wait3A_710 = arith.constant 1 : i32
    %dma_wait3A_711 = arith.constant 0 : i32
    %dma_wait3A_712 = arith.constant 49 : i32
    %dma_wait3A_713 = arith.constant 0 : i32
    %dma_wait3A_714 = arith.constant 0 : i32
    %dma_wait3A_715 = arith.constant 0 : i32
    %dma_wait3A_716 = tpu.memref_slice %arg8[%dma_wait3A_710, %dma_wait3A_711, %dma_wait3A_714, %dma_wait3A_715] : memref<2x2x64x129xf32, #tpu.memory_space<vmem>> -> memref<1x1x8x128xf32, #tpu.memory_space<vmem>>
    %dma_wait3A_717 = tpu.memref_squeeze %dma_wait3A_716 : memref<1x1x8x128xf32, #tpu.memory_space<vmem>> -> memref<8x128xf32, #tpu.memory_space<vmem>>
    %dma_wait3A_718 = arith.constant 0 : i32
    %dma_wait3A_719 = arith.constant 0 : i32
    %dma_wait3A_720 = tpu.memref_slice %arg4[%dma_wait3A_712, %dma_wait3A_713, %add3A_709, %dma_wait3A_718, %dma_wait3A_719] : memref<50x8x128x8x128xf32, #tpu.memory_space<hbm>> -> memref<1x1x1x8x128xf32, #tpu.memory_space<hbm>>
    %dma_wait3A_721 = tpu.memref_squeeze %dma_wait3A_720 : memref<1x1x1x8x128xf32, #tpu.memory_space<hbm>> -> memref<8x128xf32, #tpu.memory_space<hbm>>
    %dma_wait3A_722 = arith.constant 0 : i32
    %dma_wait3A_723 = arith.constant 0 : i32
    %dma_wait3A_724 = tpu.memref_slice %arg4[%dma_wait3A_712, %dma_wait3A_713, %add3A_709, %dma_wait3A_722, %dma_wait3A_723] : memref<50x8x128x8x128xf32, #tpu.memory_space<hbm>> -> memref<1x1x1x8x128xf32, #tpu.memory_space<hbm>>
    %dma_wait3A_725 = tpu.memref_squeeze %dma_wait3A_724 : memref<1x1x1x8x128xf32, #tpu.memory_space<hbm>> -> memref<8x128xf32, #tpu.memory_space<hbm>>
    %dma_wait3A_726 = arith.constant 0 : i32
    %dma_wait3A_727 = arith.constant 0 : i32
    %dma_wait3A_728 = tpu.memref_slice %arg8[%dma_wait3A_710, %dma_wait3A_711, %dma_wait3A_726, %dma_wait3A_727] : memref<2x2x64x129xf32, #tpu.memory_space<vmem>> -> memref<1x1x8x128xf32, #tpu.memory_space<vmem>>
    %dma_wait3A_729 = tpu.memref_squeeze %dma_wait3A_728 : memref<1x1x8x128xf32, #tpu.memory_space<vmem>> -> memref<8x128xf32, #tpu.memory_space<vmem>>
    tpu.wait_dma2 semaphore(%arg11 : memref<!tpu.dma_semaphore, #tpu.memory_space<semaphore_mem>>) src(%dma_wait3A_729 : memref<8x128xf32, #tpu.memory_space<vmem>>) dst(%dma_wait3A_725 : memref<8x128xf32, #tpu.memory_space<hbm>>)
    %add3A_730 = arith.constant 2 : i32
    %add3A_731 = arith.addi %mul3A_2, %add3A_730 : i32
    %add3A_732 = arith.constant 0 : i32
    %add3A_733 = arith.addi %add3A_731, %add3A_732 : i32
    %dma_wait3A_734 = arith.constant 1 : i32
    %dma_wait3A_735 = arith.constant 0 : i32
    %dma_wait3A_736 = arith.constant 49 : i32
    %dma_wait3A_737 = arith.constant 1 : i32
    %dma_wait3A_738 = arith.constant 8 : i32
    %dma_wait3A_739 = arith.constant 0 : i32
    %dma_wait3A_740 = tpu.memref_slice %arg8[%dma_wait3A_734, %dma_wait3A_735, %dma_wait3A_738, %dma_wait3A_739] : memref<2x2x64x129xf32, #tpu.memory_space<vmem>> -> memref<1x1x8x128xf32, #tpu.memory_space<vmem>>
    %dma_wait3A_741 = tpu.memref_squeeze %dma_wait3A_740 : memref<1x1x8x128xf32, #tpu.memory_space<vmem>> -> memref<8x128xf32, #tpu.memory_space<vmem>>
    %dma_wait3A_742 = arith.constant 0 : i32
    %dma_wait3A_743 = arith.constant 0 : i32
    %dma_wait3A_744 = tpu.memref_slice %arg4[%dma_wait3A_736, %dma_wait3A_737, %add3A_733, %dma_wait3A_742, %dma_wait3A_743] : memref<50x8x128x8x128xf32, #tpu.memory_space<hbm>> -> memref<1x1x1x8x128xf32, #tpu.memory_space<hbm>>
    %dma_wait3A_745 = tpu.memref_squeeze %dma_wait3A_744 : memref<1x1x1x8x128xf32, #tpu.memory_space<hbm>> -> memref<8x128xf32, #tpu.memory_space<hbm>>
    %dma_wait3A_746 = arith.constant 0 : i32
    %dma_wait3A_747 = arith.constant 0 : i32
    %dma_wait3A_748 = tpu.memref_slice %arg4[%dma_wait3A_736, %dma_wait3A_737, %add3A_733, %dma_wait3A_746, %dma_wait3A_747] : memref<50x8x128x8x128xf32, #tpu.memory_space<hbm>> -> memref<1x1x1x8x128xf32, #tpu.memory_space<hbm>>
    %dma_wait3A_749 = tpu.memref_squeeze %dma_wait3A_748 : memref<1x1x1x8x128xf32, #tpu.memory_space<hbm>> -> memref<8x128xf32, #tpu.memory_space<hbm>>
    %dma_wait3A_750 = arith.constant 8 : i32
    %dma_wait3A_751 = arith.constant 0 : i32
    %dma_wait3A_752 = tpu.memref_slice %arg8[%dma_wait3A_734, %dma_wait3A_735, %dma_wait3A_750, %dma_wait3A_751] : memref<2x2x64x129xf32, #tpu.memory_space<vmem>> -> memref<1x1x8x128xf32, #tpu.memory_space<vmem>>
    %dma_wait3A_753 = tpu.memref_squeeze %dma_wait3A_752 : memref<1x1x8x128xf32, #tpu.memory_space<vmem>> -> memref<8x128xf32, #tpu.memory_space<vmem>>
    tpu.wait_dma2 semaphore(%arg11 : memref<!tpu.dma_semaphore, #tpu.memory_space<semaphore_mem>>) src(%dma_wait3A_753 : memref<8x128xf32, #tpu.memory_space<vmem>>) dst(%dma_wait3A_749 : memref<8x128xf32, #tpu.memory_space<hbm>>)
    %add3A_754 = arith.constant 2 : i32
    %add3A_755 = arith.addi %mul3A_2, %add3A_754 : i32
    %add3A_756 = arith.constant 0 : i32
    %add3A_757 = arith.addi %add3A_755, %add3A_756 : i32
    %dma_wait3A_758 = arith.constant 1 : i32
    %dma_wait3A_759 = arith.constant 0 : i32
    %dma_wait3A_760 = arith.constant 49 : i32
    %dma_wait3A_761 = arith.constant 2 : i32
    %dma_wait3A_762 = arith.constant 16 : i32
    %dma_wait3A_763 = arith.constant 0 : i32
    %dma_wait3A_764 = tpu.memref_slice %arg8[%dma_wait3A_758, %dma_wait3A_759, %dma_wait3A_762, %dma_wait3A_763] : memref<2x2x64x129xf32, #tpu.memory_space<vmem>> -> memref<1x1x8x128xf32, #tpu.memory_space<vmem>>
    %dma_wait3A_765 = tpu.memref_squeeze %dma_wait3A_764 : memref<1x1x8x128xf32, #tpu.memory_space<vmem>> -> memref<8x128xf32, #tpu.memory_space<vmem>>
    %dma_wait3A_766 = arith.constant 0 : i32
    %dma_wait3A_767 = arith.constant 0 : i32
    %dma_wait3A_768 = tpu.memref_slice %arg4[%dma_wait3A_760, %dma_wait3A_761, %add3A_757, %dma_wait3A_766, %dma_wait3A_767] : memref<50x8x128x8x128xf32, #tpu.memory_space<hbm>> -> memref<1x1x1x8x128xf32, #tpu.memory_space<hbm>>
    %dma_wait3A_769 = tpu.memref_squeeze %dma_wait3A_768 : memref<1x1x1x8x128xf32, #tpu.memory_space<hbm>> -> memref<8x128xf32, #tpu.memory_space<hbm>>
    %dma_wait3A_770 = arith.constant 0 : i32
    %dma_wait3A_771 = arith.constant 0 : i32
    %dma_wait3A_772 = tpu.memref_slice %arg4[%dma_wait3A_760, %dma_wait3A_761, %add3A_757, %dma_wait3A_770, %dma_wait3A_771] : memref<50x8x128x8x128xf32, #tpu.memory_space<hbm>> -> memref<1x1x1x8x128xf32, #tpu.memory_space<hbm>>
    %dma_wait3A_773 = tpu.memref_squeeze %dma_wait3A_772 : memref<1x1x1x8x128xf32, #tpu.memory_space<hbm>> -> memref<8x128xf32, #tpu.memory_space<hbm>>
    %dma_wait3A_774 = arith.constant 16 : i32
    %dma_wait3A_775 = arith.constant 0 : i32
    %dma_wait3A_776 = tpu.memref_slice %arg8[%dma_wait3A_758, %dma_wait3A_759, %dma_wait3A_774, %dma_wait3A_775] : memref<2x2x64x129xf32, #tpu.memory_space<vmem>> -> memref<1x1x8x128xf32, #tpu.memory_space<vmem>>
    %dma_wait3A_777 = tpu.memref_squeeze %dma_wait3A_776 : memref<1x1x8x128xf32, #tpu.memory_space<vmem>> -> memref<8x128xf32, #tpu.memory_space<vmem>>
    tpu.wait_dma2 semaphore(%arg11 : memref<!tpu.dma_semaphore, #tpu.memory_space<semaphore_mem>>) src(%dma_wait3A_777 : memref<8x128xf32, #tpu.memory_space<vmem>>) dst(%dma_wait3A_773 : memref<8x128xf32, #tpu.memory_space<hbm>>)
    %add3A_778 = arith.constant 2 : i32
    %add3A_779 = arith.addi %mul3A_2, %add3A_778 : i32
    %add3A_780 = arith.constant 0 : i32
    %add3A_781 = arith.addi %add3A_779, %add3A_780 : i32
    %dma_wait3A_782 = arith.constant 1 : i32
    %dma_wait3A_783 = arith.constant 0 : i32
    %dma_wait3A_784 = arith.constant 49 : i32
    %dma_wait3A_785 = arith.constant 3 : i32
    %dma_wait3A_786 = arith.constant 24 : i32
    %dma_wait3A_787 = arith.constant 0 : i32
    %dma_wait3A_788 = tpu.memref_slice %arg8[%dma_wait3A_782, %dma_wait3A_783, %dma_wait3A_786, %dma_wait3A_787] : memref<2x2x64x129xf32, #tpu.memory_space<vmem>> -> memref<1x1x8x128xf32, #tpu.memory_space<vmem>>
    %dma_wait3A_789 = tpu.memref_squeeze %dma_wait3A_788 : memref<1x1x8x128xf32, #tpu.memory_space<vmem>> -> memref<8x128xf32, #tpu.memory_space<vmem>>
    %dma_wait3A_790 = arith.constant 0 : i32
    %dma_wait3A_791 = arith.constant 0 : i32
    %dma_wait3A_792 = tpu.memref_slice %arg4[%dma_wait3A_784, %dma_wait3A_785, %add3A_781, %dma_wait3A_790, %dma_wait3A_791] : memref<50x8x128x8x128xf32, #tpu.memory_space<hbm>> -> memref<1x1x1x8x128xf32, #tpu.memory_space<hbm>>
    %dma_wait3A_793 = tpu.memref_squeeze %dma_wait3A_792 : memref<1x1x1x8x128xf32, #tpu.memory_space<hbm>> -> memref<8x128xf32, #tpu.memory_space<hbm>>
    %dma_wait3A_794 = arith.constant 0 : i32
    %dma_wait3A_795 = arith.constant 0 : i32
    %dma_wait3A_796 = tpu.memref_slice %arg4[%dma_wait3A_784, %dma_wait3A_785, %add3A_781, %dma_wait3A_794, %dma_wait3A_795] : memref<50x8x128x8x128xf32, #tpu.memory_space<hbm>> -> memref<1x1x1x8x128xf32, #tpu.memory_space<hbm>>
    %dma_wait3A_797 = tpu.memref_squeeze %dma_wait3A_796 : memref<1x1x1x8x128xf32, #tpu.memory_space<hbm>> -> memref<8x128xf32, #tpu.memory_space<hbm>>
    %dma_wait3A_798 = arith.constant 24 : i32
    %dma_wait3A_799 = arith.constant 0 : i32
    %dma_wait3A_800 = tpu.memref_slice %arg8[%dma_wait3A_782, %dma_wait3A_783, %dma_wait3A_798, %dma_wait3A_799] : memref<2x2x64x129xf32, #tpu.memory_space<vmem>> -> memref<1x1x8x128xf32, #tpu.memory_space<vmem>>
    %dma_wait3A_801 = tpu.memref_squeeze %dma_wait3A_800 : memref<1x1x8x128xf32, #tpu.memory_space<vmem>> -> memref<8x128xf32, #tpu.memory_space<vmem>>
    tpu.wait_dma2 semaphore(%arg11 : memref<!tpu.dma_semaphore, #tpu.memory_space<semaphore_mem>>) src(%dma_wait3A_801 : memref<8x128xf32, #tpu.memory_space<vmem>>) dst(%dma_wait3A_797 : memref<8x128xf32, #tpu.memory_space<hbm>>)
    %add3A_802 = arith.constant 2 : i32
    %add3A_803 = arith.addi %mul3A_2, %add3A_802 : i32
    %add3A_804 = arith.constant 0 : i32
    %add3A_805 = arith.addi %add3A_803, %add3A_804 : i32
    %dma_wait3A_806 = arith.constant 1 : i32
    %dma_wait3A_807 = arith.constant 0 : i32
    %dma_wait3A_808 = arith.constant 49 : i32
    %dma_wait3A_809 = arith.constant 4 : i32
    %dma_wait3A_810 = arith.constant 32 : i32
    %dma_wait3A_811 = arith.constant 0 : i32
    %dma_wait3A_812 = tpu.memref_slice %arg8[%dma_wait3A_806, %dma_wait3A_807, %dma_wait3A_810, %dma_wait3A_811] : memref<2x2x64x129xf32, #tpu.memory_space<vmem>> -> memref<1x1x8x128xf32, #tpu.memory_space<vmem>>
    %dma_wait3A_813 = tpu.memref_squeeze %dma_wait3A_812 : memref<1x1x8x128xf32, #tpu.memory_space<vmem>> -> memref<8x128xf32, #tpu.memory_space<vmem>>
    %dma_wait3A_814 = arith.constant 0 : i32
    %dma_wait3A_815 = arith.constant 0 : i32
    %dma_wait3A_816 = tpu.memref_slice %arg4[%dma_wait3A_808, %dma_wait3A_809, %add3A_805, %dma_wait3A_814, %dma_wait3A_815] : memref<50x8x128x8x128xf32, #tpu.memory_space<hbm>> -> memref<1x1x1x8x128xf32, #tpu.memory_space<hbm>>
    %dma_wait3A_817 = tpu.memref_squeeze %dma_wait3A_816 : memref<1x1x1x8x128xf32, #tpu.memory_space<hbm>> -> memref<8x128xf32, #tpu.memory_space<hbm>>
    %dma_wait3A_818 = arith.constant 0 : i32
    %dma_wait3A_819 = arith.constant 0 : i32
    %dma_wait3A_820 = tpu.memref_slice %arg4[%dma_wait3A_808, %dma_wait3A_809, %add3A_805, %dma_wait3A_818, %dma_wait3A_819] : memref<50x8x128x8x128xf32, #tpu.memory_space<hbm>> -> memref<1x1x1x8x128xf32, #tpu.memory_space<hbm>>
    %dma_wait3A_821 = tpu.memref_squeeze %dma_wait3A_820 : memref<1x1x1x8x128xf32, #tpu.memory_space<hbm>> -> memref<8x128xf32, #tpu.memory_space<hbm>>
    %dma_wait3A_822 = arith.constant 32 : i32
    %dma_wait3A_823 = arith.constant 0 : i32
    %dma_wait3A_824 = tpu.memref_slice %arg8[%dma_wait3A_806, %dma_wait3A_807, %dma_wait3A_822, %dma_wait3A_823] : memref<2x2x64x129xf32, #tpu.memory_space<vmem>> -> memref<1x1x8x128xf32, #tpu.memory_space<vmem>>
    %dma_wait3A_825 = tpu.memref_squeeze %dma_wait3A_824 : memref<1x1x8x128xf32, #tpu.memory_space<vmem>> -> memref<8x128xf32, #tpu.memory_space<vmem>>
    tpu.wait_dma2 semaphore(%arg11 : memref<!tpu.dma_semaphore, #tpu.memory_space<semaphore_mem>>) src(%dma_wait3A_825 : memref<8x128xf32, #tpu.memory_space<vmem>>) dst(%dma_wait3A_821 : memref<8x128xf32, #tpu.memory_space<hbm>>)
    %add3A_826 = arith.constant 2 : i32
    %add3A_827 = arith.addi %mul3A_2, %add3A_826 : i32
    %add3A_828 = arith.constant 0 : i32
    %add3A_829 = arith.addi %add3A_827, %add3A_828 : i32
    %dma_wait3A_830 = arith.constant 1 : i32
    %dma_wait3A_831 = arith.constant 0 : i32
    %dma_wait3A_832 = arith.constant 49 : i32
    %dma_wait3A_833 = arith.constant 5 : i32
    %dma_wait3A_834 = arith.constant 40 : i32
    %dma_wait3A_835 = arith.constant 0 : i32
    %dma_wait3A_836 = tpu.memref_slice %arg8[%dma_wait3A_830, %dma_wait3A_831, %dma_wait3A_834, %dma_wait3A_835] : memref<2x2x64x129xf32, #tpu.memory_space<vmem>> -> memref<1x1x8x128xf32, #tpu.memory_space<vmem>>
    %dma_wait3A_837 = tpu.memref_squeeze %dma_wait3A_836 : memref<1x1x8x128xf32, #tpu.memory_space<vmem>> -> memref<8x128xf32, #tpu.memory_space<vmem>>
    %dma_wait3A_838 = arith.constant 0 : i32
    %dma_wait3A_839 = arith.constant 0 : i32
    %dma_wait3A_840 = tpu.memref_slice %arg4[%dma_wait3A_832, %dma_wait3A_833, %add3A_829, %dma_wait3A_838, %dma_wait3A_839] : memref<50x8x128x8x128xf32, #tpu.memory_space<hbm>> -> memref<1x1x1x8x128xf32, #tpu.memory_space<hbm>>
    %dma_wait3A_841 = tpu.memref_squeeze %dma_wait3A_840 : memref<1x1x1x8x128xf32, #tpu.memory_space<hbm>> -> memref<8x128xf32, #tpu.memory_space<hbm>>
    %dma_wait3A_842 = arith.constant 0 : i32
    %dma_wait3A_843 = arith.constant 0 : i32
    %dma_wait3A_844 = tpu.memref_slice %arg4[%dma_wait3A_832, %dma_wait3A_833, %add3A_829, %dma_wait3A_842, %dma_wait3A_843] : memref<50x8x128x8x128xf32, #tpu.memory_space<hbm>> -> memref<1x1x1x8x128xf32, #tpu.memory_space<hbm>>
    %dma_wait3A_845 = tpu.memref_squeeze %dma_wait3A_844 : memref<1x1x1x8x128xf32, #tpu.memory_space<hbm>> -> memref<8x128xf32, #tpu.memory_space<hbm>>
    %dma_wait3A_846 = arith.constant 40 : i32
    %dma_wait3A_847 = arith.constant 0 : i32
    %dma_wait3A_848 = tpu.memref_slice %arg8[%dma_wait3A_830, %dma_wait3A_831, %dma_wait3A_846, %dma_wait3A_847] : memref<2x2x64x129xf32, #tpu.memory_space<vmem>> -> memref<1x1x8x128xf32, #tpu.memory_space<vmem>>
    %dma_wait3A_849 = tpu.memref_squeeze %dma_wait3A_848 : memref<1x1x8x128xf32, #tpu.memory_space<vmem>> -> memref<8x128xf32, #tpu.memory_space<vmem>>
    tpu.wait_dma2 semaphore(%arg11 : memref<!tpu.dma_semaphore, #tpu.memory_space<semaphore_mem>>) src(%dma_wait3A_849 : memref<8x128xf32, #tpu.memory_space<vmem>>) dst(%dma_wait3A_845 : memref<8x128xf32, #tpu.memory_space<hbm>>)
    %add3A_850 = arith.constant 2 : i32
    %add3A_851 = arith.addi %mul3A_2, %add3A_850 : i32
    %add3A_852 = arith.constant 0 : i32
    %add3A_853 = arith.addi %add3A_851, %add3A_852 : i32
    %dma_wait3A_854 = arith.constant 1 : i32
    %dma_wait3A_855 = arith.constant 0 : i32
    %dma_wait3A_856 = arith.constant 49 : i32
    %dma_wait3A_857 = arith.constant 6 : i32
    %dma_wait3A_858 = arith.constant 48 : i32
    %dma_wait3A_859 = arith.constant 0 : i32
    %dma_wait3A_860 = tpu.memref_slice %arg8[%dma_wait3A_854, %dma_wait3A_855, %dma_wait3A_858, %dma_wait3A_859] : memref<2x2x64x129xf32, #tpu.memory_space<vmem>> -> memref<1x1x8x128xf32, #tpu.memory_space<vmem>>
    %dma_wait3A_861 = tpu.memref_squeeze %dma_wait3A_860 : memref<1x1x8x128xf32, #tpu.memory_space<vmem>> -> memref<8x128xf32, #tpu.memory_space<vmem>>
    %dma_wait3A_862 = arith.constant 0 : i32
    %dma_wait3A_863 = arith.constant 0 : i32
    %dma_wait3A_864 = tpu.memref_slice %arg4[%dma_wait3A_856, %dma_wait3A_857, %add3A_853, %dma_wait3A_862, %dma_wait3A_863] : memref<50x8x128x8x128xf32, #tpu.memory_space<hbm>> -> memref<1x1x1x8x128xf32, #tpu.memory_space<hbm>>
    %dma_wait3A_865 = tpu.memref_squeeze %dma_wait3A_864 : memref<1x1x1x8x128xf32, #tpu.memory_space<hbm>> -> memref<8x128xf32, #tpu.memory_space<hbm>>
    %dma_wait3A_866 = arith.constant 0 : i32
    %dma_wait3A_867 = arith.constant 0 : i32
    %dma_wait3A_868 = tpu.memref_slice %arg4[%dma_wait3A_856, %dma_wait3A_857, %add3A_853, %dma_wait3A_866, %dma_wait3A_867] : memref<50x8x128x8x128xf32, #tpu.memory_space<hbm>> -> memref<1x1x1x8x128xf32, #tpu.memory_space<hbm>>
    %dma_wait3A_869 = tpu.memref_squeeze %dma_wait3A_868 : memref<1x1x1x8x128xf32, #tpu.memory_space<hbm>> -> memref<8x128xf32, #tpu.memory_space<hbm>>
    %dma_wait3A_870 = arith.constant 48 : i32
    %dma_wait3A_871 = arith.constant 0 : i32
    %dma_wait3A_872 = tpu.memref_slice %arg8[%dma_wait3A_854, %dma_wait3A_855, %dma_wait3A_870, %dma_wait3A_871] : memref<2x2x64x129xf32, #tpu.memory_space<vmem>> -> memref<1x1x8x128xf32, #tpu.memory_space<vmem>>
    %dma_wait3A_873 = tpu.memref_squeeze %dma_wait3A_872 : memref<1x1x8x128xf32, #tpu.memory_space<vmem>> -> memref<8x128xf32, #tpu.memory_space<vmem>>
    tpu.wait_dma2 semaphore(%arg11 : memref<!tpu.dma_semaphore, #tpu.memory_space<semaphore_mem>>) src(%dma_wait3A_873 : memref<8x128xf32, #tpu.memory_space<vmem>>) dst(%dma_wait3A_869 : memref<8x128xf32, #tpu.memory_space<hbm>>)
    %add3A_874 = arith.constant 2 : i32
    %add3A_875 = arith.addi %mul3A_2, %add3A_874 : i32
    %add3A_876 = arith.constant 0 : i32
    %add3A_877 = arith.addi %add3A_875, %add3A_876 : i32
    %dma_wait3A_878 = arith.constant 1 : i32
    %dma_wait3A_879 = arith.constant 0 : i32
    %dma_wait3A_880 = arith.constant 49 : i32
    %dma_wait3A_881 = arith.constant 7 : i32
    %dma_wait3A_882 = arith.constant 56 : i32
    %dma_wait3A_883 = arith.constant 0 : i32
    %dma_wait3A_884 = tpu.memref_slice %arg8[%dma_wait3A_878, %dma_wait3A_879, %dma_wait3A_882, %dma_wait3A_883] : memref<2x2x64x129xf32, #tpu.memory_space<vmem>> -> memref<1x1x8x128xf32, #tpu.memory_space<vmem>>
    %dma_wait3A_885 = tpu.memref_squeeze %dma_wait3A_884 : memref<1x1x8x128xf32, #tpu.memory_space<vmem>> -> memref<8x128xf32, #tpu.memory_space<vmem>>
    %dma_wait3A_886 = arith.constant 0 : i32
    %dma_wait3A_887 = arith.constant 0 : i32
    %dma_wait3A_888 = tpu.memref_slice %arg4[%dma_wait3A_880, %dma_wait3A_881, %add3A_877, %dma_wait3A_886, %dma_wait3A_887] : memref<50x8x128x8x128xf32, #tpu.memory_space<hbm>> -> memref<1x1x1x8x128xf32, #tpu.memory_space<hbm>>
    %dma_wait3A_889 = tpu.memref_squeeze %dma_wait3A_888 : memref<1x1x1x8x128xf32, #tpu.memory_space<hbm>> -> memref<8x128xf32, #tpu.memory_space<hbm>>
    %dma_wait3A_890 = arith.constant 0 : i32
    %dma_wait3A_891 = arith.constant 0 : i32
    %dma_wait3A_892 = tpu.memref_slice %arg4[%dma_wait3A_880, %dma_wait3A_881, %add3A_877, %dma_wait3A_890, %dma_wait3A_891] : memref<50x8x128x8x128xf32, #tpu.memory_space<hbm>> -> memref<1x1x1x8x128xf32, #tpu.memory_space<hbm>>
    %dma_wait3A_893 = tpu.memref_squeeze %dma_wait3A_892 : memref<1x1x1x8x128xf32, #tpu.memory_space<hbm>> -> memref<8x128xf32, #tpu.memory_space<hbm>>
    %dma_wait3A_894 = arith.constant 56 : i32
    %dma_wait3A_895 = arith.constant 0 : i32
    %dma_wait3A_896 = tpu.memref_slice %arg8[%dma_wait3A_878, %dma_wait3A_879, %dma_wait3A_894, %dma_wait3A_895] : memref<2x2x64x129xf32, #tpu.memory_space<vmem>> -> memref<1x1x8x128xf32, #tpu.memory_space<vmem>>
    %dma_wait3A_897 = tpu.memref_squeeze %dma_wait3A_896 : memref<1x1x8x128xf32, #tpu.memory_space<vmem>> -> memref<8x128xf32, #tpu.memory_space<vmem>>
    tpu.wait_dma2 semaphore(%arg11 : memref<!tpu.dma_semaphore, #tpu.memory_space<semaphore_mem>>) src(%dma_wait3A_897 : memref<8x128xf32, #tpu.memory_space<vmem>>) dst(%dma_wait3A_893 : memref<8x128xf32, #tpu.memory_space<hbm>>)
    %add3A_898 = arith.constant 2 : i32
    %add3A_899 = arith.addi %mul3A_2, %add3A_898 : i32
    %add3A_900 = arith.constant 1 : i32
    %add3A_901 = arith.addi %add3A_899, %add3A_900 : i32
    %dma_wait3A_902 = arith.constant 1 : i32
    %dma_wait3A_903 = arith.constant 1 : i32
    %dma_wait3A_904 = arith.constant 49 : i32
    %dma_wait3A_905 = arith.constant 0 : i32
    %dma_wait3A_906 = arith.constant 0 : i32
    %dma_wait3A_907 = arith.constant 0 : i32
    %dma_wait3A_908 = tpu.memref_slice %arg8[%dma_wait3A_902, %dma_wait3A_903, %dma_wait3A_906, %dma_wait3A_907] : memref<2x2x64x129xf32, #tpu.memory_space<vmem>> -> memref<1x1x8x128xf32, #tpu.memory_space<vmem>>
    %dma_wait3A_909 = tpu.memref_squeeze %dma_wait3A_908 : memref<1x1x8x128xf32, #tpu.memory_space<vmem>> -> memref<8x128xf32, #tpu.memory_space<vmem>>
    %dma_wait3A_910 = arith.constant 0 : i32
    %dma_wait3A_911 = arith.constant 0 : i32
    %dma_wait3A_912 = tpu.memref_slice %arg4[%dma_wait3A_904, %dma_wait3A_905, %add3A_901, %dma_wait3A_910, %dma_wait3A_911] : memref<50x8x128x8x128xf32, #tpu.memory_space<hbm>> -> memref<1x1x1x8x128xf32, #tpu.memory_space<hbm>>
    %dma_wait3A_913 = tpu.memref_squeeze %dma_wait3A_912 : memref<1x1x1x8x128xf32, #tpu.memory_space<hbm>> -> memref<8x128xf32, #tpu.memory_space<hbm>>
    %dma_wait3A_914 = arith.constant 0 : i32
    %dma_wait3A_915 = arith.constant 0 : i32
    %dma_wait3A_916 = tpu.memref_slice %arg4[%dma_wait3A_904, %dma_wait3A_905, %add3A_901, %dma_wait3A_914, %dma_wait3A_915] : memref<50x8x128x8x128xf32, #tpu.memory_space<hbm>> -> memref<1x1x1x8x128xf32, #tpu.memory_space<hbm>>
    %dma_wait3A_917 = tpu.memref_squeeze %dma_wait3A_916 : memref<1x1x1x8x128xf32, #tpu.memory_space<hbm>> -> memref<8x128xf32, #tpu.memory_space<hbm>>
    %dma_wait3A_918 = arith.constant 0 : i32
    %dma_wait3A_919 = arith.constant 0 : i32
    %dma_wait3A_920 = tpu.memref_slice %arg8[%dma_wait3A_902, %dma_wait3A_903, %dma_wait3A_918, %dma_wait3A_919] : memref<2x2x64x129xf32, #tpu.memory_space<vmem>> -> memref<1x1x8x128xf32, #tpu.memory_space<vmem>>
    %dma_wait3A_921 = tpu.memref_squeeze %dma_wait3A_920 : memref<1x1x8x128xf32, #tpu.memory_space<vmem>> -> memref<8x128xf32, #tpu.memory_space<vmem>>
    tpu.wait_dma2 semaphore(%arg11 : memref<!tpu.dma_semaphore, #tpu.memory_space<semaphore_mem>>) src(%dma_wait3A_921 : memref<8x128xf32, #tpu.memory_space<vmem>>) dst(%dma_wait3A_917 : memref<8x128xf32, #tpu.memory_space<hbm>>)
    %add3A_922 = arith.constant 2 : i32
    %add3A_923 = arith.addi %mul3A_2, %add3A_922 : i32
    %add3A_924 = arith.constant 1 : i32
    %add3A_925 = arith.addi %add3A_923, %add3A_924 : i32
    %dma_wait3A_926 = arith.constant 1 : i32
    %dma_wait3A_927 = arith.constant 1 : i32
    %dma_wait3A_928 = arith.constant 49 : i32
    %dma_wait3A_929 = arith.constant 1 : i32
    %dma_wait3A_930 = arith.constant 8 : i32
    %dma_wait3A_931 = arith.constant 0 : i32
    %dma_wait3A_932 = tpu.memref_slice %arg8[%dma_wait3A_926, %dma_wait3A_927, %dma_wait3A_930, %dma_wait3A_931] : memref<2x2x64x129xf32, #tpu.memory_space<vmem>> -> memref<1x1x8x128xf32, #tpu.memory_space<vmem>>
    %dma_wait3A_933 = tpu.memref_squeeze %dma_wait3A_932 : memref<1x1x8x128xf32, #tpu.memory_space<vmem>> -> memref<8x128xf32, #tpu.memory_space<vmem>>
    %dma_wait3A_934 = arith.constant 0 : i32
    %dma_wait3A_935 = arith.constant 0 : i32
    %dma_wait3A_936 = tpu.memref_slice %arg4[%dma_wait3A_928, %dma_wait3A_929, %add3A_925, %dma_wait3A_934, %dma_wait3A_935] : memref<50x8x128x8x128xf32, #tpu.memory_space<hbm>> -> memref<1x1x1x8x128xf32, #tpu.memory_space<hbm>>
    %dma_wait3A_937 = tpu.memref_squeeze %dma_wait3A_936 : memref<1x1x1x8x128xf32, #tpu.memory_space<hbm>> -> memref<8x128xf32, #tpu.memory_space<hbm>>
    %dma_wait3A_938 = arith.constant 0 : i32
    %dma_wait3A_939 = arith.constant 0 : i32
    %dma_wait3A_940 = tpu.memref_slice %arg4[%dma_wait3A_928, %dma_wait3A_929, %add3A_925, %dma_wait3A_938, %dma_wait3A_939] : memref<50x8x128x8x128xf32, #tpu.memory_space<hbm>> -> memref<1x1x1x8x128xf32, #tpu.memory_space<hbm>>
    %dma_wait3A_941 = tpu.memref_squeeze %dma_wait3A_940 : memref<1x1x1x8x128xf32, #tpu.memory_space<hbm>> -> memref<8x128xf32, #tpu.memory_space<hbm>>
    %dma_wait3A_942 = arith.constant 8 : i32
    %dma_wait3A_943 = arith.constant 0 : i32
    %dma_wait3A_944 = tpu.memref_slice %arg8[%dma_wait3A_926, %dma_wait3A_927, %dma_wait3A_942, %dma_wait3A_943] : memref<2x2x64x129xf32, #tpu.memory_space<vmem>> -> memref<1x1x8x128xf32, #tpu.memory_space<vmem>>
    %dma_wait3A_945 = tpu.memref_squeeze %dma_wait3A_944 : memref<1x1x8x128xf32, #tpu.memory_space<vmem>> -> memref<8x128xf32, #tpu.memory_space<vmem>>
    tpu.wait_dma2 semaphore(%arg11 : memref<!tpu.dma_semaphore, #tpu.memory_space<semaphore_mem>>) src(%dma_wait3A_945 : memref<8x128xf32, #tpu.memory_space<vmem>>) dst(%dma_wait3A_941 : memref<8x128xf32, #tpu.memory_space<hbm>>)
    %add3A_946 = arith.constant 2 : i32
    %add3A_947 = arith.addi %mul3A_2, %add3A_946 : i32
    %add3A_948 = arith.constant 1 : i32
    %add3A_949 = arith.addi %add3A_947, %add3A_948 : i32
    %dma_wait3A_950 = arith.constant 1 : i32
    %dma_wait3A_951 = arith.constant 1 : i32
    %dma_wait3A_952 = arith.constant 49 : i32
    %dma_wait3A_953 = arith.constant 2 : i32
    %dma_wait3A_954 = arith.constant 16 : i32
    %dma_wait3A_955 = arith.constant 0 : i32
    %dma_wait3A_956 = tpu.memref_slice %arg8[%dma_wait3A_950, %dma_wait3A_951, %dma_wait3A_954, %dma_wait3A_955] : memref<2x2x64x129xf32, #tpu.memory_space<vmem>> -> memref<1x1x8x128xf32, #tpu.memory_space<vmem>>
    %dma_wait3A_957 = tpu.memref_squeeze %dma_wait3A_956 : memref<1x1x8x128xf32, #tpu.memory_space<vmem>> -> memref<8x128xf32, #tpu.memory_space<vmem>>
    %dma_wait3A_958 = arith.constant 0 : i32
    %dma_wait3A_959 = arith.constant 0 : i32
    %dma_wait3A_960 = tpu.memref_slice %arg4[%dma_wait3A_952, %dma_wait3A_953, %add3A_949, %dma_wait3A_958, %dma_wait3A_959] : memref<50x8x128x8x128xf32, #tpu.memory_space<hbm>> -> memref<1x1x1x8x128xf32, #tpu.memory_space<hbm>>
    %dma_wait3A_961 = tpu.memref_squeeze %dma_wait3A_960 : memref<1x1x1x8x128xf32, #tpu.memory_space<hbm>> -> memref<8x128xf32, #tpu.memory_space<hbm>>
    %dma_wait3A_962 = arith.constant 0 : i32
    %dma_wait3A_963 = arith.constant 0 : i32
    %dma_wait3A_964 = tpu.memref_slice %arg4[%dma_wait3A_952, %dma_wait3A_953, %add3A_949, %dma_wait3A_962, %dma_wait3A_963] : memref<50x8x128x8x128xf32, #tpu.memory_space<hbm>> -> memref<1x1x1x8x128xf32, #tpu.memory_space<hbm>>
    %dma_wait3A_965 = tpu.memref_squeeze %dma_wait3A_964 : memref<1x1x1x8x128xf32, #tpu.memory_space<hbm>> -> memref<8x128xf32, #tpu.memory_space<hbm>>
    %dma_wait3A_966 = arith.constant 16 : i32
    %dma_wait3A_967 = arith.constant 0 : i32
    %dma_wait3A_968 = tpu.memref_slice %arg8[%dma_wait3A_950, %dma_wait3A_951, %dma_wait3A_966, %dma_wait3A_967] : memref<2x2x64x129xf32, #tpu.memory_space<vmem>> -> memref<1x1x8x128xf32, #tpu.memory_space<vmem>>
    %dma_wait3A_969 = tpu.memref_squeeze %dma_wait3A_968 : memref<1x1x8x128xf32, #tpu.memory_space<vmem>> -> memref<8x128xf32, #tpu.memory_space<vmem>>
    tpu.wait_dma2 semaphore(%arg11 : memref<!tpu.dma_semaphore, #tpu.memory_space<semaphore_mem>>) src(%dma_wait3A_969 : memref<8x128xf32, #tpu.memory_space<vmem>>) dst(%dma_wait3A_965 : memref<8x128xf32, #tpu.memory_space<hbm>>)
    %add3A_970 = arith.constant 2 : i32
    %add3A_971 = arith.addi %mul3A_2, %add3A_970 : i32
    %add3A_972 = arith.constant 1 : i32
    %add3A_973 = arith.addi %add3A_971, %add3A_972 : i32
    %dma_wait3A_974 = arith.constant 1 : i32
    %dma_wait3A_975 = arith.constant 1 : i32
    %dma_wait3A_976 = arith.constant 49 : i32
    %dma_wait3A_977 = arith.constant 3 : i32
    %dma_wait3A_978 = arith.constant 24 : i32
    %dma_wait3A_979 = arith.constant 0 : i32
    %dma_wait3A_980 = tpu.memref_slice %arg8[%dma_wait3A_974, %dma_wait3A_975, %dma_wait3A_978, %dma_wait3A_979] : memref<2x2x64x129xf32, #tpu.memory_space<vmem>> -> memref<1x1x8x128xf32, #tpu.memory_space<vmem>>
    %dma_wait3A_981 = tpu.memref_squeeze %dma_wait3A_980 : memref<1x1x8x128xf32, #tpu.memory_space<vmem>> -> memref<8x128xf32, #tpu.memory_space<vmem>>
    %dma_wait3A_982 = arith.constant 0 : i32
    %dma_wait3A_983 = arith.constant 0 : i32
    %dma_wait3A_984 = tpu.memref_slice %arg4[%dma_wait3A_976, %dma_wait3A_977, %add3A_973, %dma_wait3A_982, %dma_wait3A_983] : memref<50x8x128x8x128xf32, #tpu.memory_space<hbm>> -> memref<1x1x1x8x128xf32, #tpu.memory_space<hbm>>
    %dma_wait3A_985 = tpu.memref_squeeze %dma_wait3A_984 : memref<1x1x1x8x128xf32, #tpu.memory_space<hbm>> -> memref<8x128xf32, #tpu.memory_space<hbm>>
    %dma_wait3A_986 = arith.constant 0 : i32
    %dma_wait3A_987 = arith.constant 0 : i32
    %dma_wait3A_988 = tpu.memref_slice %arg4[%dma_wait3A_976, %dma_wait3A_977, %add3A_973, %dma_wait3A_986, %dma_wait3A_987] : memref<50x8x128x8x128xf32, #tpu.memory_space<hbm>> -> memref<1x1x1x8x128xf32, #tpu.memory_space<hbm>>
    %dma_wait3A_989 = tpu.memref_squeeze %dma_wait3A_988 : memref<1x1x1x8x128xf32, #tpu.memory_space<hbm>> -> memref<8x128xf32, #tpu.memory_space<hbm>>
    %dma_wait3A_990 = arith.constant 24 : i32
    %dma_wait3A_991 = arith.constant 0 : i32
    %dma_wait3A_992 = tpu.memref_slice %arg8[%dma_wait3A_974, %dma_wait3A_975, %dma_wait3A_990, %dma_wait3A_991] : memref<2x2x64x129xf32, #tpu.memory_space<vmem>> -> memref<1x1x8x128xf32, #tpu.memory_space<vmem>>
    %dma_wait3A_993 = tpu.memref_squeeze %dma_wait3A_992 : memref<1x1x8x128xf32, #tpu.memory_space<vmem>> -> memref<8x128xf32, #tpu.memory_space<vmem>>
    tpu.wait_dma2 semaphore(%arg11 : memref<!tpu.dma_semaphore, #tpu.memory_space<semaphore_mem>>) src(%dma_wait3A_993 : memref<8x128xf32, #tpu.memory_space<vmem>>) dst(%dma_wait3A_989 : memref<8x128xf32, #tpu.memory_space<hbm>>)
    %add3A_994 = arith.constant 2 : i32
    %add3A_995 = arith.addi %mul3A_2, %add3A_994 : i32
    %add3A_996 = arith.constant 1 : i32
    %add3A_997 = arith.addi %add3A_995, %add3A_996 : i32
    %dma_wait3A_998 = arith.constant 1 : i32
    %dma_wait3A_999 = arith.constant 1 : i32
    %dma_wait3A_1000 = arith.constant 49 : i32
    %dma_wait3A_1001 = arith.constant 4 : i32
    %dma_wait3A_1002 = arith.constant 32 : i32
    %dma_wait3A_1003 = arith.constant 0 : i32
    %dma_wait3A_1004 = tpu.memref_slice %arg8[%dma_wait3A_998, %dma_wait3A_999, %dma_wait3A_1002, %dma_wait3A_1003] : memref<2x2x64x129xf32, #tpu.memory_space<vmem>> -> memref<1x1x8x128xf32, #tpu.memory_space<vmem>>
    %dma_wait3A_1005 = tpu.memref_squeeze %dma_wait3A_1004 : memref<1x1x8x128xf32, #tpu.memory_space<vmem>> -> memref<8x128xf32, #tpu.memory_space<vmem>>
    %dma_wait3A_1006 = arith.constant 0 : i32
    %dma_wait3A_1007 = arith.constant 0 : i32
    %dma_wait3A_1008 = tpu.memref_slice %arg4[%dma_wait3A_1000, %dma_wait3A_1001, %add3A_997, %dma_wait3A_1006, %dma_wait3A_1007] : memref<50x8x128x8x128xf32, #tpu.memory_space<hbm>> -> memref<1x1x1x8x128xf32, #tpu.memory_space<hbm>>
    %dma_wait3A_1009 = tpu.memref_squeeze %dma_wait3A_1008 : memref<1x1x1x8x128xf32, #tpu.memory_space<hbm>> -> memref<8x128xf32, #tpu.memory_space<hbm>>
    %dma_wait3A_1010 = arith.constant 0 : i32
    %dma_wait3A_1011 = arith.constant 0 : i32
    %dma_wait3A_1012 = tpu.memref_slice %arg4[%dma_wait3A_1000, %dma_wait3A_1001, %add3A_997, %dma_wait3A_1010, %dma_wait3A_1011] : memref<50x8x128x8x128xf32, #tpu.memory_space<hbm>> -> memref<1x1x1x8x128xf32, #tpu.memory_space<hbm>>
    %dma_wait3A_1013 = tpu.memref_squeeze %dma_wait3A_1012 : memref<1x1x1x8x128xf32, #tpu.memory_space<hbm>> -> memref<8x128xf32, #tpu.memory_space<hbm>>
    %dma_wait3A_1014 = arith.constant 32 : i32
    %dma_wait3A_1015 = arith.constant 0 : i32
    %dma_wait3A_1016 = tpu.memref_slice %arg8[%dma_wait3A_998, %dma_wait3A_999, %dma_wait3A_1014, %dma_wait3A_1015] : memref<2x2x64x129xf32, #tpu.memory_space<vmem>> -> memref<1x1x8x128xf32, #tpu.memory_space<vmem>>
    %dma_wait3A_1017 = tpu.memref_squeeze %dma_wait3A_1016 : memref<1x1x8x128xf32, #tpu.memory_space<vmem>> -> memref<8x128xf32, #tpu.memory_space<vmem>>
    tpu.wait_dma2 semaphore(%arg11 : memref<!tpu.dma_semaphore, #tpu.memory_space<semaphore_mem>>) src(%dma_wait3A_1017 : memref<8x128xf32, #tpu.memory_space<vmem>>) dst(%dma_wait3A_1013 : memref<8x128xf32, #tpu.memory_space<hbm>>)
    %add3A_1018 = arith.constant 2 : i32
    %add3A_1019 = arith.addi %mul3A_2, %add3A_1018 : i32
    %add3A_1020 = arith.constant 1 : i32
    %add3A_1021 = arith.addi %add3A_1019, %add3A_1020 : i32
    %dma_wait3A_1022 = arith.constant 1 : i32
    %dma_wait3A_1023 = arith.constant 1 : i32
    %dma_wait3A_1024 = arith.constant 49 : i32
    %dma_wait3A_1025 = arith.constant 5 : i32
    %dma_wait3A_1026 = arith.constant 40 : i32
    %dma_wait3A_1027 = arith.constant 0 : i32
    %dma_wait3A_1028 = tpu.memref_slice %arg8[%dma_wait3A_1022, %dma_wait3A_1023, %dma_wait3A_1026, %dma_wait3A_1027] : memref<2x2x64x129xf32, #tpu.memory_space<vmem>> -> memref<1x1x8x128xf32, #tpu.memory_space<vmem>>
    %dma_wait3A_1029 = tpu.memref_squeeze %dma_wait3A_1028 : memref<1x1x8x128xf32, #tpu.memory_space<vmem>> -> memref<8x128xf32, #tpu.memory_space<vmem>>
    %dma_wait3A_1030 = arith.constant 0 : i32
    %dma_wait3A_1031 = arith.constant 0 : i32
    %dma_wait3A_1032 = tpu.memref_slice %arg4[%dma_wait3A_1024, %dma_wait3A_1025, %add3A_1021, %dma_wait3A_1030, %dma_wait3A_1031] : memref<50x8x128x8x128xf32, #tpu.memory_space<hbm>> -> memref<1x1x1x8x128xf32, #tpu.memory_space<hbm>>
    %dma_wait3A_1033 = tpu.memref_squeeze %dma_wait3A_1032 : memref<1x1x1x8x128xf32, #tpu.memory_space<hbm>> -> memref<8x128xf32, #tpu.memory_space<hbm>>
    %dma_wait3A_1034 = arith.constant 0 : i32
    %dma_wait3A_1035 = arith.constant 0 : i32
    %dma_wait3A_1036 = tpu.memref_slice %arg4[%dma_wait3A_1024, %dma_wait3A_1025, %add3A_1021, %dma_wait3A_1034, %dma_wait3A_1035] : memref<50x8x128x8x128xf32, #tpu.memory_space<hbm>> -> memref<1x1x1x8x128xf32, #tpu.memory_space<hbm>>
    %dma_wait3A_1037 = tpu.memref_squeeze %dma_wait3A_1036 : memref<1x1x1x8x128xf32, #tpu.memory_space<hbm>> -> memref<8x128xf32, #tpu.memory_space<hbm>>
    %dma_wait3A_1038 = arith.constant 40 : i32
    %dma_wait3A_1039 = arith.constant 0 : i32
    %dma_wait3A_1040 = tpu.memref_slice %arg8[%dma_wait3A_1022, %dma_wait3A_1023, %dma_wait3A_1038, %dma_wait3A_1039] : memref<2x2x64x129xf32, #tpu.memory_space<vmem>> -> memref<1x1x8x128xf32, #tpu.memory_space<vmem>>
    %dma_wait3A_1041 = tpu.memref_squeeze %dma_wait3A_1040 : memref<1x1x8x128xf32, #tpu.memory_space<vmem>> -> memref<8x128xf32, #tpu.memory_space<vmem>>
    tpu.wait_dma2 semaphore(%arg11 : memref<!tpu.dma_semaphore, #tpu.memory_space<semaphore_mem>>) src(%dma_wait3A_1041 : memref<8x128xf32, #tpu.memory_space<vmem>>) dst(%dma_wait3A_1037 : memref<8x128xf32, #tpu.memory_space<hbm>>)
    %add3A_1042 = arith.constant 2 : i32
    %add3A_1043 = arith.addi %mul3A_2, %add3A_1042 : i32
    %add3A_1044 = arith.constant 1 : i32
    %add3A_1045 = arith.addi %add3A_1043, %add3A_1044 : i32
    %dma_wait3A_1046 = arith.constant 1 : i32
    %dma_wait3A_1047 = arith.constant 1 : i32
    %dma_wait3A_1048 = arith.constant 49 : i32
    %dma_wait3A_1049 = arith.constant 6 : i32
    %dma_wait3A_1050 = arith.constant 48 : i32
    %dma_wait3A_1051 = arith.constant 0 : i32
    %dma_wait3A_1052 = tpu.memref_slice %arg8[%dma_wait3A_1046, %dma_wait3A_1047, %dma_wait3A_1050, %dma_wait3A_1051] : memref<2x2x64x129xf32, #tpu.memory_space<vmem>> -> memref<1x1x8x128xf32, #tpu.memory_space<vmem>>
    %dma_wait3A_1053 = tpu.memref_squeeze %dma_wait3A_1052 : memref<1x1x8x128xf32, #tpu.memory_space<vmem>> -> memref<8x128xf32, #tpu.memory_space<vmem>>
    %dma_wait3A_1054 = arith.constant 0 : i32
    %dma_wait3A_1055 = arith.constant 0 : i32
    %dma_wait3A_1056 = tpu.memref_slice %arg4[%dma_wait3A_1048, %dma_wait3A_1049, %add3A_1045, %dma_wait3A_1054, %dma_wait3A_1055] : memref<50x8x128x8x128xf32, #tpu.memory_space<hbm>> -> memref<1x1x1x8x128xf32, #tpu.memory_space<hbm>>
    %dma_wait3A_1057 = tpu.memref_squeeze %dma_wait3A_1056 : memref<1x1x1x8x128xf32, #tpu.memory_space<hbm>> -> memref<8x128xf32, #tpu.memory_space<hbm>>
    %dma_wait3A_1058 = arith.constant 0 : i32
    %dma_wait3A_1059 = arith.constant 0 : i32
    %dma_wait3A_1060 = tpu.memref_slice %arg4[%dma_wait3A_1048, %dma_wait3A_1049, %add3A_1045, %dma_wait3A_1058, %dma_wait3A_1059] : memref<50x8x128x8x128xf32, #tpu.memory_space<hbm>> -> memref<1x1x1x8x128xf32, #tpu.memory_space<hbm>>
    %dma_wait3A_1061 = tpu.memref_squeeze %dma_wait3A_1060 : memref<1x1x1x8x128xf32, #tpu.memory_space<hbm>> -> memref<8x128xf32, #tpu.memory_space<hbm>>
    %dma_wait3A_1062 = arith.constant 48 : i32
    %dma_wait3A_1063 = arith.constant 0 : i32
    %dma_wait3A_1064 = tpu.memref_slice %arg8[%dma_wait3A_1046, %dma_wait3A_1047, %dma_wait3A_1062, %dma_wait3A_1063] : memref<2x2x64x129xf32, #tpu.memory_space<vmem>> -> memref<1x1x8x128xf32, #tpu.memory_space<vmem>>
    %dma_wait3A_1065 = tpu.memref_squeeze %dma_wait3A_1064 : memref<1x1x8x128xf32, #tpu.memory_space<vmem>> -> memref<8x128xf32, #tpu.memory_space<vmem>>
    tpu.wait_dma2 semaphore(%arg11 : memref<!tpu.dma_semaphore, #tpu.memory_space<semaphore_mem>>) src(%dma_wait3A_1065 : memref<8x128xf32, #tpu.memory_space<vmem>>) dst(%dma_wait3A_1061 : memref<8x128xf32, #tpu.memory_space<hbm>>)
    %add3A_1066 = arith.constant 2 : i32
    %add3A_1067 = arith.addi %mul3A_2, %add3A_1066 : i32
    %add3A_1068 = arith.constant 1 : i32
    %add3A_1069 = arith.addi %add3A_1067, %add3A_1068 : i32
    %dma_wait3A_1070 = arith.constant 1 : i32
    %dma_wait3A_1071 = arith.constant 1 : i32
    %dma_wait3A_1072 = arith.constant 49 : i32
    %dma_wait3A_1073 = arith.constant 7 : i32
    %dma_wait3A_1074 = arith.constant 56 : i32
    %dma_wait3A_1075 = arith.constant 0 : i32
    %dma_wait3A_1076 = tpu.memref_slice %arg8[%dma_wait3A_1070, %dma_wait3A_1071, %dma_wait3A_1074, %dma_wait3A_1075] : memref<2x2x64x129xf32, #tpu.memory_space<vmem>> -> memref<1x1x8x128xf32, #tpu.memory_space<vmem>>
    %dma_wait3A_1077 = tpu.memref_squeeze %dma_wait3A_1076 : memref<1x1x8x128xf32, #tpu.memory_space<vmem>> -> memref<8x128xf32, #tpu.memory_space<vmem>>
    %dma_wait3A_1078 = arith.constant 0 : i32
    %dma_wait3A_1079 = arith.constant 0 : i32
    %dma_wait3A_1080 = tpu.memref_slice %arg4[%dma_wait3A_1072, %dma_wait3A_1073, %add3A_1069, %dma_wait3A_1078, %dma_wait3A_1079] : memref<50x8x128x8x128xf32, #tpu.memory_space<hbm>> -> memref<1x1x1x8x128xf32, #tpu.memory_space<hbm>>
    %dma_wait3A_1081 = tpu.memref_squeeze %dma_wait3A_1080 : memref<1x1x1x8x128xf32, #tpu.memory_space<hbm>> -> memref<8x128xf32, #tpu.memory_space<hbm>>
    %dma_wait3A_1082 = arith.constant 0 : i32
    %dma_wait3A_1083 = arith.constant 0 : i32
    %dma_wait3A_1084 = tpu.memref_slice %arg4[%dma_wait3A_1072, %dma_wait3A_1073, %add3A_1069, %dma_wait3A_1082, %dma_wait3A_1083] : memref<50x8x128x8x128xf32, #tpu.memory_space<hbm>> -> memref<1x1x1x8x128xf32, #tpu.memory_space<hbm>>
    %dma_wait3A_1085 = tpu.memref_squeeze %dma_wait3A_1084 : memref<1x1x1x8x128xf32, #tpu.memory_space<hbm>> -> memref<8x128xf32, #tpu.memory_space<hbm>>
    %dma_wait3A_1086 = arith.constant 56 : i32
    %dma_wait3A_1087 = arith.constant 0 : i32
    %dma_wait3A_1088 = tpu.memref_slice %arg8[%dma_wait3A_1070, %dma_wait3A_1071, %dma_wait3A_1086, %dma_wait3A_1087] : memref<2x2x64x129xf32, #tpu.memory_space<vmem>> -> memref<1x1x8x128xf32, #tpu.memory_space<vmem>>
    %dma_wait3A_1089 = tpu.memref_squeeze %dma_wait3A_1088 : memref<1x1x8x128xf32, #tpu.memory_space<vmem>> -> memref<8x128xf32, #tpu.memory_space<vmem>>
    tpu.wait_dma2 semaphore(%arg11 : memref<!tpu.dma_semaphore, #tpu.memory_space<semaphore_mem>>) src(%dma_wait3A_1089 : memref<8x128xf32, #tpu.memory_space<vmem>>) dst(%dma_wait3A_1085 : memref<8x128xf32, #tpu.memory_space<hbm>>)
    return
  }
}

</mosaic_0001>

<sc_bundles>
// kernel: _embedding_gather.3.cloned.1.call-start
scs
__scs_entry_jumppad:
0x0: {  	(pc) =	sbr.rel $0x88, $3  }
0x1: {  	(tag) =	ssettag $0x0;
	lr =	simm.s32 $0x1  }
0x2: {  	[smem:$0x3F9F] =	sst lr;
	_ =	strace $0xD0000000  }
0x3: {  	_ = 	snop  }
0x4: {  	_ = 	snop  }
0x5: {  	_ = 	snop  }
0x6: {  	_ = 	snop  }
0x7: {  	_ = 	snop  }
__scs_overlays_trampoline_lowered:
0x8: {  	[smem:$0x3FAE] =	sst s0  }
0x9: {  	[smem:$0x3FAF] =	sst s1  }
0xa: {  	[smem:$0x3FB0] =	sst s2  }
0xb: {  	[smem:$0x3FB1] =	sst s3  }
0xc: {  	[smem:$0x3FB2] =	sst s4  }
0xd: {  	[smem:$0x3FB3] =	sst s5  }
0xe: {  	[smem:$0x3FB4] =	sst s6  }
0xf: {  	[smem:$0x3FB5] =	sst s7  }
0x10: {  	[smem:$0x3FB6] =	sst s8  }
0x11: {  	[smem:$0x3FB7] =	sst s9;
	s0 =	simm.s32 @!p0 $0x0  }
0x12: {  	s1 =	sld [smem:$0x3F9D];
	s0 =	simm.s32 @p0 $0x1  }
0x13: {  	[smem:$0x3FB8] =	sst s0;
	s0 =	simm.s32 @!p1 $0x0  }
0x14: {  	s2 =	sld [smem:$0x3F9C];
	s0 =	simm.s32 @p1 $0x1  }
0x15: {  	[smem:$0x3FB9] =	sst s0;
	s0 =	simm.s32 @!p2 $0x0  }
0x16: {  	s3 =	sld [smem:$0x3FDB];
	s0 =	simm.s32 @p2 $0x1  }
0x17: {  	s4 =	simm.s32 $0x1BF5;
	[smem:$0x3FBB] =	sst s0  }
0x18: {  	s0 =	sld [smem:$0x3F9E];
	_ =	swait.ge [sflag:s4], $0x0  }
0x19: {  	s7 =	sld [smem:$0x3F9F]  }
0x1a: {  	s8 =	sadd.s32 $0xFFFFE003, lr  }
0x1b: {  	s9 =	sadd.s32 $0xFFFFFEF7, lr;
	s5 =	simm.s32 $0xFFFFFFFF;
	p2 =	slt.u32 s8, $0xFFFFF086  }
0x1c: {  	p1 =	slt.u32 s9, $0xF7A;
	s5 =	simm.s32 @!p2 $0x0  }
0x1d: {  	s5 =	simm.s32 @p1 $0x1;
	p0 =	seq.s32 s7, s2  }
0x1e: {  	s7 =	smul.u32 @!p0 $0xF7A, s2;
	p2 =	seq.s32 @!p0 s5, $0x0  }
0x1f: {  	s9 =	smul.u32 $0xF7A, s1;
	s8 =	simm.s32 @!p0 $0x1BF5;
	p2 =	por !p2, p0  }
0x20: {  	[sflag:s8] =	ssyncset.s32 @!p0 $0xFFFFF086;
	s6 =	sadd.s32 @!p0 s3, s7;
	s7 =	simm.s32 @!p0 $0x108  }
0x21: {  	s3 =	sadd.s32 s3, s9;
	s6 =	sadd.s32 @!p0 $0x88, s6;
	s7 =	simm.s32 @p2 $0x1082  }
0x22: {  	[simem:s7], [sflag:s8] =	dma.local @!p0 [hbm:s6], $0xF7A  }
0x23: {  	s9 =	sor.u32 $0xD0000000, s2;
	s6 =	simm.s32 $0x108;
	_ =	swait.ge @!p0 [sflag:s8], $0x0  }
0x24: {  	s3 =	sadd.s32 $0x88, s3;
	s6 =	simm.s32 @!p1 $0x1082;
	[sflag:s4] =	ssyncset.s32 $0xFFFFF086  }
0x25: {  	[simem:s6], [sflag:s4] =	dma.local [hbm:s3], $0xF7A  }
0x26: {  	[smem:$0x3F9F] =	sst s1;
	(tag) =	ssettag s2;
	_ =	strace s9  }
0x27: {  	s1 =	sld [smem:$0x3FAF]  }
0x28: {  	s2 =	sld [smem:$0x3FB0]  }
0x29: {  	s4 =	sld [smem:$0x3FB2]  }
0x2a: {  	p0 =	seq.s32 s5, $0x0;
	s5 =	sld [smem:$0x3FB3]  }
0x2b: {  	s6 =	sld [smem:$0x3FB4]  }
0x2c: {  	s7 =	sld [smem:$0x3FB5]  }
0x2d: {  	s3 =	simm.s32 $0x108;
	s8 =	sld [smem:$0x3FB6]  }
0x2e: {  	s3 =	simm.s32 @!p0 $0x1082;
	s9 =	sld [smem:$0x3FB7]  }
0x2f: {  	lr =	sadd.s32 s0, s3;
	s0 =	sld [smem:$0x3FAE]  }
0x30: {  	s3 =	sld [smem:$0x3FB1]  }
0x31: {  	[smem:$0x3FBA] =	sst s10  }
0x32: {  	s10 =	sld [smem:$0x3FB8];
	_ =	sdelay $0x3  }
0x33: {  	p0 =	seq.s32 s10, $0x1;
	s10 =	sld [smem:$0x3FBA];
	_ =	sdelay $0x3  }
0x34: {  	[smem:$0x3FBA] =	sst s10  }
0x35: {  	s10 =	sld [smem:$0x3FB9];
	_ =	sdelay $0x3  }
0x36: {  	p1 =	seq.s32 s10, $0x1;
	s10 =	sld [smem:$0x3FBA];
	_ =	sdelay $0x3  }
0x37: {  	[smem:$0x3FBA] =	sst s10  }
0x38: {  	s10 =	sld [smem:$0x3FBB]  }
0x39: {  	_ = 	snop;
	(pc) =	sbr.ind lr, $3  }
0x3a: {  	_ = 	snop  }
0x3b: {  	_ = 	snop  }
0x3c: {  	p2 =	seq.s32 s10, $0x1;
	s10 =	sld [smem:$0x3FBA]  }
0x3d: {  	_ =	shalt  }
0x3e: {  	_ =	shalt  }
0x3f: {  	_ =	shalt  }
0x40: {  	_ =	shalt  }
0x41: {  	_ =	shalt  }
0x42: {  	_ =	shalt  }
0x43: {  	_ =	shalt  }
0x44: {  	_ =	shalt  }
0x45: {  	_ =	shalt  }
0x46: {  	_ =	shalt  }
0x47: {  	_ =	shalt  }
0x48: {  	_ =	shalt  }
0x49: {  	_ =	shalt  }
0x4a: {  	_ =	shalt  }
0x4b: {  	_ =	shalt  }
0x4c: {  	_ =	shalt  }
0x4d: {  	_ =	shalt  }
0x4e: {  	_ =	shalt  }
0x4f: {  	_ =	shalt  }
0x50: {  	_ =	shalt  }
0x51: {  	_ =	shalt  }
0x52: {  	_ =	shalt  }
0x53: {  	_ =	shalt  }
0x54: {  	_ =	shalt  }
0x55: {  	_ =	shalt  }
0x56: {  	_ =	shalt  }
0x57: {  	_ =	shalt  }
0x58: {  	_ =	shalt  }
0x59: {  	_ =	shalt  }
0x5a: {  	_ =	shalt  }
0x5b: {  	_ =	shalt  }
0x5c: {  	_ =	shalt  }
0x5d: {  	_ =	shalt  }
0x5e: {  	_ =	shalt  }
0x5f: {  	_ =	shalt  }
0x60: {  	_ =	shalt  }
0x61: {  	_ =	shalt  }
0x62: {  	_ =	shalt  }
0x63: {  	_ =	shalt  }
0x64: {  	_ =	shalt  }
0x65: {  	_ =	shalt  }
0x66: {  	_ =	shalt  }
0x67: {  	_ =	shalt  }
0x68: {  	_ =	shalt  }
0x69: {  	_ =	shalt  }
0x6a: {  	_ =	shalt  }
0x6b: {  	_ =	shalt  }
0x6c: {  	_ =	shalt  }
0x6d: {  	_ =	shalt  }
0x6e: {  	_ =	shalt  }
0x6f: {  	_ =	shalt  }
0x70: {  	_ =	shalt  }
0x71: {  	_ =	shalt  }
0x72: {  	_ =	shalt  }
0x73: {  	_ =	shalt  }
0x74: {  	_ =	shalt  }
0x75: {  	_ =	shalt  }
0x76: {  	_ =	shalt  }
0x77: {  	_ =	shalt  }
0x78: {  	_ =	shalt  }
0x79: {  	_ =	shalt  }
0x7a: {  	_ =	shalt  }
0x7b: {  	_ =	shalt  }
0x7c: {  	_ =	shalt  }
0x7d: {  	_ =	shalt  }
0x7e: {  	_ =	shalt  }
0x7f: {  	_ =	shalt  }
0x80: {  	_ =	shalt  }
0x81: {  	_ =	shalt  }
0x82: {  	_ =	shalt  }
0x83: {  	_ =	shalt  }
0x84: {  	_ =	shalt  }
0x85: {  	_ =	shalt  }
0x86: {  	_ =	shalt  }
0x87: {  	_ =	shalt  }
.Lfunc_end0:
.L_simem_size_0:
called_computation_lowered:
.L_overlay_start_0:
0x88: {  	s2 =	sld [smem:$0x3FD9]  }
0x89: {  	s3 =	sld [smem:$0x3FFE];
	_ =	sdelay $0x1  }
0x8a: {  	s1 =	srdreg.scid  }
0x8b: {  	s0 =	sand.u32 $0x1, s1  }
0x8c: {  	s17 =	sshll.u32 s0, $0xA;
	s2 =	sadd.s32 s3, s2  }
0x8d: {  	s2 =	sadd.s32 s2, s17  }
0x8e: {  	[smem:$0x3FC6] =	sst s2  }
0x8f: {  	_ = 	snop  }
0x90: {  	s2 =	sld [smem:$0x3FC9]  }
0x91: {  	s18 =	sld [smem:$0x3FD0];
	(tm) =	ssettm $0x1  }
0x92: {  	s4 =	sld [smem:$0x3FFB];
	_ =	sdelay $0x3  }
0x93: {  	_ =	strace s4  }
0x94: {  	s4 =	sld [smem:$0x3FFC];
	_ =	sdelay $0x3  }
0x95: {  	_ =	strace s4  }
0x96: {  	s4 =	sld [smem:$0x3FFD];
	_ =	sdelay $0x3  }
0x97: {  	_ =	strace s4  }
0x98: {  	_ =	strace $0x8FFFFFFF  }
0x99: {  	s19 =	sld [smem:$0x3FDB];
	_ =	sdelay $0x1  }
0x9a: {  	s5 =	simm.s32 $_scs_section_size  }
0x9b: {  	s6 =	simm.s32 $_size__tile_overlayer_lowered;
	s7 =	simm.s32 $_tile_overlayer_lowered  }
0x9c: {  	s22 =	simm.s32 $0x1BFF;
	s21 =	sshll.u32 s7, $0x1;
	s4 =	sadd.s32 s5, s19  }
0x9d: {  	s8 =	simm.s32 $0x0;
	s20 =	sshll.u32 s6, $0x1;
	s6 =	sadd.s32 s21, s4  }
0x9e: {  	[timem:s8], [sflag:s22] =	dma.local [hbm:s6], s20  }
0x9f: {  	_ =	swait.ge [sflag:s22], s20  }
0xa0: {  	s5 =	ssub.s32 $0x0, s20;
	[sflag:s22] =	ssyncset.done $0x0  }
0xa1: {  	[sflag:s22] =	ssyncadd.s32 s5;
	_ =	sdelay $0x1  }
0xa2: {  	s23 =	simm.s32 $0x1B8B  }
0xa3: {  	_ =	swait.ge [sflag:s23], $0x1  }
0xa4: {  	[sflag:s23] =	ssyncset.done $0x0  }
0xa5: {  	s25 =	simm.s32 $0x1B8E;
	s24 =	sld [smem:$0x3FFE];
	[sflag:s23] =	ssyncadd.s32 $0xFFFFFFFF  }
0xa6: {  	s26 =	simm.s32 $execute0_lowered;
	[smem:$0x3FD2] =	sst s25  }
0xa7: {  	s6 =	sshll.u32 s26, $0x1;
	_ =	strace $0x80000046;
	[dreg:$0x1] =	wrdreg $0xFFFFFFFF  }
0xa8: {  	s28 =	simm.s32 $_size_execute0_lowered;
	s4 =	sadd.s32 s4, s6;
	[dreg:$0x0] =	wrdreg $0x0  }
0xa9: {  	s6 =	sshll.u32 s28, $0x1;
	[dreg:$0x2] =	wrdreg s4  }
0xaa: {  	[dreg:$0x3] =	wrdreg s6  }
0xab: {  	[dreg:$0x4] =	wrdreg $0xC0  }
0xac: {  	_ =	task [dreg:s8], $0x5FFFF  }
0xad: {  	[dreg:$0x1] =	wrdreg $0xFFFFFFFF  }
0xae: {  	[dreg:$0x0] =	wrdreg $0x60  }
0xaf: {  	[dreg:$0x2] =	wrdreg s2  }
0xb0: {  	[dreg:$0x3] =	wrdreg s24  }
0xb1: {  	[dreg:$0x4] =	wrdreg s18  }
0xb2: {  	[dreg:$0x5] =	wrdreg $0x9  }
0xb3: {  	_ =	task.clear_ibuf [dreg:s8], $0x6FFFF;
	_ =	strace $0x90000046  }
0xb4: {  	s29 =	simm.s32 $0x9;
	_ =	strace $0x80000048  }
0xb5: {  	_ =	swait.ge [sflag:s29], $0x1  }
0xb6: {  	[sflag:s29] =	ssyncadd.s32 $0xFFFFFFFF  }
0xb7: {  	_ =	strace $0x90000048  }
0xb8: {  	_ =	sfence  }
0xb9: {  	s30 =	sld [smem:$0x0];
	_ =	sdelay $0x2  }
0xba: {  	s31 =	sshll.u32 s1, $0xD;
	s1 =	sshrl.u32 s1, $0x2  }
0xbb: {  	s3 =	sand.u32 $0x4000, s31;
	s1 =	sadd.s32 s1, s30  }
0xbc: {  	s0 =	sor.u32 s3, s0;
	s1 =	sshll.u32 s1, $0x11  }
0xbd: {  	s0 =	sor.u32 s1, s0  }
0xbe: {  	s0 =	sadd.s32 $0x8F2B, s0  }
0xbf: {  	[sflag:s0] =	ssyncadd.remote.s32 $0x1  }
0xc0: {  	_ =	sfence.sel $0xFFFF  }
0xc1: {  	[dreg:$0x0] =	wrdreg $0xFFFFFFFF;
	(pc) =	sbr.abs _section_cstart, $3  }
0xc2: {  	[dreg:$0x1] =	wrdreg $0xFFFFFFFF  }
0xc3: {  	_ =	task.clear_ibuf [dreg:s8], $0x2FFFF;
	_ =	strace $0x9FFFFFFF  }
0xc4: {  	(tm) =	ssettm $0x7FFFFFFF  }
0xc5: {  	_ =	shalt  }
tec
execute0_lowered:
.L_overlay_start_1:
0x0: {  	(tag) =	ssettag $0x1  }
0x1: {  	s1 =	rddreg [dreg:$0x0];
	s0 =	srdreg.scid  }
0x2: {  	s2 =	rddreg [dreg:$0x1];
	s4 =	stileid.u32  }
0x3: {  	s3 =	rddreg [dreg:$0x2];
	s11 =	simm.s32 $0x100;
	s12 =	simm.s32 $0x1  }
0x4: {  	s13 =	simm.s32 $0x80;
	s14 =	simm.s32 $0x200;
	s15 =	simm.s32 $0x400  }
0x5: {  	s16 =	simm.s32 $0x280;
	s17 =	simm.s32 $0x2400;
	s18 =	simm.s32 $0x2  }
0x6: {  	s19 =	simm.s32 $0x3;
	s20 =	simm.s32 $0x0;
	s0 =	sand.u32 $0x1, s0  }
0x7: {  	s5 =	sshll.u32 s4, $0x3;
	s4 =	simm.s32 $0x0;
	s6 =	sshll.u32 s0, $0x2  }
0x8: {  	v0 =	vlaneseq.u32;
	s7 =	sadd.s32 $0x1E84C00, s2;
	s0 =	ssub.s32 $0x2, s0;
	s5 =	sor.u32 s6, s5  }
0x9: {  	v0 =	vmul.u32 $0x88, v0;
	[smem:$0x7FF] =	sst s4;
	s8 =	sshrl.u32 s0, $0x1;
	s6 =	sshll.u32 s5, $0x4  }
0xa: {  	_ =	strace $0x80000047;
	s0 =	ssub.s32 s0, s8;
	s6 =	sadd.s32 s1, s6  }
0xb: {  	v1 =	vadd.s32 $0x880, v0;
	v2 =	vadd.s32 $0x1100, v0;
	v3 =	vadd.s32 $0x1980, v0;
	s9 =	sshll.u32 s5, $0xA;
	s10 =	smax.u32 s0, $0x1;
	s8 =	sadd.s32 $0x20, s6  }
.LBB2_1:
0xc: {  	[tilespmem:s4], [sflag:$0x1] =	stream.linear.gather [hbm4b:s6+s4], $0x100, $0x38;
	[tilespmem:$0x10C00] =	vst v63  }
0xd: {  	_ = 	snop  }
0xe: {  	[tilespmem:s11], [sflag:$0x1] =	stream.linear.gather [hbm4b:s8+s4], $0x100, $0x38;
	[tilespmem:$0x10C00] =	vst v63  }
0xf: {  	_ =	swait.ge [sflag:s12], $0x100  }
0x10: {  	[sflag:s12] =	ssyncset.done $0x0  }
0x11: {  	[sflag:s12] =	ssyncadd.s32 $0xFFFFFF00  }
0x12: {  	v4 =	vld [tilespmem:$0x0]  }
0x13: {  	v5 =	vld [tilespmem:$0x10]  }
0x14: {  	v6 =	vld [tilespmem:$0x20]  }
0x15: {  	v7 =	vld [tilespmem:$0x30]  }
0x16: {  	v8 =	vld [tilespmem:$0x40]  }
0x17: {  	v9 =	vld [tilespmem:$0x50];
	v4 =	vshll.u32 v4, $0x1  }
0x18: {  	[tilespmem:$0x200] =	vst v4;
	v4 =	vshll.u32 v5, $0x1;
	v5 =	vld [tilespmem:$0x60]  }
0x19: {  	v56 =	vld [tilespmem:$0x70];
	[tilespmem:$0x210] =	vst v4;
	v4 =	vshll.u32 v6, $0x1  }
0x1a: {  	v57 =	vld [tilespmem:$0x80];
	[tilespmem:$0x220] =	vst v4;
	v4 =	vshll.u32 v7, $0x1  }
0x1b: {  	v58 =	vld [tilespmem:$0x90];
	[tilespmem:$0x230] =	vst v4;
	v4 =	vshll.u32 v8, $0x1  }
0x1c: {  	v59 =	vld [tilespmem:$0xA0];
	[tilespmem:$0x240] =	vst v4;
	v4 =	vshll.u32 v9, $0x1  }
0x1d: {  	[tilespmem:$0x250] =	vst v4;
	v4 =	vshll.u32 v5, $0x1;
	v5 =	vld [tilespmem:$0xB0]  }
0x1e: {  	v60 =	vld [tilespmem:$0xC0];
	[tilespmem:$0x260] =	vst v4;
	v4 =	vshll.u32 v56, $0x1  }
0x1f: {  	v61 =	vld [tilespmem:$0xD0];
	[tilespmem:$0x270] =	vst v4;
	v4 =	vshll.u32 v57, $0x1  }
0x20: {  	v62 =	vld [tilespmem:$0xE0];
	[tilespmem:$0x280] =	vst v4;
	v4 =	vshll.u32 v58, $0x1  }
0x21: {  	v63 =	vld [tilespmem:$0xF0];
	[tilespmem:$0x290] =	vst v4;
	v4 =	vshll.u32 v59, $0x1  }
0x22: {  	[tilespmem:$0x2A0] =	vst v4;
	v4 =	vshll.u32 v5, $0x1  }
0x23: {  	[tilespmem:$0x2B0] =	vst v4;
	v4 =	vshll.u32 v60, $0x1  }
0x24: {  	[tilespmem:$0x2C0] =	vst v4;
	v4 =	vshll.u32 v61, $0x1  }
0x25: {  	[tilespmem:$0x2D0] =	vst v4;
	v4 =	vshll.u32 v62, $0x1  }
0x26: {  	[tilespmem:$0x2E0] =	vst v4;
	v4 =	vshll.u32 v63, $0x1  }
0x27: {  	[tilespmem:$0x2F0] =	vst v4  }
0x28: {  	[tilespmem:s15], [sflag:$0x2] =	stream.indirect.gather [hbm4b:s7+s13], $0x40, s14, s13, $0xb8;
	[tilespmem:$0x10C00] =	vst v63  }
0x29: {  	p0 =	por $0x0, $0x0;
	s23 =	simm.s32 $0x0  }
0x2a: {  	[tilespmem:s17], [sflag:$0x2] =	stream.indirect.gather [hbm4b:s7+s13], $0x40, s16, s13, $0xb8;
	[tilespmem:$0x10C00] =	vst v63  }
.LBB2_2:
0x2b: {  	_ =	swait.ge [sflag:s18], $0x2000;
	p1 =	sgt.u32 s23, $0x61  }
.Ltmp0:
0x2c: {  	[sflag:s18] =	ssyncset.done $0x0;
	(pc) =	sbr.rel @p1 .LBB2_4-.Ltmp0, $4  }
0x2d: {  	[sflag:s18] =	ssyncadd.s32 $0xFFFFE000  }
0x2e: {  	_ =	swait.ge [sflag:s18], $0x2000  }
0x2f: {  	[sflag:s18] =	ssyncset.done $0x0  }
0x30: {  	s24 =	sand.u32 $0x1, s23;
	s21 =	sadd.s32 $0x1, s23;
	[sflag:s18] =	ssyncadd.s32 $0xFFFFE000  }
0x31: {  	s0 =	sshll.u32 s23, $0xA;
	s2 =	sshll.u32 s23, $0x1  }
.Ltmp1:
0x32: {  	s0 =	sadd.s32 $0x800, s0;
	s2 =	sand.u32 $0x2, s2;
	(pc) =	sbr.rel .LBB2_5-.Ltmp1, $4  }
0x33: {  	s0 =	sand.u32 $0x3F800, s0;
	s2 =	sor.u32 s5, s2  }
0x34: {  	s2 =	sshll.u32 s2, $0x4;
	s0 =	sadd.s32 s1, s0  }
0x35: {  	s22 =	sshll.u32 s24, $0x8;
	s0 =	sadd.s32 s2, s0  }
0x36: {  	[tilespmem:s22], [sflag:$0x1] =	stream.linear.gather [hbm4b:s0+s4], $0x100, $0x38;
	[tilespmem:$0x10C00] =	vst v63  }
.LBB2_4:
0x37: {  	p1 =	seq.s32 s23, $0x63  }
.Ltmp2:
0x38: {  	_ = 	snop;
	(pc) =	sbr.rel @p1 .LBB2_6-.Ltmp2, $1  }
0x39: {  	_ =	sdelay $0x3  }
.LBB2_5:
0x3a: {  	_ =	swait.ge [sflag:s12], $0x100  }
0x3b: {  	s0 =	sand.u32 $0x1, s21;
	[sflag:s12] =	ssyncset.done $0x0  }
0x3c: {  	s2 =	sshll.u32 s0, $0x8;
	[sflag:s12] =	ssyncadd.s32 $0xFFFFFF00  }
0x3d: {  	v4 =	vld [tilespmem:s2+$0x0]  }
0x3e: {  	v5 =	vld [tilespmem:s2+$0x10]  }
0x3f: {  	v6 =	vld [tilespmem:s2+$0x20]  }
0x40: {  	v7 =	vld [tilespmem:s2+$0x30]  }
0x41: {  	v8 =	vld [tilespmem:s2+$0x40]  }
0x42: {  	v9 =	vld [tilespmem:s2+$0x50];
	v4 =	vshll.u32 v4, $0x1  }
0x43: {  	[tilespmem:s2+$0x200] =	vst v4;
	v4 =	vshll.u32 v5, $0x1;
	v5 =	vld [tilespmem:s2+$0x60]  }
0x44: {  	v56 =	vld [tilespmem:s2+$0x70];
	[tilespmem:s2+$0x210] =	vst v4;
	v4 =	vshll.u32 v6, $0x1  }
0x45: {  	v57 =	vld [tilespmem:s2+$0x80];
	[tilespmem:s2+$0x220] =	vst v4;
	v4 =	vshll.u32 v7, $0x1  }
0x46: {  	v58 =	vld [tilespmem:s2+$0x90];
	[tilespmem:s2+$0x230] =	vst v4;
	v4 =	vshll.u32 v8, $0x1  }
0x47: {  	v59 =	vld [tilespmem:s2+$0xA0];
	[tilespmem:s2+$0x240] =	vst v4;
	v4 =	vshll.u32 v9, $0x1  }
0x48: {  	[tilespmem:s2+$0x250] =	vst v4;
	v4 =	vshll.u32 v5, $0x1;
	v5 =	vld [tilespmem:s2+$0xB0]  }
0x49: {  	v60 =	vld [tilespmem:s2+$0xC0];
	[tilespmem:s2+$0x260] =	vst v4;
	v4 =	vshll.u32 v56, $0x1  }
0x4a: {  	v61 =	vld [tilespmem:s2+$0xD0];
	[tilespmem:s2+$0x270] =	vst v4;
	v4 =	vshll.u32 v57, $0x1  }
0x4b: {  	v62 =	vld [tilespmem:s2+$0xE0];
	[tilespmem:s2+$0x280] =	vst v4;
	v4 =	vshll.u32 v58, $0x1  }
0x4c: {  	v63 =	vld [tilespmem:s2+$0xF0];
	[tilespmem:s2+$0x290] =	vst v4;
	v4 =	vshll.u32 v59, $0x1  }
0x4d: {  	[tilespmem:s2+$0x2A0] =	vst v4;
	v4 =	vshll.u32 v5, $0x1  }
0x4e: {  	[tilespmem:s2+$0x2B0] =	vst v4;
	v4 =	vshll.u32 v60, $0x1  }
0x4f: {  	[tilespmem:s2+$0x2C0] =	vst v4;
	v4 =	vshll.u32 v61, $0x1  }
0x50: {  	p1 =	slt.u32 s23, $0x2;
	[tilespmem:s2+$0x2D0] =	vst v4;
	v4 =	vshll.u32 v62, $0x1  }
.Ltmp3:
0x51: {  	s0 =	sshll.u32 s0, $0xE;
	[tilespmem:s2+$0x2E0] =	vst v4;
	v4 =	vshll.u32 v63, $0x1;
	(pc) =	sbr.rel @p1 .LBB2_7-.Ltmp3, $4  }
0x52: {  	s22 =	sor.u32 $0x200, s2;
	s25 =	sor.u32 $0x400, s0;
	[tilespmem:s2+$0x2F0] =	vst v4  }
0x53: {  	[tilespmem:s25], [sflag:$0x2] =	stream.indirect.gather [hbm4b:s7+s13], $0x40, s22, s13, $0xb8;
	[tilespmem:$0x10C00] =	vst v63  }
0x54: {  	s0 =	sor.u32 $0x2400, s0;
	s2 =	sor.u32 $0x280, s2  }
0x55: {  	[tilespmem:s0], [sflag:$0x2] =	stream.indirect.gather [hbm4b:s7+s13], $0x40, s2, s13, $0xb8;
	[tilespmem:$0x10C00] =	vst v63  }
.LBB2_6:
0x56: {  	_ =	swait.ge [sflag:s19], $0x400  }
0x57: {  	[sflag:s19] =	ssyncset.done $0x0  }
0x58: {  	[sflag:s19] =	ssyncadd.s32 $0xFFFFFC00  }
0x59: {  	_ =	swait.ge [sflag:s19], $0x400  }
0x5a: {  	[sflag:s19] =	ssyncset.done $0x0  }
0x5b: {  	[sflag:s19] =	ssyncadd.s32 $0xFFFFFC00  }
0x5c: {  	_ =	swait.ge [sflag:s19], $0x400  }
0x5d: {  	[sflag:s19] =	ssyncset.done $0x0  }
0x5e: {  	[sflag:s19] =	ssyncadd.s32 $0xFFFFFC00  }
0x5f: {  	_ =	swait.ge [sflag:s19], $0x400  }
0x60: {  	[sflag:s19] =	ssyncset.done $0x0  }
0x61: {  	[sflag:s19] =	ssyncadd.s32 $0xFFFFFC00  }
0x62: {  	_ =	swait.ge [sflag:s19], $0x400  }
0x63: {  	[sflag:s19] =	ssyncset.done $0x0  }
0x64: {  	[sflag:s19] =	ssyncadd.s32 $0xFFFFFC00  }
0x65: {  	_ =	swait.ge [sflag:s19], $0x400  }
0x66: {  	[sflag:s19] =	ssyncset.done $0x0  }
0x67: {  	[sflag:s19] =	ssyncadd.s32 $0xFFFFFC00  }
0x68: {  	_ =	swait.ge [sflag:s19], $0x400  }
0x69: {  	[sflag:s19] =	ssyncset.done $0x0  }
0x6a: {  	[sflag:s19] =	ssyncadd.s32 $0xFFFFFC00  }
0x6b: {  	_ =	swait.ge [sflag:s19], $0x400  }
0x6c: {  	[sflag:s19] =	ssyncset.done $0x0  }
0x6d: {  	[sflag:s19] =	ssyncadd.s32 $0xFFFFFC00  }
0x6e: {  	_ =	swait.ge [sflag:s19], $0x400  }
0x6f: {  	[sflag:s19] =	ssyncset.done $0x0  }
0x70: {  	[sflag:s19] =	ssyncadd.s32 $0xFFFFFC00  }
0x71: {  	_ =	swait.ge [sflag:s19], $0x400  }
0x72: {  	[sflag:s19] =	ssyncset.done $0x0  }
0x73: {  	[sflag:s19] =	ssyncadd.s32 $0xFFFFFC00  }
0x74: {  	_ =	swait.ge [sflag:s19], $0x400  }
0x75: {  	[sflag:s19] =	ssyncset.done $0x0  }
0x76: {  	[sflag:s19] =	ssyncadd.s32 $0xFFFFFC00  }
0x77: {  	_ =	swait.ge [sflag:s19], $0x400  }
0x78: {  	[sflag:s19] =	ssyncset.done $0x0  }
0x79: {  	[sflag:s19] =	ssyncadd.s32 $0xFFFFFC00  }
0x7a: {  	_ =	swait.ge [sflag:s19], $0x400  }
0x7b: {  	[sflag:s19] =	ssyncset.done $0x0  }
0x7c: {  	[sflag:s19] =	ssyncadd.s32 $0xFFFFFC00  }
0x7d: {  	_ =	swait.ge [sflag:s19], $0x400  }
0x7e: {  	[sflag:s19] =	ssyncset.done $0x0  }
0x7f: {  	[sflag:s19] =	ssyncadd.s32 $0xFFFFFC00  }
0x80: {  	_ =	swait.ge [sflag:s19], $0x400  }
0x81: {  	[sflag:s19] =	ssyncset.done $0x0  }
0x82: {  	[sflag:s19] =	ssyncadd.s32 $0xFFFFFC00  }
0x83: {  	_ =	swait.ge [sflag:s19], $0x400  }
0x84: {  	[sflag:s19] =	ssyncset.done $0x0  }
0x85: {  	[sflag:s19] =	ssyncadd.s32 $0xFFFFFC00  }
.LBB2_7:
0x86: {  	s0 =	simm.s32 $0x1  }
0x87: {  	s0 =	simm.s32 @!p0 $0x0  }
0x88: {  	s25 =	simm.s32 $0x1;
	s0 =	sshll.u32 s0, $0xE  }
0x89: {  	v4 =	vmov s25;
	s28 =	sor.u32 $0x2470, s0;
	s29 =	sor.u32 $0x440, s0;
	s0 =	simm.s32 $0x0  }
0x8a: {  	v8 =	vand.u32 $0x7F, v4;
	v5 =	vmov s0  }
0x8b: {  	v4 =	vld [tilespmem:s29+$0x0];
	v11 =	vand.u32 $0x7E, v5;
	v5 =	vadd.s32 v0, v8  }
0x8c: {  	s2 =	smul.u32 $0x11000, s24;
	v6 =	vld [tilespmem:s29+$0xFFFFFFC0];
	v7 =	vadd.s32 v0, v11;
	_ =	sdelay $0x1  }
0x8d: {  	s22 =	sshrl.u32 s2, $0x2  }
0x8e: {  	s26 =	sadd.s32 $0x8400, s22  }
0x8f: {  	s2 =	simm.s32 $0x3;
	[tilespmem:v5+s26+$0x0] =	vst.idx.msk $0xffff, v4  }
0x90: {  	s25 =	simm.s32 $0x2;
	v4 =	vmov s2;
	[tilespmem:v7+s26+$0x0] =	vst.idx.msk $0xffff, v6;
	v6 =	vld [tilespmem:s29+$0x10];
	v7 =	vadd.s32 v1, v8  }
0x91: {  	v10 =	vadd.s32 v1, v11;
	v5 =	vmov s25;
	s25 =	sadd.s32 $0x80, s29;
	v4 =	vand.u32 $0x7F, v4;
	v9 =	vld [tilespmem:s29+$0xFFFFFFD0]  }
0x92: {  	v5 =	vand.u32 $0x7E, v5;
	v12 =	vld [tilespmem:s25+$0x0];
	v13 =	vadd.s32 v0, v4  }
0x93: {  	v14 =	vld [tilespmem:s25+$0xFFFFFFC0];
	v15 =	vadd.s32 v0, v5;
	_ =	sdelay $0x1  }
0x94: {  	[tilespmem:v7+s26+$0x0] =	vst.idx.msk $0xffff, v6  }
0x95: {  	[tilespmem:v10+s26+$0x0] =	vst.idx.msk $0xffff, v9;
	v7 =	vld [tilespmem:s29+$0x20];
	v9 =	vadd.s32 v2, v8  }
0x96: {  	[tilespmem:v13+s26+$0x0] =	vst.idx.msk $0xffff, v12;
	v12 =	vadd.s32 v2, v11;
	v10 =	vld [tilespmem:s29+$0xFFFFFFE0]  }
0x97: {  	s2 =	simm.s32 $0x5;
	[tilespmem:v15+s26+$0x0] =	vst.idx.msk $0xffff, v14;
	v14 =	vadd.s32 v1, v4;
	v13 =	vld [tilespmem:s25+$0x10]  }
0x98: {  	v6 =	vmov s2;
	s2 =	simm.s32 $0x4  }
0x99: {  	s30 =	sadd.s32 $0x80, s25;
	v18 =	vadd.s32 v1, v5;
	v6 =	vand.u32 $0x7F, v6;
	v17 =	vmov s2;
	v15 =	vld [tilespmem:s25+$0xFFFFFFD0]  }
0x9a: {  	v19 =	vld [tilespmem:s30+$0x0];
	v20 =	vadd.s32 v0, v6;
	[tilespmem:v9+s26+$0x0] =	vst.idx.msk $0xffff, v7;
	v7 =	vand.u32 $0x7E, v17  }
0x9b: {  	v16 =	vld [tilespmem:s30+$0xFFFFFFC0];
	[tilespmem:v12+s26+$0x0] =	vst.idx.msk $0xffff, v10;
	v17 =	vadd.s32 v0, v7  }
0x9c: {  	v9 =	vld [tilespmem:s29+$0x30];
	[tilespmem:v14+s26+$0x0] =	vst.idx.msk $0xffff, v13;
	v14 =	vadd.s32 v3, v8  }
0x9d: {  	v12 =	vadd.s32 v3, v11;
	v10 =	vld [tilespmem:s29+$0xFFFFFFF0]  }
0x9e: {  	s31 =	simm.s32 $0x8;
	[tilespmem:v18+s26+$0x0] =	vst.idx.msk $0xffff, v15;
	v11 =	vadd.s32 v2, v4;
	v8 =	vld [tilespmem:s25+$0x20]  }
0x9f: {  	s0 =	simm.s32 $0x7;
	s2 =	simm.s32 $0x6;
	[tilespmem:v20+s26+$0x0] =	vst.idx.msk $0xffff, v19;
	v15 =	vadd.s32 v2, v5;
	v13 =	vld [tilespmem:s25+$0xFFFFFFE0];
	s29 =	smov.u32 s30  }
.LBB2_8:
0xa0: {  	p1 =	slt.u32 s31, $0x7E;
	v18 =	vmov s0;
	[tilespmem:v17+s26+$0x0] =	vst.idx.msk $0xffff, v16;
	v19 =	vld [tilespmem:s30+$0x10];
	v20 =	vadd.s32 v1, v6  }
0xa1: {  	v16 =	vmov s2;
	v22 =	vadd.s32 v1, v7;
	s30 =	sadd.s32 $0x80, s30;
	s2 =	smov.u32 s31;
	v18 =	vand.u32 $0x7F, v18;
	v21 =	vld [tilespmem:s29+$0xFFFFFFD0];
	[tilespmem:v14+s26+$0x0] =	vst.idx.msk $0xffff, v9  }
0xa2: {  	v23 =	vand.u32 $0x7E, v16;
	v24 =	vld [tilespmem:s30+$0x0];
	v25 =	vadd.s32 v0, v18;
	[tilespmem:v12+s26+$0x0] =	vst.idx.msk $0xffff, v10  }
.Ltmp4:
0xa3: {  	v17 =	vadd.s32 v0, v23;
	v16 =	vld [tilespmem:s30+$0xFFFFFFC0];
	[tilespmem:v11+s26+$0x0] =	vst.idx.msk $0xffff, v8;
	(pc) =	sbr.rel @p1 .LBB2_8-.Ltmp4, $4  }
0xa4: {  	v14 =	vadd.s32 v3, v4;
	v4 =	vmov v6;
	v6 =	vmov v18;
	[tilespmem:v15+s26+$0x0] =	vst.idx.msk $0xffff, v13;
	v9 =	vld [tilespmem:s25+$0x30]  }
0xa5: {  	v12 =	vadd.s32 v3, v5;
	v5 =	vmov v7;
	v7 =	vmov v23;
	[tilespmem:v20+s26+$0x0] =	vst.idx.msk $0xffff, v19;
	v10 =	vld [tilespmem:s25+$0xFFFFFFF0];
	s25 =	smov.u32 s29;
	s29 =	smov.u32 s30  }
0xa6: {  	v11 =	vadd.s32 v2, v4;
	[tilespmem:v22+s26+$0x0] =	vst.idx.msk $0xffff, v21;
	v8 =	vld [tilespmem:s25+$0x20]  }
0xa7: {  	s31 =	sadd.s32 $0x2, s31;
	s0 =	sadd.s32 $0x1, s2;
	v15 =	vadd.s32 v2, v5;
	[tilespmem:v25+s26+$0x0] =	vst.idx.msk $0xffff, v24;
	v13 =	vld [tilespmem:s25+$0xFFFFFFE0]  }
0xa8: {  	v19 =	vmov s2  }
0xa9: {  	v18 =	vmov s0;
	s2 =	sadd.s32 $0x80, s30;
	v19 =	vand.u32 $0x7E, v19  }
0xaa: {  	v18 =	vand.u32 $0x7F, v18;
	v22 =	vld [tilespmem:s2+$0xFFFFFFC0];
	v23 =	vadd.s32 v0, v19  }
0xab: {  	v20 =	vld [tilespmem:s2+$0x0];
	v21 =	vadd.s32 v0, v18  }
0xac: {  	[tilespmem:v17+s26+$0x0] =	vst.idx.msk $0xffff, v16  }
0xad: {  	[tilespmem:v14+s26+$0x0] =	vst.idx.msk $0xffff, v9  }
0xae: {  	v16 =	vld [tilespmem:s30+$0x10];
	v17 =	vadd.s32 v1, v6;
	[tilespmem:v12+s26+$0x0] =	vst.idx.msk $0xffff, v10  }
0xaf: {  	v60 =	vadd.s32 v1, v7;
	v59 =	vld [tilespmem:s29+$0xFFFFFFD0];
	[tilespmem:v23+s26+$0x0] =	vst.idx.msk $0xffff, v22  }
0xb0: {  	v14 =	vadd.s32 v1, v19;
	[tilespmem:v21+s26+$0x0] =	vst.idx.msk $0xffff, v20;
	v9 =	vld [tilespmem:s2+$0xFFFFFFD0]  }
0xb1: {  	v62 =	vadd.s32 v1, v18;
	[tilespmem:v11+s26+$0x0] =	vst.idx.msk $0xffff, v8;
	v61 =	vld [tilespmem:s2+$0x10]  }
0xb2: {  	[tilespmem:v15+s26+$0x0] =	vst.idx.msk $0xffff, v13  }
0xb3: {  	v4 =	vadd.s32 v3, v4;
	v13 =	vld [tilespmem:s25+$0x30];
	[tilespmem:v17+s26+$0x0] =	vst.idx.msk $0xffff, v16  }
0xb4: {  	v12 =	vadd.s32 v2, v6;
	[tilespmem:v60+s26+$0x0] =	vst.idx.msk $0xffff, v59;
	v10 =	vld [tilespmem:s29+$0x20]  }
0xb5: {  	v17 =	vadd.s32 v2, v7;
	v16 =	vld [tilespmem:s29+$0xFFFFFFE0];
	[tilespmem:v14+s26+$0x0] =	vst.idx.msk $0xffff, v9  }
0xb6: {  	v11 =	vadd.s32 v2, v19;
	[tilespmem:v62+s26+$0x0] =	vst.idx.msk $0xffff, v61;
	v8 =	vld [tilespmem:s2+$0xFFFFFFE0]  }
0xb7: {  	v14 =	vadd.s32 v2, v18;
	v9 =	vld [tilespmem:s2+$0x20]  }
0xb8: {  	[tilespmem:v4+s26+$0x0] =	vst.idx.msk $0xffff, v13  }
0xb9: {  	v5 =	vadd.s32 v3, v5;
	v15 =	vld [tilespmem:s25+$0xFFFFFFF0];
	[tilespmem:v12+s26+$0x0] =	vst.idx.msk $0xffff, v10  }
0xba: {  	v6 =	vadd.s32 v3, v6;
	[tilespmem:v17+s26+$0x0] =	vst.idx.msk $0xffff, v16;
	v10 =	vld [tilespmem:s29+$0x30]  }
0xbb: {  	v7 =	vadd.s32 v3, v7;
	v12 =	vld [tilespmem:s29+$0xFFFFFFF0];
	[tilespmem:v11+s26+$0x0] =	vst.idx.msk $0xffff, v8  }
0xbc: {  	[tilespmem:v14+s26+$0x0] =	vst.idx.msk $0xffff, v9;
	v11 =	vadd.s32 v3, v19;
	v4 =	vld [tilespmem:s2+$0xFFFFFFF0]  }
0xbd: {  	v9 =	vadd.s32 v3, v18;
	v8 =	vld [tilespmem:s2+$0x30]  }
0xbe: {  	[tilespmem:v5+s26+$0x0] =	vst.idx.msk $0xffff, v15  }
0xbf: {  	[tilespmem:v6+s26+$0x0] =	vst.idx.msk $0xffff, v10  }
0xc0: {  	[tilespmem:v7+s26+$0x0] =	vst.idx.msk $0xffff, v12;
	s2 =	simm.s32 $0x1  }
0xc1: {  	s0 =	simm.s32 $0x0;
	[tilespmem:v11+s26+$0x0] =	vst.idx.msk $0xffff, v4;
	v4 =	vmov s2  }
0xc2: {  	v5 =	vmov s0;
	[tilespmem:v9+s26+$0x0] =	vst.idx.msk $0xffff, v8;
	v8 =	vand.u32 $0x7F, v4  }
0xc3: {  	v11 =	vand.u32 $0x7E, v5;
	v4 =	vld [tilespmem:s28+$0xFFFFFFD0];
	v5 =	vadd.s32 v0, v8  }
0xc4: {  	v6 =	vld [tilespmem:s28+$0xFFFFFF90];
	v7 =	vadd.s32 v0, v11;
	_ =	sdelay $0x2  }
0xc5: {  	s25 =	sadd.s32 $0xA600, s22  }
0xc6: {  	s0 =	simm.s32 $0x3;
	[tilespmem:v5+s25+$0x0] =	vst.idx.msk $0xffff, v4  }
0xc7: {  	s2 =	simm.s32 $0x2;
	[tilespmem:v7+s25+$0x0] =	vst.idx.msk $0xffff, v6;
	v7 =	vadd.s32 v1, v8;
	v4 =	vmov s0;
	v6 =	vld [tilespmem:s28+$0xFFFFFFE0]  }
0xc8: {  	s29 =	sadd.s32 $0x80, s28;
	v10 =	vadd.s32 v1, v11;
	v5 =	vmov s2;
	v9 =	vld [tilespmem:s28+$0xFFFFFFA0];
	v4 =	vand.u32 $0x7F, v4  }
0xc9: {  	v12 =	vld [tilespmem:s29+$0xFFFFFFD0];
	v5 =	vand.u32 $0x7E, v5;
	v13 =	vadd.s32 v0, v4  }
0xca: {  	v14 =	vld [tilespmem:s29+$0xFFFFFF90];
	v15 =	vadd.s32 v0, v5;
	_ =	sdelay $0x1  }
0xcb: {  	[tilespmem:v7+s25+$0x0] =	vst.idx.msk $0xffff, v6  }
0xcc: {  	[tilespmem:v10+s25+$0x0] =	vst.idx.msk $0xffff, v9;
	v9 =	vadd.s32 v2, v8;
	v7 =	vld [tilespmem:s28+$0xFFFFFFF0]  }
0xcd: {  	v10 =	vld [tilespmem:s28+$0xFFFFFFB0];
	[tilespmem:v13+s25+$0x0] =	vst.idx.msk $0xffff, v12;
	v12 =	vadd.s32 v2, v11  }
0xce: {  	s2 =	simm.s32 $0x5;
	[tilespmem:v15+s25+$0x0] =	vst.idx.msk $0xffff, v14;
	v14 =	vadd.s32 v1, v4;
	v13 =	vld [tilespmem:s29+$0xFFFFFFE0]  }
0xcf: {  	v6 =	vmov s2;
	s2 =	simm.s32 $0x4  }
0xd0: {  	s30 =	sadd.s32 $0x80, s29;
	v18 =	vadd.s32 v1, v5;
	v6 =	vand.u32 $0x7F, v6;
	v17 =	vmov s2;
	v15 =	vld [tilespmem:s29+$0xFFFFFFA0]  }
0xd1: {  	v19 =	vld [tilespmem:s30+$0xFFFFFFD0];
	v63 =	vadd.s32 v0, v6;
	[tilespmem:v9+s25+$0x0] =	vst.idx.msk $0xffff, v7;
	v7 =	vand.u32 $0x7E, v17  }
0xd2: {  	v16 =	vld [tilespmem:s30+$0xFFFFFF90];
	[tilespmem:v12+s25+$0x0] =	vst.idx.msk $0xffff, v10;
	v17 =	vadd.s32 v0, v7  }
0xd3: {  	v9 =	vld [tilespmem:s28+$0x0];
	[tilespmem:v14+s25+$0x0] =	vst.idx.msk $0xffff, v13;
	v14 =	vadd.s32 v3, v8  }
0xd4: {  	v12 =	vadd.s32 v3, v11;
	v10 =	vld [tilespmem:s28+$0xFFFFFFC0]  }
0xd5: {  	s31 =	simm.s32 $0x8;
	v11 =	vadd.s32 v2, v4;
	[tilespmem:v18+s25+$0x0] =	vst.idx.msk $0xffff, v15;
	v8 =	vld [tilespmem:s29+$0xFFFFFFF0]  }
0xd6: {  	s0 =	simm.s32 $0x7;
	s2 =	simm.s32 $0x6;
	[tilespmem:v63+s25+$0x0] =	vst.idx.msk $0xffff, v19;
	v15 =	vadd.s32 v2, v5;
	s28 =	smov.u32 s30;
	v13 =	vld [tilespmem:s29+$0xFFFFFFB0]  }
.LBB2_10:
0xd7: {  	p1 =	slt.u32 s31, $0x7E;
	v18 =	vmov s0;
	[tilespmem:v17+s25+$0x0] =	vst.idx.msk $0xffff, v16;
	v19 =	vld [tilespmem:s30+$0xFFFFFFE0];
	v20 =	vadd.s32 v1, v6  }
0xd8: {  	v16 =	vmov s2;
	v22 =	vadd.s32 v1, v7;
	s30 =	sadd.s32 $0x80, s30;
	s2 =	smov.u32 s31;
	v18 =	vand.u32 $0x7F, v18;
	v21 =	vld [tilespmem:s28+$0xFFFFFFA0];
	[tilespmem:v14+s25+$0x0] =	vst.idx.msk $0xffff, v9  }
0xd9: {  	v23 =	vand.u32 $0x7E, v16;
	v24 =	vld [tilespmem:s30+$0xFFFFFFD0];
	v25 =	vadd.s32 v0, v18;
	[tilespmem:v12+s25+$0x0] =	vst.idx.msk $0xffff, v10  }
.Ltmp5:
0xda: {  	v17 =	vadd.s32 v0, v23;
	v16 =	vld [tilespmem:s30+$0xFFFFFF90];
	[tilespmem:v11+s25+$0x0] =	vst.idx.msk $0xffff, v8;
	(pc) =	sbr.rel @p1 .LBB2_10-.Ltmp5, $4  }
0xdb: {  	v14 =	vadd.s32 v3, v4;
	v4 =	vmov v6;
	v6 =	vmov v18;
	[tilespmem:v15+s25+$0x0] =	vst.idx.msk $0xffff, v13;
	v9 =	vld [tilespmem:s29+$0x0]  }
0xdc: {  	v12 =	vadd.s32 v3, v5;
	v5 =	vmov v7;
	v7 =	vmov v23;
	[tilespmem:v20+s25+$0x0] =	vst.idx.msk $0xffff, v19;
	v10 =	vld [tilespmem:s29+$0xFFFFFFC0];
	s29 =	smov.u32 s28;
	s28 =	smov.u32 s30  }
0xdd: {  	v11 =	vadd.s32 v2, v4;
	[tilespmem:v22+s25+$0x0] =	vst.idx.msk $0xffff, v21;
	v8 =	vld [tilespmem:s29+$0xFFFFFFF0]  }
0xde: {  	s31 =	sadd.s32 $0x2, s31;
	s0 =	sadd.s32 $0x1, s2;
	v15 =	vadd.s32 v2, v5;
	[tilespmem:v25+s25+$0x0] =	vst.idx.msk $0xffff, v24;
	v13 =	vld [tilespmem:s29+$0xFFFFFFB0]  }
0xdf: {  	v18 =	vmov s0  }
0xe0: {  	v19 =	vmov s2;
	s2 =	sadd.s32 $0x80, s30;
	v18 =	vand.u32 $0x7F, v18  }
0xe1: {  	v19 =	vand.u32 $0x7E, v19;
	v20 =	vld [tilespmem:s2+$0xFFFFFFD0];
	v21 =	vadd.s32 v0, v18  }
0xe2: {  	v22 =	vld [tilespmem:s2+$0xFFFFFF90];
	v23 =	vadd.s32 v0, v19;
	_ =	sdelay $0x2  }
0xe3: {  	[tilespmem:v17+s25+$0x0] =	vst.idx.msk $0xffff, v16;
	v41 =	vld [tilespmem:s30+$0xFFFFFFE0];
	v42 =	vadd.s32 v1, v6  }
0xe4: {  	v44 =	vadd.s32 v1, v7;
	v43 =	vld [tilespmem:s28+$0xFFFFFFA0];
	[tilespmem:v21+s25+$0x0] =	vst.idx.msk $0xffff, v20  }
0xe5: {  	v46 =	vadd.s32 v1, v18;
	[tilespmem:v23+s25+$0x0] =	vst.idx.msk $0xffff, v22;
	v45 =	vld [tilespmem:s2+$0xFFFFFFE0]  }
0xe6: {  	[tilespmem:v14+s25+$0x0] =	vst.idx.msk $0xffff, v9;
	v48 =	vadd.s32 v1, v19;
	v47 =	vld [tilespmem:s2+$0xFFFFFFA0]  }
0xe7: {  	[tilespmem:v12+s25+$0x0] =	vst.idx.msk $0xffff, v10  }
0xe8: {  	[tilespmem:v42+s25+$0x0] =	vst.idx.msk $0xffff, v41  }
0xe9: {  	v50 =	vadd.s32 v2, v6;
	[tilespmem:v44+s25+$0x0] =	vst.idx.msk $0xffff, v43;
	v49 =	vld [tilespmem:s28+$0xFFFFFFF0]  }
0xea: {  	v52 =	vadd.s32 v2, v7;
	v51 =	vld [tilespmem:s28+$0xFFFFFFB0];
	[tilespmem:v46+s25+$0x0] =	vst.idx.msk $0xffff, v45  }
0xeb: {  	v54 =	vadd.s32 v2, v18;
	[tilespmem:v48+s25+$0x0] =	vst.idx.msk $0xffff, v47;
	v53 =	vld [tilespmem:s2+$0xFFFFFFF0]  }
0xec: {  	v56 =	vadd.s32 v2, v19;
	[tilespmem:v11+s25+$0x0] =	vst.idx.msk $0xffff, v8;
	v55 =	vld [tilespmem:s2+$0xFFFFFFB0]  }
0xed: {  	v4 =	vadd.s32 v3, v4;
	[tilespmem:v15+s25+$0x0] =	vst.idx.msk $0xffff, v13;
	v57 =	vld [tilespmem:s29+$0x0]  }
0xee: {  	v5 =	vadd.s32 v3, v5;
	v15 =	vld [tilespmem:s29+$0xFFFFFFC0];
	[tilespmem:v50+s25+$0x0] =	vst.idx.msk $0xffff, v49  }
0xef: {  	v58 =	vadd.s32 v3, v6;
	[tilespmem:v52+s25+$0x0] =	vst.idx.msk $0xffff, v51;
	v10 =	vld [tilespmem:s28+$0x0]  }
0xf0: {  	v60 =	vadd.s32 v3, v7;
	v59 =	vld [tilespmem:s28+$0xFFFFFFC0];
	[tilespmem:v54+s25+$0x0] =	vst.idx.msk $0xffff, v53  }
0xf1: {  	v62 =	vadd.s32 v3, v18;
	[tilespmem:v56+s25+$0x0] =	vst.idx.msk $0xffff, v55;
	v61 =	vld [tilespmem:s2+$0x0]  }
0xf2: {  	v63 =	vadd.s32 v3, v19;
	[tilespmem:v4+s25+$0x0] =	vst.idx.msk $0xffff, v57;
	v4 =	vld [tilespmem:s2+$0xFFFFFFC0]  }
0xf3: {  	s29 =	sshll.u32 s24, $0xB;
	[tilespmem:v5+s25+$0x0] =	vst.idx.msk $0xffff, v15;
	s28 =	sshll.u32 s23, $0x13  }
0xf4: {  	s0 =	sand.u32 $0x3F00000, s28;
	[tilespmem:v58+s25+$0x0] =	vst.idx.msk $0xffff, v10;
	s2 =	sor.u32 s9, s29  }
0xf5: {  	[tilespmem:v60+s25+$0x0] =	vst.idx.msk $0xffff, v59;
	s0 =	sor.u32 s0, s2  }
0xf6: {  	s23 =	sshrl.u32 s0, $0x3;
	[tilespmem:v62+s25+$0x0] =	vst.idx.msk $0xffff, v61  }
0xf7: {  	s24 =	sadd.s32 s3, s23;
	[tilespmem:v63+s25+$0x0] =	vst.idx.msk $0xffff, v4  }
0xf8: {  	[hbm4b:s24+s4] =	stream.linear.scatter [tilespmem:s26], [sflag:$0x3], $0x80, $0x38;
	[tilespmem:$0x10C00] =	vst v63  }
0xf9: {  	s30 =	sadd.s32 $0x8488, s22;
	s31 =	sadd.s32 $0x10, s24  }
0xfa: {  	[hbm4b:s31+s4] =	stream.linear.scatter [tilespmem:s30], [sflag:$0x3], $0x80, $0x38;
	[tilespmem:$0x10C00] =	vst v63  }
0xfb: {  	s2 =	sadd.s32 $0x8510, s22;
	s26 =	sadd.s32 $0x20, s24  }
0xfc: {  	[hbm4b:s26+s4] =	stream.linear.scatter [tilespmem:s2], [sflag:$0x3], $0x80, $0x38;
	[tilespmem:$0x10C00] =	vst v63  }
0xfd: {  	s28 =	sadd.s32 $0x8598, s22;
	s29 =	sadd.s32 $0x30, s24  }
0xfe: {  	[hbm4b:s29+s4] =	stream.linear.scatter [tilespmem:s28], [sflag:$0x3], $0x80, $0x38;
	[tilespmem:$0x10C00] =	vst v63  }
0xff: {  	s30 =	sadd.s32 $0x8620, s22;
	s31 =	sadd.s32 $0x40, s24  }
0x100: {  	[hbm4b:s31+s4] =	stream.linear.scatter [tilespmem:s30], [sflag:$0x3], $0x80, $0x38;
	[tilespmem:$0x10C00] =	vst v63  }
0x101: {  	s2 =	sadd.s32 $0x86A8, s22;
	s26 =	sadd.s32 $0x50, s24  }
0x102: {  	[hbm4b:s26+s4] =	stream.linear.scatter [tilespmem:s2], [sflag:$0x3], $0x80, $0x38;
	[tilespmem:$0x10C00] =	vst v63  }
0x103: {  	s28 =	sadd.s32 $0x8730, s22;
	s29 =	sadd.s32 $0x60, s24  }
0x104: {  	[hbm4b:s29+s4] =	stream.linear.scatter [tilespmem:s28], [sflag:$0x3], $0x80, $0x38;
	[tilespmem:$0x10C00] =	vst v63  }
0x105: {  	s30 =	sadd.s32 $0x87B8, s22;
	s31 =	sadd.s32 $0x70, s24  }
0x106: {  	[hbm4b:s31+s4] =	stream.linear.scatter [tilespmem:s30], [sflag:$0x3], $0x80, $0x38;
	[tilespmem:$0x10C00] =	vst v63  }
0x107: {  	s2 =	sadd.s32 $0x4000, s24;
	s26 =	sadd.s32 $0x8840, s22  }
0x108: {  	[hbm4b:s2+s4] =	stream.linear.scatter [tilespmem:s26], [sflag:$0x3], $0x80, $0x38;
	[tilespmem:$0x10C00] =	vst v63  }
0x109: {  	s28 =	sadd.s32 $0x88C8, s22;
	s29 =	sadd.s32 $0x4010, s24  }
0x10a: {  	[hbm4b:s29+s4] =	stream.linear.scatter [tilespmem:s28], [sflag:$0x3], $0x80, $0x38;
	[tilespmem:$0x10C00] =	vst v63  }
0x10b: {  	s30 =	sadd.s32 $0x8950, s22;
	s31 =	sadd.s32 $0x4020, s24  }
0x10c: {  	[hbm4b:s31+s4] =	stream.linear.scatter [tilespmem:s30], [sflag:$0x3], $0x80, $0x38;
	[tilespmem:$0x10C00] =	vst v63  }
0x10d: {  	s2 =	sadd.s32 $0x89D8, s22;
	s26 =	sadd.s32 $0x4030, s24  }
0x10e: {  	[hbm4b:s26+s4] =	stream.linear.scatter [tilespmem:s2], [sflag:$0x3], $0x80, $0x38;
	[tilespmem:$0x10C00] =	vst v63  }
0x10f: {  	s28 =	sadd.s32 $0x8A60, s22;
	s29 =	sadd.s32 $0x4040, s24  }
0x110: {  	[hbm4b:s29+s4] =	stream.linear.scatter [tilespmem:s28], [sflag:$0x3], $0x80, $0x38;
	[tilespmem:$0x10C00] =	vst v63  }
0x111: {  	s30 =	sadd.s32 $0x8AE8, s22;
	s31 =	sadd.s32 $0x4050, s24  }
0x112: {  	[hbm4b:s31+s4] =	stream.linear.scatter [tilespmem:s30], [sflag:$0x3], $0x80, $0x38;
	[tilespmem:$0x10C00] =	vst v63  }
0x113: {  	s2 =	sadd.s32 $0x8B70, s22;
	s26 =	sadd.s32 $0x4060, s24  }
0x114: {  	[hbm4b:s26+s4] =	stream.linear.scatter [tilespmem:s2], [sflag:$0x3], $0x80, $0x38;
	[tilespmem:$0x10C00] =	vst v63  }
0x115: {  	s28 =	sadd.s32 $0x8BF8, s22;
	s29 =	sadd.s32 $0x4070, s24  }
0x116: {  	[hbm4b:s29+s4] =	stream.linear.scatter [tilespmem:s28], [sflag:$0x3], $0x80, $0x38;
	[tilespmem:$0x10C00] =	vst v63  }
0x117: {  	s30 =	sadd.s32 $0x8000, s24;
	s31 =	sadd.s32 $0x8C80, s22  }
0x118: {  	[hbm4b:s30+s4] =	stream.linear.scatter [tilespmem:s31], [sflag:$0x3], $0x80, $0x38;
	[tilespmem:$0x10C00] =	vst v63  }
0x119: {  	s2 =	sadd.s32 $0x8D08, s22;
	s26 =	sadd.s32 $0x8010, s24  }
0x11a: {  	[hbm4b:s26+s4] =	stream.linear.scatter [tilespmem:s2], [sflag:$0x3], $0x80, $0x38;
	[tilespmem:$0x10C00] =	vst v63  }
0x11b: {  	s28 =	sadd.s32 $0x8D90, s22;
	s29 =	sadd.s32 $0x8020, s24  }
0x11c: {  	[hbm4b:s29+s4] =	stream.linear.scatter [tilespmem:s28], [sflag:$0x3], $0x80, $0x38;
	[tilespmem:$0x10C00] =	vst v63  }
0x11d: {  	s30 =	sadd.s32 $0x8E18, s22;
	s31 =	sadd.s32 $0x8030, s24  }
0x11e: {  	[hbm4b:s31+s4] =	stream.linear.scatter [tilespmem:s30], [sflag:$0x3], $0x80, $0x38;
	[tilespmem:$0x10C00] =	vst v63  }
0x11f: {  	s2 =	sadd.s32 $0x8EA0, s22;
	s26 =	sadd.s32 $0x8040, s24  }
0x120: {  	[hbm4b:s26+s4] =	stream.linear.scatter [tilespmem:s2], [sflag:$0x3], $0x80, $0x38;
	[tilespmem:$0x10C00] =	vst v63  }
0x121: {  	s28 =	sadd.s32 $0x8F28, s22;
	s29 =	sadd.s32 $0x8050, s24  }
0x122: {  	[hbm4b:s29+s4] =	stream.linear.scatter [tilespmem:s28], [sflag:$0x3], $0x80, $0x38;
	[tilespmem:$0x10C00] =	vst v63  }
0x123: {  	s30 =	sadd.s32 $0x8FB0, s22;
	s31 =	sadd.s32 $0x8060, s24  }
0x124: {  	[hbm4b:s31+s4] =	stream.linear.scatter [tilespmem:s30], [sflag:$0x3], $0x80, $0x38;
	[tilespmem:$0x10C00] =	vst v63  }
0x125: {  	s2 =	sadd.s32 $0x9038, s22;
	s26 =	sadd.s32 $0x8070, s24  }
0x126: {  	[hbm4b:s26+s4] =	stream.linear.scatter [tilespmem:s2], [sflag:$0x3], $0x80, $0x38;
	[tilespmem:$0x10C00] =	vst v63  }
0x127: {  	s28 =	sadd.s32 $0xC000, s24;
	s29 =	sadd.s32 $0x90C0, s22  }
0x128: {  	[hbm4b:s28+s4] =	stream.linear.scatter [tilespmem:s29], [sflag:$0x3], $0x80, $0x38;
	[tilespmem:$0x10C00] =	vst v63  }
0x129: {  	s30 =	sadd.s32 $0x9148, s22;
	s31 =	sadd.s32 $0xC010, s24  }
0x12a: {  	[hbm4b:s31+s4] =	stream.linear.scatter [tilespmem:s30], [sflag:$0x3], $0x80, $0x38;
	[tilespmem:$0x10C00] =	vst v63  }
0x12b: {  	s2 =	sadd.s32 $0x91D0, s22;
	s26 =	sadd.s32 $0xC020, s24  }
0x12c: {  	[hbm4b:s26+s4] =	stream.linear.scatter [tilespmem:s2], [sflag:$0x3], $0x80, $0x38;
	[tilespmem:$0x10C00] =	vst v63  }
0x12d: {  	s28 =	sadd.s32 $0x9258, s22;
	s29 =	sadd.s32 $0xC030, s24  }
0x12e: {  	[hbm4b:s29+s4] =	stream.linear.scatter [tilespmem:s28], [sflag:$0x3], $0x80, $0x38;
	[tilespmem:$0x10C00] =	vst v63  }
0x12f: {  	s30 =	sadd.s32 $0x92E0, s22;
	s31 =	sadd.s32 $0xC040, s24  }
0x130: {  	[hbm4b:s31+s4] =	stream.linear.scatter [tilespmem:s30], [sflag:$0x3], $0x80, $0x38;
	[tilespmem:$0x10C00] =	vst v63  }
0x131: {  	s2 =	sadd.s32 $0x9368, s22;
	s26 =	sadd.s32 $0xC050, s24  }
0x132: {  	[hbm4b:s26+s4] =	stream.linear.scatter [tilespmem:s2], [sflag:$0x3], $0x80, $0x38;
	[tilespmem:$0x10C00] =	vst v63  }
0x133: {  	s28 =	sadd.s32 $0x93F0, s22;
	s29 =	sadd.s32 $0xC060, s24  }
0x134: {  	[hbm4b:s29+s4] =	stream.linear.scatter [tilespmem:s28], [sflag:$0x3], $0x80, $0x38;
	[tilespmem:$0x10C00] =	vst v63  }
0x135: {  	s30 =	sadd.s32 $0x9478, s22;
	s31 =	sadd.s32 $0xC070, s24  }
0x136: {  	[hbm4b:s31+s4] =	stream.linear.scatter [tilespmem:s30], [sflag:$0x3], $0x80, $0x38;
	[tilespmem:$0x10C00] =	vst v63  }
0x137: {  	s0 =	sadd.s32 $0x10000, s24;
	s26 =	sadd.s32 $0x9500, s22  }
0x138: {  	[hbm4b:s0+s4] =	stream.linear.scatter [tilespmem:s26], [sflag:$0x3], $0x80, $0x38;
	[tilespmem:$0x10C00] =	vst v63  }
0x139: {  	s28 =	sadd.s32 $0x9588, s22;
	s29 =	sadd.s32 $0x10, s0  }
0x13a: {  	[hbm4b:s29+s4] =	stream.linear.scatter [tilespmem:s28], [sflag:$0x3], $0x80, $0x38;
	[tilespmem:$0x10C00] =	vst v63  }
0x13b: {  	s30 =	sadd.s32 $0x9610, s22;
	s31 =	sadd.s32 $0x20, s0  }
0x13c: {  	[hbm4b:s31+s4] =	stream.linear.scatter [tilespmem:s30], [sflag:$0x3], $0x80, $0x38;
	[tilespmem:$0x10C00] =	vst v63  }
0x13d: {  	s28 =	sadd.s32 $0x9698, s22;
	s29 =	sadd.s32 $0x30, s0  }
0x13e: {  	[hbm4b:s29+s4] =	stream.linear.scatter [tilespmem:s28], [sflag:$0x3], $0x80, $0x38;
	[tilespmem:$0x10C00] =	vst v63  }
0x13f: {  	s30 =	sadd.s32 $0x9720, s22;
	s31 =	sadd.s32 $0x40, s0  }
0x140: {  	[hbm4b:s31+s4] =	stream.linear.scatter [tilespmem:s30], [sflag:$0x3], $0x80, $0x38;
	[tilespmem:$0x10C00] =	vst v63  }
0x141: {  	s26 =	sadd.s32 $0x97A8, s22;
	s28 =	sadd.s32 $0x50, s0  }
0x142: {  	[hbm4b:s28+s4] =	stream.linear.scatter [tilespmem:s26], [sflag:$0x3], $0x80, $0x38;
	[tilespmem:$0x10C00] =	vst v63  }
0x143: {  	s29 =	sadd.s32 $0x9830, s22;
	s30 =	sadd.s32 $0x60, s0  }
0x144: {  	[hbm4b:s30+s4] =	stream.linear.scatter [tilespmem:s29], [sflag:$0x3], $0x80, $0x38;
	[tilespmem:$0x10C00] =	vst v63  }
0x145: {  	s31 =	sadd.s32 $0x98B8, s22;
	s0 =	sadd.s32 $0x70, s0  }
0x146: {  	[hbm4b:s0+s4] =	stream.linear.scatter [tilespmem:s31], [sflag:$0x3], $0x80, $0x38;
	[tilespmem:$0x10C00] =	vst v63  }
0x147: {  	s26 =	sadd.s32 $0x9940, s22;
	s0 =	sadd.s32 $0x14000, s24  }
0x148: {  	[hbm4b:s0+s4] =	stream.linear.scatter [tilespmem:s26], [sflag:$0x3], $0x80, $0x38;
	[tilespmem:$0x10C00] =	vst v63  }
0x149: {  	s28 =	sadd.s32 $0x99C8, s22;
	s29 =	sadd.s32 $0x10, s0  }
0x14a: {  	[hbm4b:s29+s4] =	stream.linear.scatter [tilespmem:s28], [sflag:$0x3], $0x80, $0x38;
	[tilespmem:$0x10C00] =	vst v63  }
0x14b: {  	s30 =	sadd.s32 $0x9A50, s22;
	s31 =	sadd.s32 $0x20, s0  }
0x14c: {  	[hbm4b:s31+s4] =	stream.linear.scatter [tilespmem:s30], [sflag:$0x3], $0x80, $0x38;
	[tilespmem:$0x10C00] =	vst v63  }
0x14d: {  	s28 =	sadd.s32 $0x9AD8, s22;
	s29 =	sadd.s32 $0x30, s0  }
0x14e: {  	[hbm4b:s29+s4] =	stream.linear.scatter [tilespmem:s28], [sflag:$0x3], $0x80, $0x38;
	[tilespmem:$0x10C00] =	vst v63  }
0x14f: {  	s30 =	sadd.s32 $0x9B60, s22;
	s31 =	sadd.s32 $0x40, s0  }
0x150: {  	[hbm4b:s31+s4] =	stream.linear.scatter [tilespmem:s30], [sflag:$0x3], $0x80, $0x38;
	[tilespmem:$0x10C00] =	vst v63  }
0x151: {  	s28 =	sadd.s32 $0x9BE8, s22;
	s29 =	sadd.s32 $0x50, s0  }
0x152: {  	[hbm4b:s29+s4] =	stream.linear.scatter [tilespmem:s28], [sflag:$0x3], $0x80, $0x38;
	[tilespmem:$0x10C00] =	vst v63  }
0x153: {  	s30 =	sadd.s32 $0x9C70, s22;
	s31 =	sadd.s32 $0x60, s0  }
0x154: {  	[hbm4b:s31+s4] =	stream.linear.scatter [tilespmem:s30], [sflag:$0x3], $0x80, $0x38;
	[tilespmem:$0x10C00] =	vst v63  }
0x155: {  	s0 =	sadd.s32 $0x70, s0;
	s28 =	sadd.s32 $0x9CF8, s22  }
0x156: {  	[hbm4b:s0+s4] =	stream.linear.scatter [tilespmem:s28], [sflag:$0x3], $0x80, $0x38;
	[tilespmem:$0x10C00] =	vst v63  }
0x157: {  	s29 =	sadd.s32 $0x9D80, s22;
	s0 =	sadd.s32 $0x18000, s24  }
0x158: {  	[hbm4b:s0+s4] =	stream.linear.scatter [tilespmem:s29], [sflag:$0x3], $0x80, $0x38;
	[tilespmem:$0x10C00] =	vst v63  }
0x159: {  	s30 =	sadd.s32 $0x9E08, s22;
	s31 =	sadd.s32 $0x10, s0  }
0x15a: {  	[hbm4b:s31+s4] =	stream.linear.scatter [tilespmem:s30], [sflag:$0x3], $0x80, $0x38;
	[tilespmem:$0x10C00] =	vst v63  }
0x15b: {  	s28 =	sadd.s32 $0x9E90, s22;
	s29 =	sadd.s32 $0x20, s0  }
0x15c: {  	[hbm4b:s29+s4] =	stream.linear.scatter [tilespmem:s28], [sflag:$0x3], $0x80, $0x38;
	[tilespmem:$0x10C00] =	vst v63  }
0x15d: {  	s30 =	sadd.s32 $0x9F18, s22;
	s31 =	sadd.s32 $0x30, s0  }
0x15e: {  	[hbm4b:s31+s4] =	stream.linear.scatter [tilespmem:s30], [sflag:$0x3], $0x80, $0x38;
	[tilespmem:$0x10C00] =	vst v63  }
0x15f: {  	s28 =	sadd.s32 $0x9FA0, s22;
	s29 =	sadd.s32 $0x40, s0  }
0x160: {  	[hbm4b:s29+s4] =	stream.linear.scatter [tilespmem:s28], [sflag:$0x3], $0x80, $0x38;
	[tilespmem:$0x10C00] =	vst v63  }
0x161: {  	s30 =	sadd.s32 $0xA028, s22;
	s31 =	sadd.s32 $0x50, s0  }
0x162: {  	[hbm4b:s31+s4] =	stream.linear.scatter [tilespmem:s30], [sflag:$0x3], $0x80, $0x38;
	[tilespmem:$0x10C00] =	vst v63  }
0x163: {  	s26 =	sadd.s32 $0xA0B0, s22;
	s28 =	sadd.s32 $0x60, s0  }
0x164: {  	[hbm4b:s28+s4] =	stream.linear.scatter [tilespmem:s26], [sflag:$0x3], $0x80, $0x38;
	[tilespmem:$0x10C00] =	vst v63  }
0x165: {  	s29 =	sadd.s32 $0xA138, s22;
	s0 =	sadd.s32 $0x70, s0  }
0x166: {  	[hbm4b:s0+s4] =	stream.linear.scatter [tilespmem:s29], [sflag:$0x3], $0x80, $0x38;
	[tilespmem:$0x10C00] =	vst v63  }
0x167: {  	s30 =	sadd.s32 $0xA1C0, s22;
	s0 =	sadd.s32 $0x1C000, s24  }
0x168: {  	[hbm4b:s0+s4] =	stream.linear.scatter [tilespmem:s30], [sflag:$0x3], $0x80, $0x38;
	[tilespmem:$0x10C00] =	vst v63  }
0x169: {  	s31 =	sadd.s32 $0xA248, s22;
	s24 =	sadd.s32 $0x10, s0  }
0x16a: {  	[hbm4b:s24+s4] =	stream.linear.scatter [tilespmem:s31], [sflag:$0x3], $0x80, $0x38;
	[tilespmem:$0x10C00] =	vst v63  }
0x16b: {  	s26 =	sadd.s32 $0x20, s0;
	s24 =	sadd.s32 $0xA2D0, s22  }
0x16c: {  	[hbm4b:s26+s4] =	stream.linear.scatter [tilespmem:s24], [sflag:$0x3], $0x80, $0x38;
	[tilespmem:$0x10C00] =	vst v63  }
0x16d: {  	s28 =	sadd.s32 $0xA358, s22;
	s29 =	sadd.s32 $0x30, s0  }
0x16e: {  	[hbm4b:s29+s4] =	stream.linear.scatter [tilespmem:s28], [sflag:$0x3], $0x80, $0x38;
	[tilespmem:$0x10C00] =	vst v63  }
0x16f: {  	s30 =	sadd.s32 $0xA3E0, s22;
	s31 =	sadd.s32 $0x40, s0  }
0x170: {  	[hbm4b:s31+s4] =	stream.linear.scatter [tilespmem:s30], [sflag:$0x3], $0x80, $0x38;
	[tilespmem:$0x10C00] =	vst v63  }
0x171: {  	s26 =	sadd.s32 $0xA468, s22;
	s28 =	sadd.s32 $0x50, s0  }
0x172: {  	[hbm4b:s28+s4] =	stream.linear.scatter [tilespmem:s26], [sflag:$0x3], $0x80, $0x38;
	[tilespmem:$0x10C00] =	vst v63  }
0x173: {  	s29 =	sadd.s32 $0xA4F0, s22;
	s30 =	sadd.s32 $0x60, s0  }
0x174: {  	[hbm4b:s30+s4] =	stream.linear.scatter [tilespmem:s29], [sflag:$0x3], $0x80, $0x38;
	[tilespmem:$0x10C00] =	vst v63  }
0x175: {  	s24 =	sor.u32 $0x80, s23;
	s31 =	sadd.s32 $0xA578, s22;
	s0 =	sadd.s32 $0x70, s0  }
0x176: {  	[hbm4b:s0+s4] =	stream.linear.scatter [tilespmem:s31], [sflag:$0x3], $0x80, $0x38;
	[tilespmem:$0x10C00] =	vst v63  }
0x177: {  	s0 =	sadd.s32 s3, s24  }
0x178: {  	[hbm4b:s0+s4] =	stream.linear.scatter [tilespmem:s25], [sflag:$0x3], $0x80, $0x38;
	[tilespmem:$0x10C00] =	vst v63  }
0x179: {  	s26 =	sadd.s32 $0x10, s0;
	s25 =	sadd.s32 $0xA688, s22  }
0x17a: {  	[hbm4b:s26+s4] =	stream.linear.scatter [tilespmem:s25], [sflag:$0x3], $0x80, $0x38;
	[tilespmem:$0x10C00] =	vst v63  }
0x17b: {  	s28 =	sadd.s32 $0xA710, s22;
	s29 =	sadd.s32 $0x20, s0  }
0x17c: {  	[hbm4b:s29+s4] =	stream.linear.scatter [tilespmem:s28], [sflag:$0x3], $0x80, $0x38;
	[tilespmem:$0x10C00] =	vst v63  }
0x17d: {  	s30 =	sadd.s32 $0xA798, s22;
	s31 =	sadd.s32 $0x30, s0  }
0x17e: {  	[hbm4b:s31+s4] =	stream.linear.scatter [tilespmem:s30], [sflag:$0x3], $0x80, $0x38;
	[tilespmem:$0x10C00] =	vst v63  }
0x17f: {  	s24 =	sadd.s32 $0xA820, s22;
	s25 =	sadd.s32 $0x40, s0  }
0x180: {  	[hbm4b:s25+s4] =	stream.linear.scatter [tilespmem:s24], [sflag:$0x3], $0x80, $0x38;
	[tilespmem:$0x10C00] =	vst v63  }
0x181: {  	s26 =	sadd.s32 $0xA8A8, s22;
	s28 =	sadd.s32 $0x50, s0  }
0x182: {  	[hbm4b:s28+s4] =	stream.linear.scatter [tilespmem:s26], [sflag:$0x3], $0x80, $0x38;
	[tilespmem:$0x10C00] =	vst v63  }
0x183: {  	s29 =	sadd.s32 $0xA930, s22;
	s30 =	sadd.s32 $0x60, s0  }
0x184: {  	[hbm4b:s30+s4] =	stream.linear.scatter [tilespmem:s29], [sflag:$0x3], $0x80, $0x38;
	[tilespmem:$0x10C00] =	vst v63  }
0x185: {  	s2 =	sor.u32 $0x4080, s23;
	s31 =	sadd.s32 $0xA9B8, s22;
	s0 =	sadd.s32 $0x70, s0  }
0x186: {  	[hbm4b:s0+s4] =	stream.linear.scatter [tilespmem:s31], [sflag:$0x3], $0x80, $0x38;
	[tilespmem:$0x10C00] =	vst v63  }
0x187: {  	s24 =	sadd.s32 $0xAA40, s22;
	s0 =	sadd.s32 s3, s2  }
0x188: {  	[hbm4b:s0+s4] =	stream.linear.scatter [tilespmem:s24], [sflag:$0x3], $0x80, $0x38;
	[tilespmem:$0x10C00] =	vst v63  }
0x189: {  	s25 =	sadd.s32 $0xAAC8, s22;
	s26 =	sadd.s32 $0x10, s0  }
0x18a: {  	[hbm4b:s26+s4] =	stream.linear.scatter [tilespmem:s25], [sflag:$0x3], $0x80, $0x38;
	[tilespmem:$0x10C00] =	vst v63  }
0x18b: {  	s28 =	sadd.s32 $0xAB50, s22;
	s29 =	sadd.s32 $0x20, s0  }
0x18c: {  	[hbm4b:s29+s4] =	stream.linear.scatter [tilespmem:s28], [sflag:$0x3], $0x80, $0x38;
	[tilespmem:$0x10C00] =	vst v63  }
0x18d: {  	s30 =	sadd.s32 $0xABD8, s22;
	s31 =	sadd.s32 $0x30, s0  }
0x18e: {  	[hbm4b:s31+s4] =	stream.linear.scatter [tilespmem:s30], [sflag:$0x3], $0x80, $0x38;
	[tilespmem:$0x10C00] =	vst v63  }
0x18f: {  	s24 =	sadd.s32 $0xAC60, s22;
	s25 =	sadd.s32 $0x40, s0  }
0x190: {  	[hbm4b:s25+s4] =	stream.linear.scatter [tilespmem:s24], [sflag:$0x3], $0x80, $0x38;
	[tilespmem:$0x10C00] =	vst v63  }
0x191: {  	s26 =	sadd.s32 $0xACE8, s22;
	s28 =	sadd.s32 $0x50, s0  }
0x192: {  	[hbm4b:s28+s4] =	stream.linear.scatter [tilespmem:s26], [sflag:$0x3], $0x80, $0x38;
	[tilespmem:$0x10C00] =	vst v63  }
0x193: {  	s29 =	sadd.s32 $0xAD70, s22;
	s30 =	sadd.s32 $0x60, s0  }
0x194: {  	[hbm4b:s30+s4] =	stream.linear.scatter [tilespmem:s29], [sflag:$0x3], $0x80, $0x38;
	[tilespmem:$0x10C00] =	vst v63  }
0x195: {  	s2 =	sor.u32 $0x8080, s23;
	s31 =	sadd.s32 $0xADF8, s22;
	s0 =	sadd.s32 $0x70, s0  }
0x196: {  	[hbm4b:s0+s4] =	stream.linear.scatter [tilespmem:s31], [sflag:$0x3], $0x80, $0x38;
	[tilespmem:$0x10C00] =	vst v63  }
0x197: {  	s24 =	sadd.s32 $0xAE80, s22;
	s0 =	sadd.s32 s3, s2  }
0x198: {  	[hbm4b:s0+s4] =	stream.linear.scatter [tilespmem:s24], [sflag:$0x3], $0x80, $0x38;
	[tilespmem:$0x10C00] =	vst v63  }
0x199: {  	s25 =	sadd.s32 $0xAF08, s22;
	s26 =	sadd.s32 $0x10, s0  }
0x19a: {  	[hbm4b:s26+s4] =	stream.linear.scatter [tilespmem:s25], [sflag:$0x3], $0x80, $0x38;
	[tilespmem:$0x10C00] =	vst v63  }
0x19b: {  	s28 =	sadd.s32 $0xAF90, s22;
	s29 =	sadd.s32 $0x20, s0  }
0x19c: {  	[hbm4b:s29+s4] =	stream.linear.scatter [tilespmem:s28], [sflag:$0x3], $0x80, $0x38;
	[tilespmem:$0x10C00] =	vst v63  }
0x19d: {  	s30 =	sadd.s32 $0xB018, s22;
	s31 =	sadd.s32 $0x30, s0  }
0x19e: {  	[hbm4b:s31+s4] =	stream.linear.scatter [tilespmem:s30], [sflag:$0x3], $0x80, $0x38;
	[tilespmem:$0x10C00] =	vst v63  }
0x19f: {  	s24 =	sadd.s32 $0xB0A0, s22;
	s25 =	sadd.s32 $0x40, s0  }
0x1a0: {  	[hbm4b:s25+s4] =	stream.linear.scatter [tilespmem:s24], [sflag:$0x3], $0x80, $0x38;
	[tilespmem:$0x10C00] =	vst v63  }
0x1a1: {  	s26 =	sadd.s32 $0xB128, s22;
	s28 =	sadd.s32 $0x50, s0  }
0x1a2: {  	[hbm4b:s28+s4] =	stream.linear.scatter [tilespmem:s26], [sflag:$0x3], $0x80, $0x38;
	[tilespmem:$0x10C00] =	vst v63  }
0x1a3: {  	s29 =	sadd.s32 $0xB1B0, s22;
	s30 =	sadd.s32 $0x60, s0  }
0x1a4: {  	[hbm4b:s30+s4] =	stream.linear.scatter [tilespmem:s29], [sflag:$0x3], $0x80, $0x38;
	[tilespmem:$0x10C00] =	vst v63  }
0x1a5: {  	s2 =	sor.u32 $0xC080, s23;
	s31 =	sadd.s32 $0xB238, s22;
	s0 =	sadd.s32 $0x70, s0  }
0x1a6: {  	[hbm4b:s0+s4] =	stream.linear.scatter [tilespmem:s31], [sflag:$0x3], $0x80, $0x38;
	[tilespmem:$0x10C00] =	vst v63  }
0x1a7: {  	s24 =	sadd.s32 $0xB2C0, s22;
	s0 =	sadd.s32 s3, s2  }
0x1a8: {  	[hbm4b:s0+s4] =	stream.linear.scatter [tilespmem:s24], [sflag:$0x3], $0x80, $0x38;
	[tilespmem:$0x10C00] =	vst v63  }
0x1a9: {  	s25 =	sadd.s32 $0xB348, s22;
	s26 =	sadd.s32 $0x10, s0  }
0x1aa: {  	[hbm4b:s26+s4] =	stream.linear.scatter [tilespmem:s25], [sflag:$0x3], $0x80, $0x38;
	[tilespmem:$0x10C00] =	vst v63  }
0x1ab: {  	s28 =	sadd.s32 $0xB3D0, s22;
	s29 =	sadd.s32 $0x20, s0  }
0x1ac: {  	[hbm4b:s29+s4] =	stream.linear.scatter [tilespmem:s28], [sflag:$0x3], $0x80, $0x38;
	[tilespmem:$0x10C00] =	vst v63  }
0x1ad: {  	s30 =	sadd.s32 $0xB458, s22;
	s31 =	sadd.s32 $0x30, s0  }
0x1ae: {  	[hbm4b:s31+s4] =	stream.linear.scatter [tilespmem:s30], [sflag:$0x3], $0x80, $0x38;
	[tilespmem:$0x10C00] =	vst v63  }
0x1af: {  	s24 =	sadd.s32 $0xB4E0, s22;
	s25 =	sadd.s32 $0x40, s0  }
0x1b0: {  	[hbm4b:s25+s4] =	stream.linear.scatter [tilespmem:s24], [sflag:$0x3], $0x80, $0x38;
	[tilespmem:$0x10C00] =	vst v63  }
0x1b1: {  	s26 =	sadd.s32 $0xB568, s22;
	s28 =	sadd.s32 $0x50, s0  }
0x1b2: {  	[hbm4b:s28+s4] =	stream.linear.scatter [tilespmem:s26], [sflag:$0x3], $0x80, $0x38;
	[tilespmem:$0x10C00] =	vst v63  }
0x1b3: {  	s29 =	sadd.s32 $0xB5F0, s22;
	s30 =	sadd.s32 $0x60, s0  }
0x1b4: {  	[hbm4b:s30+s4] =	stream.linear.scatter [tilespmem:s29], [sflag:$0x3], $0x80, $0x38;
	[tilespmem:$0x10C00] =	vst v63  }
0x1b5: {  	s2 =	sor.u32 $0x10080, s23;
	s31 =	sadd.s32 $0xB678, s22;
	s0 =	sadd.s32 $0x70, s0  }
0x1b6: {  	[hbm4b:s0+s4] =	stream.linear.scatter [tilespmem:s31], [sflag:$0x3], $0x80, $0x38;
	[tilespmem:$0x10C00] =	vst v63  }
0x1b7: {  	s24 =	sadd.s32 $0xB700, s22;
	s0 =	sadd.s32 s3, s2  }
0x1b8: {  	[hbm4b:s0+s4] =	stream.linear.scatter [tilespmem:s24], [sflag:$0x3], $0x80, $0x38;
	[tilespmem:$0x10C00] =	vst v63  }
0x1b9: {  	s25 =	sadd.s32 $0xB788, s22;
	s26 =	sadd.s32 $0x10, s0  }
0x1ba: {  	[hbm4b:s26+s4] =	stream.linear.scatter [tilespmem:s25], [sflag:$0x3], $0x80, $0x38;
	[tilespmem:$0x10C00] =	vst v63  }
0x1bb: {  	s28 =	sadd.s32 $0xB810, s22;
	s29 =	sadd.s32 $0x20, s0  }
0x1bc: {  	[hbm4b:s29+s4] =	stream.linear.scatter [tilespmem:s28], [sflag:$0x3], $0x80, $0x38;
	[tilespmem:$0x10C00] =	vst v63  }
0x1bd: {  	s30 =	sadd.s32 $0xB898, s22;
	s31 =	sadd.s32 $0x30, s0  }
0x1be: {  	[hbm4b:s31+s4] =	stream.linear.scatter [tilespmem:s30], [sflag:$0x3], $0x80, $0x38;
	[tilespmem:$0x10C00] =	vst v63  }
0x1bf: {  	s24 =	sadd.s32 $0xB920, s22;
	s25 =	sadd.s32 $0x40, s0  }
0x1c0: {  	[hbm4b:s25+s4] =	stream.linear.scatter [tilespmem:s24], [sflag:$0x3], $0x80, $0x38;
	[tilespmem:$0x10C00] =	vst v63  }
0x1c1: {  	s26 =	sadd.s32 $0xB9A8, s22;
	s28 =	sadd.s32 $0x50, s0  }
0x1c2: {  	[hbm4b:s28+s4] =	stream.linear.scatter [tilespmem:s26], [sflag:$0x3], $0x80, $0x38;
	[tilespmem:$0x10C00] =	vst v63  }
0x1c3: {  	s29 =	sadd.s32 $0xBA30, s22;
	s30 =	sadd.s32 $0x60, s0  }
0x1c4: {  	[hbm4b:s30+s4] =	stream.linear.scatter [tilespmem:s29], [sflag:$0x3], $0x80, $0x38;
	[tilespmem:$0x10C00] =	vst v63  }
0x1c5: {  	s2 =	sor.u32 $0x14080, s23;
	s31 =	sadd.s32 $0xBAB8, s22;
	s0 =	sadd.s32 $0x70, s0  }
0x1c6: {  	[hbm4b:s0+s4] =	stream.linear.scatter [tilespmem:s31], [sflag:$0x3], $0x80, $0x38;
	[tilespmem:$0x10C00] =	vst v63  }
0x1c7: {  	s24 =	sadd.s32 $0xBB40, s22;
	s0 =	sadd.s32 s3, s2  }
0x1c8: {  	[hbm4b:s0+s4] =	stream.linear.scatter [tilespmem:s24], [sflag:$0x3], $0x80, $0x38;
	[tilespmem:$0x10C00] =	vst v63  }
0x1c9: {  	s25 =	sadd.s32 $0xBBC8, s22;
	s26 =	sadd.s32 $0x10, s0  }
0x1ca: {  	[hbm4b:s26+s4] =	stream.linear.scatter [tilespmem:s25], [sflag:$0x3], $0x80, $0x38;
	[tilespmem:$0x10C00] =	vst v63  }
0x1cb: {  	s28 =	sadd.s32 $0xBC50, s22;
	s29 =	sadd.s32 $0x20, s0  }
0x1cc: {  	[hbm4b:s29+s4] =	stream.linear.scatter [tilespmem:s28], [sflag:$0x3], $0x80, $0x38;
	[tilespmem:$0x10C00] =	vst v63  }
0x1cd: {  	s30 =	sadd.s32 $0xBCD8, s22;
	s31 =	sadd.s32 $0x30, s0  }
0x1ce: {  	[hbm4b:s31+s4] =	stream.linear.scatter [tilespmem:s30], [sflag:$0x3], $0x80, $0x38;
	[tilespmem:$0x10C00] =	vst v63  }
0x1cf: {  	s24 =	sadd.s32 $0xBD60, s22;
	s25 =	sadd.s32 $0x40, s0  }
0x1d0: {  	[hbm4b:s25+s4] =	stream.linear.scatter [tilespmem:s24], [sflag:$0x3], $0x80, $0x38;
	[tilespmem:$0x10C00] =	vst v63  }
0x1d1: {  	s26 =	sadd.s32 $0xBDE8, s22;
	s28 =	sadd.s32 $0x50, s0  }
0x1d2: {  	[hbm4b:s28+s4] =	stream.linear.scatter [tilespmem:s26], [sflag:$0x3], $0x80, $0x38;
	[tilespmem:$0x10C00] =	vst v63  }
0x1d3: {  	s29 =	sadd.s32 $0xBE70, s22;
	s30 =	sadd.s32 $0x60, s0  }
0x1d4: {  	[hbm4b:s30+s4] =	stream.linear.scatter [tilespmem:s29], [sflag:$0x3], $0x80, $0x38;
	[tilespmem:$0x10C00] =	vst v63  }
0x1d5: {  	s2 =	sor.u32 $0x18080, s23;
	s31 =	sadd.s32 $0xBEF8, s22;
	s0 =	sadd.s32 $0x70, s0  }
0x1d6: {  	[hbm4b:s0+s4] =	stream.linear.scatter [tilespmem:s31], [sflag:$0x3], $0x80, $0x38;
	[tilespmem:$0x10C00] =	vst v63  }
0x1d7: {  	s24 =	sadd.s32 $0xBF80, s22;
	s0 =	sadd.s32 s3, s2  }
0x1d8: {  	[hbm4b:s0+s4] =	stream.linear.scatter [tilespmem:s24], [sflag:$0x3], $0x80, $0x38;
	[tilespmem:$0x10C00] =	vst v63  }
0x1d9: {  	s25 =	sadd.s32 $0xC008, s22;
	s26 =	sadd.s32 $0x10, s0  }
0x1da: {  	[hbm4b:s26+s4] =	stream.linear.scatter [tilespmem:s25], [sflag:$0x3], $0x80, $0x38;
	[tilespmem:$0x10C00] =	vst v63  }
0x1db: {  	s28 =	sadd.s32 $0xC090, s22;
	s29 =	sadd.s32 $0x20, s0  }
0x1dc: {  	[hbm4b:s29+s4] =	stream.linear.scatter [tilespmem:s28], [sflag:$0x3], $0x80, $0x38;
	[tilespmem:$0x10C00] =	vst v63  }
0x1dd: {  	s30 =	sadd.s32 $0xC118, s22;
	s31 =	sadd.s32 $0x30, s0  }
0x1de: {  	[hbm4b:s31+s4] =	stream.linear.scatter [tilespmem:s30], [sflag:$0x3], $0x80, $0x38;
	[tilespmem:$0x10C00] =	vst v63  }
0x1df: {  	s24 =	sadd.s32 $0xC1A0, s22;
	s25 =	sadd.s32 $0x40, s0  }
0x1e0: {  	[hbm4b:s25+s4] =	stream.linear.scatter [tilespmem:s24], [sflag:$0x3], $0x80, $0x38;
	[tilespmem:$0x10C00] =	vst v63  }
0x1e1: {  	s26 =	sadd.s32 $0xC228, s22;
	s28 =	sadd.s32 $0x50, s0  }
0x1e2: {  	[hbm4b:s28+s4] =	stream.linear.scatter [tilespmem:s26], [sflag:$0x3], $0x80, $0x38;
	[tilespmem:$0x10C00] =	vst v63  }
0x1e3: {  	s29 =	sadd.s32 $0xC2B0, s22;
	s30 =	sadd.s32 $0x60, s0  }
0x1e4: {  	[hbm4b:s30+s4] =	stream.linear.scatter [tilespmem:s29], [sflag:$0x3], $0x80, $0x38;
	[tilespmem:$0x10C00] =	vst v63  }
0x1e5: {  	s23 =	sor.u32 $0x1C080, s23;
	s31 =	sadd.s32 $0xC338, s22;
	s0 =	sadd.s32 $0x70, s0  }
0x1e6: {  	[hbm4b:s0+s4] =	stream.linear.scatter [tilespmem:s31], [sflag:$0x3], $0x80, $0x38;
	[tilespmem:$0x10C00] =	vst v63  }
0x1e7: {  	s24 =	sadd.s32 $0xC3C0, s22;
	s0 =	sadd.s32 s3, s23  }
0x1e8: {  	[hbm4b:s0+s4] =	stream.linear.scatter [tilespmem:s24], [sflag:$0x3], $0x80, $0x38;
	[tilespmem:$0x10C00] =	vst v63  }
0x1e9: {  	s25 =	sadd.s32 $0xC448, s22;
	s26 =	sadd.s32 $0x10, s0  }
0x1ea: {  	[hbm4b:s26+s4] =	stream.linear.scatter [tilespmem:s25], [sflag:$0x3], $0x80, $0x38;
	[tilespmem:$0x10C00] =	vst v63  }
0x1eb: {  	s28 =	sadd.s32 $0xC4D0, s22;
	s29 =	sadd.s32 $0x20, s0  }
0x1ec: {  	[hbm4b:s29+s4] =	stream.linear.scatter [tilespmem:s28], [sflag:$0x3], $0x80, $0x38;
	[tilespmem:$0x10C00] =	vst v63  }
0x1ed: {  	s30 =	sadd.s32 $0xC558, s22;
	s31 =	sadd.s32 $0x30, s0  }
0x1ee: {  	[hbm4b:s31+s4] =	stream.linear.scatter [tilespmem:s30], [sflag:$0x3], $0x80, $0x38;
	[tilespmem:$0x10C00] =	vst v63  }
0x1ef: {  	s24 =	sadd.s32 $0xC5E0, s22;
	s25 =	sadd.s32 $0x40, s0  }
0x1f0: {  	[hbm4b:s25+s4] =	stream.linear.scatter [tilespmem:s24], [sflag:$0x3], $0x80, $0x38;
	[tilespmem:$0x10C00] =	vst v63  }
0x1f1: {  	p1 =	sne.s32 s21, $0x64;
	s26 =	sadd.s32 $0xC668, s22;
	s28 =	sadd.s32 $0x50, s0  }
0x1f2: {  	[hbm4b:s28+s4] =	stream.linear.scatter [tilespmem:s26], [sflag:$0x3], $0x80, $0x38;
	[tilespmem:$0x10C00] =	vst v63  }
.Ltmp6:
0x1f3: {  	_ = 	snop;
	(pc) =	sbr.rel @p1 .LBB2_2-.Ltmp6, $4  }
0x1f4: {  	p0 =	por !p0, !p0;
	s29 =	sadd.s32 $0xC6F0, s22;
	s30 =	sadd.s32 $0x60, s0  }
0x1f5: {  	[hbm4b:s30+s4] =	stream.linear.scatter [tilespmem:s29], [sflag:$0x3], $0x80, $0x38;
	[tilespmem:$0x10C00] =	vst v63  }
0x1f6: {  	s23 =	smov.u32 s21;
	s31 =	sadd.s32 $0xC778, s22;
	s0 =	sadd.s32 $0x70, s0  }
0x1f7: {  	[hbm4b:s0+s4] =	stream.linear.scatter [tilespmem:s31], [sflag:$0x3], $0x80, $0x38;
	[tilespmem:$0x10C00] =	vst v63  }
0x1f8: {  	_ =	swait.ge [sflag:s19], $0x400  }
0x1f9: {  	[sflag:s19] =	ssyncset.done $0x0  }
0x1fa: {  	[sflag:s19] =	ssyncadd.s32 $0xFFFFFC00  }
0x1fb: {  	_ =	swait.ge [sflag:s19], $0x400  }
0x1fc: {  	[sflag:s19] =	ssyncset.done $0x0  }
0x1fd: {  	[sflag:s19] =	ssyncadd.s32 $0xFFFFFC00  }
0x1fe: {  	_ =	swait.ge [sflag:s19], $0x400  }
0x1ff: {  	[sflag:s19] =	ssyncset.done $0x0  }
0x200: {  	[sflag:s19] =	ssyncadd.s32 $0xFFFFFC00  }
0x201: {  	_ =	swait.ge [sflag:s19], $0x400  }
0x202: {  	[sflag:s19] =	ssyncset.done $0x0  }
0x203: {  	[sflag:s19] =	ssyncadd.s32 $0xFFFFFC00  }
0x204: {  	_ =	swait.ge [sflag:s19], $0x400  }
0x205: {  	[sflag:s19] =	ssyncset.done $0x0  }
0x206: {  	[sflag:s19] =	ssyncadd.s32 $0xFFFFFC00  }
0x207: {  	_ =	swait.ge [sflag:s19], $0x400  }
0x208: {  	[sflag:s19] =	ssyncset.done $0x0  }
0x209: {  	[sflag:s19] =	ssyncadd.s32 $0xFFFFFC00  }
0x20a: {  	_ =	swait.ge [sflag:s19], $0x400  }
0x20b: {  	[sflag:s19] =	ssyncset.done $0x0  }
0x20c: {  	[sflag:s19] =	ssyncadd.s32 $0xFFFFFC00  }
0x20d: {  	_ =	swait.ge [sflag:s19], $0x400  }
0x20e: {  	[sflag:s19] =	ssyncset.done $0x0  }
0x20f: {  	[sflag:s19] =	ssyncadd.s32 $0xFFFFFC00  }
0x210: {  	_ =	swait.ge [sflag:s19], $0x400  }
0x211: {  	[sflag:s19] =	ssyncset.done $0x0  }
0x212: {  	[sflag:s19] =	ssyncadd.s32 $0xFFFFFC00  }
0x213: {  	_ =	swait.ge [sflag:s19], $0x400  }
0x214: {  	[sflag:s19] =	ssyncset.done $0x0  }
0x215: {  	[sflag:s19] =	ssyncadd.s32 $0xFFFFFC00  }
0x216: {  	_ =	swait.ge [sflag:s19], $0x400  }
0x217: {  	[sflag:s19] =	ssyncset.done $0x0  }
0x218: {  	[sflag:s19] =	ssyncadd.s32 $0xFFFFFC00  }
0x219: {  	_ =	swait.ge [sflag:s19], $0x400  }
0x21a: {  	[sflag:s19] =	ssyncset.done $0x0  }
0x21b: {  	[sflag:s19] =	ssyncadd.s32 $0xFFFFFC00  }
0x21c: {  	_ =	swait.ge [sflag:s19], $0x400  }
0x21d: {  	[sflag:s19] =	ssyncset.done $0x0  }
0x21e: {  	[sflag:s19] =	ssyncadd.s32 $0xFFFFFC00  }
0x21f: {  	_ =	swait.ge [sflag:s19], $0x400  }
0x220: {  	[sflag:s19] =	ssyncset.done $0x0  }
0x221: {  	[sflag:s19] =	ssyncadd.s32 $0xFFFFFC00  }
0x222: {  	_ =	swait.ge [sflag:s19], $0x400  }
0x223: {  	[sflag:s19] =	ssyncset.done $0x0  }
0x224: {  	[sflag:s19] =	ssyncadd.s32 $0xFFFFFC00  }
0x225: {  	_ =	swait.ge [sflag:s19], $0x400  }
0x226: {  	[sflag:s19] =	ssyncset.done $0x0  }
0x227: {  	[sflag:s19] =	ssyncadd.s32 $0xFFFFFC00  }
0x228: {  	_ =	swait.ge [sflag:s19], $0x400  }
0x229: {  	[sflag:s19] =	ssyncset.done $0x0  }
0x22a: {  	[sflag:s19] =	ssyncadd.s32 $0xFFFFFC00  }
0x22b: {  	_ =	swait.ge [sflag:s19], $0x400  }
0x22c: {  	[sflag:s19] =	ssyncset.done $0x0  }
0x22d: {  	[sflag:s19] =	ssyncadd.s32 $0xFFFFFC00  }
0x22e: {  	_ =	swait.ge [sflag:s19], $0x400  }
0x22f: {  	[sflag:s19] =	ssyncset.done $0x0  }
0x230: {  	[sflag:s19] =	ssyncadd.s32 $0xFFFFFC00  }
0x231: {  	_ =	swait.ge [sflag:s19], $0x400  }
0x232: {  	[sflag:s19] =	ssyncset.done $0x0  }
0x233: {  	[sflag:s19] =	ssyncadd.s32 $0xFFFFFC00  }
0x234: {  	_ =	swait.ge [sflag:s19], $0x400  }
0x235: {  	[sflag:s19] =	ssyncset.done $0x0  }
0x236: {  	[sflag:s19] =	ssyncadd.s32 $0xFFFFFC00  }
0x237: {  	_ =	swait.ge [sflag:s19], $0x400  }
0x238: {  	[sflag:s19] =	ssyncset.done $0x0  }
0x239: {  	[sflag:s19] =	ssyncadd.s32 $0xFFFFFC00  }
0x23a: {  	_ =	swait.ge [sflag:s19], $0x400  }
0x23b: {  	[sflag:s19] =	ssyncset.done $0x0  }
0x23c: {  	[sflag:s19] =	ssyncadd.s32 $0xFFFFFC00  }
0x23d: {  	_ =	swait.ge [sflag:s19], $0x400  }
0x23e: {  	[sflag:s19] =	ssyncset.done $0x0  }
0x23f: {  	[sflag:s19] =	ssyncadd.s32 $0xFFFFFC00  }
0x240: {  	_ =	swait.ge [sflag:s19], $0x400  }
0x241: {  	[sflag:s19] =	ssyncset.done $0x0  }
0x242: {  	[sflag:s19] =	ssyncadd.s32 $0xFFFFFC00  }
0x243: {  	_ =	swait.ge [sflag:s19], $0x400  }
0x244: {  	[sflag:s19] =	ssyncset.done $0x0  }
0x245: {  	[sflag:s19] =	ssyncadd.s32 $0xFFFFFC00  }
0x246: {  	_ =	swait.ge [sflag:s19], $0x400  }
0x247: {  	[sflag:s19] =	ssyncset.done $0x0  }
0x248: {  	[sflag:s19] =	ssyncadd.s32 $0xFFFFFC00  }
0x249: {  	_ =	swait.ge [sflag:s19], $0x400  }
0x24a: {  	[sflag:s19] =	ssyncset.done $0x0  }
0x24b: {  	[sflag:s19] =	ssyncadd.s32 $0xFFFFFC00  }
0x24c: {  	_ =	swait.ge [sflag:s19], $0x400  }
0x24d: {  	[sflag:s19] =	ssyncset.done $0x0  }
0x24e: {  	[sflag:s19] =	ssyncadd.s32 $0xFFFFFC00  }
0x24f: {  	_ =	swait.ge [sflag:s19], $0x400  }
0x250: {  	[sflag:s19] =	ssyncset.done $0x0  }
0x251: {  	s20 =	sadd.s32 $0x1, s20;
	[sflag:s19] =	ssyncadd.s32 $0xFFFFFC00  }
0x252: {  	p0 =	sne.s32 s20, s10;
	_ =	swait.ge [sflag:s19], $0x400  }
.Ltmp7:
0x253: {  	[sflag:s19] =	ssyncset.done $0x0;
	(pc) =	sbr.rel @p0 .LBB2_1-.Ltmp7, $4  }
0x254: {  	[sflag:s19] =	ssyncadd.s32 $0xFFFFFC00  }
0x255: {  	_ =	swait.ge [sflag:s19], $0x400  }
0x256: {  	[sflag:s19] =	ssyncset.done $0x0  }
0x257: {  	[sflag:s19] =	ssyncadd.s32 $0xFFFFFC00  }
0x258: {  	_ =	sfence.sel $0x180000  }
0x259: {  	[bflag:$0x0] =	sbarrier.arrive $0xFFFF  }
0x25a: {  	_ =	strace $0x90000047  }
0x25b: {  	s0 =	stileid.u32;
	[bflag:$0x2] =	sbarrier.arrive $0xFFFF  }
0x25c: {  	p0 =	sne.s32 s0, $0x0;
	s0 =	rddreg [dreg:$0x3]  }
0x25d: {  	s0 =	sadd.s32 @!p0 $0x100000, s0  }
0x25e: {  	[sflag:s0] =	ssyncadd.tile.s32 @!p0 $0x1;
	_ =	shalt  }
.Lfunc_end2:
_tile_overlayer_lowered:
.L_overlay_start_2:
0x25f: {  	(tag) =	ssettag $0x2  }
0x260: {  	s0 =	rddreg [dreg:$0x0];
	s2 =	stileid.u32  }
0x261: {  	s1 =	rddreg [dreg:$0x1];
	p0 =	sne.s32 s2, $0x0  }
0x262: {  	s3 =	rddreg [dreg:$0x2];
	[bflag:$0x3] =	sbarrier.arrive $0xFFFF;
	s2 =	simm.s32 @!p0 $0x1C04  }
0x263: {  	[timem:s3], [sflag:s2] =	dma.local @!p0 [hbm:s0], s1  }
0x264: {  	s0 =	simm.s32 @!p0 $0x4  }
0x265: {  	_ =	swait.ge @!p0 [sflag:s0], s1  }
0x266: {  	s1 =	ssub.s32 @!p0 $0x0, s1;
	[sflag:s0] =	ssyncset.done @!p0 $0x0  }
0x267: {  	[sflag:s0] =	ssyncadd.s32 @!p0 s1  }
0x268: {  	[bflag:$0x3] =	sbarrier.arrive $0xFFFF  }
0x269: {  	_ =	shalt  }

</sc_bundles>
